<compile_context>
chip_gen: v7x
topology: tpu7x:2x2x1
jax: 0.10.2.dev20260603
libtpu: 0.0.44.dev20260713+nightly
codegen_flags: <defaults>
</compile_context>

<pallas_src>
import functools

import jax
import jax.numpy as jnp
from jax import lax
from jax.experimental import pallas as pl
from jax.experimental.pallas import tpu as pltpu
from jax.experimental.pallas import tpu_sc as plsc

N = 10000
E = 320000
D = 128
NC = 2
NS = 16
TILES = NC * NS
EPC = 96
NCH0 = 198
NCH1 = 12
EPAD = NS * (NCH0 + NCH1) * EPC
RPT = 632
NPAD = NS * RPT
TRASH = N + 64
CR = 80
NBUF = 3
NIDX = 6
UNROLL = 6

_MESH = dict(
    mesh=plsc.VectorSubcoreMesh(core_axis_name="c", subcore_axis_name="s"),
    compiler_params=pltpu.CompilerParams(needs_layout_passes=False),
)


def _make_agg(count):
    out_type = [jax.ShapeDtypeStruct((NC, NPAD, D), jnp.float32)]
    scratch = (
        [pltpu.VMEM_SHARED((NPAD, D), jnp.float32)]
        + [pltpu.VMEM((EPC,), jnp.int32) for _ in range(2 * NIDX)]
        + [pltpu.VMEM((EPC, D), jnp.float32) for _ in range(NBUF)]
        + [pltpu.SemaphoreType.DMA for _ in range(2 * NBUF + NIDX)]
    )
    if count:
        out_type.append(jax.ShapeDtypeStruct((TILES * CR * D,), jnp.float32))
        scratch.append(pltpu.VMEM((CR * D,), jnp.float32))

    @functools.partial(pl.kernel, out_type=out_type, scratch_types=scratch,
                       **_MESH)
    def agg(table, src2, dst2, out, *rest):
        if count:
            out_cnt, accum = rest[0], rest[1]
            cnt_v = rest[-1]
            rest = rest[2:-1]
        else:
            accum = rest[0]
            rest = rest[1:]
        _agg_body(count, table, src2, dst2, out,
                  out_cnt if count else None, accum,
                  cnt_v if count else None, rest)

    return agg


def _agg_body(count, table, src2, dst2, out, out_cnt, accum, cnt_v, rest):
    sidx = rest[:NIDX]
    didx = rest[NIDX:2 * NIDX]
    rows = rest[2 * NIDX:2 * NIDX + NBUF]
    sg = rest[2 * NIDX + NBUF:2 * NIDX + 2 * NBUF]
    ss = rest[2 * NIDX + 2 * NBUF:2 * NIDX + 3 * NBUF]
    si = rest[2 * NIDX + 3 * NBUF:]
    c = lax.axis_index("c")
    s = lax.axis_index("s")
    base = jnp.where(c == 0, s * NCH0, NS * NCH0 + s * NCH1)
    nch = jnp.where(c == 0, NCH0, NCH1)
    z16 = jnp.zeros((16,), jnp.float32)

    def zrow(r, carry):
        for kk in range(D // 16):
            rows[0][r, pl.ds(kk * 16, 16)] = z16
        return carry

    lax.fori_loop(0, EPC, zrow, 0)
    for j in range(RPT // EPC):
        pltpu.sync_copy(rows[0], accum.at[pl.ds(s * RPT + j * EPC, EPC)])
    rem = RPT - (RPT // EPC) * EPC
    pltpu.sync_copy(rows[0].at[pl.ds(0, rem)],
                    accum.at[pl.ds(s * RPT + RPT - rem, rem)])
    if count:
        def zcnt(r, carry):
            cnt_v[pl.ds(r * 16, 16)] = z16
            return carry

        lax.fori_loop(0, CR * D // 16, zcnt, 0)
    one16 = jnp.ones((16,), jnp.float32)
    plsc.subcore_barrier()

    def load_idx(i, q):
        pltpu.async_copy(src2.at[base + i], sidx[q], si[q])
        pltpu.async_copy(dst2.at[base + i], didx[q], si[q])

    def wait_idx(q):
        pltpu.make_async_copy(src2.at[base], sidx[q], si[q]).wait()
        pltpu.make_async_copy(dst2.at[base], didx[q], si[q]).wait()

    def gather(q, b):
        pltpu.async_copy(table.at[sidx[q]], rows[b], sg[b])

    def wait_gather(q, b):
        pltpu.make_async_copy(table.at[sidx[q]], rows[b], sg[b]).wait()

    def scatter(q, b):
        pltpu.async_copy(rows[b], accum.at[didx[q]], ss[b], add=True)

    def wait_scatter(q, b):
        pltpu.make_async_copy(rows[b], accum.at[didx[q]], ss[b]).wait()

    for j in range(4):
        load_idx(j, j)
    wait_idx(0)
    wait_idx(1)
    gather(0, 0)
    gather(1, 1)

    def group(g, carry):
        for u in range(UNROLL):
            i = g * UNROLL + u
            b = u % NBUF

            @pl.when(i >= 1)
            def _():
                wait_scatter((u + 5) % NIDX, (u + 2) % NBUF)

            @pl.when(i + 2 < nch)
            def _():
                wait_idx((u + 2) % NIDX)
                gather((u + 2) % NIDX, (u + 2) % NBUF)

            @pl.when(i + 4 < nch)
            def _():
                load_idx(i + 4, (u + 4) % NIDX)

            if count:
                for k2 in range(EPC // 16):
                    d16 = didx[u][pl.ds(k2 * 16, 16)]
                    plsc.addupdate_scatter(cnt_v, [d16], one16)
            wait_gather(u, b)
            scatter(u, b)
        return carry

    lax.fori_loop(0, nch // UNROLL, group, 0)
    wait_scatter(5, 2)
    plsc.subcore_barrier()
    pltpu.sync_copy(accum.at[pl.ds(s * RPT, RPT)],
                    out.at[c, pl.ds(s * RPT, RPT)])
    if count:
        w = c * NS + s
        pltpu.sync_copy(cnt_v, out_cnt.at[pl.ds(w * CR * D, CR * D)])


_agg_cnt = _make_agg(True)
_agg = _make_agg(False)


def _layer_norm(y, w, b):
    mu = jnp.mean(y, axis=-1, keepdims=True)
    var = jnp.mean((y - mu) ** 2, axis=-1, keepdims=True)
    return (y - mu) * lax.rsqrt(var + 1e-5) * w + b


def _rec_col(cnt_ref):
    g = jnp.sum(cnt_ref[...], axis=0)
    rg = 1.0 / jnp.maximum(g, 1.0)
    r8 = lax.broadcasted_iota(jnp.int32, (_B, _B // D), 0) // D
    j8 = lax.broadcasted_iota(jnp.int32, (_B, _B // D), 1)
    m = (r8 == j8).astype(jnp.float32)
    a = jnp.dot(m, rg, preferred_element_type=jnp.float32)
    rl = lax.broadcasted_iota(jnp.int32, (_B, D), 0) % D
    ll = lax.broadcasted_iota(jnp.int32, (_B, D), 1)
    sel = (rl == ll).astype(jnp.float32)
    return jnp.sum(a * sel, axis=1, keepdims=True)


def _tc1_body(p0, p1, cnt, x, wl, bl, wr, lnw, lnb, h_ref):
    mean = (p0[...] + p1[...]) * _rec_col(cnt)
    y = jnp.dot(mean, wl[...], preferred_element_type=jnp.float32) + bl[...]
    y = y + jnp.dot(x[...], wr[...], preferred_element_type=jnp.float32)
    y = _layer_norm(y, lnw[...], lnb[...])
    h_ref[...] = jnp.maximum(y, 0.0)


def _tc2_body(q0, q1, cnt, h, x, wl, bl, wr, lnw, lnb, o_ref):
    mean = (q0[...] + q1[...]) * _rec_col(cnt)
    y = jnp.dot(mean, wl[...], preferred_element_type=jnp.float32) + bl[...]
    y = y + jnp.dot(h[...], wr[...], preferred_element_type=jnp.float32) + x[...]
    y = _layer_norm(y, lnw[...], lnb[...])
    o_ref[...] = jnp.maximum(y, 0.0)


_B = 1024
_row = pl.BlockSpec((_B, D), lambda i: (i, 0))
_crow = pl.BlockSpec((TILES, _B // D, D), lambda i: (0, i, 0))
_full = pl.BlockSpec((D, D), lambda i: (0, 0))
_vec = pl.BlockSpec((D,), lambda i: (0,))


def _tc1(p0, p1, cnt, x, wl, bl, wr, lnw, lnb):
    return pl.pallas_call(
        _tc1_body,
        grid=(pl.cdiv(N, _B),),
        in_specs=[_row, _row, _crow, _row, _full, _vec, _full, _vec, _vec],
        out_specs=_row,
        out_shape=jax.ShapeDtypeStruct((N, D), jnp.float32),
    )(p0, p1, cnt, x, wl, bl, wr, lnw, lnb)


def _tc2(q0, q1, cnt, h, x, wl, bl, wr, lnw, lnb):
    return pl.pallas_call(
        _tc2_body,
        grid=(pl.cdiv(N, _B),),
        in_specs=[_row, _row, _crow, _row, _row, _full, _vec, _full, _vec, _vec],
        out_specs=_row,
        out_shape=jax.ShapeDtypeStruct((N, D), jnp.float32),
    )(q0, q1, cnt, h, x, wl, bl, wr, lnw, lnb)


def kernel(x, edge_index, Wl0, bl0, Wr0, Wl1, bl1, Wr1, ln0_w, ln0_b, ln1_w, ln1_b):
    src = edge_index[0]
    dst = edge_index[1]
    pad = EPAD - E
    nrows = EPAD // EPC
    src2 = jnp.concatenate([src, jnp.zeros((pad,), jnp.int32)]).reshape(
        nrows, EPC)
    dst2 = jnp.concatenate([dst, jnp.full((pad,), TRASH, jnp.int32)]).reshape(
        nrows, EPC)

    parts1, cnt_flat = _agg_cnt(x, src2, dst2)
    cnt_t = cnt_flat.reshape(TILES, CR, D)
    h = _tc1(parts1[0, :N], parts1[1, :N], cnt_t, x,
             Wl0.T, bl0, Wr0.T, ln0_w, ln0_b)
    parts2 = _agg(h, src2, dst2)[0]
    out = _tc2(parts2[0, :N], parts2[1, :N], cnt_t, h, x,
               Wl1.T, bl1, Wr1.T, ln1_w, ln1_b)
    return out

# --- scband reference (transcript-rebuilt; emitter-appended) ---
"""Pipeline reference for scband-res-block-47064251630165 (READ-ONLY COPY).

The authoritative reference and input builder live on the scoring server;
editing this copy changes nothing except your own understanding.
"""

import jax, jax.numpy as jnp
import numpy as np

N = 10000
E = 320000
D = 128


def layer_norm(x, w, b, eps=1e-5):
    mu = jnp.mean(x, axis=-1, keepdims=True)
    var = jnp.mean((x - mu) ** 2, axis=-1, keepdims=True)
    return (x - mu) / jnp.sqrt(var + eps) * w + b


def sage_conv(x, src, dst, Wl, bl, Wr):
    # PyG SAGEConv (aggr='mean'): out = lin_l(mean_{j in N(i)} x_j) + lin_r(x_i)
    msg = jnp.take(x, src, axis=0)
    summed = jax.ops.segment_sum(msg, dst, num_segments=N)
    cnt = jax.ops.segment_sum(jnp.ones((msg.shape[0],), msg.dtype), dst, num_segments=N)
    mean = summed / jnp.maximum(cnt, 1.0)[:, None]
    return mean @ Wl.T + bl + x @ Wr.T


def setup_inputs(seed: int = 0) -> dict:
    key = jax.random.key(seed)
    ks = jax.random.split(key, 12)
    s = 1.0 / np.sqrt(D)
    x = jax.random.normal(ks[0], (N, D), dtype=jnp.float32)
    edge_index = jax.random.randint(ks[1], (2, E), 0, N, dtype=jnp.int32)
    Wl0 = jax.random.normal(ks[2], (D, D), dtype=jnp.float32) * s
    bl0 = jnp.zeros((D,), dtype=jnp.float32)
    Wr0 = jax.random.normal(ks[3], (D, D), dtype=jnp.float32) * s
    Wl1 = jax.random.normal(ks[4], (D, D), dtype=jnp.float32) * s
    bl1 = jnp.zeros((D,), dtype=jnp.float32)
    Wr1 = jax.random.normal(ks[5], (D, D), dtype=jnp.float32) * s
    ln0_w = jnp.ones((D,), dtype=jnp.float32)
    ln0_b = jnp.zeros((D,), dtype=jnp.float32)
    ln1_w = jnp.ones((D,), dtype=jnp.float32)
    ln1_b = jnp.zeros((D,), dtype=jnp.float32)
    return {"x": x, "edge_index": edge_index, "Wl0": Wl0, "bl0": bl0, "Wr0": Wr0,
            "Wl1": Wl1, "bl1": bl1, "Wr1": Wr1,
            "ln0_w": ln0_w, "ln0_b": ln0_b, "ln1_w": ln1_w, "ln1_b": ln1_b}


def reference(x, edge_index, Wl0, bl0, Wr0, Wl1, bl1, Wr1, ln0_w, ln0_b, ln1_w, ln1_b):
    src = edge_index[0]
    dst = edge_index[1]
    # checkpoint() in the torch code is numerically transparent
    y = sage_conv(x, src, dst, Wl0, bl0, Wr0)
    y = layer_norm(y, ln0_w, ln0_b)
    y = jax.nn.relu(y)
    y = sage_conv(y, src, dst, Wl1, bl1, Wr1)
    out = y + x  # in_channels == out_channels -> self.lin is Identity
    out = layer_norm(out, ln1_w, ln1_b)
    out = jax.nn.relu(out)
    return out

if __name__ == "__main__":
    import jax
    _d = setup_inputs()
    print(jax.jit(kernel)(*tuple(_d.values())))

</pallas_src>

<mosaic_0001>
#map = affine_map<(d0, d1) -> (0, 0)>
#map1 = affine_map<(d0, d1) -> (0, 0, 0)>
module attributes {stable_mosaic.version = 14 : i64} {
  func.func @agg(%arg0: i32, %arg1: i32, %arg2: memref<10000x128xf32, #tpu.memory_space<hbm>>, %arg3: memref<3360x96xi32, #tpu.memory_space<hbm>>, %arg4: memref<3360x96xi32, #tpu.memory_space<hbm>>, %arg5: memref<2x10112x128xf32, #tpu.memory_space<hbm>>, %arg6: memref<10112x128xf32, #tpu.memory_space<vmem_shared>>, %arg7: memref<96xi32, #tpu.memory_space<vmem>>, %arg8: memref<96xi32, #tpu.memory_space<vmem>>, %arg9: memref<96xi32, #tpu.memory_space<vmem>>, %arg10: memref<96xi32, #tpu.memory_space<vmem>>, %arg11: memref<96xi32, #tpu.memory_space<vmem>>, %arg12: memref<96xi32, #tpu.memory_space<vmem>>, %arg13: memref<96xi32, #tpu.memory_space<vmem>>, %arg14: memref<96xi32, #tpu.memory_space<vmem>>, %arg15: memref<96xi32, #tpu.memory_space<vmem>>, %arg16: memref<96xi32, #tpu.memory_space<vmem>>, %arg17: memref<96xi32, #tpu.memory_space<vmem>>, %arg18: memref<96xi32, #tpu.memory_space<vmem>>, %arg19: memref<96x128xf32, #tpu.memory_space<vmem>>, %arg20: memref<96x128xf32, #tpu.memory_space<vmem>>, %arg21: memref<96x128xf32, #tpu.memory_space<vmem>>, %arg22: memref<!tpu.dma_semaphore, #tpu.memory_space<semaphore_mem>>, %arg23: memref<!tpu.dma_semaphore, #tpu.memory_space<semaphore_mem>>, %arg24: memref<!tpu.dma_semaphore, #tpu.memory_space<semaphore_mem>>, %arg25: memref<!tpu.dma_semaphore, #tpu.memory_space<semaphore_mem>>, %arg26: memref<!tpu.dma_semaphore, #tpu.memory_space<semaphore_mem>>, %arg27: memref<!tpu.dma_semaphore, #tpu.memory_space<semaphore_mem>>, %arg28: memref<!tpu.dma_semaphore, #tpu.memory_space<semaphore_mem>>, %arg29: memref<!tpu.dma_semaphore, #tpu.memory_space<semaphore_mem>>, %arg30: memref<!tpu.dma_semaphore, #tpu.memory_space<semaphore_mem>>, %arg31: memref<!tpu.dma_semaphore, #tpu.memory_space<semaphore_mem>>, %arg32: memref<!tpu.dma_semaphore, #tpu.memory_space<semaphore_mem>>, %arg33: memref<!tpu.dma_semaphore, #tpu.memory_space<semaphore_mem>>) attributes {dimension_semantics = [#tpu.dimension_semantics<core_parallel>, #tpu.dimension_semantics<subcore_parallel>], iteration_bounds = array<i64: 2, 16>, scalar_prefetch = 0 : i64, scratch_operands = 28 : i64, tpu.core_type = #tpu.core_type<sc_vector_subcore>, window_params = [{transform_indices = #map}, {transform_indices = #map}, {transform_indices = #map}, {transform_indices = #map1}]} {
    %eq3A = arith.constant 0 : i32
    %eq3A_0 = arith.cmpi eq, %arg0, %eq3A : i32
    %mul3A = arith.constant 198 : i32
    %mul3A_1 = arith.muli %arg1, %mul3A : i32
    %mul3A_2 = arith.constant 12 : i32
    %mul3A_3 = arith.muli %arg1, %mul3A_2 : i32
    %add3A = arith.constant 3168 : i32
    %add3A_4 = arith.addi %add3A, %mul3A_3 : i32
    %select_n3A = arith.select %eq3A_0, %mul3A_1, %add3A_4 : i32
    %eq3A_5 = arith.constant 0 : i32
    %eq3A_6 = arith.cmpi eq, %arg0, %eq3A_5 : i32
    %jit3A = arith.constant 198 : i32
    %jit3A_7 = arith.constant 12 : i32
    %select_n3A_8 = arith.select %eq3A_6, %jit3A, %jit3A_7 : i32
    %broadcast_in_dim3A = arith.constant 0.000000e+00 : f32
    %broadcast_in_dim3A_9 = vector.broadcast %broadcast_in_dim3A : f32 to vector<16xf32>
    %scan3A = arith.constant 0 : i32
    %scan3A_10 = arith.constant 0 : i32
    %scan3A_11 = arith.constant 96 : i32
    %scan3A_12 = arith.addi %scan3A_10, %scan3A_11 : i32
    %scan3A_13 = arith.constant 1 : i32
    scf.for %scan3A_174 = %scan3A_10 to %scan3A_12 step %scan3A_13  : i32 {
      %swap3A = arith.index_cast %scan3A_174 : i32 to index
      %swap3A_175 = arith.constant 0 : index
      %swap3A_176 = tpu.vector_load %arg19[%swap3A, %swap3A_175] {strides = array<i32>} : memref<96x128xf32, #tpu.memory_space<vmem>>, vector<16xf32>,
      tpu.vector_store %arg19[%swap3A, %swap3A_175], %broadcast_in_dim3A_9 {strides = array<i32>} : memref<96x128xf32, #tpu.memory_space<vmem>>, vector<16xf32>,
      %swap3A_177 = arith.index_cast %scan3A_174 : i32 to index
      %swap3A_178 = arith.constant 16 : index
      %swap3A_179 = tpu.vector_load %arg19[%swap3A_177, %swap3A_178] {strides = array<i32>} : memref<96x128xf32, #tpu.memory_space<vmem>>, vector<16xf32>,
      tpu.vector_store %arg19[%swap3A_177, %swap3A_178], %broadcast_in_dim3A_9 {strides = array<i32>} : memref<96x128xf32, #tpu.memory_space<vmem>>, vector<16xf32>,
      %swap3A_180 = arith.index_cast %scan3A_174 : i32 to index
      %swap3A_181 = arith.constant 32 : index
      %swap3A_182 = tpu.vector_load %arg19[%swap3A_180, %swap3A_181] {strides = array<i32>} : memref<96x128xf32, #tpu.memory_space<vmem>>, vector<16xf32>,
      tpu.vector_store %arg19[%swap3A_180, %swap3A_181], %broadcast_in_dim3A_9 {strides = array<i32>} : memref<96x128xf32, #tpu.memory_space<vmem>>, vector<16xf32>,
      %swap3A_183 = arith.index_cast %scan3A_174 : i32 to index
      %swap3A_184 = arith.constant 48 : index
      %swap3A_185 = tpu.vector_load %arg19[%swap3A_183, %swap3A_184] {strides = array<i32>} : memref<96x128xf32, #tpu.memory_space<vmem>>, vector<16xf32>,
      tpu.vector_store %arg19[%swap3A_183, %swap3A_184], %broadcast_in_dim3A_9 {strides = array<i32>} : memref<96x128xf32, #tpu.memory_space<vmem>>, vector<16xf32>,
      %swap3A_186 = arith.index_cast %scan3A_174 : i32 to index
      %swap3A_187 = arith.constant 64 : index
      %swap3A_188 = tpu.vector_load %arg19[%swap3A_186, %swap3A_187] {strides = array<i32>} : memref<96x128xf32, #tpu.memory_space<vmem>>, vector<16xf32>,
      tpu.vector_store %arg19[%swap3A_186, %swap3A_187], %broadcast_in_dim3A_9 {strides = array<i32>} : memref<96x128xf32, #tpu.memory_space<vmem>>, vector<16xf32>,
      %swap3A_189 = arith.index_cast %scan3A_174 : i32 to index
      %swap3A_190 = arith.constant 80 : index
      %swap3A_191 = tpu.vector_load %arg19[%swap3A_189, %swap3A_190] {strides = array<i32>} : memref<96x128xf32, #tpu.memory_space<vmem>>, vector<16xf32>,
      tpu.vector_store %arg19[%swap3A_189, %swap3A_190], %broadcast_in_dim3A_9 {strides = array<i32>} : memref<96x128xf32, #tpu.memory_space<vmem>>, vector<16xf32>,
      %swap3A_192 = arith.index_cast %scan3A_174 : i32 to index
      %swap3A_193 = arith.constant 96 : index
      %swap3A_194 = tpu.vector_load %arg19[%swap3A_192, %swap3A_193] {strides = array<i32>} : memref<96x128xf32, #tpu.memory_space<vmem>>, vector<16xf32>,
      tpu.vector_store %arg19[%swap3A_192, %swap3A_193], %broadcast_in_dim3A_9 {strides = array<i32>} : memref<96x128xf32, #tpu.memory_space<vmem>>, vector<16xf32>,
      %swap3A_195 = arith.index_cast %scan3A_174 : i32 to index
      %swap3A_196 = arith.constant 112 : index
      %swap3A_197 = tpu.vector_load %arg19[%swap3A_195, %swap3A_196] {strides = array<i32>} : memref<96x128xf32, #tpu.memory_space<vmem>>, vector<16xf32>,
      tpu.vector_store %arg19[%swap3A_195, %swap3A_196], %broadcast_in_dim3A_9 {strides = array<i32>} : memref<96x128xf32, #tpu.memory_space<vmem>>, vector<16xf32>,
    }
    %scan3A_14 = arith.constant 96 : i32
    %mul3A_15 = arith.constant 632 : i32
    %mul3A_16 = arith.muli %arg1, %mul3A_15 : i32
    %add3A_17 = arith.constant 0 : i32
    %add3A_18 = arith.addi %mul3A_16, %add3A_17 : i32
    "tpu.region"() ({
      %run_scoped3A = tpu.sem_alloc : memref<!tpu.dma_semaphore, #tpu.memory_space<semaphore_mem>>
      %dma_start3A_174 = arith.constant 0 : i32
      %dma_start3A_175 = tpu.memref_slice %arg6[%add3A_18, %dma_start3A_174] : memref<10112x128xf32, #tpu.memory_space<vmem_shared>> -> memref<96x128xf32, #tpu.memory_space<vmem_shared>>
      %dma_start3A_176 = arith.constant 0 : i32
      %dma_start3A_177 = tpu.memref_slice %arg6[%add3A_18, %dma_start3A_176] : memref<10112x128xf32, #tpu.memory_space<vmem_shared>> -> memref<96x128xf32, #tpu.memory_space<vmem_shared>>
      tpu.enqueue_dma source(%arg19 : memref<96x128xf32, #tpu.memory_space<vmem>>) target(%dma_start3A_177 : memref<96x128xf32, #tpu.memory_space<vmem_shared>>) target_semaphore(%run_scoped3A : memref<!tpu.dma_semaphore, #tpu.memory_space<semaphore_mem>>)
      %dma_wait3A_178 = arith.constant 0 : i32
      %dma_wait3A_179 = tpu.memref_slice %arg6[%add3A_18, %dma_wait3A_178] : memref<10112x128xf32, #tpu.memory_space<vmem_shared>> -> memref<96x128xf32, #tpu.memory_space<vmem_shared>>
      %dma_wait3A_180 = arith.constant 0 : i32
      %dma_wait3A_181 = tpu.memref_slice %arg6[%add3A_18, %dma_wait3A_180] : memref<10112x128xf32, #tpu.memory_space<vmem_shared>> -> memref<96x128xf32, #tpu.memory_space<vmem_shared>>
      tpu.wait_dma2 semaphore(%run_scoped3A : memref<!tpu.dma_semaphore, #tpu.memory_space<semaphore_mem>>) src(%arg19 : memref<96x128xf32, #tpu.memory_space<vmem>>) dst(%dma_wait3A_181 : memref<96x128xf32, #tpu.memory_space<vmem_shared>>)
      tpu.yield
    }) : () -> ()
    %mul3A_19 = arith.constant 632 : i32
    %mul3A_20 = arith.muli %arg1, %mul3A_19 : i32
    %add3A_21 = arith.constant 96 : i32
    %add3A_22 = arith.addi %mul3A_20, %add3A_21 : i32
    "tpu.region"() ({
      %run_scoped3A = tpu.sem_alloc : memref<!tpu.dma_semaphore, #tpu.memory_space<semaphore_mem>>
      %dma_start3A_174 = arith.constant 0 : i32
      %dma_start3A_175 = tpu.memref_slice %arg6[%add3A_22, %dma_start3A_174] : memref<10112x128xf32, #tpu.memory_space<vmem_shared>> -> memref<96x128xf32, #tpu.memory_space<vmem_shared>>
      %dma_start3A_176 = arith.constant 0 : i32
      %dma_start3A_177 = tpu.memref_slice %arg6[%add3A_22, %dma_start3A_176] : memref<10112x128xf32, #tpu.memory_space<vmem_shared>> -> memref<96x128xf32, #tpu.memory_space<vmem_shared>>
      tpu.enqueue_dma source(%arg19 : memref<96x128xf32, #tpu.memory_space<vmem>>) target(%dma_start3A_177 : memref<96x128xf32, #tpu.memory_space<vmem_shared>>) target_semaphore(%run_scoped3A : memref<!tpu.dma_semaphore, #tpu.memory_space<semaphore_mem>>)
      %dma_wait3A_178 = arith.constant 0 : i32
      %dma_wait3A_179 = tpu.memref_slice %arg6[%add3A_22, %dma_wait3A_178] : memref<10112x128xf32, #tpu.memory_space<vmem_shared>> -> memref<96x128xf32, #tpu.memory_space<vmem_shared>>
      %dma_wait3A_180 = arith.constant 0 : i32
      %dma_wait3A_181 = tpu.memref_slice %arg6[%add3A_22, %dma_wait3A_180] : memref<10112x128xf32, #tpu.memory_space<vmem_shared>> -> memref<96x128xf32, #tpu.memory_space<vmem_shared>>
      tpu.wait_dma2 semaphore(%run_scoped3A : memref<!tpu.dma_semaphore, #tpu.memory_space<semaphore_mem>>) src(%arg19 : memref<96x128xf32, #tpu.memory_space<vmem>>) dst(%dma_wait3A_181 : memref<96x128xf32, #tpu.memory_space<vmem_shared>>)
      tpu.yield
    }) : () -> ()
    %mul3A_23 = arith.constant 632 : i32
    %mul3A_24 = arith.muli %arg1, %mul3A_23 : i32
    %add3A_25 = arith.constant 192 : i32
    %add3A_26 = arith.addi %mul3A_24, %add3A_25 : i32
    "tpu.region"() ({
      %run_scoped3A = tpu.sem_alloc : memref<!tpu.dma_semaphore, #tpu.memory_space<semaphore_mem>>
      %dma_start3A_174 = arith.constant 0 : i32
      %dma_start3A_175 = tpu.memref_slice %arg6[%add3A_26, %dma_start3A_174] : memref<10112x128xf32, #tpu.memory_space<vmem_shared>> -> memref<96x128xf32, #tpu.memory_space<vmem_shared>>
      %dma_start3A_176 = arith.constant 0 : i32
      %dma_start3A_177 = tpu.memref_slice %arg6[%add3A_26, %dma_start3A_176] : memref<10112x128xf32, #tpu.memory_space<vmem_shared>> -> memref<96x128xf32, #tpu.memory_space<vmem_shared>>
      tpu.enqueue_dma source(%arg19 : memref<96x128xf32, #tpu.memory_space<vmem>>) target(%dma_start3A_177 : memref<96x128xf32, #tpu.memory_space<vmem_shared>>) target_semaphore(%run_scoped3A : memref<!tpu.dma_semaphore, #tpu.memory_space<semaphore_mem>>)
      %dma_wait3A_178 = arith.constant 0 : i32
      %dma_wait3A_179 = tpu.memref_slice %arg6[%add3A_26, %dma_wait3A_178] : memref<10112x128xf32, #tpu.memory_space<vmem_shared>> -> memref<96x128xf32, #tpu.memory_space<vmem_shared>>
      %dma_wait3A_180 = arith.constant 0 : i32
      %dma_wait3A_181 = tpu.memref_slice %arg6[%add3A_26, %dma_wait3A_180] : memref<10112x128xf32, #tpu.memory_space<vmem_shared>> -> memref<96x128xf32, #tpu.memory_space<vmem_shared>>
      tpu.wait_dma2 semaphore(%run_scoped3A : memref<!tpu.dma_semaphore, #tpu.memory_space<semaphore_mem>>) src(%arg19 : memref<96x128xf32, #tpu.memory_space<vmem>>) dst(%dma_wait3A_181 : memref<96x128xf32, #tpu.memory_space<vmem_shared>>)
      tpu.yield
    }) : () -> ()
    %mul3A_27 = arith.constant 632 : i32
    %mul3A_28 = arith.muli %arg1, %mul3A_27 : i32
    %add3A_29 = arith.constant 288 : i32
    %add3A_30 = arith.addi %mul3A_28, %add3A_29 : i32
    "tpu.region"() ({
      %run_scoped3A = tpu.sem_alloc : memref<!tpu.dma_semaphore, #tpu.memory_space<semaphore_mem>>
      %dma_start3A_174 = arith.constant 0 : i32
      %dma_start3A_175 = tpu.memref_slice %arg6[%add3A_30, %dma_start3A_174] : memref<10112x128xf32, #tpu.memory_space<vmem_shared>> -> memref<96x128xf32, #tpu.memory_space<vmem_shared>>
      %dma_start3A_176 = arith.constant 0 : i32
      %dma_start3A_177 = tpu.memref_slice %arg6[%add3A_30, %dma_start3A_176] : memref<10112x128xf32, #tpu.memory_space<vmem_shared>> -> memref<96x128xf32, #tpu.memory_space<vmem_shared>>
      tpu.enqueue_dma source(%arg19 : memref<96x128xf32, #tpu.memory_space<vmem>>) target(%dma_start3A_177 : memref<96x128xf32, #tpu.memory_space<vmem_shared>>) target_semaphore(%run_scoped3A : memref<!tpu.dma_semaphore, #tpu.memory_space<semaphore_mem>>)
      %dma_wait3A_178 = arith.constant 0 : i32
      %dma_wait3A_179 = tpu.memref_slice %arg6[%add3A_30, %dma_wait3A_178] : memref<10112x128xf32, #tpu.memory_space<vmem_shared>> -> memref<96x128xf32, #tpu.memory_space<vmem_shared>>
      %dma_wait3A_180 = arith.constant 0 : i32
      %dma_wait3A_181 = tpu.memref_slice %arg6[%add3A_30, %dma_wait3A_180] : memref<10112x128xf32, #tpu.memory_space<vmem_shared>> -> memref<96x128xf32, #tpu.memory_space<vmem_shared>>
      tpu.wait_dma2 semaphore(%run_scoped3A : memref<!tpu.dma_semaphore, #tpu.memory_space<semaphore_mem>>) src(%arg19 : memref<96x128xf32, #tpu.memory_space<vmem>>) dst(%dma_wait3A_181 : memref<96x128xf32, #tpu.memory_space<vmem_shared>>)
      tpu.yield
    }) : () -> ()
    %mul3A_31 = arith.constant 632 : i32
    %mul3A_32 = arith.muli %arg1, %mul3A_31 : i32
    %add3A_33 = arith.constant 384 : i32
    %add3A_34 = arith.addi %mul3A_32, %add3A_33 : i32
    "tpu.region"() ({
      %run_scoped3A = tpu.sem_alloc : memref<!tpu.dma_semaphore, #tpu.memory_space<semaphore_mem>>
      %dma_start3A_174 = arith.constant 0 : i32
      %dma_start3A_175 = tpu.memref_slice %arg6[%add3A_34, %dma_start3A_174] : memref<10112x128xf32, #tpu.memory_space<vmem_shared>> -> memref<96x128xf32, #tpu.memory_space<vmem_shared>>
      %dma_start3A_176 = arith.constant 0 : i32
      %dma_start3A_177 = tpu.memref_slice %arg6[%add3A_34, %dma_start3A_176] : memref<10112x128xf32, #tpu.memory_space<vmem_shared>> -> memref<96x128xf32, #tpu.memory_space<vmem_shared>>
      tpu.enqueue_dma source(%arg19 : memref<96x128xf32, #tpu.memory_space<vmem>>) target(%dma_start3A_177 : memref<96x128xf32, #tpu.memory_space<vmem_shared>>) target_semaphore(%run_scoped3A : memref<!tpu.dma_semaphore, #tpu.memory_space<semaphore_mem>>)
      %dma_wait3A_178 = arith.constant 0 : i32
      %dma_wait3A_179 = tpu.memref_slice %arg6[%add3A_34, %dma_wait3A_178] : memref<10112x128xf32, #tpu.memory_space<vmem_shared>> -> memref<96x128xf32, #tpu.memory_space<vmem_shared>>
      %dma_wait3A_180 = arith.constant 0 : i32
      %dma_wait3A_181 = tpu.memref_slice %arg6[%add3A_34, %dma_wait3A_180] : memref<10112x128xf32, #tpu.memory_space<vmem_shared>> -> memref<96x128xf32, #tpu.memory_space<vmem_shared>>
      tpu.wait_dma2 semaphore(%run_scoped3A : memref<!tpu.dma_semaphore, #tpu.memory_space<semaphore_mem>>) src(%arg19 : memref<96x128xf32, #tpu.memory_space<vmem>>) dst(%dma_wait3A_181 : memref<96x128xf32, #tpu.memory_space<vmem_shared>>)
      tpu.yield
    }) : () -> ()
    %mul3A_35 = arith.constant 632 : i32
    %mul3A_36 = arith.muli %arg1, %mul3A_35 : i32
    %add3A_37 = arith.constant 480 : i32
    %add3A_38 = arith.addi %mul3A_36, %add3A_37 : i32
    "tpu.region"() ({
      %run_scoped3A = tpu.sem_alloc : memref<!tpu.dma_semaphore, #tpu.memory_space<semaphore_mem>>
      %dma_start3A_174 = arith.constant 0 : i32
      %dma_start3A_175 = tpu.memref_slice %arg6[%add3A_38, %dma_start3A_174] : memref<10112x128xf32, #tpu.memory_space<vmem_shared>> -> memref<96x128xf32, #tpu.memory_space<vmem_shared>>
      %dma_start3A_176 = arith.constant 0 : i32
      %dma_start3A_177 = tpu.memref_slice %arg6[%add3A_38, %dma_start3A_176] : memref<10112x128xf32, #tpu.memory_space<vmem_shared>> -> memref<96x128xf32, #tpu.memory_space<vmem_shared>>
      tpu.enqueue_dma source(%arg19 : memref<96x128xf32, #tpu.memory_space<vmem>>) target(%dma_start3A_177 : memref<96x128xf32, #tpu.memory_space<vmem_shared>>) target_semaphore(%run_scoped3A : memref<!tpu.dma_semaphore, #tpu.memory_space<semaphore_mem>>)
      %dma_wait3A_178 = arith.constant 0 : i32
      %dma_wait3A_179 = tpu.memref_slice %arg6[%add3A_38, %dma_wait3A_178] : memref<10112x128xf32, #tpu.memory_space<vmem_shared>> -> memref<96x128xf32, #tpu.memory_space<vmem_shared>>
      %dma_wait3A_180 = arith.constant 0 : i32
      %dma_wait3A_181 = tpu.memref_slice %arg6[%add3A_38, %dma_wait3A_180] : memref<10112x128xf32, #tpu.memory_space<vmem_shared>> -> memref<96x128xf32, #tpu.memory_space<vmem_shared>>
      tpu.wait_dma2 semaphore(%run_scoped3A : memref<!tpu.dma_semaphore, #tpu.memory_space<semaphore_mem>>) src(%arg19 : memref<96x128xf32, #tpu.memory_space<vmem>>) dst(%dma_wait3A_181 : memref<96x128xf32, #tpu.memory_space<vmem_shared>>)
      tpu.yield
    }) : () -> ()
    %mul3A_39 = arith.constant 632 : i32
    %mul3A_40 = arith.muli %arg1, %mul3A_39 : i32
    %add3A_41 = arith.constant 632 : i32
    %add3A_42 = arith.addi %mul3A_40, %add3A_41 : i32
    %sub3A = arith.constant 56 : i32
    %sub3A_43 = arith.subi %add3A_42, %sub3A : i32
    "tpu.region"() ({
      %run_scoped3A = tpu.sem_alloc : memref<!tpu.dma_semaphore, #tpu.memory_space<semaphore_mem>>
      %dma_start3A_174 = arith.constant 0 : i32
      %dma_start3A_175 = arith.constant 0 : i32
      %dma_start3A_176 = tpu.memref_slice %arg19[%dma_start3A_174, %dma_start3A_175] : memref<96x128xf32, #tpu.memory_space<vmem>> -> memref<56x128xf32, #tpu.memory_space<vmem>>
      %dma_start3A_177 = arith.constant 0 : i32
      %dma_start3A_178 = tpu.memref_slice %arg6[%sub3A_43, %dma_start3A_177] : memref<10112x128xf32, #tpu.memory_space<vmem_shared>> -> memref<56x128xf32, #tpu.memory_space<vmem_shared>>
      %dma_start3A_179 = arith.constant 0 : i32
      %dma_start3A_180 = tpu.memref_slice %arg6[%sub3A_43, %dma_start3A_179] : memref<10112x128xf32, #tpu.memory_space<vmem_shared>> -> memref<56x128xf32, #tpu.memory_space<vmem_shared>>
      %dma_start3A_181 = arith.constant 0 : i32
      %dma_start3A_182 = arith.constant 0 : i32
      %dma_start3A_183 = tpu.memref_slice %arg19[%dma_start3A_181, %dma_start3A_182] : memref<96x128xf32, #tpu.memory_space<vmem>> -> memref<56x128xf32, #tpu.memory_space<vmem>>
      tpu.enqueue_dma source(%dma_start3A_183 : memref<56x128xf32, #tpu.memory_space<vmem>>) target(%dma_start3A_180 : memref<56x128xf32, #tpu.memory_space<vmem_shared>>) target_semaphore(%run_scoped3A : memref<!tpu.dma_semaphore, #tpu.memory_space<semaphore_mem>>)
      %dma_wait3A_184 = arith.constant 0 : i32
      %dma_wait3A_185 = arith.constant 0 : i32
      %dma_wait3A_186 = tpu.memref_slice %arg19[%dma_wait3A_184, %dma_wait3A_185] : memref<96x128xf32, #tpu.memory_space<vmem>> -> memref<56x128xf32, #tpu.memory_space<vmem>>
      %dma_wait3A_187 = arith.constant 0 : i32
      %dma_wait3A_188 = tpu.memref_slice %arg6[%sub3A_43, %dma_wait3A_187] : memref<10112x128xf32, #tpu.memory_space<vmem_shared>> -> memref<56x128xf32, #tpu.memory_space<vmem_shared>>
      %dma_wait3A_189 = arith.constant 0 : i32
      %dma_wait3A_190 = tpu.memref_slice %arg6[%sub3A_43, %dma_wait3A_189] : memref<10112x128xf32, #tpu.memory_space<vmem_shared>> -> memref<56x128xf32, #tpu.memory_space<vmem_shared>>
      %dma_wait3A_191 = arith.constant 0 : i32
      %dma_wait3A_192 = arith.constant 0 : i32
      %dma_wait3A_193 = tpu.memref_slice %arg19[%dma_wait3A_191, %dma_wait3A_192] : memref<96x128xf32, #tpu.memory_space<vmem>> -> memref<56x128xf32, #tpu.memory_space<vmem>>
      tpu.wait_dma2 semaphore(%run_scoped3A : memref<!tpu.dma_semaphore, #tpu.memory_space<semaphore_mem>>) src(%dma_wait3A_193 : memref<56x128xf32, #tpu.memory_space<vmem>>) dst(%dma_wait3A_190 : memref<56x128xf32, #tpu.memory_space<vmem_shared>>)
      tpu.yield
    }) : () -> ()
    %broadcast_in_dim3A_44 = arith.constant 1.000000e+00 : f32
    %broadcast_in_dim3A_45 = vector.broadcast %broadcast_in_dim3A_44 : f32 to vector<16xf32>
    %barrier3A = arith.constant 0 : index
    tpu.barrier barrier_id(%barrier3A)
    %add3A_46 = arith.constant 0 : i32
    %add3A_47 = arith.addi %select_n3A, %add3A_46 : i32
    %dma_start3A = arith.constant 0 : i32
    %dma_start3A_48 = tpu.memref_slice %arg3[%add3A_47, %dma_start3A] : memref<3360x96xi32, #tpu.memory_space<hbm>> -> memref<1x96xi32, #tpu.memory_space<hbm>>
    %dma_start3A_49 = tpu.memref_squeeze %dma_start3A_48 : memref<1x96xi32, #tpu.memory_space<hbm>> -> memref<96xi32, #tpu.memory_space<hbm>>
    %dma_start3A_50 = arith.constant 0 : i32
    %dma_start3A_51 = tpu.memref_slice %arg3[%add3A_47, %dma_start3A_50] : memref<3360x96xi32, #tpu.memory_space<hbm>> -> memref<1x96xi32, #tpu.memory_space<hbm>>
    %dma_start3A_52 = tpu.memref_squeeze %dma_start3A_51 : memref<1x96xi32, #tpu.memory_space<hbm>> -> memref<96xi32, #tpu.memory_space<hbm>>
    tpu.enqueue_dma source(%dma_start3A_52 : memref<96xi32, #tpu.memory_space<hbm>>) target(%arg7 : memref<96xi32, #tpu.memory_space<vmem>>) target_semaphore(%arg28 : memref<!tpu.dma_semaphore, #tpu.memory_space<semaphore_mem>>)
    %add3A_53 = arith.constant 0 : i32
    %add3A_54 = arith.addi %select_n3A, %add3A_53 : i32
    %dma_start3A_55 = arith.constant 0 : i32
    %dma_start3A_56 = tpu.memref_slice %arg4[%add3A_54, %dma_start3A_55] : memref<3360x96xi32, #tpu.memory_space<hbm>> -> memref<1x96xi32, #tpu.memory_space<hbm>>
    %dma_start3A_57 = tpu.memref_squeeze %dma_start3A_56 : memref<1x96xi32, #tpu.memory_space<hbm>> -> memref<96xi32, #tpu.memory_space<hbm>>
    %dma_start3A_58 = arith.constant 0 : i32
    %dma_start3A_59 = tpu.memref_slice %arg4[%add3A_54, %dma_start3A_58] : memref<3360x96xi32, #tpu.memory_space<hbm>> -> memref<1x96xi32, #tpu.memory_space<hbm>>
    %dma_start3A_60 = tpu.memref_squeeze %dma_start3A_59 : memref<1x96xi32, #tpu.memory_space<hbm>> -> memref<96xi32, #tpu.memory_space<hbm>>
    tpu.enqueue_dma source(%dma_start3A_60 : memref<96xi32, #tpu.memory_space<hbm>>) target(%arg13 : memref<96xi32, #tpu.memory_space<vmem>>) target_semaphore(%arg28 : memref<!tpu.dma_semaphore, #tpu.memory_space<semaphore_mem>>)
    %add3A_61 = arith.constant 1 : i32
    %add3A_62 = arith.addi %select_n3A, %add3A_61 : i32
    %dma_start3A_63 = arith.constant 0 : i32
    %dma_start3A_64 = tpu.memref_slice %arg3[%add3A_62, %dma_start3A_63] : memref<3360x96xi32, #tpu.memory_space<hbm>> -> memref<1x96xi32, #tpu.memory_space<hbm>>
    %dma_start3A_65 = tpu.memref_squeeze %dma_start3A_64 : memref<1x96xi32, #tpu.memory_space<hbm>> -> memref<96xi32, #tpu.memory_space<hbm>>
    %dma_start3A_66 = arith.constant 0 : i32
    %dma_start3A_67 = tpu.memref_slice %arg3[%add3A_62, %dma_start3A_66] : memref<3360x96xi32, #tpu.memory_space<hbm>> -> memref<1x96xi32, #tpu.memory_space<hbm>>
    %dma_start3A_68 = tpu.memref_squeeze %dma_start3A_67 : memref<1x96xi32, #tpu.memory_space<hbm>> -> memref<96xi32, #tpu.memory_space<hbm>>
    tpu.enqueue_dma source(%dma_start3A_68 : memref<96xi32, #tpu.memory_space<hbm>>) target(%arg8 : memref<96xi32, #tpu.memory_space<vmem>>) target_semaphore(%arg29 : memref<!tpu.dma_semaphore, #tpu.memory_space<semaphore_mem>>)
    %add3A_69 = arith.constant 1 : i32
    %add3A_70 = arith.addi %select_n3A, %add3A_69 : i32
    %dma_start3A_71 = arith.constant 0 : i32
    %dma_start3A_72 = tpu.memref_slice %arg4[%add3A_70, %dma_start3A_71] : memref<3360x96xi32, #tpu.memory_space<hbm>> -> memref<1x96xi32, #tpu.memory_space<hbm>>
    %dma_start3A_73 = tpu.memref_squeeze %dma_start3A_72 : memref<1x96xi32, #tpu.memory_space<hbm>> -> memref<96xi32, #tpu.memory_space<hbm>>
    %dma_start3A_74 = arith.constant 0 : i32
    %dma_start3A_75 = tpu.memref_slice %arg4[%add3A_70, %dma_start3A_74] : memref<3360x96xi32, #tpu.memory_space<hbm>> -> memref<1x96xi32, #tpu.memory_space<hbm>>
    %dma_start3A_76 = tpu.memref_squeeze %dma_start3A_75 : memref<1x96xi32, #tpu.memory_space<hbm>> -> memref<96xi32, #tpu.memory_space<hbm>>
    tpu.enqueue_dma source(%dma_start3A_76 : memref<96xi32, #tpu.memory_space<hbm>>) target(%arg14 : memref<96xi32, #tpu.memory_space<vmem>>) target_semaphore(%arg29 : memref<!tpu.dma_semaphore, #tpu.memory_space<semaphore_mem>>)
    %add3A_77 = arith.constant 2 : i32
    %add3A_78 = arith.addi %select_n3A, %add3A_77 : i32
    %dma_start3A_79 = arith.constant 0 : i32
    %dma_start3A_80 = tpu.memref_slice %arg3[%add3A_78, %dma_start3A_79] : memref<3360x96xi32, #tpu.memory_space<hbm>> -> memref<1x96xi32, #tpu.memory_space<hbm>>
    %dma_start3A_81 = tpu.memref_squeeze %dma_start3A_80 : memref<1x96xi32, #tpu.memory_space<hbm>> -> memref<96xi32, #tpu.memory_space<hbm>>
    %dma_start3A_82 = arith.constant 0 : i32
    %dma_start3A_83 = tpu.memref_slice %arg3[%add3A_78, %dma_start3A_82] : memref<3360x96xi32, #tpu.memory_space<hbm>> -> memref<1x96xi32, #tpu.memory_space<hbm>>
    %dma_start3A_84 = tpu.memref_squeeze %dma_start3A_83 : memref<1x96xi32, #tpu.memory_space<hbm>> -> memref<96xi32, #tpu.memory_space<hbm>>
    tpu.enqueue_dma source(%dma_start3A_84 : memref<96xi32, #tpu.memory_space<hbm>>) target(%arg9 : memref<96xi32, #tpu.memory_space<vmem>>) target_semaphore(%arg30 : memref<!tpu.dma_semaphore, #tpu.memory_space<semaphore_mem>>)
    %add3A_85 = arith.constant 2 : i32
    %add3A_86 = arith.addi %select_n3A, %add3A_85 : i32
    %dma_start3A_87 = arith.constant 0 : i32
    %dma_start3A_88 = tpu.memref_slice %arg4[%add3A_86, %dma_start3A_87] : memref<3360x96xi32, #tpu.memory_space<hbm>> -> memref<1x96xi32, #tpu.memory_space<hbm>>
    %dma_start3A_89 = tpu.memref_squeeze %dma_start3A_88 : memref<1x96xi32, #tpu.memory_space<hbm>> -> memref<96xi32, #tpu.memory_space<hbm>>
    %dma_start3A_90 = arith.constant 0 : i32
    %dma_start3A_91 = tpu.memref_slice %arg4[%add3A_86, %dma_start3A_90] : memref<3360x96xi32, #tpu.memory_space<hbm>> -> memref<1x96xi32, #tpu.memory_space<hbm>>
    %dma_start3A_92 = tpu.memref_squeeze %dma_start3A_91 : memref<1x96xi32, #tpu.memory_space<hbm>> -> memref<96xi32, #tpu.memory_space<hbm>>
    tpu.enqueue_dma source(%dma_start3A_92 : memref<96xi32, #tpu.memory_space<hbm>>) target(%arg15 : memref<96xi32, #tpu.memory_space<vmem>>) target_semaphore(%arg30 : memref<!tpu.dma_semaphore, #tpu.memory_space<semaphore_mem>>)
    %add3A_93 = arith.constant 3 : i32
    %add3A_94 = arith.addi %select_n3A, %add3A_93 : i32
    %dma_start3A_95 = arith.constant 0 : i32
    %dma_start3A_96 = tpu.memref_slice %arg3[%add3A_94, %dma_start3A_95] : memref<3360x96xi32, #tpu.memory_space<hbm>> -> memref<1x96xi32, #tpu.memory_space<hbm>>
    %dma_start3A_97 = tpu.memref_squeeze %dma_start3A_96 : memref<1x96xi32, #tpu.memory_space<hbm>> -> memref<96xi32, #tpu.memory_space<hbm>>
    %dma_start3A_98 = arith.constant 0 : i32
    %dma_start3A_99 = tpu.memref_slice %arg3[%add3A_94, %dma_start3A_98] : memref<3360x96xi32, #tpu.memory_space<hbm>> -> memref<1x96xi32, #tpu.memory_space<hbm>>
    %dma_start3A_100 = tpu.memref_squeeze %dma_start3A_99 : memref<1x96xi32, #tpu.memory_space<hbm>> -> memref<96xi32, #tpu.memory_space<hbm>>
    tpu.enqueue_dma source(%dma_start3A_100 : memref<96xi32, #tpu.memory_space<hbm>>) target(%arg10 : memref<96xi32, #tpu.memory_space<vmem>>) target_semaphore(%arg31 : memref<!tpu.dma_semaphore, #tpu.memory_space<semaphore_mem>>)
    %add3A_101 = arith.constant 3 : i32
    %add3A_102 = arith.addi %select_n3A, %add3A_101 : i32
    %dma_start3A_103 = arith.constant 0 : i32
    %dma_start3A_104 = tpu.memref_slice %arg4[%add3A_102, %dma_start3A_103] : memref<3360x96xi32, #tpu.memory_space<hbm>> -> memref<1x96xi32, #tpu.memory_space<hbm>>
    %dma_start3A_105 = tpu.memref_squeeze %dma_start3A_104 : memref<1x96xi32, #tpu.memory_space<hbm>> -> memref<96xi32, #tpu.memory_space<hbm>>
    %dma_start3A_106 = arith.constant 0 : i32
    %dma_start3A_107 = tpu.memref_slice %arg4[%add3A_102, %dma_start3A_106] : memref<3360x96xi32, #tpu.memory_space<hbm>> -> memref<1x96xi32, #tpu.memory_space<hbm>>
    %dma_start3A_108 = tpu.memref_squeeze %dma_start3A_107 : memref<1x96xi32, #tpu.memory_space<hbm>> -> memref<96xi32, #tpu.memory_space<hbm>>
    tpu.enqueue_dma source(%dma_start3A_108 : memref<96xi32, #tpu.memory_space<hbm>>) target(%arg16 : memref<96xi32, #tpu.memory_space<vmem>>) target_semaphore(%arg31 : memref<!tpu.dma_semaphore, #tpu.memory_space<semaphore_mem>>)
    %dma_wait3A = arith.constant 0 : i32
    %dma_wait3A_109 = tpu.memref_slice %arg3[%select_n3A, %dma_wait3A] : memref<3360x96xi32, #tpu.memory_space<hbm>> -> memref<1x96xi32, #tpu.memory_space<hbm>>
    %dma_wait3A_110 = tpu.memref_squeeze %dma_wait3A_109 : memref<1x96xi32, #tpu.memory_space<hbm>> -> memref<96xi32, #tpu.memory_space<hbm>>
    %dma_wait3A_111 = arith.constant 0 : i32
    %dma_wait3A_112 = tpu.memref_slice %arg3[%select_n3A, %dma_wait3A_111] : memref<3360x96xi32, #tpu.memory_space<hbm>> -> memref<1x96xi32, #tpu.memory_space<hbm>>
    %dma_wait3A_113 = tpu.memref_squeeze %dma_wait3A_112 : memref<1x96xi32, #tpu.memory_space<hbm>> -> memref<96xi32, #tpu.memory_space<hbm>>
    tpu.wait_dma2 semaphore(%arg28 : memref<!tpu.dma_semaphore, #tpu.memory_space<semaphore_mem>>) src(%dma_wait3A_113 : memref<96xi32, #tpu.memory_space<hbm>>) dst(%arg7 : memref<96xi32, #tpu.memory_space<vmem>>)
    %dma_wait3A_114 = arith.constant 0 : i32
    %dma_wait3A_115 = tpu.memref_slice %arg4[%select_n3A, %dma_wait3A_114] : memref<3360x96xi32, #tpu.memory_space<hbm>> -> memref<1x96xi32, #tpu.memory_space<hbm>>
    %dma_wait3A_116 = tpu.memref_squeeze %dma_wait3A_115 : memref<1x96xi32, #tpu.memory_space<hbm>> -> memref<96xi32, #tpu.memory_space<hbm>>
    %dma_wait3A_117 = arith.constant 0 : i32
    %dma_wait3A_118 = tpu.memref_slice %arg4[%select_n3A, %dma_wait3A_117] : memref<3360x96xi32, #tpu.memory_space<hbm>> -> memref<1x96xi32, #tpu.memory_space<hbm>>
    %dma_wait3A_119 = tpu.memref_squeeze %dma_wait3A_118 : memref<1x96xi32, #tpu.memory_space<hbm>> -> memref<96xi32, #tpu.memory_space<hbm>>
    tpu.wait_dma2 semaphore(%arg28 : memref<!tpu.dma_semaphore, #tpu.memory_space<semaphore_mem>>) src(%dma_wait3A_119 : memref<96xi32, #tpu.memory_space<hbm>>) dst(%arg13 : memref<96xi32, #tpu.memory_space<vmem>>)
    %dma_wait3A_120 = arith.constant 0 : i32
    %dma_wait3A_121 = tpu.memref_slice %arg3[%select_n3A, %dma_wait3A_120] : memref<3360x96xi32, #tpu.memory_space<hbm>> -> memref<1x96xi32, #tpu.memory_space<hbm>>
    %dma_wait3A_122 = tpu.memref_squeeze %dma_wait3A_121 : memref<1x96xi32, #tpu.memory_space<hbm>> -> memref<96xi32, #tpu.memory_space<hbm>>
    %dma_wait3A_123 = arith.constant 0 : i32
    %dma_wait3A_124 = tpu.memref_slice %arg3[%select_n3A, %dma_wait3A_123] : memref<3360x96xi32, #tpu.memory_space<hbm>> -> memref<1x96xi32, #tpu.memory_space<hbm>>
    %dma_wait3A_125 = tpu.memref_squeeze %dma_wait3A_124 : memref<1x96xi32, #tpu.memory_space<hbm>> -> memref<96xi32, #tpu.memory_space<hbm>>
    tpu.wait_dma2 semaphore(%arg29 : memref<!tpu.dma_semaphore, #tpu.memory_space<semaphore_mem>>) src(%dma_wait3A_125 : memref<96xi32, #tpu.memory_space<hbm>>) dst(%arg8 : memref<96xi32, #tpu.memory_space<vmem>>)
    %dma_wait3A_126 = arith.constant 0 : i32
    %dma_wait3A_127 = tpu.memref_slice %arg4[%select_n3A, %dma_wait3A_126] : memref<3360x96xi32, #tpu.memory_space<hbm>> -> memref<1x96xi32, #tpu.memory_space<hbm>>
    %dma_wait3A_128 = tpu.memref_squeeze %dma_wait3A_127 : memref<1x96xi32, #tpu.memory_space<hbm>> -> memref<96xi32, #tpu.memory_space<hbm>>
    %dma_wait3A_129 = arith.constant 0 : i32
    %dma_wait3A_130 = tpu.memref_slice %arg4[%select_n3A, %dma_wait3A_129] : memref<3360x96xi32, #tpu.memory_space<hbm>> -> memref<1x96xi32, #tpu.memory_space<hbm>>
    %dma_wait3A_131 = tpu.memref_squeeze %dma_wait3A_130 : memref<1x96xi32, #tpu.memory_space<hbm>> -> memref<96xi32, #tpu.memory_space<hbm>>
    tpu.wait_dma2 semaphore(%arg29 : memref<!tpu.dma_semaphore, #tpu.memory_space<semaphore_mem>>) src(%dma_wait3A_131 : memref<96xi32, #tpu.memory_space<hbm>>) dst(%arg14 : memref<96xi32, #tpu.memory_space<vmem>>)
    %dma_start3A_132 = arith.constant 0 : i32
    %dma_start3A_133 = arith.constant 0 : i32
    %dma_start3A_134 = tpu.memref_slice %arg2[%dma_start3A_132, %dma_start3A_133] : memref<10000x128xf32, #tpu.memory_space<hbm>> -> memref<10000x128xf32, #tpu.memory_space<hbm>>
    tpu.enqueue_indirect_dma source(%dma_start3A_134 : memref<10000x128xf32, #tpu.memory_space<hbm>>) target(%arg19 : memref<96x128xf32, #tpu.memory_space<vmem>>) offsets(%arg7 : memref<96xi32, #tpu.memory_space<vmem>>) semaphore(%arg22 : memref<!tpu.dma_semaphore, #tpu.memory_space<semaphore_mem>>)
    %dma_start3A_135 = arith.constant 0 : i32
    %dma_start3A_136 = arith.constant 0 : i32
    %dma_start3A_137 = tpu.memref_slice %arg2[%dma_start3A_135, %dma_start3A_136] : memref<10000x128xf32, #tpu.memory_space<hbm>> -> memref<10000x128xf32, #tpu.memory_space<hbm>>
    tpu.enqueue_indirect_dma source(%dma_start3A_137 : memref<10000x128xf32, #tpu.memory_space<hbm>>) target(%arg20 : memref<96x128xf32, #tpu.memory_space<vmem>>) offsets(%arg8 : memref<96xi32, #tpu.memory_space<vmem>>) semaphore(%arg23 : memref<!tpu.dma_semaphore, #tpu.memory_space<semaphore_mem>>)
    %jit3A_138 = arith.constant 6 : i32
    %div3A = arith.divsi %select_n3A_8, %jit3A_138 : i32
    %sign3A = arith.constant 0 : i32
    %sign3A_139 = arith.cmpi sgt, %select_n3A_8, %sign3A : i32
    %sign3A_140 = arith.extui %sign3A_139 : i1 to i32
    %sign3A_141 = arith.constant 0 : i32
    %sign3A_142 = arith.cmpi slt, %select_n3A_8, %sign3A_141 : i32
    %sign3A_143 = arith.extui %sign3A_142 : i1 to i32
    %sign3A_144 = arith.subi %sign3A_140, %sign3A_143 : i32
    %sign3A_145 = arith.constant 0 : i32
    %sign3A_146 = arith.cmpi sgt, %jit3A_138, %sign3A_145 : i32
    %sign3A_147 = arith.extui %sign3A_146 : i1 to i32
    %sign3A_148 = arith.constant 0 : i32
    %sign3A_149 = arith.cmpi slt, %jit3A_138, %sign3A_148 : i32
    %sign3A_150 = arith.extui %sign3A_149 : i1 to i32
    %sign3A_151 = arith.subi %sign3A_147, %sign3A_150 : i32
    %ne3A = arith.cmpi ne, %sign3A_144, %sign3A_151 : i32
    %rem3A = arith.remsi %select_n3A_8, %jit3A_138 : i32
    %ne3A_152 = arith.constant 0 : i32
    %ne3A_153 = arith.cmpi ne, %rem3A, %ne3A_152 : i32
    %and3A = arith.andi %ne3A, %ne3A_153 : i1
    %sub3A_154 = arith.constant 1 : i32
    %sub3A_155 = arith.subi %div3A, %sub3A_154 : i32
    %select_n3A_156 = arith.select %and3A, %sub3A_155, %div3A : i32
    %while3A = arith.constant 0 : i32
    %while3A_157 = arith.constant 0 : i32
    %while3A_158 = arith.subi %select_n3A_156, %while3A_157 : i32
    %while3A_159 = arith.addi %while3A_157, %while3A_158 : i32
    %while3A_160 = arith.constant 1 : i32
    %while3A_161 = arith.divsi %while3A_158, %while3A_160 : i32
    %while3A_162 = arith.muli %while3A_161, %while3A_160 : i32
    %while3A_163 = arith.addi %while3A_157, %while3A_162 : i32
    %while3A_164 = arith.constant 1 : i32
    scf.for %while3A_174 = %while3A_157 to %while3A_163 step %while3A_164  : i32 {
      %mul3A_175 = arith.constant 6 : i32
      %mul3A_176 = arith.muli %while3A_174, %mul3A_175 : i32
      %add3A_177 = arith.constant 0 : i32
      %add3A_178 = arith.addi %mul3A_176, %add3A_177 : i32
      %ge3A = arith.constant 1 : i32
      %ge3A_179 = arith.cmpi sge, %add3A_178, %ge3A : i32
      %convert_element_type3A = arith.extui %ge3A_179 : i1 to i32
      %cond3A = arith.constant 0 : i32
      %cond3A_180 = arith.cmpi ne, %convert_element_type3A, %cond3A : i32
      scf.if %cond3A_180 {
        %dma_wait3A_333 = arith.constant 0 : i32
        %dma_wait3A_334 = arith.constant 0 : i32
        %dma_wait3A_335 = tpu.memref_slice %arg6[%dma_wait3A_333, %dma_wait3A_334] : memref<10112x128xf32, #tpu.memory_space<vmem_shared>> -> memref<10112x128xf32, #tpu.memory_space<vmem_shared>>
        tpu.wait_indirect_dma semaphore(%arg27 : memref<!tpu.dma_semaphore, #tpu.memory_space<semaphore_mem>>) src(%arg21 : memref<96x128xf32, #tpu.memory_space<vmem>>) dst(%dma_wait3A_335 : memref<10112x128xf32, #tpu.memory_space<vmem_shared>>)
      } else {
      }
      %add3A_181 = arith.constant 2 : i32
      %add3A_182 = arith.addi %add3A_178, %add3A_181 : i32
      %lt3A = arith.cmpi slt, %add3A_182, %select_n3A_8 : i32
      %convert_element_type3A_183 = arith.extui %lt3A : i1 to i32
      %cond3A_184 = arith.constant 0 : i32
      %cond3A_185 = arith.cmpi ne, %convert_element_type3A_183, %cond3A_184 : i32
      scf.if %cond3A_185 {
        %dma_wait3A_333 = arith.constant 0 : i32
        %dma_wait3A_334 = tpu.memref_slice %arg3[%select_n3A, %dma_wait3A_333] : memref<3360x96xi32, #tpu.memory_space<hbm>> -> memref<1x96xi32, #tpu.memory_space<hbm>>
        %dma_wait3A_335 = tpu.memref_squeeze %dma_wait3A_334 : memref<1x96xi32, #tpu.memory_space<hbm>> -> memref<96xi32, #tpu.memory_space<hbm>>
        %dma_wait3A_336 = arith.constant 0 : i32
        %dma_wait3A_337 = tpu.memref_slice %arg3[%select_n3A, %dma_wait3A_336] : memref<3360x96xi32, #tpu.memory_space<hbm>> -> memref<1x96xi32, #tpu.memory_space<hbm>>
        %dma_wait3A_338 = tpu.memref_squeeze %dma_wait3A_337 : memref<1x96xi32, #tpu.memory_space<hbm>> -> memref<96xi32, #tpu.memory_space<hbm>>
        tpu.wait_dma2 semaphore(%arg30 : memref<!tpu.dma_semaphore, #tpu.memory_space<semaphore_mem>>) src(%dma_wait3A_338 : memref<96xi32, #tpu.memory_space<hbm>>) dst(%arg9 : memref<96xi32, #tpu.memory_space<vmem>>)
        %dma_wait3A_339 = arith.constant 0 : i32
        %dma_wait3A_340 = tpu.memref_slice %arg4[%select_n3A, %dma_wait3A_339] : memref<3360x96xi32, #tpu.memory_space<hbm>> -> memref<1x96xi32, #tpu.memory_space<hbm>>
        %dma_wait3A_341 = tpu.memref_squeeze %dma_wait3A_340 : memref<1x96xi32, #tpu.memory_space<hbm>> -> memref<96xi32, #tpu.memory_space<hbm>>
        %dma_wait3A_342 = arith.constant 0 : i32
        %dma_wait3A_343 = tpu.memref_slice %arg4[%select_n3A, %dma_wait3A_342] : memref<3360x96xi32, #tpu.memory_space<hbm>> -> memref<1x96xi32, #tpu.memory_space<hbm>>
        %dma_wait3A_344 = tpu.memref_squeeze %dma_wait3A_343 : memref<1x96xi32, #tpu.memory_space<hbm>> -> memref<96xi32, #tpu.memory_space<hbm>>
        tpu.wait_dma2 semaphore(%arg30 : memref<!tpu.dma_semaphore, #tpu.memory_space<semaphore_mem>>) src(%dma_wait3A_344 : memref<96xi32, #tpu.memory_space<hbm>>) dst(%arg15 : memref<96xi32, #tpu.memory_space<vmem>>)
        %dma_start3A_345 = arith.constant 0 : i32
        %dma_start3A_346 = arith.constant 0 : i32
        %dma_start3A_347 = tpu.memref_slice %arg2[%dma_start3A_345, %dma_start3A_346] : memref<10000x128xf32, #tpu.memory_space<hbm>> -> memref<10000x128xf32, #tpu.memory_space<hbm>>
        tpu.enqueue_indirect_dma source(%dma_start3A_347 : memref<10000x128xf32, #tpu.memory_space<hbm>>) target(%arg21 : memref<96x128xf32, #tpu.memory_space<vmem>>) offsets(%arg9 : memref<96xi32, #tpu.memory_space<vmem>>) semaphore(%arg24 : memref<!tpu.dma_semaphore, #tpu.memory_space<semaphore_mem>>)
      } else {
      }
      %add3A_186 = arith.constant 4 : i32
      %add3A_187 = arith.addi %add3A_178, %add3A_186 : i32
      %lt3A_188 = arith.cmpi slt, %add3A_187, %select_n3A_8 : i32
      %convert_element_type3A_189 = arith.extui %lt3A_188 : i1 to i32
      %cond3A_190 = arith.constant 0 : i32
      %cond3A_191 = arith.cmpi ne, %convert_element_type3A_189, %cond3A_190 : i32
      scf.if %cond3A_191 {
        %add3A_333 = arith.constant 4 : i32
        %add3A_334 = arith.addi %add3A_178, %add3A_333 : i32
        %add3A_335 = arith.addi %select_n3A, %add3A_334 : i32
        %dma_start3A_336 = arith.constant 0 : i32
        %dma_start3A_337 = tpu.memref_slice %arg3[%add3A_335, %dma_start3A_336] : memref<3360x96xi32, #tpu.memory_space<hbm>> -> memref<1x96xi32, #tpu.memory_space<hbm>>
        %dma_start3A_338 = tpu.memref_squeeze %dma_start3A_337 : memref<1x96xi32, #tpu.memory_space<hbm>> -> memref<96xi32, #tpu.memory_space<hbm>>
        %dma_start3A_339 = arith.constant 0 : i32
        %dma_start3A_340 = tpu.memref_slice %arg3[%add3A_335, %dma_start3A_339] : memref<3360x96xi32, #tpu.memory_space<hbm>> -> memref<1x96xi32, #tpu.memory_space<hbm>>
        %dma_start3A_341 = tpu.memref_squeeze %dma_start3A_340 : memref<1x96xi32, #tpu.memory_space<hbm>> -> memref<96xi32, #tpu.memory_space<hbm>>
        tpu.enqueue_dma source(%dma_start3A_341 : memref<96xi32, #tpu.memory_space<hbm>>) target(%arg11 : memref<96xi32, #tpu.memory_space<vmem>>) target_semaphore(%arg32 : memref<!tpu.dma_semaphore, #tpu.memory_space<semaphore_mem>>)
        %add3A_342 = arith.addi %select_n3A, %add3A_334 : i32
        %dma_start3A_343 = arith.constant 0 : i32
        %dma_start3A_344 = tpu.memref_slice %arg4[%add3A_342, %dma_start3A_343] : memref<3360x96xi32, #tpu.memory_space<hbm>> -> memref<1x96xi32, #tpu.memory_space<hbm>>
        %dma_start3A_345 = tpu.memref_squeeze %dma_start3A_344 : memref<1x96xi32, #tpu.memory_space<hbm>> -> memref<96xi32, #tpu.memory_space<hbm>>
        %dma_start3A_346 = arith.constant 0 : i32
        %dma_start3A_347 = tpu.memref_slice %arg4[%add3A_342, %dma_start3A_346] : memref<3360x96xi32, #tpu.memory_space<hbm>> -> memref<1x96xi32, #tpu.memory_space<hbm>>
        %dma_start3A_348 = tpu.memref_squeeze %dma_start3A_347 : memref<1x96xi32, #tpu.memory_space<hbm>> -> memref<96xi32, #tpu.memory_space<hbm>>
        tpu.enqueue_dma source(%dma_start3A_348 : memref<96xi32, #tpu.memory_space<hbm>>) target(%arg17 : memref<96xi32, #tpu.memory_space<vmem>>) target_semaphore(%arg32 : memref<!tpu.dma_semaphore, #tpu.memory_space<semaphore_mem>>)
      } else {
      }
      %dma_wait3A_192 = arith.constant 0 : i32
      %dma_wait3A_193 = arith.constant 0 : i32
      %dma_wait3A_194 = tpu.memref_slice %arg2[%dma_wait3A_192, %dma_wait3A_193] : memref<10000x128xf32, #tpu.memory_space<hbm>> -> memref<10000x128xf32, #tpu.memory_space<hbm>>
      tpu.wait_indirect_dma semaphore(%arg22 : memref<!tpu.dma_semaphore, #tpu.memory_space<semaphore_mem>>) src(%dma_wait3A_194 : memref<10000x128xf32, #tpu.memory_space<hbm>>) dst(%arg19 : memref<96x128xf32, #tpu.memory_space<vmem>>)
      %dma_start3A_195 = arith.constant 0 : i32
      %dma_start3A_196 = arith.constant 0 : i32
      %dma_start3A_197 = tpu.memref_slice %arg6[%dma_start3A_195, %dma_start3A_196] : memref<10112x128xf32, #tpu.memory_space<vmem_shared>> -> memref<10112x128xf32, #tpu.memory_space<vmem_shared>>
      tpu.enqueue_indirect_dma source(%arg19 : memref<96x128xf32, #tpu.memory_space<vmem>>) target(%dma_start3A_197 : memref<10112x128xf32, #tpu.memory_space<vmem_shared>>) offsets(%arg13 : memref<96xi32, #tpu.memory_space<vmem>>) semaphore(%arg25 : memref<!tpu.dma_semaphore, #tpu.memory_space<semaphore_mem>>) {add = true}
      %mul3A_198 = arith.constant 6 : i32
      %mul3A_199 = arith.muli %while3A_174, %mul3A_198 : i32
      %add3A_200 = arith.constant 1 : i32
      %add3A_201 = arith.addi %mul3A_199, %add3A_200 : i32
      %ge3A_202 = arith.constant 1 : i32
      %ge3A_203 = arith.cmpi sge, %add3A_201, %ge3A_202 : i32
      %convert_element_type3A_204 = arith.extui %ge3A_203 : i1 to i32
      %cond3A_205 = arith.constant 0 : i32
      %cond3A_206 = arith.cmpi ne, %convert_element_type3A_204, %cond3A_205 : i32
      scf.if %cond3A_206 {
        %dma_wait3A_333 = arith.constant 0 : i32
        %dma_wait3A_334 = arith.constant 0 : i32
        %dma_wait3A_335 = tpu.memref_slice %arg6[%dma_wait3A_333, %dma_wait3A_334] : memref<10112x128xf32, #tpu.memory_space<vmem_shared>> -> memref<10112x128xf32, #tpu.memory_space<vmem_shared>>
        tpu.wait_indirect_dma semaphore(%arg25 : memref<!tpu.dma_semaphore, #tpu.memory_space<semaphore_mem>>) src(%arg19 : memref<96x128xf32, #tpu.memory_space<vmem>>) dst(%dma_wait3A_335 : memref<10112x128xf32, #tpu.memory_space<vmem_shared>>)
      } else {
      }
      %add3A_207 = arith.constant 2 : i32
      %add3A_208 = arith.addi %add3A_201, %add3A_207 : i32
      %lt3A_209 = arith.cmpi slt, %add3A_208, %select_n3A_8 : i32
      %convert_element_type3A_210 = arith.extui %lt3A_209 : i1 to i32
      %cond3A_211 = arith.constant 0 : i32
      %cond3A_212 = arith.cmpi ne, %convert_element_type3A_210, %cond3A_211 : i32
      scf.if %cond3A_212 {
        %dma_wait3A_333 = arith.constant 0 : i32
        %dma_wait3A_334 = tpu.memref_slice %arg3[%select_n3A, %dma_wait3A_333] : memref<3360x96xi32, #tpu.memory_space<hbm>> -> memref<1x96xi32, #tpu.memory_space<hbm>>
        %dma_wait3A_335 = tpu.memref_squeeze %dma_wait3A_334 : memref<1x96xi32, #tpu.memory_space<hbm>> -> memref<96xi32, #tpu.memory_space<hbm>>
        %dma_wait3A_336 = arith.constant 0 : i32
        %dma_wait3A_337 = tpu.memref_slice %arg3[%select_n3A, %dma_wait3A_336] : memref<3360x96xi32, #tpu.memory_space<hbm>> -> memref<1x96xi32, #tpu.memory_space<hbm>>
        %dma_wait3A_338 = tpu.memref_squeeze %dma_wait3A_337 : memref<1x96xi32, #tpu.memory_space<hbm>> -> memref<96xi32, #tpu.memory_space<hbm>>
        tpu.wait_dma2 semaphore(%arg31 : memref<!tpu.dma_semaphore, #tpu.memory_space<semaphore_mem>>) src(%dma_wait3A_338 : memref<96xi32, #tpu.memory_space<hbm>>) dst(%arg10 : memref<96xi32, #tpu.memory_space<vmem>>)
        %dma_wait3A_339 = arith.constant 0 : i32
        %dma_wait3A_340 = tpu.memref_slice %arg4[%select_n3A, %dma_wait3A_339] : memref<3360x96xi32, #tpu.memory_space<hbm>> -> memref<1x96xi32, #tpu.memory_space<hbm>>
        %dma_wait3A_341 = tpu.memref_squeeze %dma_wait3A_340 : memref<1x96xi32, #tpu.memory_space<hbm>> -> memref<96xi32, #tpu.memory_space<hbm>>
        %dma_wait3A_342 = arith.constant 0 : i32
        %dma_wait3A_343 = tpu.memref_slice %arg4[%select_n3A, %dma_wait3A_342] : memref<3360x96xi32, #tpu.memory_space<hbm>> -> memref<1x96xi32, #tpu.memory_space<hbm>>
        %dma_wait3A_344 = tpu.memref_squeeze %dma_wait3A_343 : memref<1x96xi32, #tpu.memory_space<hbm>> -> memref<96xi32, #tpu.memory_space<hbm>>
        tpu.wait_dma2 semaphore(%arg31 : memref<!tpu.dma_semaphore, #tpu.memory_space<semaphore_mem>>) src(%dma_wait3A_344 : memref<96xi32, #tpu.memory_space<hbm>>) dst(%arg16 : memref<96xi32, #tpu.memory_space<vmem>>)
        %dma_start3A_345 = arith.constant 0 : i32
        %dma_start3A_346 = arith.constant 0 : i32
        %dma_start3A_347 = tpu.memref_slice %arg2[%dma_start3A_345, %dma_start3A_346] : memref<10000x128xf32, #tpu.memory_space<hbm>> -> memref<10000x128xf32, #tpu.memory_space<hbm>>
        tpu.enqueue_indirect_dma source(%dma_start3A_347 : memref<10000x128xf32, #tpu.memory_space<hbm>>) target(%arg19 : memref<96x128xf32, #tpu.memory_space<vmem>>) offsets(%arg10 : memref<96xi32, #tpu.memory_space<vmem>>) semaphore(%arg22 : memref<!tpu.dma_semaphore, #tpu.memory_space<semaphore_mem>>)
      } else {
      }
      %add3A_213 = arith.constant 4 : i32
      %add3A_214 = arith.addi %add3A_201, %add3A_213 : i32
      %lt3A_215 = arith.cmpi slt, %add3A_214, %select_n3A_8 : i32
      %convert_element_type3A_216 = arith.extui %lt3A_215 : i1 to i32
      %cond3A_217 = arith.constant 0 : i32
      %cond3A_218 = arith.cmpi ne, %convert_element_type3A_216, %cond3A_217 : i32
      scf.if %cond3A_218 {
        %add3A_333 = arith.constant 4 : i32
        %add3A_334 = arith.addi %add3A_201, %add3A_333 : i32
        %add3A_335 = arith.addi %select_n3A, %add3A_334 : i32
        %dma_start3A_336 = arith.constant 0 : i32
        %dma_start3A_337 = tpu.memref_slice %arg3[%add3A_335, %dma_start3A_336] : memref<3360x96xi32, #tpu.memory_space<hbm>> -> memref<1x96xi32, #tpu.memory_space<hbm>>
        %dma_start3A_338 = tpu.memref_squeeze %dma_start3A_337 : memref<1x96xi32, #tpu.memory_space<hbm>> -> memref<96xi32, #tpu.memory_space<hbm>>
        %dma_start3A_339 = arith.constant 0 : i32
        %dma_start3A_340 = tpu.memref_slice %arg3[%add3A_335, %dma_start3A_339] : memref<3360x96xi32, #tpu.memory_space<hbm>> -> memref<1x96xi32, #tpu.memory_space<hbm>>
        %dma_start3A_341 = tpu.memref_squeeze %dma_start3A_340 : memref<1x96xi32, #tpu.memory_space<hbm>> -> memref<96xi32, #tpu.memory_space<hbm>>
        tpu.enqueue_dma source(%dma_start3A_341 : memref<96xi32, #tpu.memory_space<hbm>>) target(%arg12 : memref<96xi32, #tpu.memory_space<vmem>>) target_semaphore(%arg33 : memref<!tpu.dma_semaphore, #tpu.memory_space<semaphore_mem>>)
        %add3A_342 = arith.addi %select_n3A, %add3A_334 : i32
        %dma_start3A_343 = arith.constant 0 : i32
        %dma_start3A_344 = tpu.memref_slice %arg4[%add3A_342, %dma_start3A_343] : memref<3360x96xi32, #tpu.memory_space<hbm>> -> memref<1x96xi32, #tpu.memory_space<hbm>>
        %dma_start3A_345 = tpu.memref_squeeze %dma_start3A_344 : memref<1x96xi32, #tpu.memory_space<hbm>> -> memref<96xi32, #tpu.memory_space<hbm>>
        %dma_start3A_346 = arith.constant 0 : i32
        %dma_start3A_347 = tpu.memref_slice %arg4[%add3A_342, %dma_start3A_346] : memref<3360x96xi32, #tpu.memory_space<hbm>> -> memref<1x96xi32, #tpu.memory_space<hbm>>
        %dma_start3A_348 = tpu.memref_squeeze %dma_start3A_347 : memref<1x96xi32, #tpu.memory_space<hbm>> -> memref<96xi32, #tpu.memory_space<hbm>>
        tpu.enqueue_dma source(%dma_start3A_348 : memref<96xi32, #tpu.memory_space<hbm>>) target(%arg18 : memref<96xi32, #tpu.memory_space<vmem>>) target_semaphore(%arg33 : memref<!tpu.dma_semaphore, #tpu.memory_space<semaphore_mem>>)
      } else {
      }
      %dma_wait3A_219 = arith.constant 0 : i32
      %dma_wait3A_220 = arith.constant 0 : i32
      %dma_wait3A_221 = tpu.memref_slice %arg2[%dma_wait3A_219, %dma_wait3A_220] : memref<10000x128xf32, #tpu.memory_space<hbm>> -> memref<10000x128xf32, #tpu.memory_space<hbm>>
      tpu.wait_indirect_dma semaphore(%arg23 : memref<!tpu.dma_semaphore, #tpu.memory_space<semaphore_mem>>) src(%dma_wait3A_221 : memref<10000x128xf32, #tpu.memory_space<hbm>>) dst(%arg20 : memref<96x128xf32, #tpu.memory_space<vmem>>)
      %dma_start3A_222 = arith.constant 0 : i32
      %dma_start3A_223 = arith.constant 0 : i32
      %dma_start3A_224 = tpu.memref_slice %arg6[%dma_start3A_222, %dma_start3A_223] : memref<10112x128xf32, #tpu.memory_space<vmem_shared>> -> memref<10112x128xf32, #tpu.memory_space<vmem_shared>>
      tpu.enqueue_indirect_dma source(%arg20 : memref<96x128xf32, #tpu.memory_space<vmem>>) target(%dma_start3A_224 : memref<10112x128xf32, #tpu.memory_space<vmem_shared>>) offsets(%arg14 : memref<96xi32, #tpu.memory_space<vmem>>) semaphore(%arg26 : memref<!tpu.dma_semaphore, #tpu.memory_space<semaphore_mem>>) {add = true}
      %mul3A_225 = arith.constant 6 : i32
      %mul3A_226 = arith.muli %while3A_174, %mul3A_225 : i32
      %add3A_227 = arith.constant 2 : i32
      %add3A_228 = arith.addi %mul3A_226, %add3A_227 : i32
      %ge3A_229 = arith.constant 1 : i32
      %ge3A_230 = arith.cmpi sge, %add3A_228, %ge3A_229 : i32
      %convert_element_type3A_231 = arith.extui %ge3A_230 : i1 to i32
      %cond3A_232 = arith.constant 0 : i32
      %cond3A_233 = arith.cmpi ne, %convert_element_type3A_231, %cond3A_232 : i32
      scf.if %cond3A_233 {
        %dma_wait3A_333 = arith.constant 0 : i32
        %dma_wait3A_334 = arith.constant 0 : i32
        %dma_wait3A_335 = tpu.memref_slice %arg6[%dma_wait3A_333, %dma_wait3A_334] : memref<10112x128xf32, #tpu.memory_space<vmem_shared>> -> memref<10112x128xf32, #tpu.memory_space<vmem_shared>>
        tpu.wait_indirect_dma semaphore(%arg26 : memref<!tpu.dma_semaphore, #tpu.memory_space<semaphore_mem>>) src(%arg20 : memref<96x128xf32, #tpu.memory_space<vmem>>) dst(%dma_wait3A_335 : memref<10112x128xf32, #tpu.memory_space<vmem_shared>>)
      } else {
      }
      %add3A_234 = arith.constant 2 : i32
      %add3A_235 = arith.addi %add3A_228, %add3A_234 : i32
      %lt3A_236 = arith.cmpi slt, %add3A_235, %select_n3A_8 : i32
      %convert_element_type3A_237 = arith.extui %lt3A_236 : i1 to i32
      %cond3A_238 = arith.constant 0 : i32
      %cond3A_239 = arith.cmpi ne, %convert_element_type3A_237, %cond3A_238 : i32
      scf.if %cond3A_239 {
        %dma_wait3A_333 = arith.constant 0 : i32
        %dma_wait3A_334 = tpu.memref_slice %arg3[%select_n3A, %dma_wait3A_333] : memref<3360x96xi32, #tpu.memory_space<hbm>> -> memref<1x96xi32, #tpu.memory_space<hbm>>
        %dma_wait3A_335 = tpu.memref_squeeze %dma_wait3A_334 : memref<1x96xi32, #tpu.memory_space<hbm>> -> memref<96xi32, #tpu.memory_space<hbm>>
        %dma_wait3A_336 = arith.constant 0 : i32
        %dma_wait3A_337 = tpu.memref_slice %arg3[%select_n3A, %dma_wait3A_336] : memref<3360x96xi32, #tpu.memory_space<hbm>> -> memref<1x96xi32, #tpu.memory_space<hbm>>
        %dma_wait3A_338 = tpu.memref_squeeze %dma_wait3A_337 : memref<1x96xi32, #tpu.memory_space<hbm>> -> memref<96xi32, #tpu.memory_space<hbm>>
        tpu.wait_dma2 semaphore(%arg32 : memref<!tpu.dma_semaphore, #tpu.memory_space<semaphore_mem>>) src(%dma_wait3A_338 : memref<96xi32, #tpu.memory_space<hbm>>) dst(%arg11 : memref<96xi32, #tpu.memory_space<vmem>>)
        %dma_wait3A_339 = arith.constant 0 : i32
        %dma_wait3A_340 = tpu.memref_slice %arg4[%select_n3A, %dma_wait3A_339] : memref<3360x96xi32, #tpu.memory_space<hbm>> -> memref<1x96xi32, #tpu.memory_space<hbm>>
        %dma_wait3A_341 = tpu.memref_squeeze %dma_wait3A_340 : memref<1x96xi32, #tpu.memory_space<hbm>> -> memref<96xi32, #tpu.memory_space<hbm>>
        %dma_wait3A_342 = arith.constant 0 : i32
        %dma_wait3A_343 = tpu.memref_slice %arg4[%select_n3A, %dma_wait3A_342] : memref<3360x96xi32, #tpu.memory_space<hbm>> -> memref<1x96xi32, #tpu.memory_space<hbm>>
        %dma_wait3A_344 = tpu.memref_squeeze %dma_wait3A_343 : memref<1x96xi32, #tpu.memory_space<hbm>> -> memref<96xi32, #tpu.memory_space<hbm>>
        tpu.wait_dma2 semaphore(%arg32 : memref<!tpu.dma_semaphore, #tpu.memory_space<semaphore_mem>>) src(%dma_wait3A_344 : memref<96xi32, #tpu.memory_space<hbm>>) dst(%arg17 : memref<96xi32, #tpu.memory_space<vmem>>)
        %dma_start3A_345 = arith.constant 0 : i32
        %dma_start3A_346 = arith.constant 0 : i32
        %dma_start3A_347 = tpu.memref_slice %arg2[%dma_start3A_345, %dma_start3A_346] : memref<10000x128xf32, #tpu.memory_space<hbm>> -> memref<10000x128xf32, #tpu.memory_space<hbm>>
        tpu.enqueue_indirect_dma source(%dma_start3A_347 : memref<10000x128xf32, #tpu.memory_space<hbm>>) target(%arg20 : memref<96x128xf32, #tpu.memory_space<vmem>>) offsets(%arg11 : memref<96xi32, #tpu.memory_space<vmem>>) semaphore(%arg23 : memref<!tpu.dma_semaphore, #tpu.memory_space<semaphore_mem>>)
      } else {
      }
      %add3A_240 = arith.constant 4 : i32
      %add3A_241 = arith.addi %add3A_228, %add3A_240 : i32
      %lt3A_242 = arith.cmpi slt, %add3A_241, %select_n3A_8 : i32
      %convert_element_type3A_243 = arith.extui %lt3A_242 : i1 to i32
      %cond3A_244 = arith.constant 0 : i32
      %cond3A_245 = arith.cmpi ne, %convert_element_type3A_243, %cond3A_244 : i32
      scf.if %cond3A_245 {
        %add3A_333 = arith.constant 4 : i32
        %add3A_334 = arith.addi %add3A_228, %add3A_333 : i32
        %add3A_335 = arith.addi %select_n3A, %add3A_334 : i32
        %dma_start3A_336 = arith.constant 0 : i32
        %dma_start3A_337 = tpu.memref_slice %arg3[%add3A_335, %dma_start3A_336] : memref<3360x96xi32, #tpu.memory_space<hbm>> -> memref<1x96xi32, #tpu.memory_space<hbm>>
        %dma_start3A_338 = tpu.memref_squeeze %dma_start3A_337 : memref<1x96xi32, #tpu.memory_space<hbm>> -> memref<96xi32, #tpu.memory_space<hbm>>
        %dma_start3A_339 = arith.constant 0 : i32
        %dma_start3A_340 = tpu.memref_slice %arg3[%add3A_335, %dma_start3A_339] : memref<3360x96xi32, #tpu.memory_space<hbm>> -> memref<1x96xi32, #tpu.memory_space<hbm>>
        %dma_start3A_341 = tpu.memref_squeeze %dma_start3A_340 : memref<1x96xi32, #tpu.memory_space<hbm>> -> memref<96xi32, #tpu.memory_space<hbm>>
        tpu.enqueue_dma source(%dma_start3A_341 : memref<96xi32, #tpu.memory_space<hbm>>) target(%arg7 : memref<96xi32, #tpu.memory_space<vmem>>) target_semaphore(%arg28 : memref<!tpu.dma_semaphore, #tpu.memory_space<semaphore_mem>>)
        %add3A_342 = arith.addi %select_n3A, %add3A_334 : i32
        %dma_start3A_343 = arith.constant 0 : i32
        %dma_start3A_344 = tpu.memref_slice %arg4[%add3A_342, %dma_start3A_343] : memref<3360x96xi32, #tpu.memory_space<hbm>> -> memref<1x96xi32, #tpu.memory_space<hbm>>
        %dma_start3A_345 = tpu.memref_squeeze %dma_start3A_344 : memref<1x96xi32, #tpu.memory_space<hbm>> -> memref<96xi32, #tpu.memory_space<hbm>>
        %dma_start3A_346 = arith.constant 0 : i32
        %dma_start3A_347 = tpu.memref_slice %arg4[%add3A_342, %dma_start3A_346] : memref<3360x96xi32, #tpu.memory_space<hbm>> -> memref<1x96xi32, #tpu.memory_space<hbm>>
        %dma_start3A_348 = tpu.memref_squeeze %dma_start3A_347 : memref<1x96xi32, #tpu.memory_space<hbm>> -> memref<96xi32, #tpu.memory_space<hbm>>
        tpu.enqueue_dma source(%dma_start3A_348 : memref<96xi32, #tpu.memory_space<hbm>>) target(%arg13 : memref<96xi32, #tpu.memory_space<vmem>>) target_semaphore(%arg28 : memref<!tpu.dma_semaphore, #tpu.memory_space<semaphore_mem>>)
      } else {
      }
      %dma_wait3A_246 = arith.constant 0 : i32
      %dma_wait3A_247 = arith.constant 0 : i32
      %dma_wait3A_248 = tpu.memref_slice %arg2[%dma_wait3A_246, %dma_wait3A_247] : memref<10000x128xf32, #tpu.memory_space<hbm>> -> memref<10000x128xf32, #tpu.memory_space<hbm>>
      tpu.wait_indirect_dma semaphore(%arg24 : memref<!tpu.dma_semaphore, #tpu.memory_space<semaphore_mem>>) src(%dma_wait3A_248 : memref<10000x128xf32, #tpu.memory_space<hbm>>) dst(%arg21 : memref<96x128xf32, #tpu.memory_space<vmem>>)
      %dma_start3A_249 = arith.constant 0 : i32
      %dma_start3A_250 = arith.constant 0 : i32
      %dma_start3A_251 = tpu.memref_slice %arg6[%dma_start3A_249, %dma_start3A_250] : memref<10112x128xf32, #tpu.memory_space<vmem_shared>> -> memref<10112x128xf32, #tpu.memory_space<vmem_shared>>
      tpu.enqueue_indirect_dma source(%arg21 : memref<96x128xf32, #tpu.memory_space<vmem>>) target(%dma_start3A_251 : memref<10112x128xf32, #tpu.memory_space<vmem_shared>>) offsets(%arg15 : memref<96xi32, #tpu.memory_space<vmem>>) semaphore(%arg27 : memref<!tpu.dma_semaphore, #tpu.memory_space<semaphore_mem>>) {add = true}
      %mul3A_252 = arith.constant 6 : i32
      %mul3A_253 = arith.muli %while3A_174, %mul3A_252 : i32
      %add3A_254 = arith.constant 3 : i32
      %add3A_255 = arith.addi %mul3A_253, %add3A_254 : i32
      %ge3A_256 = arith.constant 1 : i32
      %ge3A_257 = arith.cmpi sge, %add3A_255, %ge3A_256 : i32
      %convert_element_type3A_258 = arith.extui %ge3A_257 : i1 to i32
      %cond3A_259 = arith.constant 0 : i32
      %cond3A_260 = arith.cmpi ne, %convert_element_type3A_258, %cond3A_259 : i32
      scf.if %cond3A_260 {
        %dma_wait3A_333 = arith.constant 0 : i32
        %dma_wait3A_334 = arith.constant 0 : i32
        %dma_wait3A_335 = tpu.memref_slice %arg6[%dma_wait3A_333, %dma_wait3A_334] : memref<10112x128xf32, #tpu.memory_space<vmem_shared>> -> memref<10112x128xf32, #tpu.memory_space<vmem_shared>>
        tpu.wait_indirect_dma semaphore(%arg27 : memref<!tpu.dma_semaphore, #tpu.memory_space<semaphore_mem>>) src(%arg21 : memref<96x128xf32, #tpu.memory_space<vmem>>) dst(%dma_wait3A_335 : memref<10112x128xf32, #tpu.memory_space<vmem_shared>>)
      } else {
      }
      %add3A_261 = arith.constant 2 : i32
      %add3A_262 = arith.addi %add3A_255, %add3A_261 : i32
      %lt3A_263 = arith.cmpi slt, %add3A_262, %select_n3A_8 : i32
      %convert_element_type3A_264 = arith.extui %lt3A_263 : i1 to i32
      %cond3A_265 = arith.constant 0 : i32
      %cond3A_266 = arith.cmpi ne, %convert_element_type3A_264, %cond3A_265 : i32
      scf.if %cond3A_266 {
        %dma_wait3A_333 = arith.constant 0 : i32
        %dma_wait3A_334 = tpu.memref_slice %arg3[%select_n3A, %dma_wait3A_333] : memref<3360x96xi32, #tpu.memory_space<hbm>> -> memref<1x96xi32, #tpu.memory_space<hbm>>
        %dma_wait3A_335 = tpu.memref_squeeze %dma_wait3A_334 : memref<1x96xi32, #tpu.memory_space<hbm>> -> memref<96xi32, #tpu.memory_space<hbm>>
        %dma_wait3A_336 = arith.constant 0 : i32
        %dma_wait3A_337 = tpu.memref_slice %arg3[%select_n3A, %dma_wait3A_336] : memref<3360x96xi32, #tpu.memory_space<hbm>> -> memref<1x96xi32, #tpu.memory_space<hbm>>
        %dma_wait3A_338 = tpu.memref_squeeze %dma_wait3A_337 : memref<1x96xi32, #tpu.memory_space<hbm>> -> memref<96xi32, #tpu.memory_space<hbm>>
        tpu.wait_dma2 semaphore(%arg33 : memref<!tpu.dma_semaphore, #tpu.memory_space<semaphore_mem>>) src(%dma_wait3A_338 : memref<96xi32, #tpu.memory_space<hbm>>) dst(%arg12 : memref<96xi32, #tpu.memory_space<vmem>>)
        %dma_wait3A_339 = arith.constant 0 : i32
        %dma_wait3A_340 = tpu.memref_slice %arg4[%select_n3A, %dma_wait3A_339] : memref<3360x96xi32, #tpu.memory_space<hbm>> -> memref<1x96xi32, #tpu.memory_space<hbm>>
        %dma_wait3A_341 = tpu.memref_squeeze %dma_wait3A_340 : memref<1x96xi32, #tpu.memory_space<hbm>> -> memref<96xi32, #tpu.memory_space<hbm>>
        %dma_wait3A_342 = arith.constant 0 : i32
        %dma_wait3A_343 = tpu.memref_slice %arg4[%select_n3A, %dma_wait3A_342] : memref<3360x96xi32, #tpu.memory_space<hbm>> -> memref<1x96xi32, #tpu.memory_space<hbm>>
        %dma_wait3A_344 = tpu.memref_squeeze %dma_wait3A_343 : memref<1x96xi32, #tpu.memory_space<hbm>> -> memref<96xi32, #tpu.memory_space<hbm>>
        tpu.wait_dma2 semaphore(%arg33 : memref<!tpu.dma_semaphore, #tpu.memory_space<semaphore_mem>>) src(%dma_wait3A_344 : memref<96xi32, #tpu.memory_space<hbm>>) dst(%arg18 : memref<96xi32, #tpu.memory_space<vmem>>)
        %dma_start3A_345 = arith.constant 0 : i32
        %dma_start3A_346 = arith.constant 0 : i32
        %dma_start3A_347 = tpu.memref_slice %arg2[%dma_start3A_345, %dma_start3A_346] : memref<10000x128xf32, #tpu.memory_space<hbm>> -> memref<10000x128xf32, #tpu.memory_space<hbm>>
        tpu.enqueue_indirect_dma source(%dma_start3A_347 : memref<10000x128xf32, #tpu.memory_space<hbm>>) target(%arg21 : memref<96x128xf32, #tpu.memory_space<vmem>>) offsets(%arg12 : memref<96xi32, #tpu.memory_space<vmem>>) semaphore(%arg24 : memref<!tpu.dma_semaphore, #tpu.memory_space<semaphore_mem>>)
      } else {
      }
      %add3A_267 = arith.constant 4 : i32
      %add3A_268 = arith.addi %add3A_255, %add3A_267 : i32
      %lt3A_269 = arith.cmpi slt, %add3A_268, %select_n3A_8 : i32
      %convert_element_type3A_270 = arith.extui %lt3A_269 : i1 to i32
      %cond3A_271 = arith.constant 0 : i32
      %cond3A_272 = arith.cmpi ne, %convert_element_type3A_270, %cond3A_271 : i32
      scf.if %cond3A_272 {
        %add3A_333 = arith.constant 4 : i32
        %add3A_334 = arith.addi %add3A_255, %add3A_333 : i32
        %add3A_335 = arith.addi %select_n3A, %add3A_334 : i32
        %dma_start3A_336 = arith.constant 0 : i32
        %dma_start3A_337 = tpu.memref_slice %arg3[%add3A_335, %dma_start3A_336] : memref<3360x96xi32, #tpu.memory_space<hbm>> -> memref<1x96xi32, #tpu.memory_space<hbm>>
        %dma_start3A_338 = tpu.memref_squeeze %dma_start3A_337 : memref<1x96xi32, #tpu.memory_space<hbm>> -> memref<96xi32, #tpu.memory_space<hbm>>
        %dma_start3A_339 = arith.constant 0 : i32
        %dma_start3A_340 = tpu.memref_slice %arg3[%add3A_335, %dma_start3A_339] : memref<3360x96xi32, #tpu.memory_space<hbm>> -> memref<1x96xi32, #tpu.memory_space<hbm>>
        %dma_start3A_341 = tpu.memref_squeeze %dma_start3A_340 : memref<1x96xi32, #tpu.memory_space<hbm>> -> memref<96xi32, #tpu.memory_space<hbm>>
        tpu.enqueue_dma source(%dma_start3A_341 : memref<96xi32, #tpu.memory_space<hbm>>) target(%arg8 : memref<96xi32, #tpu.memory_space<vmem>>) target_semaphore(%arg29 : memref<!tpu.dma_semaphore, #tpu.memory_space<semaphore_mem>>)
        %add3A_342 = arith.addi %select_n3A, %add3A_334 : i32
        %dma_start3A_343 = arith.constant 0 : i32
        %dma_start3A_344 = tpu.memref_slice %arg4[%add3A_342, %dma_start3A_343] : memref<3360x96xi32, #tpu.memory_space<hbm>> -> memref<1x96xi32, #tpu.memory_space<hbm>>
        %dma_start3A_345 = tpu.memref_squeeze %dma_start3A_344 : memref<1x96xi32, #tpu.memory_space<hbm>> -> memref<96xi32, #tpu.memory_space<hbm>>
        %dma_start3A_346 = arith.constant 0 : i32
        %dma_start3A_347 = tpu.memref_slice %arg4[%add3A_342, %dma_start3A_346] : memref<3360x96xi32, #tpu.memory_space<hbm>> -> memref<1x96xi32, #tpu.memory_space<hbm>>
        %dma_start3A_348 = tpu.memref_squeeze %dma_start3A_347 : memref<1x96xi32, #tpu.memory_space<hbm>> -> memref<96xi32, #tpu.memory_space<hbm>>
        tpu.enqueue_dma source(%dma_start3A_348 : memref<96xi32, #tpu.memory_space<hbm>>) target(%arg14 : memref<96xi32, #tpu.memory_space<vmem>>) target_semaphore(%arg29 : memref<!tpu.dma_semaphore, #tpu.memory_space<semaphore_mem>>)
      } else {
      }
      %dma_wait3A_273 = arith.constant 0 : i32
      %dma_wait3A_274 = arith.constant 0 : i32
      %dma_wait3A_275 = tpu.memref_slice %arg2[%dma_wait3A_273, %dma_wait3A_274] : memref<10000x128xf32, #tpu.memory_space<hbm>> -> memref<10000x128xf32, #tpu.memory_space<hbm>>
      tpu.wait_indirect_dma semaphore(%arg22 : memref<!tpu.dma_semaphore, #tpu.memory_space<semaphore_mem>>) src(%dma_wait3A_275 : memref<10000x128xf32, #tpu.memory_space<hbm>>) dst(%arg19 : memref<96x128xf32, #tpu.memory_space<vmem>>)
      %dma_start3A_276 = arith.constant 0 : i32
      %dma_start3A_277 = arith.constant 0 : i32
      %dma_start3A_278 = tpu.memref_slice %arg6[%dma_start3A_276, %dma_start3A_277] : memref<10112x128xf32, #tpu.memory_space<vmem_shared>> -> memref<10112x128xf32, #tpu.memory_space<vmem_shared>>
      tpu.enqueue_indirect_dma source(%arg19 : memref<96x128xf32, #tpu.memory_space<vmem>>) target(%dma_start3A_278 : memref<10112x128xf32, #tpu.memory_space<vmem_shared>>) offsets(%arg16 : memref<96xi32, #tpu.memory_space<vmem>>) semaphore(%arg25 : memref<!tpu.dma_semaphore, #tpu.memory_space<semaphore_mem>>) {add = true}
      %mul3A_279 = arith.constant 6 : i32
      %mul3A_280 = arith.muli %while3A_174, %mul3A_279 : i32
      %add3A_281 = arith.constant 4 : i32
      %add3A_282 = arith.addi %mul3A_280, %add3A_281 : i32
      %ge3A_283 = arith.constant 1 : i32
      %ge3A_284 = arith.cmpi sge, %add3A_282, %ge3A_283 : i32
      %convert_element_type3A_285 = arith.extui %ge3A_284 : i1 to i32
      %cond3A_286 = arith.constant 0 : i32
      %cond3A_287 = arith.cmpi ne, %convert_element_type3A_285, %cond3A_286 : i32
      scf.if %cond3A_287 {
        %dma_wait3A_333 = arith.constant 0 : i32
        %dma_wait3A_334 = arith.constant 0 : i32
        %dma_wait3A_335 = tpu.memref_slice %arg6[%dma_wait3A_333, %dma_wait3A_334] : memref<10112x128xf32, #tpu.memory_space<vmem_shared>> -> memref<10112x128xf32, #tpu.memory_space<vmem_shared>>
        tpu.wait_indirect_dma semaphore(%arg25 : memref<!tpu.dma_semaphore, #tpu.memory_space<semaphore_mem>>) src(%arg19 : memref<96x128xf32, #tpu.memory_space<vmem>>) dst(%dma_wait3A_335 : memref<10112x128xf32, #tpu.memory_space<vmem_shared>>)
      } else {
      }
      %add3A_288 = arith.constant 2 : i32
      %add3A_289 = arith.addi %add3A_282, %add3A_288 : i32
      %lt3A_290 = arith.cmpi slt, %add3A_289, %select_n3A_8 : i32
      %convert_element_type3A_291 = arith.extui %lt3A_290 : i1 to i32
      %cond3A_292 = arith.constant 0 : i32
      %cond3A_293 = arith.cmpi ne, %convert_element_type3A_291, %cond3A_292 : i32
      scf.if %cond3A_293 {
        %dma_wait3A_333 = arith.constant 0 : i32
        %dma_wait3A_334 = tpu.memref_slice %arg3[%select_n3A, %dma_wait3A_333] : memref<3360x96xi32, #tpu.memory_space<hbm>> -> memref<1x96xi32, #tpu.memory_space<hbm>>
        %dma_wait3A_335 = tpu.memref_squeeze %dma_wait3A_334 : memref<1x96xi32, #tpu.memory_space<hbm>> -> memref<96xi32, #tpu.memory_space<hbm>>
        %dma_wait3A_336 = arith.constant 0 : i32
        %dma_wait3A_337 = tpu.memref_slice %arg3[%select_n3A, %dma_wait3A_336] : memref<3360x96xi32, #tpu.memory_space<hbm>> -> memref<1x96xi32, #tpu.memory_space<hbm>>
        %dma_wait3A_338 = tpu.memref_squeeze %dma_wait3A_337 : memref<1x96xi32, #tpu.memory_space<hbm>> -> memref<96xi32, #tpu.memory_space<hbm>>
        tpu.wait_dma2 semaphore(%arg28 : memref<!tpu.dma_semaphore, #tpu.memory_space<semaphore_mem>>) src(%dma_wait3A_338 : memref<96xi32, #tpu.memory_space<hbm>>) dst(%arg7 : memref<96xi32, #tpu.memory_space<vmem>>)
        %dma_wait3A_339 = arith.constant 0 : i32
        %dma_wait3A_340 = tpu.memref_slice %arg4[%select_n3A, %dma_wait3A_339] : memref<3360x96xi32, #tpu.memory_space<hbm>> -> memref<1x96xi32, #tpu.memory_space<hbm>>
        %dma_wait3A_341 = tpu.memref_squeeze %dma_wait3A_340 : memref<1x96xi32, #tpu.memory_space<hbm>> -> memref<96xi32, #tpu.memory_space<hbm>>
        %dma_wait3A_342 = arith.constant 0 : i32
        %dma_wait3A_343 = tpu.memref_slice %arg4[%select_n3A, %dma_wait3A_342] : memref<3360x96xi32, #tpu.memory_space<hbm>> -> memref<1x96xi32, #tpu.memory_space<hbm>>
        %dma_wait3A_344 = tpu.memref_squeeze %dma_wait3A_343 : memref<1x96xi32, #tpu.memory_space<hbm>> -> memref<96xi32, #tpu.memory_space<hbm>>
        tpu.wait_dma2 semaphore(%arg28 : memref<!tpu.dma_semaphore, #tpu.memory_space<semaphore_mem>>) src(%dma_wait3A_344 : memref<96xi32, #tpu.memory_space<hbm>>) dst(%arg13 : memref<96xi32, #tpu.memory_space<vmem>>)
        %dma_start3A_345 = arith.constant 0 : i32
        %dma_start3A_346 = arith.constant 0 : i32
        %dma_start3A_347 = tpu.memref_slice %arg2[%dma_start3A_345, %dma_start3A_346] : memref<10000x128xf32, #tpu.memory_space<hbm>> -> memref<10000x128xf32, #tpu.memory_space<hbm>>
        tpu.enqueue_indirect_dma source(%dma_start3A_347 : memref<10000x128xf32, #tpu.memory_space<hbm>>) target(%arg19 : memref<96x128xf32, #tpu.memory_space<vmem>>) offsets(%arg7 : memref<96xi32, #tpu.memory_space<vmem>>) semaphore(%arg22 : memref<!tpu.dma_semaphore, #tpu.memory_space<semaphore_mem>>)
      } else {
      }
      %add3A_294 = arith.constant 4 : i32
      %add3A_295 = arith.addi %add3A_282, %add3A_294 : i32
      %lt3A_296 = arith.cmpi slt, %add3A_295, %select_n3A_8 : i32
      %convert_element_type3A_297 = arith.extui %lt3A_296 : i1 to i32
      %cond3A_298 = arith.constant 0 : i32
      %cond3A_299 = arith.cmpi ne, %convert_element_type3A_297, %cond3A_298 : i32
      scf.if %cond3A_299 {
        %add3A_333 = arith.constant 4 : i32
        %add3A_334 = arith.addi %add3A_282, %add3A_333 : i32
        %add3A_335 = arith.addi %select_n3A, %add3A_334 : i32
        %dma_start3A_336 = arith.constant 0 : i32
        %dma_start3A_337 = tpu.memref_slice %arg3[%add3A_335, %dma_start3A_336] : memref<3360x96xi32, #tpu.memory_space<hbm>> -> memref<1x96xi32, #tpu.memory_space<hbm>>
        %dma_start3A_338 = tpu.memref_squeeze %dma_start3A_337 : memref<1x96xi32, #tpu.memory_space<hbm>> -> memref<96xi32, #tpu.memory_space<hbm>>
        %dma_start3A_339 = arith.constant 0 : i32
        %dma_start3A_340 = tpu.memref_slice %arg3[%add3A_335, %dma_start3A_339] : memref<3360x96xi32, #tpu.memory_space<hbm>> -> memref<1x96xi32, #tpu.memory_space<hbm>>
        %dma_start3A_341 = tpu.memref_squeeze %dma_start3A_340 : memref<1x96xi32, #tpu.memory_space<hbm>> -> memref<96xi32, #tpu.memory_space<hbm>>
        tpu.enqueue_dma source(%dma_start3A_341 : memref<96xi32, #tpu.memory_space<hbm>>) target(%arg9 : memref<96xi32, #tpu.memory_space<vmem>>) target_semaphore(%arg30 : memref<!tpu.dma_semaphore, #tpu.memory_space<semaphore_mem>>)
        %add3A_342 = arith.addi %select_n3A, %add3A_334 : i32
        %dma_start3A_343 = arith.constant 0 : i32
        %dma_start3A_344 = tpu.memref_slice %arg4[%add3A_342, %dma_start3A_343] : memref<3360x96xi32, #tpu.memory_space<hbm>> -> memref<1x96xi32, #tpu.memory_space<hbm>>
        %dma_start3A_345 = tpu.memref_squeeze %dma_start3A_344 : memref<1x96xi32, #tpu.memory_space<hbm>> -> memref<96xi32, #tpu.memory_space<hbm>>
        %dma_start3A_346 = arith.constant 0 : i32
        %dma_start3A_347 = tpu.memref_slice %arg4[%add3A_342, %dma_start3A_346] : memref<3360x96xi32, #tpu.memory_space<hbm>> -> memref<1x96xi32, #tpu.memory_space<hbm>>
        %dma_start3A_348 = tpu.memref_squeeze %dma_start3A_347 : memref<1x96xi32, #tpu.memory_space<hbm>> -> memref<96xi32, #tpu.memory_space<hbm>>
        tpu.enqueue_dma source(%dma_start3A_348 : memref<96xi32, #tpu.memory_space<hbm>>) target(%arg15 : memref<96xi32, #tpu.memory_space<vmem>>) target_semaphore(%arg30 : memref<!tpu.dma_semaphore, #tpu.memory_space<semaphore_mem>>)
      } else {
      }
      %dma_wait3A_300 = arith.constant 0 : i32
      %dma_wait3A_301 = arith.constant 0 : i32
      %dma_wait3A_302 = tpu.memref_slice %arg2[%dma_wait3A_300, %dma_wait3A_301] : memref<10000x128xf32, #tpu.memory_space<hbm>> -> memref<10000x128xf32, #tpu.memory_space<hbm>>
      tpu.wait_indirect_dma semaphore(%arg23 : memref<!tpu.dma_semaphore, #tpu.memory_space<semaphore_mem>>) src(%dma_wait3A_302 : memref<10000x128xf32, #tpu.memory_space<hbm>>) dst(%arg20 : memref<96x128xf32, #tpu.memory_space<vmem>>)
      %dma_start3A_303 = arith.constant 0 : i32
      %dma_start3A_304 = arith.constant 0 : i32
      %dma_start3A_305 = tpu.memref_slice %arg6[%dma_start3A_303, %dma_start3A_304] : memref<10112x128xf32, #tpu.memory_space<vmem_shared>> -> memref<10112x128xf32, #tpu.memory_space<vmem_shared>>
      tpu.enqueue_indirect_dma source(%arg20 : memref<96x128xf32, #tpu.memory_space<vmem>>) target(%dma_start3A_305 : memref<10112x128xf32, #tpu.memory_space<vmem_shared>>) offsets(%arg17 : memref<96xi32, #tpu.memory_space<vmem>>) semaphore(%arg26 : memref<!tpu.dma_semaphore, #tpu.memory_space<semaphore_mem>>) {add = true}
      %mul3A_306 = arith.constant 6 : i32
      %mul3A_307 = arith.muli %while3A_174, %mul3A_306 : i32
      %add3A_308 = arith.constant 5 : i32
      %add3A_309 = arith.addi %mul3A_307, %add3A_308 : i32
      %ge3A_310 = arith.constant 1 : i32
      %ge3A_311 = arith.cmpi sge, %add3A_309, %ge3A_310 : i32
      %convert_element_type3A_312 = arith.extui %ge3A_311 : i1 to i32
      %cond3A_313 = arith.constant 0 : i32
      %cond3A_314 = arith.cmpi ne, %convert_element_type3A_312, %cond3A_313 : i32
      scf.if %cond3A_314 {
        %dma_wait3A_333 = arith.constant 0 : i32
        %dma_wait3A_334 = arith.constant 0 : i32
        %dma_wait3A_335 = tpu.memref_slice %arg6[%dma_wait3A_333, %dma_wait3A_334] : memref<10112x128xf32, #tpu.memory_space<vmem_shared>> -> memref<10112x128xf32, #tpu.memory_space<vmem_shared>>
        tpu.wait_indirect_dma semaphore(%arg26 : memref<!tpu.dma_semaphore, #tpu.memory_space<semaphore_mem>>) src(%arg20 : memref<96x128xf32, #tpu.memory_space<vmem>>) dst(%dma_wait3A_335 : memref<10112x128xf32, #tpu.memory_space<vmem_shared>>)
      } else {
      }
      %add3A_315 = arith.constant 2 : i32
      %add3A_316 = arith.addi %add3A_309, %add3A_315 : i32
      %lt3A_317 = arith.cmpi slt, %add3A_316, %select_n3A_8 : i32
      %convert_element_type3A_318 = arith.extui %lt3A_317 : i1 to i32
      %cond3A_319 = arith.constant 0 : i32
      %cond3A_320 = arith.cmpi ne, %convert_element_type3A_318, %cond3A_319 : i32
      scf.if %cond3A_320 {
        %dma_wait3A_333 = arith.constant 0 : i32
        %dma_wait3A_334 = tpu.memref_slice %arg3[%select_n3A, %dma_wait3A_333] : memref<3360x96xi32, #tpu.memory_space<hbm>> -> memref<1x96xi32, #tpu.memory_space<hbm>>
        %dma_wait3A_335 = tpu.memref_squeeze %dma_wait3A_334 : memref<1x96xi32, #tpu.memory_space<hbm>> -> memref<96xi32, #tpu.memory_space<hbm>>
        %dma_wait3A_336 = arith.constant 0 : i32
        %dma_wait3A_337 = tpu.memref_slice %arg3[%select_n3A, %dma_wait3A_336] : memref<3360x96xi32, #tpu.memory_space<hbm>> -> memref<1x96xi32, #tpu.memory_space<hbm>>
        %dma_wait3A_338 = tpu.memref_squeeze %dma_wait3A_337 : memref<1x96xi32, #tpu.memory_space<hbm>> -> memref<96xi32, #tpu.memory_space<hbm>>
        tpu.wait_dma2 semaphore(%arg29 : memref<!tpu.dma_semaphore, #tpu.memory_space<semaphore_mem>>) src(%dma_wait3A_338 : memref<96xi32, #tpu.memory_space<hbm>>) dst(%arg8 : memref<96xi32, #tpu.memory_space<vmem>>)
        %dma_wait3A_339 = arith.constant 0 : i32
        %dma_wait3A_340 = tpu.memref_slice %arg4[%select_n3A, %dma_wait3A_339] : memref<3360x96xi32, #tpu.memory_space<hbm>> -> memref<1x96xi32, #tpu.memory_space<hbm>>
        %dma_wait3A_341 = tpu.memref_squeeze %dma_wait3A_340 : memref<1x96xi32, #tpu.memory_space<hbm>> -> memref<96xi32, #tpu.memory_space<hbm>>
        %dma_wait3A_342 = arith.constant 0 : i32
        %dma_wait3A_343 = tpu.memref_slice %arg4[%select_n3A, %dma_wait3A_342] : memref<3360x96xi32, #tpu.memory_space<hbm>> -> memref<1x96xi32, #tpu.memory_space<hbm>>
        %dma_wait3A_344 = tpu.memref_squeeze %dma_wait3A_343 : memref<1x96xi32, #tpu.memory_space<hbm>> -> memref<96xi32, #tpu.memory_space<hbm>>
        tpu.wait_dma2 semaphore(%arg29 : memref<!tpu.dma_semaphore, #tpu.memory_space<semaphore_mem>>) src(%dma_wait3A_344 : memref<96xi32, #tpu.memory_space<hbm>>) dst(%arg14 : memref<96xi32, #tpu.memory_space<vmem>>)
        %dma_start3A_345 = arith.constant 0 : i32
        %dma_start3A_346 = arith.constant 0 : i32
        %dma_start3A_347 = tpu.memref_slice %arg2[%dma_start3A_345, %dma_start3A_346] : memref<10000x128xf32, #tpu.memory_space<hbm>> -> memref<10000x128xf32, #tpu.memory_space<hbm>>
        tpu.enqueue_indirect_dma source(%dma_start3A_347 : memref<10000x128xf32, #tpu.memory_space<hbm>>) target(%arg20 : memref<96x128xf32, #tpu.memory_space<vmem>>) offsets(%arg8 : memref<96xi32, #tpu.memory_space<vmem>>) semaphore(%arg23 : memref<!tpu.dma_semaphore, #tpu.memory_space<semaphore_mem>>)
      } else {
      }
      %add3A_321 = arith.constant 4 : i32
      %add3A_322 = arith.addi %add3A_309, %add3A_321 : i32
      %lt3A_323 = arith.cmpi slt, %add3A_322, %select_n3A_8 : i32
      %convert_element_type3A_324 = arith.extui %lt3A_323 : i1 to i32
      %cond3A_325 = arith.constant 0 : i32
      %cond3A_326 = arith.cmpi ne, %convert_element_type3A_324, %cond3A_325 : i32
      scf.if %cond3A_326 {
        %add3A_333 = arith.constant 4 : i32
        %add3A_334 = arith.addi %add3A_309, %add3A_333 : i32
        %add3A_335 = arith.addi %select_n3A, %add3A_334 : i32
        %dma_start3A_336 = arith.constant 0 : i32
        %dma_start3A_337 = tpu.memref_slice %arg3[%add3A_335, %dma_start3A_336] : memref<3360x96xi32, #tpu.memory_space<hbm>> -> memref<1x96xi32, #tpu.memory_space<hbm>>
        %dma_start3A_338 = tpu.memref_squeeze %dma_start3A_337 : memref<1x96xi32, #tpu.memory_space<hbm>> -> memref<96xi32, #tpu.memory_space<hbm>>
        %dma_start3A_339 = arith.constant 0 : i32
        %dma_start3A_340 = tpu.memref_slice %arg3[%add3A_335, %dma_start3A_339] : memref<3360x96xi32, #tpu.memory_space<hbm>> -> memref<1x96xi32, #tpu.memory_space<hbm>>
        %dma_start3A_341 = tpu.memref_squeeze %dma_start3A_340 : memref<1x96xi32, #tpu.memory_space<hbm>> -> memref<96xi32, #tpu.memory_space<hbm>>
        tpu.enqueue_dma source(%dma_start3A_341 : memref<96xi32, #tpu.memory_space<hbm>>) target(%arg10 : memref<96xi32, #tpu.memory_space<vmem>>) target_semaphore(%arg31 : memref<!tpu.dma_semaphore, #tpu.memory_space<semaphore_mem>>)
        %add3A_342 = arith.addi %select_n3A, %add3A_334 : i32
        %dma_start3A_343 = arith.constant 0 : i32
        %dma_start3A_344 = tpu.memref_slice %arg4[%add3A_342, %dma_start3A_343] : memref<3360x96xi32, #tpu.memory_space<hbm>> -> memref<1x96xi32, #tpu.memory_space<hbm>>
        %dma_start3A_345 = tpu.memref_squeeze %dma_start3A_344 : memref<1x96xi32, #tpu.memory_space<hbm>> -> memref<96xi32, #tpu.memory_space<hbm>>
        %dma_start3A_346 = arith.constant 0 : i32
        %dma_start3A_347 = tpu.memref_slice %arg4[%add3A_342, %dma_start3A_346] : memref<3360x96xi32, #tpu.memory_space<hbm>> -> memref<1x96xi32, #tpu.memory_space<hbm>>
        %dma_start3A_348 = tpu.memref_squeeze %dma_start3A_347 : memref<1x96xi32, #tpu.memory_space<hbm>> -> memref<96xi32, #tpu.memory_space<hbm>>
        tpu.enqueue_dma source(%dma_start3A_348 : memref<96xi32, #tpu.memory_space<hbm>>) target(%arg16 : memref<96xi32, #tpu.memory_space<vmem>>) target_semaphore(%arg31 : memref<!tpu.dma_semaphore, #tpu.memory_space<semaphore_mem>>)
      } else {
      }
      %dma_wait3A_327 = arith.constant 0 : i32
      %dma_wait3A_328 = arith.constant 0 : i32
      %dma_wait3A_329 = tpu.memref_slice %arg2[%dma_wait3A_327, %dma_wait3A_328] : memref<10000x128xf32, #tpu.memory_space<hbm>> -> memref<10000x128xf32, #tpu.memory_space<hbm>>
      tpu.wait_indirect_dma semaphore(%arg24 : memref<!tpu.dma_semaphore, #tpu.memory_space<semaphore_mem>>) src(%dma_wait3A_329 : memref<10000x128xf32, #tpu.memory_space<hbm>>) dst(%arg21 : memref<96x128xf32, #tpu.memory_space<vmem>>)
      %dma_start3A_330 = arith.constant 0 : i32
      %dma_start3A_331 = arith.constant 0 : i32
      %dma_start3A_332 = tpu.memref_slice %arg6[%dma_start3A_330, %dma_start3A_331] : memref<10112x128xf32, #tpu.memory_space<vmem_shared>> -> memref<10112x128xf32, #tpu.memory_space<vmem_shared>>
      tpu.enqueue_indirect_dma source(%arg21 : memref<96x128xf32, #tpu.memory_space<vmem>>) target(%dma_start3A_332 : memref<10112x128xf32, #tpu.memory_space<vmem_shared>>) offsets(%arg18 : memref<96xi32, #tpu.memory_space<vmem>>) semaphore(%arg27 : memref<!tpu.dma_semaphore, #tpu.memory_space<semaphore_mem>>) {add = true}
    }
    %while3A_165 = arith.constant 1 : i32
    scf.for %while3A_174 = %while3A_163 to %while3A_159 step %while3A_165  : i32 {
      %mul3A_175 = arith.constant 6 : i32
      %mul3A_176 = arith.muli %while3A_174, %mul3A_175 : i32
      %add3A_177 = arith.constant 0 : i32
      %add3A_178 = arith.addi %mul3A_176, %add3A_177 : i32
      %ge3A = arith.constant 1 : i32
      %ge3A_179 = arith.cmpi sge, %add3A_178, %ge3A : i32
      %convert_element_type3A = arith.extui %ge3A_179 : i1 to i32
      %cond3A = arith.constant 0 : i32
      %cond3A_180 = arith.cmpi ne, %convert_element_type3A, %cond3A : i32
      scf.if %cond3A_180 {
        %dma_wait3A_333 = arith.constant 0 : i32
        %dma_wait3A_334 = arith.constant 0 : i32
        %dma_wait3A_335 = tpu.memref_slice %arg6[%dma_wait3A_333, %dma_wait3A_334] : memref<10112x128xf32, #tpu.memory_space<vmem_shared>> -> memref<10112x128xf32, #tpu.memory_space<vmem_shared>>
        tpu.wait_indirect_dma semaphore(%arg27 : memref<!tpu.dma_semaphore, #tpu.memory_space<semaphore_mem>>) src(%arg21 : memref<96x128xf32, #tpu.memory_space<vmem>>) dst(%dma_wait3A_335 : memref<10112x128xf32, #tpu.memory_space<vmem_shared>>)
      } else {
      }
      %add3A_181 = arith.constant 2 : i32
      %add3A_182 = arith.addi %add3A_178, %add3A_181 : i32
      %lt3A = arith.cmpi slt, %add3A_182, %select_n3A_8 : i32
      %convert_element_type3A_183 = arith.extui %lt3A : i1 to i32
      %cond3A_184 = arith.constant 0 : i32
      %cond3A_185 = arith.cmpi ne, %convert_element_type3A_183, %cond3A_184 : i32
      scf.if %cond3A_185 {
        %dma_wait3A_333 = arith.constant 0 : i32
        %dma_wait3A_334 = tpu.memref_slice %arg3[%select_n3A, %dma_wait3A_333] : memref<3360x96xi32, #tpu.memory_space<hbm>> -> memref<1x96xi32, #tpu.memory_space<hbm>>
        %dma_wait3A_335 = tpu.memref_squeeze %dma_wait3A_334 : memref<1x96xi32, #tpu.memory_space<hbm>> -> memref<96xi32, #tpu.memory_space<hbm>>
        %dma_wait3A_336 = arith.constant 0 : i32
        %dma_wait3A_337 = tpu.memref_slice %arg3[%select_n3A, %dma_wait3A_336] : memref<3360x96xi32, #tpu.memory_space<hbm>> -> memref<1x96xi32, #tpu.memory_space<hbm>>
        %dma_wait3A_338 = tpu.memref_squeeze %dma_wait3A_337 : memref<1x96xi32, #tpu.memory_space<hbm>> -> memref<96xi32, #tpu.memory_space<hbm>>
        tpu.wait_dma2 semaphore(%arg30 : memref<!tpu.dma_semaphore, #tpu.memory_space<semaphore_mem>>) src(%dma_wait3A_338 : memref<96xi32, #tpu.memory_space<hbm>>) dst(%arg9 : memref<96xi32, #tpu.memory_space<vmem>>)
        %dma_wait3A_339 = arith.constant 0 : i32
        %dma_wait3A_340 = tpu.memref_slice %arg4[%select_n3A, %dma_wait3A_339] : memref<3360x96xi32, #tpu.memory_space<hbm>> -> memref<1x96xi32, #tpu.memory_space<hbm>>
        %dma_wait3A_341 = tpu.memref_squeeze %dma_wait3A_340 : memref<1x96xi32, #tpu.memory_space<hbm>> -> memref<96xi32, #tpu.memory_space<hbm>>
        %dma_wait3A_342 = arith.constant 0 : i32
        %dma_wait3A_343 = tpu.memref_slice %arg4[%select_n3A, %dma_wait3A_342] : memref<3360x96xi32, #tpu.memory_space<hbm>> -> memref<1x96xi32, #tpu.memory_space<hbm>>
        %dma_wait3A_344 = tpu.memref_squeeze %dma_wait3A_343 : memref<1x96xi32, #tpu.memory_space<hbm>> -> memref<96xi32, #tpu.memory_space<hbm>>
        tpu.wait_dma2 semaphore(%arg30 : memref<!tpu.dma_semaphore, #tpu.memory_space<semaphore_mem>>) src(%dma_wait3A_344 : memref<96xi32, #tpu.memory_space<hbm>>) dst(%arg15 : memref<96xi32, #tpu.memory_space<vmem>>)
        %dma_start3A_345 = arith.constant 0 : i32
        %dma_start3A_346 = arith.constant 0 : i32
        %dma_start3A_347 = tpu.memref_slice %arg2[%dma_start3A_345, %dma_start3A_346] : memref<10000x128xf32, #tpu.memory_space<hbm>> -> memref<10000x128xf32, #tpu.memory_space<hbm>>
        tpu.enqueue_indirect_dma source(%dma_start3A_347 : memref<10000x128xf32, #tpu.memory_space<hbm>>) target(%arg21 : memref<96x128xf32, #tpu.memory_space<vmem>>) offsets(%arg9 : memref<96xi32, #tpu.memory_space<vmem>>) semaphore(%arg24 : memref<!tpu.dma_semaphore, #tpu.memory_space<semaphore_mem>>)
      } else {
      }
      %add3A_186 = arith.constant 4 : i32
      %add3A_187 = arith.addi %add3A_178, %add3A_186 : i32
      %lt3A_188 = arith.cmpi slt, %add3A_187, %select_n3A_8 : i32
      %convert_element_type3A_189 = arith.extui %lt3A_188 : i1 to i32
      %cond3A_190 = arith.constant 0 : i32
      %cond3A_191 = arith.cmpi ne, %convert_element_type3A_189, %cond3A_190 : i32
      scf.if %cond3A_191 {
        %add3A_333 = arith.constant 4 : i32
        %add3A_334 = arith.addi %add3A_178, %add3A_333 : i32
        %add3A_335 = arith.addi %select_n3A, %add3A_334 : i32
        %dma_start3A_336 = arith.constant 0 : i32
        %dma_start3A_337 = tpu.memref_slice %arg3[%add3A_335, %dma_start3A_336] : memref<3360x96xi32, #tpu.memory_space<hbm>> -> memref<1x96xi32, #tpu.memory_space<hbm>>
        %dma_start3A_338 = tpu.memref_squeeze %dma_start3A_337 : memref<1x96xi32, #tpu.memory_space<hbm>> -> memref<96xi32, #tpu.memory_space<hbm>>
        %dma_start3A_339 = arith.constant 0 : i32
        %dma_start3A_340 = tpu.memref_slice %arg3[%add3A_335, %dma_start3A_339] : memref<3360x96xi32, #tpu.memory_space<hbm>> -> memref<1x96xi32, #tpu.memory_space<hbm>>
        %dma_start3A_341 = tpu.memref_squeeze %dma_start3A_340 : memref<1x96xi32, #tpu.memory_space<hbm>> -> memref<96xi32, #tpu.memory_space<hbm>>
        tpu.enqueue_dma source(%dma_start3A_341 : memref<96xi32, #tpu.memory_space<hbm>>) target(%arg11 : memref<96xi32, #tpu.memory_space<vmem>>) target_semaphore(%arg32 : memref<!tpu.dma_semaphore, #tpu.memory_space<semaphore_mem>>)
        %add3A_342 = arith.addi %select_n3A, %add3A_334 : i32
        %dma_start3A_343 = arith.constant 0 : i32
        %dma_start3A_344 = tpu.memref_slice %arg4[%add3A_342, %dma_start3A_343] : memref<3360x96xi32, #tpu.memory_space<hbm>> -> memref<1x96xi32, #tpu.memory_space<hbm>>
        %dma_start3A_345 = tpu.memref_squeeze %dma_start3A_344 : memref<1x96xi32, #tpu.memory_space<hbm>> -> memref<96xi32, #tpu.memory_space<hbm>>
        %dma_start3A_346 = arith.constant 0 : i32
        %dma_start3A_347 = tpu.memref_slice %arg4[%add3A_342, %dma_start3A_346] : memref<3360x96xi32, #tpu.memory_space<hbm>> -> memref<1x96xi32, #tpu.memory_space<hbm>>
        %dma_start3A_348 = tpu.memref_squeeze %dma_start3A_347 : memref<1x96xi32, #tpu.memory_space<hbm>> -> memref<96xi32, #tpu.memory_space<hbm>>
        tpu.enqueue_dma source(%dma_start3A_348 : memref<96xi32, #tpu.memory_space<hbm>>) target(%arg17 : memref<96xi32, #tpu.memory_space<vmem>>) target_semaphore(%arg32 : memref<!tpu.dma_semaphore, #tpu.memory_space<semaphore_mem>>)
      } else {
      }
      %dma_wait3A_192 = arith.constant 0 : i32
      %dma_wait3A_193 = arith.constant 0 : i32
      %dma_wait3A_194 = tpu.memref_slice %arg2[%dma_wait3A_192, %dma_wait3A_193] : memref<10000x128xf32, #tpu.memory_space<hbm>> -> memref<10000x128xf32, #tpu.memory_space<hbm>>
      tpu.wait_indirect_dma semaphore(%arg22 : memref<!tpu.dma_semaphore, #tpu.memory_space<semaphore_mem>>) src(%dma_wait3A_194 : memref<10000x128xf32, #tpu.memory_space<hbm>>) dst(%arg19 : memref<96x128xf32, #tpu.memory_space<vmem>>)
      %dma_start3A_195 = arith.constant 0 : i32
      %dma_start3A_196 = arith.constant 0 : i32
      %dma_start3A_197 = tpu.memref_slice %arg6[%dma_start3A_195, %dma_start3A_196] : memref<10112x128xf32, #tpu.memory_space<vmem_shared>> -> memref<10112x128xf32, #tpu.memory_space<vmem_shared>>
      tpu.enqueue_indirect_dma source(%arg19 : memref<96x128xf32, #tpu.memory_space<vmem>>) target(%dma_start3A_197 : memref<10112x128xf32, #tpu.memory_space<vmem_shared>>) offsets(%arg13 : memref<96xi32, #tpu.memory_space<vmem>>) semaphore(%arg25 : memref<!tpu.dma_semaphore, #tpu.memory_space<semaphore_mem>>) {add = true}
      %mul3A_198 = arith.constant 6 : i32
      %mul3A_199 = arith.muli %while3A_174, %mul3A_198 : i32
      %add3A_200 = arith.constant 1 : i32
      %add3A_201 = arith.addi %mul3A_199, %add3A_200 : i32
      %ge3A_202 = arith.constant 1 : i32
      %ge3A_203 = arith.cmpi sge, %add3A_201, %ge3A_202 : i32
      %convert_element_type3A_204 = arith.extui %ge3A_203 : i1 to i32
      %cond3A_205 = arith.constant 0 : i32
      %cond3A_206 = arith.cmpi ne, %convert_element_type3A_204, %cond3A_205 : i32
      scf.if %cond3A_206 {
        %dma_wait3A_333 = arith.constant 0 : i32
        %dma_wait3A_334 = arith.constant 0 : i32
        %dma_wait3A_335 = tpu.memref_slice %arg6[%dma_wait3A_333, %dma_wait3A_334] : memref<10112x128xf32, #tpu.memory_space<vmem_shared>> -> memref<10112x128xf32, #tpu.memory_space<vmem_shared>>
        tpu.wait_indirect_dma semaphore(%arg25 : memref<!tpu.dma_semaphore, #tpu.memory_space<semaphore_mem>>) src(%arg19 : memref<96x128xf32, #tpu.memory_space<vmem>>) dst(%dma_wait3A_335 : memref<10112x128xf32, #tpu.memory_space<vmem_shared>>)
      } else {
      }
      %add3A_207 = arith.constant 2 : i32
      %add3A_208 = arith.addi %add3A_201, %add3A_207 : i32
      %lt3A_209 = arith.cmpi slt, %add3A_208, %select_n3A_8 : i32
      %convert_element_type3A_210 = arith.extui %lt3A_209 : i1 to i32
      %cond3A_211 = arith.constant 0 : i32
      %cond3A_212 = arith.cmpi ne, %convert_element_type3A_210, %cond3A_211 : i32
      scf.if %cond3A_212 {
        %dma_wait3A_333 = arith.constant 0 : i32
        %dma_wait3A_334 = tpu.memref_slice %arg3[%select_n3A, %dma_wait3A_333] : memref<3360x96xi32, #tpu.memory_space<hbm>> -> memref<1x96xi32, #tpu.memory_space<hbm>>
        %dma_wait3A_335 = tpu.memref_squeeze %dma_wait3A_334 : memref<1x96xi32, #tpu.memory_space<hbm>> -> memref<96xi32, #tpu.memory_space<hbm>>
        %dma_wait3A_336 = arith.constant 0 : i32
        %dma_wait3A_337 = tpu.memref_slice %arg3[%select_n3A, %dma_wait3A_336] : memref<3360x96xi32, #tpu.memory_space<hbm>> -> memref<1x96xi32, #tpu.memory_space<hbm>>
        %dma_wait3A_338 = tpu.memref_squeeze %dma_wait3A_337 : memref<1x96xi32, #tpu.memory_space<hbm>> -> memref<96xi32, #tpu.memory_space<hbm>>
        tpu.wait_dma2 semaphore(%arg31 : memref<!tpu.dma_semaphore, #tpu.memory_space<semaphore_mem>>) src(%dma_wait3A_338 : memref<96xi32, #tpu.memory_space<hbm>>) dst(%arg10 : memref<96xi32, #tpu.memory_space<vmem>>)
        %dma_wait3A_339 = arith.constant 0 : i32
        %dma_wait3A_340 = tpu.memref_slice %arg4[%select_n3A, %dma_wait3A_339] : memref<3360x96xi32, #tpu.memory_space<hbm>> -> memref<1x96xi32, #tpu.memory_space<hbm>>
        %dma_wait3A_341 = tpu.memref_squeeze %dma_wait3A_340 : memref<1x96xi32, #tpu.memory_space<hbm>> -> memref<96xi32, #tpu.memory_space<hbm>>
        %dma_wait3A_342 = arith.constant 0 : i32
        %dma_wait3A_343 = tpu.memref_slice %arg4[%select_n3A, %dma_wait3A_342] : memref<3360x96xi32, #tpu.memory_space<hbm>> -> memref<1x96xi32, #tpu.memory_space<hbm>>
        %dma_wait3A_344 = tpu.memref_squeeze %dma_wait3A_343 : memref<1x96xi32, #tpu.memory_space<hbm>> -> memref<96xi32, #tpu.memory_space<hbm>>
        tpu.wait_dma2 semaphore(%arg31 : memref<!tpu.dma_semaphore, #tpu.memory_space<semaphore_mem>>) src(%dma_wait3A_344 : memref<96xi32, #tpu.memory_space<hbm>>) dst(%arg16 : memref<96xi32, #tpu.memory_space<vmem>>)
        %dma_start3A_345 = arith.constant 0 : i32
        %dma_start3A_346 = arith.constant 0 : i32
        %dma_start3A_347 = tpu.memref_slice %arg2[%dma_start3A_345, %dma_start3A_346] : memref<10000x128xf32, #tpu.memory_space<hbm>> -> memref<10000x128xf32, #tpu.memory_space<hbm>>
        tpu.enqueue_indirect_dma source(%dma_start3A_347 : memref<10000x128xf32, #tpu.memory_space<hbm>>) target(%arg19 : memref<96x128xf32, #tpu.memory_space<vmem>>) offsets(%arg10 : memref<96xi32, #tpu.memory_space<vmem>>) semaphore(%arg22 : memref<!tpu.dma_semaphore, #tpu.memory_space<semaphore_mem>>)
      } else {
      }
      %add3A_213 = arith.constant 4 : i32
      %add3A_214 = arith.addi %add3A_201, %add3A_213 : i32
      %lt3A_215 = arith.cmpi slt, %add3A_214, %select_n3A_8 : i32
      %convert_element_type3A_216 = arith.extui %lt3A_215 : i1 to i32
      %cond3A_217 = arith.constant 0 : i32
      %cond3A_218 = arith.cmpi ne, %convert_element_type3A_216, %cond3A_217 : i32
      scf.if %cond3A_218 {
        %add3A_333 = arith.constant 4 : i32
        %add3A_334 = arith.addi %add3A_201, %add3A_333 : i32
        %add3A_335 = arith.addi %select_n3A, %add3A_334 : i32
        %dma_start3A_336 = arith.constant 0 : i32
        %dma_start3A_337 = tpu.memref_slice %arg3[%add3A_335, %dma_start3A_336] : memref<3360x96xi32, #tpu.memory_space<hbm>> -> memref<1x96xi32, #tpu.memory_space<hbm>>
        %dma_start3A_338 = tpu.memref_squeeze %dma_start3A_337 : memref<1x96xi32, #tpu.memory_space<hbm>> -> memref<96xi32, #tpu.memory_space<hbm>>
        %dma_start3A_339 = arith.constant 0 : i32
        %dma_start3A_340 = tpu.memref_slice %arg3[%add3A_335, %dma_start3A_339] : memref<3360x96xi32, #tpu.memory_space<hbm>> -> memref<1x96xi32, #tpu.memory_space<hbm>>
        %dma_start3A_341 = tpu.memref_squeeze %dma_start3A_340 : memref<1x96xi32, #tpu.memory_space<hbm>> -> memref<96xi32, #tpu.memory_space<hbm>>
        tpu.enqueue_dma source(%dma_start3A_341 : memref<96xi32, #tpu.memory_space<hbm>>) target(%arg12 : memref<96xi32, #tpu.memory_space<vmem>>) target_semaphore(%arg33 : memref<!tpu.dma_semaphore, #tpu.memory_space<semaphore_mem>>)
        %add3A_342 = arith.addi %select_n3A, %add3A_334 : i32
        %dma_start3A_343 = arith.constant 0 : i32
        %dma_start3A_344 = tpu.memref_slice %arg4[%add3A_342, %dma_start3A_343] : memref<3360x96xi32, #tpu.memory_space<hbm>> -> memref<1x96xi32, #tpu.memory_space<hbm>>
        %dma_start3A_345 = tpu.memref_squeeze %dma_start3A_344 : memref<1x96xi32, #tpu.memory_space<hbm>> -> memref<96xi32, #tpu.memory_space<hbm>>
        %dma_start3A_346 = arith.constant 0 : i32
        %dma_start3A_347 = tpu.memref_slice %arg4[%add3A_342, %dma_start3A_346] : memref<3360x96xi32, #tpu.memory_space<hbm>> -> memref<1x96xi32, #tpu.memory_space<hbm>>
        %dma_start3A_348 = tpu.memref_squeeze %dma_start3A_347 : memref<1x96xi32, #tpu.memory_space<hbm>> -> memref<96xi32, #tpu.memory_space<hbm>>
        tpu.enqueue_dma source(%dma_start3A_348 : memref<96xi32, #tpu.memory_space<hbm>>) target(%arg18 : memref<96xi32, #tpu.memory_space<vmem>>) target_semaphore(%arg33 : memref<!tpu.dma_semaphore, #tpu.memory_space<semaphore_mem>>)
      } else {
      }
      %dma_wait3A_219 = arith.constant 0 : i32
      %dma_wait3A_220 = arith.constant 0 : i32
      %dma_wait3A_221 = tpu.memref_slice %arg2[%dma_wait3A_219, %dma_wait3A_220] : memref<10000x128xf32, #tpu.memory_space<hbm>> -> memref<10000x128xf32, #tpu.memory_space<hbm>>
      tpu.wait_indirect_dma semaphore(%arg23 : memref<!tpu.dma_semaphore, #tpu.memory_space<semaphore_mem>>) src(%dma_wait3A_221 : memref<10000x128xf32, #tpu.memory_space<hbm>>) dst(%arg20 : memref<96x128xf32, #tpu.memory_space<vmem>>)
      %dma_start3A_222 = arith.constant 0 : i32
      %dma_start3A_223 = arith.constant 0 : i32
      %dma_start3A_224 = tpu.memref_slice %arg6[%dma_start3A_222, %dma_start3A_223] : memref<10112x128xf32, #tpu.memory_space<vmem_shared>> -> memref<10112x128xf32, #tpu.memory_space<vmem_shared>>
      tpu.enqueue_indirect_dma source(%arg20 : memref<96x128xf32, #tpu.memory_space<vmem>>) target(%dma_start3A_224 : memref<10112x128xf32, #tpu.memory_space<vmem_shared>>) offsets(%arg14 : memref<96xi32, #tpu.memory_space<vmem>>) semaphore(%arg26 : memref<!tpu.dma_semaphore, #tpu.memory_space<semaphore_mem>>) {add = true}
      %mul3A_225 = arith.constant 6 : i32
      %mul3A_226 = arith.muli %while3A_174, %mul3A_225 : i32
      %add3A_227 = arith.constant 2 : i32
      %add3A_228 = arith.addi %mul3A_226, %add3A_227 : i32
      %ge3A_229 = arith.constant 1 : i32
      %ge3A_230 = arith.cmpi sge, %add3A_228, %ge3A_229 : i32
      %convert_element_type3A_231 = arith.extui %ge3A_230 : i1 to i32
      %cond3A_232 = arith.constant 0 : i32
      %cond3A_233 = arith.cmpi ne, %convert_element_type3A_231, %cond3A_232 : i32
      scf.if %cond3A_233 {
        %dma_wait3A_333 = arith.constant 0 : i32
        %dma_wait3A_334 = arith.constant 0 : i32
        %dma_wait3A_335 = tpu.memref_slice %arg6[%dma_wait3A_333, %dma_wait3A_334] : memref<10112x128xf32, #tpu.memory_space<vmem_shared>> -> memref<10112x128xf32, #tpu.memory_space<vmem_shared>>
        tpu.wait_indirect_dma semaphore(%arg26 : memref<!tpu.dma_semaphore, #tpu.memory_space<semaphore_mem>>) src(%arg20 : memref<96x128xf32, #tpu.memory_space<vmem>>) dst(%dma_wait3A_335 : memref<10112x128xf32, #tpu.memory_space<vmem_shared>>)
      } else {
      }
      %add3A_234 = arith.constant 2 : i32
      %add3A_235 = arith.addi %add3A_228, %add3A_234 : i32
      %lt3A_236 = arith.cmpi slt, %add3A_235, %select_n3A_8 : i32
      %convert_element_type3A_237 = arith.extui %lt3A_236 : i1 to i32
      %cond3A_238 = arith.constant 0 : i32
      %cond3A_239 = arith.cmpi ne, %convert_element_type3A_237, %cond3A_238 : i32
      scf.if %cond3A_239 {
        %dma_wait3A_333 = arith.constant 0 : i32
        %dma_wait3A_334 = tpu.memref_slice %arg3[%select_n3A, %dma_wait3A_333] : memref<3360x96xi32, #tpu.memory_space<hbm>> -> memref<1x96xi32, #tpu.memory_space<hbm>>
        %dma_wait3A_335 = tpu.memref_squeeze %dma_wait3A_334 : memref<1x96xi32, #tpu.memory_space<hbm>> -> memref<96xi32, #tpu.memory_space<hbm>>
        %dma_wait3A_336 = arith.constant 0 : i32
        %dma_wait3A_337 = tpu.memref_slice %arg3[%select_n3A, %dma_wait3A_336] : memref<3360x96xi32, #tpu.memory_space<hbm>> -> memref<1x96xi32, #tpu.memory_space<hbm>>
        %dma_wait3A_338 = tpu.memref_squeeze %dma_wait3A_337 : memref<1x96xi32, #tpu.memory_space<hbm>> -> memref<96xi32, #tpu.memory_space<hbm>>
        tpu.wait_dma2 semaphore(%arg32 : memref<!tpu.dma_semaphore, #tpu.memory_space<semaphore_mem>>) src(%dma_wait3A_338 : memref<96xi32, #tpu.memory_space<hbm>>) dst(%arg11 : memref<96xi32, #tpu.memory_space<vmem>>)
        %dma_wait3A_339 = arith.constant 0 : i32
        %dma_wait3A_340 = tpu.memref_slice %arg4[%select_n3A, %dma_wait3A_339] : memref<3360x96xi32, #tpu.memory_space<hbm>> -> memref<1x96xi32, #tpu.memory_space<hbm>>
        %dma_wait3A_341 = tpu.memref_squeeze %dma_wait3A_340 : memref<1x96xi32, #tpu.memory_space<hbm>> -> memref<96xi32, #tpu.memory_space<hbm>>
        %dma_wait3A_342 = arith.constant 0 : i32
        %dma_wait3A_343 = tpu.memref_slice %arg4[%select_n3A, %dma_wait3A_342] : memref<3360x96xi32, #tpu.memory_space<hbm>> -> memref<1x96xi32, #tpu.memory_space<hbm>>
        %dma_wait3A_344 = tpu.memref_squeeze %dma_wait3A_343 : memref<1x96xi32, #tpu.memory_space<hbm>> -> memref<96xi32, #tpu.memory_space<hbm>>
        tpu.wait_dma2 semaphore(%arg32 : memref<!tpu.dma_semaphore, #tpu.memory_space<semaphore_mem>>) src(%dma_wait3A_344 : memref<96xi32, #tpu.memory_space<hbm>>) dst(%arg17 : memref<96xi32, #tpu.memory_space<vmem>>)
        %dma_start3A_345 = arith.constant 0 : i32
        %dma_start3A_346 = arith.constant 0 : i32
        %dma_start3A_347 = tpu.memref_slice %arg2[%dma_start3A_345, %dma_start3A_346] : memref<10000x128xf32, #tpu.memory_space<hbm>> -> memref<10000x128xf32, #tpu.memory_space<hbm>>
        tpu.enqueue_indirect_dma source(%dma_start3A_347 : memref<10000x128xf32, #tpu.memory_space<hbm>>) target(%arg20 : memref<96x128xf32, #tpu.memory_space<vmem>>) offsets(%arg11 : memref<96xi32, #tpu.memory_space<vmem>>) semaphore(%arg23 : memref<!tpu.dma_semaphore, #tpu.memory_space<semaphore_mem>>)
      } else {
      }
      %add3A_240 = arith.constant 4 : i32
      %add3A_241 = arith.addi %add3A_228, %add3A_240 : i32
      %lt3A_242 = arith.cmpi slt, %add3A_241, %select_n3A_8 : i32
      %convert_element_type3A_243 = arith.extui %lt3A_242 : i1 to i32
      %cond3A_244 = arith.constant 0 : i32
      %cond3A_245 = arith.cmpi ne, %convert_element_type3A_243, %cond3A_244 : i32
      scf.if %cond3A_245 {
        %add3A_333 = arith.constant 4 : i32
        %add3A_334 = arith.addi %add3A_228, %add3A_333 : i32
        %add3A_335 = arith.addi %select_n3A, %add3A_334 : i32
        %dma_start3A_336 = arith.constant 0 : i32
        %dma_start3A_337 = tpu.memref_slice %arg3[%add3A_335, %dma_start3A_336] : memref<3360x96xi32, #tpu.memory_space<hbm>> -> memref<1x96xi32, #tpu.memory_space<hbm>>
        %dma_start3A_338 = tpu.memref_squeeze %dma_start3A_337 : memref<1x96xi32, #tpu.memory_space<hbm>> -> memref<96xi32, #tpu.memory_space<hbm>>
        %dma_start3A_339 = arith.constant 0 : i32
        %dma_start3A_340 = tpu.memref_slice %arg3[%add3A_335, %dma_start3A_339] : memref<3360x96xi32, #tpu.memory_space<hbm>> -> memref<1x96xi32, #tpu.memory_space<hbm>>
        %dma_start3A_341 = tpu.memref_squeeze %dma_start3A_340 : memref<1x96xi32, #tpu.memory_space<hbm>> -> memref<96xi32, #tpu.memory_space<hbm>>
        tpu.enqueue_dma source(%dma_start3A_341 : memref<96xi32, #tpu.memory_space<hbm>>) target(%arg7 : memref<96xi32, #tpu.memory_space<vmem>>) target_semaphore(%arg28 : memref<!tpu.dma_semaphore, #tpu.memory_space<semaphore_mem>>)
        %add3A_342 = arith.addi %select_n3A, %add3A_334 : i32
        %dma_start3A_343 = arith.constant 0 : i32
        %dma_start3A_344 = tpu.memref_slice %arg4[%add3A_342, %dma_start3A_343] : memref<3360x96xi32, #tpu.memory_space<hbm>> -> memref<1x96xi32, #tpu.memory_space<hbm>>
        %dma_start3A_345 = tpu.memref_squeeze %dma_start3A_344 : memref<1x96xi32, #tpu.memory_space<hbm>> -> memref<96xi32, #tpu.memory_space<hbm>>
        %dma_start3A_346 = arith.constant 0 : i32
        %dma_start3A_347 = tpu.memref_slice %arg4[%add3A_342, %dma_start3A_346] : memref<3360x96xi32, #tpu.memory_space<hbm>> -> memref<1x96xi32, #tpu.memory_space<hbm>>
        %dma_start3A_348 = tpu.memref_squeeze %dma_start3A_347 : memref<1x96xi32, #tpu.memory_space<hbm>> -> memref<96xi32, #tpu.memory_space<hbm>>
        tpu.enqueue_dma source(%dma_start3A_348 : memref<96xi32, #tpu.memory_space<hbm>>) target(%arg13 : memref<96xi32, #tpu.memory_space<vmem>>) target_semaphore(%arg28 : memref<!tpu.dma_semaphore, #tpu.memory_space<semaphore_mem>>)
      } else {
      }
      %dma_wait3A_246 = arith.constant 0 : i32
      %dma_wait3A_247 = arith.constant 0 : i32
      %dma_wait3A_248 = tpu.memref_slice %arg2[%dma_wait3A_246, %dma_wait3A_247] : memref<10000x128xf32, #tpu.memory_space<hbm>> -> memref<10000x128xf32, #tpu.memory_space<hbm>>
      tpu.wait_indirect_dma semaphore(%arg24 : memref<!tpu.dma_semaphore, #tpu.memory_space<semaphore_mem>>) src(%dma_wait3A_248 : memref<10000x128xf32, #tpu.memory_space<hbm>>) dst(%arg21 : memref<96x128xf32, #tpu.memory_space<vmem>>)
      %dma_start3A_249 = arith.constant 0 : i32
      %dma_start3A_250 = arith.constant 0 : i32
      %dma_start3A_251 = tpu.memref_slice %arg6[%dma_start3A_249, %dma_start3A_250] : memref<10112x128xf32, #tpu.memory_space<vmem_shared>> -> memref<10112x128xf32, #tpu.memory_space<vmem_shared>>
      tpu.enqueue_indirect_dma source(%arg21 : memref<96x128xf32, #tpu.memory_space<vmem>>) target(%dma_start3A_251 : memref<10112x128xf32, #tpu.memory_space<vmem_shared>>) offsets(%arg15 : memref<96xi32, #tpu.memory_space<vmem>>) semaphore(%arg27 : memref<!tpu.dma_semaphore, #tpu.memory_space<semaphore_mem>>) {add = true}
      %mul3A_252 = arith.constant 6 : i32
      %mul3A_253 = arith.muli %while3A_174, %mul3A_252 : i32
      %add3A_254 = arith.constant 3 : i32
      %add3A_255 = arith.addi %mul3A_253, %add3A_254 : i32
      %ge3A_256 = arith.constant 1 : i32
      %ge3A_257 = arith.cmpi sge, %add3A_255, %ge3A_256 : i32
      %convert_element_type3A_258 = arith.extui %ge3A_257 : i1 to i32
      %cond3A_259 = arith.constant 0 : i32
      %cond3A_260 = arith.cmpi ne, %convert_element_type3A_258, %cond3A_259 : i32
      scf.if %cond3A_260 {
        %dma_wait3A_333 = arith.constant 0 : i32
        %dma_wait3A_334 = arith.constant 0 : i32
        %dma_wait3A_335 = tpu.memref_slice %arg6[%dma_wait3A_333, %dma_wait3A_334] : memref<10112x128xf32, #tpu.memory_space<vmem_shared>> -> memref<10112x128xf32, #tpu.memory_space<vmem_shared>>
        tpu.wait_indirect_dma semaphore(%arg27 : memref<!tpu.dma_semaphore, #tpu.memory_space<semaphore_mem>>) src(%arg21 : memref<96x128xf32, #tpu.memory_space<vmem>>) dst(%dma_wait3A_335 : memref<10112x128xf32, #tpu.memory_space<vmem_shared>>)
      } else {
      }
      %add3A_261 = arith.constant 2 : i32
      %add3A_262 = arith.addi %add3A_255, %add3A_261 : i32
      %lt3A_263 = arith.cmpi slt, %add3A_262, %select_n3A_8 : i32
      %convert_element_type3A_264 = arith.extui %lt3A_263 : i1 to i32
      %cond3A_265 = arith.constant 0 : i32
      %cond3A_266 = arith.cmpi ne, %convert_element_type3A_264, %cond3A_265 : i32
      scf.if %cond3A_266 {
        %dma_wait3A_333 = arith.constant 0 : i32
        %dma_wait3A_334 = tpu.memref_slice %arg3[%select_n3A, %dma_wait3A_333] : memref<3360x96xi32, #tpu.memory_space<hbm>> -> memref<1x96xi32, #tpu.memory_space<hbm>>
        %dma_wait3A_335 = tpu.memref_squeeze %dma_wait3A_334 : memref<1x96xi32, #tpu.memory_space<hbm>> -> memref<96xi32, #tpu.memory_space<hbm>>
        %dma_wait3A_336 = arith.constant 0 : i32
        %dma_wait3A_337 = tpu.memref_slice %arg3[%select_n3A, %dma_wait3A_336] : memref<3360x96xi32, #tpu.memory_space<hbm>> -> memref<1x96xi32, #tpu.memory_space<hbm>>
        %dma_wait3A_338 = tpu.memref_squeeze %dma_wait3A_337 : memref<1x96xi32, #tpu.memory_space<hbm>> -> memref<96xi32, #tpu.memory_space<hbm>>
        tpu.wait_dma2 semaphore(%arg33 : memref<!tpu.dma_semaphore, #tpu.memory_space<semaphore_mem>>) src(%dma_wait3A_338 : memref<96xi32, #tpu.memory_space<hbm>>) dst(%arg12 : memref<96xi32, #tpu.memory_space<vmem>>)
        %dma_wait3A_339 = arith.constant 0 : i32
        %dma_wait3A_340 = tpu.memref_slice %arg4[%select_n3A, %dma_wait3A_339] : memref<3360x96xi32, #tpu.memory_space<hbm>> -> memref<1x96xi32, #tpu.memory_space<hbm>>
        %dma_wait3A_341 = tpu.memref_squeeze %dma_wait3A_340 : memref<1x96xi32, #tpu.memory_space<hbm>> -> memref<96xi32, #tpu.memory_space<hbm>>
        %dma_wait3A_342 = arith.constant 0 : i32
        %dma_wait3A_343 = tpu.memref_slice %arg4[%select_n3A, %dma_wait3A_342] : memref<3360x96xi32, #tpu.memory_space<hbm>> -> memref<1x96xi32, #tpu.memory_space<hbm>>
        %dma_wait3A_344 = tpu.memref_squeeze %dma_wait3A_343 : memref<1x96xi32, #tpu.memory_space<hbm>> -> memref<96xi32, #tpu.memory_space<hbm>>
        tpu.wait_dma2 semaphore(%arg33 : memref<!tpu.dma_semaphore, #tpu.memory_space<semaphore_mem>>) src(%dma_wait3A_344 : memref<96xi32, #tpu.memory_space<hbm>>) dst(%arg18 : memref<96xi32, #tpu.memory_space<vmem>>)
        %dma_start3A_345 = arith.constant 0 : i32
        %dma_start3A_346 = arith.constant 0 : i32
        %dma_start3A_347 = tpu.memref_slice %arg2[%dma_start3A_345, %dma_start3A_346] : memref<10000x128xf32, #tpu.memory_space<hbm>> -> memref<10000x128xf32, #tpu.memory_space<hbm>>
        tpu.enqueue_indirect_dma source(%dma_start3A_347 : memref<10000x128xf32, #tpu.memory_space<hbm>>) target(%arg21 : memref<96x128xf32, #tpu.memory_space<vmem>>) offsets(%arg12 : memref<96xi32, #tpu.memory_space<vmem>>) semaphore(%arg24 : memref<!tpu.dma_semaphore, #tpu.memory_space<semaphore_mem>>)
      } else {
      }
      %add3A_267 = arith.constant 4 : i32
      %add3A_268 = arith.addi %add3A_255, %add3A_267 : i32
      %lt3A_269 = arith.cmpi slt, %add3A_268, %select_n3A_8 : i32
      %convert_element_type3A_270 = arith.extui %lt3A_269 : i1 to i32
      %cond3A_271 = arith.constant 0 : i32
      %cond3A_272 = arith.cmpi ne, %convert_element_type3A_270, %cond3A_271 : i32
      scf.if %cond3A_272 {
        %add3A_333 = arith.constant 4 : i32
        %add3A_334 = arith.addi %add3A_255, %add3A_333 : i32
        %add3A_335 = arith.addi %select_n3A, %add3A_334 : i32
        %dma_start3A_336 = arith.constant 0 : i32
        %dma_start3A_337 = tpu.memref_slice %arg3[%add3A_335, %dma_start3A_336] : memref<3360x96xi32, #tpu.memory_space<hbm>> -> memref<1x96xi32, #tpu.memory_space<hbm>>
        %dma_start3A_338 = tpu.memref_squeeze %dma_start3A_337 : memref<1x96xi32, #tpu.memory_space<hbm>> -> memref<96xi32, #tpu.memory_space<hbm>>
        %dma_start3A_339 = arith.constant 0 : i32
        %dma_start3A_340 = tpu.memref_slice %arg3[%add3A_335, %dma_start3A_339] : memref<3360x96xi32, #tpu.memory_space<hbm>> -> memref<1x96xi32, #tpu.memory_space<hbm>>
        %dma_start3A_341 = tpu.memref_squeeze %dma_start3A_340 : memref<1x96xi32, #tpu.memory_space<hbm>> -> memref<96xi32, #tpu.memory_space<hbm>>
        tpu.enqueue_dma source(%dma_start3A_341 : memref<96xi32, #tpu.memory_space<hbm>>) target(%arg8 : memref<96xi32, #tpu.memory_space<vmem>>) target_semaphore(%arg29 : memref<!tpu.dma_semaphore, #tpu.memory_space<semaphore_mem>>)
        %add3A_342 = arith.addi %select_n3A, %add3A_334 : i32
        %dma_start3A_343 = arith.constant 0 : i32
        %dma_start3A_344 = tpu.memref_slice %arg4[%add3A_342, %dma_start3A_343] : memref<3360x96xi32, #tpu.memory_space<hbm>> -> memref<1x96xi32, #tpu.memory_space<hbm>>
        %dma_start3A_345 = tpu.memref_squeeze %dma_start3A_344 : memref<1x96xi32, #tpu.memory_space<hbm>> -> memref<96xi32, #tpu.memory_space<hbm>>
        %dma_start3A_346 = arith.constant 0 : i32
        %dma_start3A_347 = tpu.memref_slice %arg4[%add3A_342, %dma_start3A_346] : memref<3360x96xi32, #tpu.memory_space<hbm>> -> memref<1x96xi32, #tpu.memory_space<hbm>>
        %dma_start3A_348 = tpu.memref_squeeze %dma_start3A_347 : memref<1x96xi32, #tpu.memory_space<hbm>> -> memref<96xi32, #tpu.memory_space<hbm>>
        tpu.enqueue_dma source(%dma_start3A_348 : memref<96xi32, #tpu.memory_space<hbm>>) target(%arg14 : memref<96xi32, #tpu.memory_space<vmem>>) target_semaphore(%arg29 : memref<!tpu.dma_semaphore, #tpu.memory_space<semaphore_mem>>)
      } else {
      }
      %dma_wait3A_273 = arith.constant 0 : i32
      %dma_wait3A_274 = arith.constant 0 : i32
      %dma_wait3A_275 = tpu.memref_slice %arg2[%dma_wait3A_273, %dma_wait3A_274] : memref<10000x128xf32, #tpu.memory_space<hbm>> -> memref<10000x128xf32, #tpu.memory_space<hbm>>
      tpu.wait_indirect_dma semaphore(%arg22 : memref<!tpu.dma_semaphore, #tpu.memory_space<semaphore_mem>>) src(%dma_wait3A_275 : memref<10000x128xf32, #tpu.memory_space<hbm>>) dst(%arg19 : memref<96x128xf32, #tpu.memory_space<vmem>>)
      %dma_start3A_276 = arith.constant 0 : i32
      %dma_start3A_277 = arith.constant 0 : i32
      %dma_start3A_278 = tpu.memref_slice %arg6[%dma_start3A_276, %dma_start3A_277] : memref<10112x128xf32, #tpu.memory_space<vmem_shared>> -> memref<10112x128xf32, #tpu.memory_space<vmem_shared>>
      tpu.enqueue_indirect_dma source(%arg19 : memref<96x128xf32, #tpu.memory_space<vmem>>) target(%dma_start3A_278 : memref<10112x128xf32, #tpu.memory_space<vmem_shared>>) offsets(%arg16 : memref<96xi32, #tpu.memory_space<vmem>>) semaphore(%arg25 : memref<!tpu.dma_semaphore, #tpu.memory_space<semaphore_mem>>) {add = true}
      %mul3A_279 = arith.constant 6 : i32
      %mul3A_280 = arith.muli %while3A_174, %mul3A_279 : i32
      %add3A_281 = arith.constant 4 : i32
      %add3A_282 = arith.addi %mul3A_280, %add3A_281 : i32
      %ge3A_283 = arith.constant 1 : i32
      %ge3A_284 = arith.cmpi sge, %add3A_282, %ge3A_283 : i32
      %convert_element_type3A_285 = arith.extui %ge3A_284 : i1 to i32
      %cond3A_286 = arith.constant 0 : i32
      %cond3A_287 = arith.cmpi ne, %convert_element_type3A_285, %cond3A_286 : i32
      scf.if %cond3A_287 {
        %dma_wait3A_333 = arith.constant 0 : i32
        %dma_wait3A_334 = arith.constant 0 : i32
        %dma_wait3A_335 = tpu.memref_slice %arg6[%dma_wait3A_333, %dma_wait3A_334] : memref<10112x128xf32, #tpu.memory_space<vmem_shared>> -> memref<10112x128xf32, #tpu.memory_space<vmem_shared>>
        tpu.wait_indirect_dma semaphore(%arg25 : memref<!tpu.dma_semaphore, #tpu.memory_space<semaphore_mem>>) src(%arg19 : memref<96x128xf32, #tpu.memory_space<vmem>>) dst(%dma_wait3A_335 : memref<10112x128xf32, #tpu.memory_space<vmem_shared>>)
      } else {
      }
      %add3A_288 = arith.constant 2 : i32
      %add3A_289 = arith.addi %add3A_282, %add3A_288 : i32
      %lt3A_290 = arith.cmpi slt, %add3A_289, %select_n3A_8 : i32
      %convert_element_type3A_291 = arith.extui %lt3A_290 : i1 to i32
      %cond3A_292 = arith.constant 0 : i32
      %cond3A_293 = arith.cmpi ne, %convert_element_type3A_291, %cond3A_292 : i32
      scf.if %cond3A_293 {
        %dma_wait3A_333 = arith.constant 0 : i32
        %dma_wait3A_334 = tpu.memref_slice %arg3[%select_n3A, %dma_wait3A_333] : memref<3360x96xi32, #tpu.memory_space<hbm>> -> memref<1x96xi32, #tpu.memory_space<hbm>>
        %dma_wait3A_335 = tpu.memref_squeeze %dma_wait3A_334 : memref<1x96xi32, #tpu.memory_space<hbm>> -> memref<96xi32, #tpu.memory_space<hbm>>
        %dma_wait3A_336 = arith.constant 0 : i32
        %dma_wait3A_337 = tpu.memref_slice %arg3[%select_n3A, %dma_wait3A_336] : memref<3360x96xi32, #tpu.memory_space<hbm>> -> memref<1x96xi32, #tpu.memory_space<hbm>>
        %dma_wait3A_338 = tpu.memref_squeeze %dma_wait3A_337 : memref<1x96xi32, #tpu.memory_space<hbm>> -> memref<96xi32, #tpu.memory_space<hbm>>
        tpu.wait_dma2 semaphore(%arg28 : memref<!tpu.dma_semaphore, #tpu.memory_space<semaphore_mem>>) src(%dma_wait3A_338 : memref<96xi32, #tpu.memory_space<hbm>>) dst(%arg7 : memref<96xi32, #tpu.memory_space<vmem>>)
        %dma_wait3A_339 = arith.constant 0 : i32
        %dma_wait3A_340 = tpu.memref_slice %arg4[%select_n3A, %dma_wait3A_339] : memref<3360x96xi32, #tpu.memory_space<hbm>> -> memref<1x96xi32, #tpu.memory_space<hbm>>
        %dma_wait3A_341 = tpu.memref_squeeze %dma_wait3A_340 : memref<1x96xi32, #tpu.memory_space<hbm>> -> memref<96xi32, #tpu.memory_space<hbm>>
        %dma_wait3A_342 = arith.constant 0 : i32
        %dma_wait3A_343 = tpu.memref_slice %arg4[%select_n3A, %dma_wait3A_342] : memref<3360x96xi32, #tpu.memory_space<hbm>> -> memref<1x96xi32, #tpu.memory_space<hbm>>
        %dma_wait3A_344 = tpu.memref_squeeze %dma_wait3A_343 : memref<1x96xi32, #tpu.memory_space<hbm>> -> memref<96xi32, #tpu.memory_space<hbm>>
        tpu.wait_dma2 semaphore(%arg28 : memref<!tpu.dma_semaphore, #tpu.memory_space<semaphore_mem>>) src(%dma_wait3A_344 : memref<96xi32, #tpu.memory_space<hbm>>) dst(%arg13 : memref<96xi32, #tpu.memory_space<vmem>>)
        %dma_start3A_345 = arith.constant 0 : i32
        %dma_start3A_346 = arith.constant 0 : i32
        %dma_start3A_347 = tpu.memref_slice %arg2[%dma_start3A_345, %dma_start3A_346] : memref<10000x128xf32, #tpu.memory_space<hbm>> -> memref<10000x128xf32, #tpu.memory_space<hbm>>
        tpu.enqueue_indirect_dma source(%dma_start3A_347 : memref<10000x128xf32, #tpu.memory_space<hbm>>) target(%arg19 : memref<96x128xf32, #tpu.memory_space<vmem>>) offsets(%arg7 : memref<96xi32, #tpu.memory_space<vmem>>) semaphore(%arg22 : memref<!tpu.dma_semaphore, #tpu.memory_space<semaphore_mem>>)
      } else {
      }
      %add3A_294 = arith.constant 4 : i32
      %add3A_295 = arith.addi %add3A_282, %add3A_294 : i32
      %lt3A_296 = arith.cmpi slt, %add3A_295, %select_n3A_8 : i32
      %convert_element_type3A_297 = arith.extui %lt3A_296 : i1 to i32
      %cond3A_298 = arith.constant 0 : i32
      %cond3A_299 = arith.cmpi ne, %convert_element_type3A_297, %cond3A_298 : i32
      scf.if %cond3A_299 {
        %add3A_333 = arith.constant 4 : i32
        %add3A_334 = arith.addi %add3A_282, %add3A_333 : i32
        %add3A_335 = arith.addi %select_n3A, %add3A_334 : i32
        %dma_start3A_336 = arith.constant 0 : i32
        %dma_start3A_337 = tpu.memref_slice %arg3[%add3A_335, %dma_start3A_336] : memref<3360x96xi32, #tpu.memory_space<hbm>> -> memref<1x96xi32, #tpu.memory_space<hbm>>
        %dma_start3A_338 = tpu.memref_squeeze %dma_start3A_337 : memref<1x96xi32, #tpu.memory_space<hbm>> -> memref<96xi32, #tpu.memory_space<hbm>>
        %dma_start3A_339 = arith.constant 0 : i32
        %dma_start3A_340 = tpu.memref_slice %arg3[%add3A_335, %dma_start3A_339] : memref<3360x96xi32, #tpu.memory_space<hbm>> -> memref<1x96xi32, #tpu.memory_space<hbm>>
        %dma_start3A_341 = tpu.memref_squeeze %dma_start3A_340 : memref<1x96xi32, #tpu.memory_space<hbm>> -> memref<96xi32, #tpu.memory_space<hbm>>
        tpu.enqueue_dma source(%dma_start3A_341 : memref<96xi32, #tpu.memory_space<hbm>>) target(%arg9 : memref<96xi32, #tpu.memory_space<vmem>>) target_semaphore(%arg30 : memref<!tpu.dma_semaphore, #tpu.memory_space<semaphore_mem>>)
        %add3A_342 = arith.addi %select_n3A, %add3A_334 : i32
        %dma_start3A_343 = arith.constant 0 : i32
        %dma_start3A_344 = tpu.memref_slice %arg4[%add3A_342, %dma_start3A_343] : memref<3360x96xi32, #tpu.memory_space<hbm>> -> memref<1x96xi32, #tpu.memory_space<hbm>>
        %dma_start3A_345 = tpu.memref_squeeze %dma_start3A_344 : memref<1x96xi32, #tpu.memory_space<hbm>> -> memref<96xi32, #tpu.memory_space<hbm>>
        %dma_start3A_346 = arith.constant 0 : i32
        %dma_start3A_347 = tpu.memref_slice %arg4[%add3A_342, %dma_start3A_346] : memref<3360x96xi32, #tpu.memory_space<hbm>> -> memref<1x96xi32, #tpu.memory_space<hbm>>
        %dma_start3A_348 = tpu.memref_squeeze %dma_start3A_347 : memref<1x96xi32, #tpu.memory_space<hbm>> -> memref<96xi32, #tpu.memory_space<hbm>>
        tpu.enqueue_dma source(%dma_start3A_348 : memref<96xi32, #tpu.memory_space<hbm>>) target(%arg15 : memref<96xi32, #tpu.memory_space<vmem>>) target_semaphore(%arg30 : memref<!tpu.dma_semaphore, #tpu.memory_space<semaphore_mem>>)
      } else {
      }
      %dma_wait3A_300 = arith.constant 0 : i32
      %dma_wait3A_301 = arith.constant 0 : i32
      %dma_wait3A_302 = tpu.memref_slice %arg2[%dma_wait3A_300, %dma_wait3A_301] : memref<10000x128xf32, #tpu.memory_space<hbm>> -> memref<10000x128xf32, #tpu.memory_space<hbm>>
      tpu.wait_indirect_dma semaphore(%arg23 : memref<!tpu.dma_semaphore, #tpu.memory_space<semaphore_mem>>) src(%dma_wait3A_302 : memref<10000x128xf32, #tpu.memory_space<hbm>>) dst(%arg20 : memref<96x128xf32, #tpu.memory_space<vmem>>)
      %dma_start3A_303 = arith.constant 0 : i32
      %dma_start3A_304 = arith.constant 0 : i32
      %dma_start3A_305 = tpu.memref_slice %arg6[%dma_start3A_303, %dma_start3A_304] : memref<10112x128xf32, #tpu.memory_space<vmem_shared>> -> memref<10112x128xf32, #tpu.memory_space<vmem_shared>>
      tpu.enqueue_indirect_dma source(%arg20 : memref<96x128xf32, #tpu.memory_space<vmem>>) target(%dma_start3A_305 : memref<10112x128xf32, #tpu.memory_space<vmem_shared>>) offsets(%arg17 : memref<96xi32, #tpu.memory_space<vmem>>) semaphore(%arg26 : memref<!tpu.dma_semaphore, #tpu.memory_space<semaphore_mem>>) {add = true}
      %mul3A_306 = arith.constant 6 : i32
      %mul3A_307 = arith.muli %while3A_174, %mul3A_306 : i32
      %add3A_308 = arith.constant 5 : i32
      %add3A_309 = arith.addi %mul3A_307, %add3A_308 : i32
      %ge3A_310 = arith.constant 1 : i32
      %ge3A_311 = arith.cmpi sge, %add3A_309, %ge3A_310 : i32
      %convert_element_type3A_312 = arith.extui %ge3A_311 : i1 to i32
      %cond3A_313 = arith.constant 0 : i32
      %cond3A_314 = arith.cmpi ne, %convert_element_type3A_312, %cond3A_313 : i32
      scf.if %cond3A_314 {
        %dma_wait3A_333 = arith.constant 0 : i32
        %dma_wait3A_334 = arith.constant 0 : i32
        %dma_wait3A_335 = tpu.memref_slice %arg6[%dma_wait3A_333, %dma_wait3A_334] : memref<10112x128xf32, #tpu.memory_space<vmem_shared>> -> memref<10112x128xf32, #tpu.memory_space<vmem_shared>>
        tpu.wait_indirect_dma semaphore(%arg26 : memref<!tpu.dma_semaphore, #tpu.memory_space<semaphore_mem>>) src(%arg20 : memref<96x128xf32, #tpu.memory_space<vmem>>) dst(%dma_wait3A_335 : memref<10112x128xf32, #tpu.memory_space<vmem_shared>>)
      } else {
      }
      %add3A_315 = arith.constant 2 : i32
      %add3A_316 = arith.addi %add3A_309, %add3A_315 : i32
      %lt3A_317 = arith.cmpi slt, %add3A_316, %select_n3A_8 : i32
      %convert_element_type3A_318 = arith.extui %lt3A_317 : i1 to i32
      %cond3A_319 = arith.constant 0 : i32
      %cond3A_320 = arith.cmpi ne, %convert_element_type3A_318, %cond3A_319 : i32
      scf.if %cond3A_320 {
        %dma_wait3A_333 = arith.constant 0 : i32
        %dma_wait3A_334 = tpu.memref_slice %arg3[%select_n3A, %dma_wait3A_333] : memref<3360x96xi32, #tpu.memory_space<hbm>> -> memref<1x96xi32, #tpu.memory_space<hbm>>
        %dma_wait3A_335 = tpu.memref_squeeze %dma_wait3A_334 : memref<1x96xi32, #tpu.memory_space<hbm>> -> memref<96xi32, #tpu.memory_space<hbm>>
        %dma_wait3A_336 = arith.constant 0 : i32
        %dma_wait3A_337 = tpu.memref_slice %arg3[%select_n3A, %dma_wait3A_336] : memref<3360x96xi32, #tpu.memory_space<hbm>> -> memref<1x96xi32, #tpu.memory_space<hbm>>
        %dma_wait3A_338 = tpu.memref_squeeze %dma_wait3A_337 : memref<1x96xi32, #tpu.memory_space<hbm>> -> memref<96xi32, #tpu.memory_space<hbm>>
        tpu.wait_dma2 semaphore(%arg29 : memref<!tpu.dma_semaphore, #tpu.memory_space<semaphore_mem>>) src(%dma_wait3A_338 : memref<96xi32, #tpu.memory_space<hbm>>) dst(%arg8 : memref<96xi32, #tpu.memory_space<vmem>>)
        %dma_wait3A_339 = arith.constant 0 : i32
        %dma_wait3A_340 = tpu.memref_slice %arg4[%select_n3A, %dma_wait3A_339] : memref<3360x96xi32, #tpu.memory_space<hbm>> -> memref<1x96xi32, #tpu.memory_space<hbm>>
        %dma_wait3A_341 = tpu.memref_squeeze %dma_wait3A_340 : memref<1x96xi32, #tpu.memory_space<hbm>> -> memref<96xi32, #tpu.memory_space<hbm>>
        %dma_wait3A_342 = arith.constant 0 : i32
        %dma_wait3A_343 = tpu.memref_slice %arg4[%select_n3A, %dma_wait3A_342] : memref<3360x96xi32, #tpu.memory_space<hbm>> -> memref<1x96xi32, #tpu.memory_space<hbm>>
        %dma_wait3A_344 = tpu.memref_squeeze %dma_wait3A_343 : memref<1x96xi32, #tpu.memory_space<hbm>> -> memref<96xi32, #tpu.memory_space<hbm>>
        tpu.wait_dma2 semaphore(%arg29 : memref<!tpu.dma_semaphore, #tpu.memory_space<semaphore_mem>>) src(%dma_wait3A_344 : memref<96xi32, #tpu.memory_space<hbm>>) dst(%arg14 : memref<96xi32, #tpu.memory_space<vmem>>)
        %dma_start3A_345 = arith.constant 0 : i32
        %dma_start3A_346 = arith.constant 0 : i32
        %dma_start3A_347 = tpu.memref_slice %arg2[%dma_start3A_345, %dma_start3A_346] : memref<10000x128xf32, #tpu.memory_space<hbm>> -> memref<10000x128xf32, #tpu.memory_space<hbm>>
        tpu.enqueue_indirect_dma source(%dma_start3A_347 : memref<10000x128xf32, #tpu.memory_space<hbm>>) target(%arg20 : memref<96x128xf32, #tpu.memory_space<vmem>>) offsets(%arg8 : memref<96xi32, #tpu.memory_space<vmem>>) semaphore(%arg23 : memref<!tpu.dma_semaphore, #tpu.memory_space<semaphore_mem>>)
      } else {
      }
      %add3A_321 = arith.constant 4 : i32
      %add3A_322 = arith.addi %add3A_309, %add3A_321 : i32
      %lt3A_323 = arith.cmpi slt, %add3A_322, %select_n3A_8 : i32
      %convert_element_type3A_324 = arith.extui %lt3A_323 : i1 to i32
      %cond3A_325 = arith.constant 0 : i32
      %cond3A_326 = arith.cmpi ne, %convert_element_type3A_324, %cond3A_325 : i32
      scf.if %cond3A_326 {
        %add3A_333 = arith.constant 4 : i32
        %add3A_334 = arith.addi %add3A_309, %add3A_333 : i32
        %add3A_335 = arith.addi %select_n3A, %add3A_334 : i32
        %dma_start3A_336 = arith.constant 0 : i32
        %dma_start3A_337 = tpu.memref_slice %arg3[%add3A_335, %dma_start3A_336] : memref<3360x96xi32, #tpu.memory_space<hbm>> -> memref<1x96xi32, #tpu.memory_space<hbm>>
        %dma_start3A_338 = tpu.memref_squeeze %dma_start3A_337 : memref<1x96xi32, #tpu.memory_space<hbm>> -> memref<96xi32, #tpu.memory_space<hbm>>
        %dma_start3A_339 = arith.constant 0 : i32
        %dma_start3A_340 = tpu.memref_slice %arg3[%add3A_335, %dma_start3A_339] : memref<3360x96xi32, #tpu.memory_space<hbm>> -> memref<1x96xi32, #tpu.memory_space<hbm>>
        %dma_start3A_341 = tpu.memref_squeeze %dma_start3A_340 : memref<1x96xi32, #tpu.memory_space<hbm>> -> memref<96xi32, #tpu.memory_space<hbm>>
        tpu.enqueue_dma source(%dma_start3A_341 : memref<96xi32, #tpu.memory_space<hbm>>) target(%arg10 : memref<96xi32, #tpu.memory_space<vmem>>) target_semaphore(%arg31 : memref<!tpu.dma_semaphore, #tpu.memory_space<semaphore_mem>>)
        %add3A_342 = arith.addi %select_n3A, %add3A_334 : i32
        %dma_start3A_343 = arith.constant 0 : i32
        %dma_start3A_344 = tpu.memref_slice %arg4[%add3A_342, %dma_start3A_343] : memref<3360x96xi32, #tpu.memory_space<hbm>> -> memref<1x96xi32, #tpu.memory_space<hbm>>
        %dma_start3A_345 = tpu.memref_squeeze %dma_start3A_344 : memref<1x96xi32, #tpu.memory_space<hbm>> -> memref<96xi32, #tpu.memory_space<hbm>>
        %dma_start3A_346 = arith.constant 0 : i32
        %dma_start3A_347 = tpu.memref_slice %arg4[%add3A_342, %dma_start3A_346] : memref<3360x96xi32, #tpu.memory_space<hbm>> -> memref<1x96xi32, #tpu.memory_space<hbm>>
        %dma_start3A_348 = tpu.memref_squeeze %dma_start3A_347 : memref<1x96xi32, #tpu.memory_space<hbm>> -> memref<96xi32, #tpu.memory_space<hbm>>
        tpu.enqueue_dma source(%dma_start3A_348 : memref<96xi32, #tpu.memory_space<hbm>>) target(%arg16 : memref<96xi32, #tpu.memory_space<vmem>>) target_semaphore(%arg31 : memref<!tpu.dma_semaphore, #tpu.memory_space<semaphore_mem>>)
      } else {
      }
      %dma_wait3A_327 = arith.constant 0 : i32
      %dma_wait3A_328 = arith.constant 0 : i32
      %dma_wait3A_329 = tpu.memref_slice %arg2[%dma_wait3A_327, %dma_wait3A_328] : memref<10000x128xf32, #tpu.memory_space<hbm>> -> memref<10000x128xf32, #tpu.memory_space<hbm>>
      tpu.wait_indirect_dma semaphore(%arg24 : memref<!tpu.dma_semaphore, #tpu.memory_space<semaphore_mem>>) src(%dma_wait3A_329 : memref<10000x128xf32, #tpu.memory_space<hbm>>) dst(%arg21 : memref<96x128xf32, #tpu.memory_space<vmem>>)
      %dma_start3A_330 = arith.constant 0 : i32
      %dma_start3A_331 = arith.constant 0 : i32
      %dma_start3A_332 = tpu.memref_slice %arg6[%dma_start3A_330, %dma_start3A_331] : memref<10112x128xf32, #tpu.memory_space<vmem_shared>> -> memref<10112x128xf32, #tpu.memory_space<vmem_shared>>
      tpu.enqueue_indirect_dma source(%arg21 : memref<96x128xf32, #tpu.memory_space<vmem>>) target(%dma_start3A_332 : memref<10112x128xf32, #tpu.memory_space<vmem_shared>>) offsets(%arg18 : memref<96xi32, #tpu.memory_space<vmem>>) semaphore(%arg27 : memref<!tpu.dma_semaphore, #tpu.memory_space<semaphore_mem>>) {add = true}
    }
    %dma_wait3A_166 = arith.constant 0 : i32
    %dma_wait3A_167 = arith.constant 0 : i32
    %dma_wait3A_168 = tpu.memref_slice %arg6[%dma_wait3A_166, %dma_wait3A_167] : memref<10112x128xf32, #tpu.memory_space<vmem_shared>> -> memref<10112x128xf32, #tpu.memory_space<vmem_shared>>
    tpu.wait_indirect_dma semaphore(%arg27 : memref<!tpu.dma_semaphore, #tpu.memory_space<semaphore_mem>>) src(%arg21 : memref<96x128xf32, #tpu.memory_space<vmem>>) dst(%dma_wait3A_168 : memref<10112x128xf32, #tpu.memory_space<vmem_shared>>)
    %barrier3A_169 = arith.constant 0 : index
    tpu.barrier barrier_id(%barrier3A_169)
    %mul3A_170 = arith.constant 632 : i32
    %mul3A_171 = arith.muli %arg1, %mul3A_170 : i32
    %mul3A_172 = arith.constant 632 : i32
    %mul3A_173 = arith.muli %arg1, %mul3A_172 : i32
    "tpu.region"() ({
      %run_scoped3A = tpu.sem_alloc : memref<!tpu.dma_semaphore, #tpu.memory_space<semaphore_mem>>
      %dma_start3A_174 = arith.constant 0 : i32
      %dma_start3A_175 = tpu.memref_slice %arg5[%arg0, %mul3A_173, %dma_start3A_174] : memref<2x10112x128xf32, #tpu.memory_space<hbm>> -> memref<1x632x128xf32, #tpu.memory_space<hbm>>
      %dma_start3A_176 = tpu.memref_squeeze %dma_start3A_175 : memref<1x632x128xf32, #tpu.memory_space<hbm>> -> memref<632x128xf32, #tpu.memory_space<hbm>>
      %dma_start3A_177 = arith.constant 0 : i32
      %dma_start3A_178 = tpu.memref_slice %arg6[%mul3A_171, %dma_start3A_177] : memref<10112x128xf32, #tpu.memory_space<vmem_shared>> -> memref<632x128xf32, #tpu.memory_space<vmem_shared>>
      tpu.enqueue_dma source(%dma_start3A_178 : memref<632x128xf32, #tpu.memory_space<vmem_shared>>) target(%dma_start3A_176 : memref<632x128xf32, #tpu.memory_space<hbm>>) target_semaphore(%run_scoped3A : memref<!tpu.dma_semaphore, #tpu.memory_space<semaphore_mem>>)
      %dma_wait3A_179 = arith.constant 0 : i32
      %dma_wait3A_180 = tpu.memref_slice %arg5[%arg0, %mul3A_173, %dma_wait3A_179] : memref<2x10112x128xf32, #tpu.memory_space<hbm>> -> memref<1x632x128xf32, #tpu.memory_space<hbm>>
      %dma_wait3A_181 = tpu.memref_squeeze %dma_wait3A_180 : memref<1x632x128xf32, #tpu.memory_space<hbm>> -> memref<632x128xf32, #tpu.memory_space<hbm>>
      %dma_wait3A_182 = arith.constant 0 : i32
      %dma_wait3A_183 = tpu.memref_slice %arg6[%mul3A_171, %dma_wait3A_182] : memref<10112x128xf32, #tpu.memory_space<vmem_shared>> -> memref<632x128xf32, #tpu.memory_space<vmem_shared>>
      tpu.wait_dma2 semaphore(%run_scoped3A : memref<!tpu.dma_semaphore, #tpu.memory_space<semaphore_mem>>) src(%dma_wait3A_183 : memref<632x128xf32, #tpu.memory_space<vmem_shared>>) dst(%dma_wait3A_181 : memref<632x128xf32, #tpu.memory_space<hbm>>)
      tpu.yield
    }) : () -> ()
    return
  }
}

#map = affine_map<(d0, d1) -> (0, 0)>
#map1 = affine_map<(d0, d1) -> (0, 0, 0)>
#map2 = affine_map<(d0, d1) -> (0)>
module attributes {stable_mosaic.version = 14 : i64} {
  func.func @agg(%arg0: i32, %arg1: i32, %arg2: memref<10000x128xf32, #tpu.memory_space<hbm>>, %arg3: memref<3360x96xi32, #tpu.memory_space<hbm>>, %arg4: memref<3360x96xi32, #tpu.memory_space<hbm>>, %arg5: memref<2x10112x128xf32, #tpu.memory_space<hbm>>, %arg6: memref<327680xf32, #tpu.memory_space<hbm>>, %arg7: memref<10112x128xf32, #tpu.memory_space<vmem_shared>>, %arg8: memref<96xi32, #tpu.memory_space<vmem>>, %arg9: memref<96xi32, #tpu.memory_space<vmem>>, %arg10: memref<96xi32, #tpu.memory_space<vmem>>, %arg11: memref<96xi32, #tpu.memory_space<vmem>>, %arg12: memref<96xi32, #tpu.memory_space<vmem>>, %arg13: memref<96xi32, #tpu.memory_space<vmem>>, %arg14: memref<96xi32, #tpu.memory_space<vmem>>, %arg15: memref<96xi32, #tpu.memory_space<vmem>>, %arg16: memref<96xi32, #tpu.memory_space<vmem>>, %arg17: memref<96xi32, #tpu.memory_space<vmem>>, %arg18: memref<96xi32, #tpu.memory_space<vmem>>, %arg19: memref<96xi32, #tpu.memory_space<vmem>>, %arg20: memref<96x128xf32, #tpu.memory_space<vmem>>, %arg21: memref<96x128xf32, #tpu.memory_space<vmem>>, %arg22: memref<96x128xf32, #tpu.memory_space<vmem>>, %arg23: memref<!tpu.dma_semaphore, #tpu.memory_space<semaphore_mem>>, %arg24: memref<!tpu.dma_semaphore, #tpu.memory_space<semaphore_mem>>, %arg25: memref<!tpu.dma_semaphore, #tpu.memory_space<semaphore_mem>>, %arg26: memref<!tpu.dma_semaphore, #tpu.memory_space<semaphore_mem>>, %arg27: memref<!tpu.dma_semaphore, #tpu.memory_space<semaphore_mem>>, %arg28: memref<!tpu.dma_semaphore, #tpu.memory_space<semaphore_mem>>, %arg29: memref<!tpu.dma_semaphore, #tpu.memory_space<semaphore_mem>>, %arg30: memref<!tpu.dma_semaphore, #tpu.memory_space<semaphore_mem>>, %arg31: memref<!tpu.dma_semaphore, #tpu.memory_space<semaphore_mem>>, %arg32: memref<!tpu.dma_semaphore, #tpu.memory_space<semaphore_mem>>, %arg33: memref<!tpu.dma_semaphore, #tpu.memory_space<semaphore_mem>>, %arg34: memref<!tpu.dma_semaphore, #tpu.memory_space<semaphore_mem>>, %arg35: memref<10240xf32, #tpu.memory_space<vmem>>) attributes {dimension_semantics = [#tpu.dimension_semantics<core_parallel>, #tpu.dimension_semantics<subcore_parallel>], iteration_bounds = array<i64: 2, 16>, scalar_prefetch = 0 : i64, scratch_operands = 29 : i64, tpu.core_type = #tpu.core_type<sc_vector_subcore>, window_params = [{transform_indices = #map}, {transform_indices = #map}, {transform_indices = #map}, {transform_indices = #map1}, {transform_indices = #map2}]} {
    %eq3A = arith.constant 0 : i32
    %eq3A_0 = arith.cmpi eq, %arg0, %eq3A : i32
    %mul3A = arith.constant 198 : i32
    %mul3A_1 = arith.muli %arg1, %mul3A : i32
    %mul3A_2 = arith.constant 12 : i32
    %mul3A_3 = arith.muli %arg1, %mul3A_2 : i32
    %add3A = arith.constant 3168 : i32
    %add3A_4 = arith.addi %add3A, %mul3A_3 : i32
    %select_n3A = arith.select %eq3A_0, %mul3A_1, %add3A_4 : i32
    %eq3A_5 = arith.constant 0 : i32
    %eq3A_6 = arith.cmpi eq, %arg0, %eq3A_5 : i32
    %jit3A = arith.constant 198 : i32
    %jit3A_7 = arith.constant 12 : i32
    %select_n3A_8 = arith.select %eq3A_6, %jit3A, %jit3A_7 : i32
    %broadcast_in_dim3A = arith.constant 0.000000e+00 : f32
    %broadcast_in_dim3A_9 = vector.broadcast %broadcast_in_dim3A : f32 to vector<16xf32>
    %scan3A = arith.constant 0 : i32
    %scan3A_10 = arith.constant 0 : i32
    %scan3A_11 = arith.constant 96 : i32
    %scan3A_12 = arith.addi %scan3A_10, %scan3A_11 : i32
    %scan3A_13 = arith.constant 1 : i32
    scf.for %scan3A_187 = %scan3A_10 to %scan3A_12 step %scan3A_13  : i32 {
      %swap3A = arith.index_cast %scan3A_187 : i32 to index
      %swap3A_188 = arith.constant 0 : index
      %swap3A_189 = tpu.vector_load %arg20[%swap3A, %swap3A_188] {strides = array<i32>} : memref<96x128xf32, #tpu.memory_space<vmem>>, vector<16xf32>,
      tpu.vector_store %arg20[%swap3A, %swap3A_188], %broadcast_in_dim3A_9 {strides = array<i32>} : memref<96x128xf32, #tpu.memory_space<vmem>>, vector<16xf32>,
      %swap3A_190 = arith.index_cast %scan3A_187 : i32 to index
      %swap3A_191 = arith.constant 16 : index
      %swap3A_192 = tpu.vector_load %arg20[%swap3A_190, %swap3A_191] {strides = array<i32>} : memref<96x128xf32, #tpu.memory_space<vmem>>, vector<16xf32>,
      tpu.vector_store %arg20[%swap3A_190, %swap3A_191], %broadcast_in_dim3A_9 {strides = array<i32>} : memref<96x128xf32, #tpu.memory_space<vmem>>, vector<16xf32>,
      %swap3A_193 = arith.index_cast %scan3A_187 : i32 to index
      %swap3A_194 = arith.constant 32 : index
      %swap3A_195 = tpu.vector_load %arg20[%swap3A_193, %swap3A_194] {strides = array<i32>} : memref<96x128xf32, #tpu.memory_space<vmem>>, vector<16xf32>,
      tpu.vector_store %arg20[%swap3A_193, %swap3A_194], %broadcast_in_dim3A_9 {strides = array<i32>} : memref<96x128xf32, #tpu.memory_space<vmem>>, vector<16xf32>,
      %swap3A_196 = arith.index_cast %scan3A_187 : i32 to index
      %swap3A_197 = arith.constant 48 : index
      %swap3A_198 = tpu.vector_load %arg20[%swap3A_196, %swap3A_197] {strides = array<i32>} : memref<96x128xf32, #tpu.memory_space<vmem>>, vector<16xf32>,
      tpu.vector_store %arg20[%swap3A_196, %swap3A_197], %broadcast_in_dim3A_9 {strides = array<i32>} : memref<96x128xf32, #tpu.memory_space<vmem>>, vector<16xf32>,
      %swap3A_199 = arith.index_cast %scan3A_187 : i32 to index
      %swap3A_200 = arith.constant 64 : index
      %swap3A_201 = tpu.vector_load %arg20[%swap3A_199, %swap3A_200] {strides = array<i32>} : memref<96x128xf32, #tpu.memory_space<vmem>>, vector<16xf32>,
      tpu.vector_store %arg20[%swap3A_199, %swap3A_200], %broadcast_in_dim3A_9 {strides = array<i32>} : memref<96x128xf32, #tpu.memory_space<vmem>>, vector<16xf32>,
      %swap3A_202 = arith.index_cast %scan3A_187 : i32 to index
      %swap3A_203 = arith.constant 80 : index
      %swap3A_204 = tpu.vector_load %arg20[%swap3A_202, %swap3A_203] {strides = array<i32>} : memref<96x128xf32, #tpu.memory_space<vmem>>, vector<16xf32>,
      tpu.vector_store %arg20[%swap3A_202, %swap3A_203], %broadcast_in_dim3A_9 {strides = array<i32>} : memref<96x128xf32, #tpu.memory_space<vmem>>, vector<16xf32>,
      %swap3A_205 = arith.index_cast %scan3A_187 : i32 to index
      %swap3A_206 = arith.constant 96 : index
      %swap3A_207 = tpu.vector_load %arg20[%swap3A_205, %swap3A_206] {strides = array<i32>} : memref<96x128xf32, #tpu.memory_space<vmem>>, vector<16xf32>,
      tpu.vector_store %arg20[%swap3A_205, %swap3A_206], %broadcast_in_dim3A_9 {strides = array<i32>} : memref<96x128xf32, #tpu.memory_space<vmem>>, vector<16xf32>,
      %swap3A_208 = arith.index_cast %scan3A_187 : i32 to index
      %swap3A_209 = arith.constant 112 : index
      %swap3A_210 = tpu.vector_load %arg20[%swap3A_208, %swap3A_209] {strides = array<i32>} : memref<96x128xf32, #tpu.memory_space<vmem>>, vector<16xf32>,
      tpu.vector_store %arg20[%swap3A_208, %swap3A_209], %broadcast_in_dim3A_9 {strides = array<i32>} : memref<96x128xf32, #tpu.memory_space<vmem>>, vector<16xf32>,
    }
    %scan3A_14 = arith.constant 96 : i32
    %mul3A_15 = arith.constant 632 : i32
    %mul3A_16 = arith.muli %arg1, %mul3A_15 : i32
    %add3A_17 = arith.constant 0 : i32
    %add3A_18 = arith.addi %mul3A_16, %add3A_17 : i32
    "tpu.region"() ({
      %run_scoped3A = tpu.sem_alloc : memref<!tpu.dma_semaphore, #tpu.memory_space<semaphore_mem>>
      %dma_start3A_187 = arith.constant 0 : i32
      %dma_start3A_188 = tpu.memref_slice %arg7[%add3A_18, %dma_start3A_187] : memref<10112x128xf32, #tpu.memory_space<vmem_shared>> -> memref<96x128xf32, #tpu.memory_space<vmem_shared>>
      %dma_start3A_189 = arith.constant 0 : i32
      %dma_start3A_190 = tpu.memref_slice %arg7[%add3A_18, %dma_start3A_189] : memref<10112x128xf32, #tpu.memory_space<vmem_shared>> -> memref<96x128xf32, #tpu.memory_space<vmem_shared>>
      tpu.enqueue_dma source(%arg20 : memref<96x128xf32, #tpu.memory_space<vmem>>) target(%dma_start3A_190 : memref<96x128xf32, #tpu.memory_space<vmem_shared>>) target_semaphore(%run_scoped3A : memref<!tpu.dma_semaphore, #tpu.memory_space<semaphore_mem>>)
      %dma_wait3A_191 = arith.constant 0 : i32
      %dma_wait3A_192 = tpu.memref_slice %arg7[%add3A_18, %dma_wait3A_191] : memref<10112x128xf32, #tpu.memory_space<vmem_shared>> -> memref<96x128xf32, #tpu.memory_space<vmem_shared>>
      %dma_wait3A_193 = arith.constant 0 : i32
      %dma_wait3A_194 = tpu.memref_slice %arg7[%add3A_18, %dma_wait3A_193] : memref<10112x128xf32, #tpu.memory_space<vmem_shared>> -> memref<96x128xf32, #tpu.memory_space<vmem_shared>>
      tpu.wait_dma2 semaphore(%run_scoped3A : memref<!tpu.dma_semaphore, #tpu.memory_space<semaphore_mem>>) src(%arg20 : memref<96x128xf32, #tpu.memory_space<vmem>>) dst(%dma_wait3A_194 : memref<96x128xf32, #tpu.memory_space<vmem_shared>>)
      tpu.yield
    }) : () -> ()
    %mul3A_19 = arith.constant 632 : i32
    %mul3A_20 = arith.muli %arg1, %mul3A_19 : i32
    %add3A_21 = arith.constant 96 : i32
    %add3A_22 = arith.addi %mul3A_20, %add3A_21 : i32
    "tpu.region"() ({
      %run_scoped3A = tpu.sem_alloc : memref<!tpu.dma_semaphore, #tpu.memory_space<semaphore_mem>>
      %dma_start3A_187 = arith.constant 0 : i32
      %dma_start3A_188 = tpu.memref_slice %arg7[%add3A_22, %dma_start3A_187] : memref<10112x128xf32, #tpu.memory_space<vmem_shared>> -> memref<96x128xf32, #tpu.memory_space<vmem_shared>>
      %dma_start3A_189 = arith.constant 0 : i32
      %dma_start3A_190 = tpu.memref_slice %arg7[%add3A_22, %dma_start3A_189] : memref<10112x128xf32, #tpu.memory_space<vmem_shared>> -> memref<96x128xf32, #tpu.memory_space<vmem_shared>>
      tpu.enqueue_dma source(%arg20 : memref<96x128xf32, #tpu.memory_space<vmem>>) target(%dma_start3A_190 : memref<96x128xf32, #tpu.memory_space<vmem_shared>>) target_semaphore(%run_scoped3A : memref<!tpu.dma_semaphore, #tpu.memory_space<semaphore_mem>>)
      %dma_wait3A_191 = arith.constant 0 : i32
      %dma_wait3A_192 = tpu.memref_slice %arg7[%add3A_22, %dma_wait3A_191] : memref<10112x128xf32, #tpu.memory_space<vmem_shared>> -> memref<96x128xf32, #tpu.memory_space<vmem_shared>>
      %dma_wait3A_193 = arith.constant 0 : i32
      %dma_wait3A_194 = tpu.memref_slice %arg7[%add3A_22, %dma_wait3A_193] : memref<10112x128xf32, #tpu.memory_space<vmem_shared>> -> memref<96x128xf32, #tpu.memory_space<vmem_shared>>
      tpu.wait_dma2 semaphore(%run_scoped3A : memref<!tpu.dma_semaphore, #tpu.memory_space<semaphore_mem>>) src(%arg20 : memref<96x128xf32, #tpu.memory_space<vmem>>) dst(%dma_wait3A_194 : memref<96x128xf32, #tpu.memory_space<vmem_shared>>)
      tpu.yield
    }) : () -> ()
    %mul3A_23 = arith.constant 632 : i32
    %mul3A_24 = arith.muli %arg1, %mul3A_23 : i32
    %add3A_25 = arith.constant 192 : i32
    %add3A_26 = arith.addi %mul3A_24, %add3A_25 : i32
    "tpu.region"() ({
      %run_scoped3A = tpu.sem_alloc : memref<!tpu.dma_semaphore, #tpu.memory_space<semaphore_mem>>
      %dma_start3A_187 = arith.constant 0 : i32
      %dma_start3A_188 = tpu.memref_slice %arg7[%add3A_26, %dma_start3A_187] : memref<10112x128xf32, #tpu.memory_space<vmem_shared>> -> memref<96x128xf32, #tpu.memory_space<vmem_shared>>
      %dma_start3A_189 = arith.constant 0 : i32
      %dma_start3A_190 = tpu.memref_slice %arg7[%add3A_26, %dma_start3A_189] : memref<10112x128xf32, #tpu.memory_space<vmem_shared>> -> memref<96x128xf32, #tpu.memory_space<vmem_shared>>
      tpu.enqueue_dma source(%arg20 : memref<96x128xf32, #tpu.memory_space<vmem>>) target(%dma_start3A_190 : memref<96x128xf32, #tpu.memory_space<vmem_shared>>) target_semaphore(%run_scoped3A : memref<!tpu.dma_semaphore, #tpu.memory_space<semaphore_mem>>)
      %dma_wait3A_191 = arith.constant 0 : i32
      %dma_wait3A_192 = tpu.memref_slice %arg7[%add3A_26, %dma_wait3A_191] : memref<10112x128xf32, #tpu.memory_space<vmem_shared>> -> memref<96x128xf32, #tpu.memory_space<vmem_shared>>
      %dma_wait3A_193 = arith.constant 0 : i32
      %dma_wait3A_194 = tpu.memref_slice %arg7[%add3A_26, %dma_wait3A_193] : memref<10112x128xf32, #tpu.memory_space<vmem_shared>> -> memref<96x128xf32, #tpu.memory_space<vmem_shared>>
      tpu.wait_dma2 semaphore(%run_scoped3A : memref<!tpu.dma_semaphore, #tpu.memory_space<semaphore_mem>>) src(%arg20 : memref<96x128xf32, #tpu.memory_space<vmem>>) dst(%dma_wait3A_194 : memref<96x128xf32, #tpu.memory_space<vmem_shared>>)
      tpu.yield
    }) : () -> ()
    %mul3A_27 = arith.constant 632 : i32
    %mul3A_28 = arith.muli %arg1, %mul3A_27 : i32
    %add3A_29 = arith.constant 288 : i32
    %add3A_30 = arith.addi %mul3A_28, %add3A_29 : i32
    "tpu.region"() ({
      %run_scoped3A = tpu.sem_alloc : memref<!tpu.dma_semaphore, #tpu.memory_space<semaphore_mem>>
      %dma_start3A_187 = arith.constant 0 : i32
      %dma_start3A_188 = tpu.memref_slice %arg7[%add3A_30, %dma_start3A_187] : memref<10112x128xf32, #tpu.memory_space<vmem_shared>> -> memref<96x128xf32, #tpu.memory_space<vmem_shared>>
      %dma_start3A_189 = arith.constant 0 : i32
      %dma_start3A_190 = tpu.memref_slice %arg7[%add3A_30, %dma_start3A_189] : memref<10112x128xf32, #tpu.memory_space<vmem_shared>> -> memref<96x128xf32, #tpu.memory_space<vmem_shared>>
      tpu.enqueue_dma source(%arg20 : memref<96x128xf32, #tpu.memory_space<vmem>>) target(%dma_start3A_190 : memref<96x128xf32, #tpu.memory_space<vmem_shared>>) target_semaphore(%run_scoped3A : memref<!tpu.dma_semaphore, #tpu.memory_space<semaphore_mem>>)
      %dma_wait3A_191 = arith.constant 0 : i32
      %dma_wait3A_192 = tpu.memref_slice %arg7[%add3A_30, %dma_wait3A_191] : memref<10112x128xf32, #tpu.memory_space<vmem_shared>> -> memref<96x128xf32, #tpu.memory_space<vmem_shared>>
      %dma_wait3A_193 = arith.constant 0 : i32
      %dma_wait3A_194 = tpu.memref_slice %arg7[%add3A_30, %dma_wait3A_193] : memref<10112x128xf32, #tpu.memory_space<vmem_shared>> -> memref<96x128xf32, #tpu.memory_space<vmem_shared>>
      tpu.wait_dma2 semaphore(%run_scoped3A : memref<!tpu.dma_semaphore, #tpu.memory_space<semaphore_mem>>) src(%arg20 : memref<96x128xf32, #tpu.memory_space<vmem>>) dst(%dma_wait3A_194 : memref<96x128xf32, #tpu.memory_space<vmem_shared>>)
      tpu.yield
    }) : () -> ()
    %mul3A_31 = arith.constant 632 : i32
    %mul3A_32 = arith.muli %arg1, %mul3A_31 : i32
    %add3A_33 = arith.constant 384 : i32
    %add3A_34 = arith.addi %mul3A_32, %add3A_33 : i32
    "tpu.region"() ({
      %run_scoped3A = tpu.sem_alloc : memref<!tpu.dma_semaphore, #tpu.memory_space<semaphore_mem>>
      %dma_start3A_187 = arith.constant 0 : i32
      %dma_start3A_188 = tpu.memref_slice %arg7[%add3A_34, %dma_start3A_187] : memref<10112x128xf32, #tpu.memory_space<vmem_shared>> -> memref<96x128xf32, #tpu.memory_space<vmem_shared>>
      %dma_start3A_189 = arith.constant 0 : i32
      %dma_start3A_190 = tpu.memref_slice %arg7[%add3A_34, %dma_start3A_189] : memref<10112x128xf32, #tpu.memory_space<vmem_shared>> -> memref<96x128xf32, #tpu.memory_space<vmem_shared>>
      tpu.enqueue_dma source(%arg20 : memref<96x128xf32, #tpu.memory_space<vmem>>) target(%dma_start3A_190 : memref<96x128xf32, #tpu.memory_space<vmem_shared>>) target_semaphore(%run_scoped3A : memref<!tpu.dma_semaphore, #tpu.memory_space<semaphore_mem>>)
      %dma_wait3A_191 = arith.constant 0 : i32
      %dma_wait3A_192 = tpu.memref_slice %arg7[%add3A_34, %dma_wait3A_191] : memref<10112x128xf32, #tpu.memory_space<vmem_shared>> -> memref<96x128xf32, #tpu.memory_space<vmem_shared>>
      %dma_wait3A_193 = arith.constant 0 : i32
      %dma_wait3A_194 = tpu.memref_slice %arg7[%add3A_34, %dma_wait3A_193] : memref<10112x128xf32, #tpu.memory_space<vmem_shared>> -> memref<96x128xf32, #tpu.memory_space<vmem_shared>>
      tpu.wait_dma2 semaphore(%run_scoped3A : memref<!tpu.dma_semaphore, #tpu.memory_space<semaphore_mem>>) src(%arg20 : memref<96x128xf32, #tpu.memory_space<vmem>>) dst(%dma_wait3A_194 : memref<96x128xf32, #tpu.memory_space<vmem_shared>>)
      tpu.yield
    }) : () -> ()
    %mul3A_35 = arith.constant 632 : i32
    %mul3A_36 = arith.muli %arg1, %mul3A_35 : i32
    %add3A_37 = arith.constant 480 : i32
    %add3A_38 = arith.addi %mul3A_36, %add3A_37 : i32
    "tpu.region"() ({
      %run_scoped3A = tpu.sem_alloc : memref<!tpu.dma_semaphore, #tpu.memory_space<semaphore_mem>>
      %dma_start3A_187 = arith.constant 0 : i32
      %dma_start3A_188 = tpu.memref_slice %arg7[%add3A_38, %dma_start3A_187] : memref<10112x128xf32, #tpu.memory_space<vmem_shared>> -> memref<96x128xf32, #tpu.memory_space<vmem_shared>>
      %dma_start3A_189 = arith.constant 0 : i32
      %dma_start3A_190 = tpu.memref_slice %arg7[%add3A_38, %dma_start3A_189] : memref<10112x128xf32, #tpu.memory_space<vmem_shared>> -> memref<96x128xf32, #tpu.memory_space<vmem_shared>>
      tpu.enqueue_dma source(%arg20 : memref<96x128xf32, #tpu.memory_space<vmem>>) target(%dma_start3A_190 : memref<96x128xf32, #tpu.memory_space<vmem_shared>>) target_semaphore(%run_scoped3A : memref<!tpu.dma_semaphore, #tpu.memory_space<semaphore_mem>>)
      %dma_wait3A_191 = arith.constant 0 : i32
      %dma_wait3A_192 = tpu.memref_slice %arg7[%add3A_38, %dma_wait3A_191] : memref<10112x128xf32, #tpu.memory_space<vmem_shared>> -> memref<96x128xf32, #tpu.memory_space<vmem_shared>>
      %dma_wait3A_193 = arith.constant 0 : i32
      %dma_wait3A_194 = tpu.memref_slice %arg7[%add3A_38, %dma_wait3A_193] : memref<10112x128xf32, #tpu.memory_space<vmem_shared>> -> memref<96x128xf32, #tpu.memory_space<vmem_shared>>
      tpu.wait_dma2 semaphore(%run_scoped3A : memref<!tpu.dma_semaphore, #tpu.memory_space<semaphore_mem>>) src(%arg20 : memref<96x128xf32, #tpu.memory_space<vmem>>) dst(%dma_wait3A_194 : memref<96x128xf32, #tpu.memory_space<vmem_shared>>)
      tpu.yield
    }) : () -> ()
    %mul3A_39 = arith.constant 632 : i32
    %mul3A_40 = arith.muli %arg1, %mul3A_39 : i32
    %add3A_41 = arith.constant 632 : i32
    %add3A_42 = arith.addi %mul3A_40, %add3A_41 : i32
    %sub3A = arith.constant 56 : i32
    %sub3A_43 = arith.subi %add3A_42, %sub3A : i32
    "tpu.region"() ({
      %run_scoped3A = tpu.sem_alloc : memref<!tpu.dma_semaphore, #tpu.memory_space<semaphore_mem>>
      %dma_start3A_187 = arith.constant 0 : i32
      %dma_start3A_188 = arith.constant 0 : i32
      %dma_start3A_189 = tpu.memref_slice %arg20[%dma_start3A_187, %dma_start3A_188] : memref<96x128xf32, #tpu.memory_space<vmem>> -> memref<56x128xf32, #tpu.memory_space<vmem>>
      %dma_start3A_190 = arith.constant 0 : i32
      %dma_start3A_191 = tpu.memref_slice %arg7[%sub3A_43, %dma_start3A_190] : memref<10112x128xf32, #tpu.memory_space<vmem_shared>> -> memref<56x128xf32, #tpu.memory_space<vmem_shared>>
      %dma_start3A_192 = arith.constant 0 : i32
      %dma_start3A_193 = tpu.memref_slice %arg7[%sub3A_43, %dma_start3A_192] : memref<10112x128xf32, #tpu.memory_space<vmem_shared>> -> memref<56x128xf32, #tpu.memory_space<vmem_shared>>
      %dma_start3A_194 = arith.constant 0 : i32
      %dma_start3A_195 = arith.constant 0 : i32
      %dma_start3A_196 = tpu.memref_slice %arg20[%dma_start3A_194, %dma_start3A_195] : memref<96x128xf32, #tpu.memory_space<vmem>> -> memref<56x128xf32, #tpu.memory_space<vmem>>
      tpu.enqueue_dma source(%dma_start3A_196 : memref<56x128xf32, #tpu.memory_space<vmem>>) target(%dma_start3A_193 : memref<56x128xf32, #tpu.memory_space<vmem_shared>>) target_semaphore(%run_scoped3A : memref<!tpu.dma_semaphore, #tpu.memory_space<semaphore_mem>>)
      %dma_wait3A_197 = arith.constant 0 : i32
      %dma_wait3A_198 = arith.constant 0 : i32
      %dma_wait3A_199 = tpu.memref_slice %arg20[%dma_wait3A_197, %dma_wait3A_198] : memref<96x128xf32, #tpu.memory_space<vmem>> -> memref<56x128xf32, #tpu.memory_space<vmem>>
      %dma_wait3A_200 = arith.constant 0 : i32
      %dma_wait3A_201 = tpu.memref_slice %arg7[%sub3A_43, %dma_wait3A_200] : memref<10112x128xf32, #tpu.memory_space<vmem_shared>> -> memref<56x128xf32, #tpu.memory_space<vmem_shared>>
      %dma_wait3A_202 = arith.constant 0 : i32
      %dma_wait3A_203 = tpu.memref_slice %arg7[%sub3A_43, %dma_wait3A_202] : memref<10112x128xf32, #tpu.memory_space<vmem_shared>> -> memref<56x128xf32, #tpu.memory_space<vmem_shared>>
      %dma_wait3A_204 = arith.constant 0 : i32
      %dma_wait3A_205 = arith.constant 0 : i32
      %dma_wait3A_206 = tpu.memref_slice %arg20[%dma_wait3A_204, %dma_wait3A_205] : memref<96x128xf32, #tpu.memory_space<vmem>> -> memref<56x128xf32, #tpu.memory_space<vmem>>
      tpu.wait_dma2 semaphore(%run_scoped3A : memref<!tpu.dma_semaphore, #tpu.memory_space<semaphore_mem>>) src(%dma_wait3A_206 : memref<56x128xf32, #tpu.memory_space<vmem>>) dst(%dma_wait3A_203 : memref<56x128xf32, #tpu.memory_space<vmem_shared>>)
      tpu.yield
    }) : () -> ()
    %scan3A_44 = arith.constant 0 : i32
    %scan3A_45 = arith.constant 0 : i32
    %scan3A_46 = arith.constant 640 : i32
    %scan3A_47 = arith.addi %scan3A_45, %scan3A_46 : i32
    %scan3A_48 = arith.constant 1 : i32
    scf.for %scan3A_187 = %scan3A_45 to %scan3A_47 step %scan3A_48  : i32 {
      %mul3A_188 = arith.constant 16 : i32
      %mul3A_189 = arith.muli %scan3A_187, %mul3A_188 : i32
      %swap3A = arith.index_cast %mul3A_189 : i32 to index
      %swap3A_190 = tpu.vector_load %arg35[%swap3A] {strides = array<i32>} : memref<10240xf32, #tpu.memory_space<vmem>>, vector<16xf32>,
      tpu.vector_store %arg35[%swap3A], %broadcast_in_dim3A_9 {strides = array<i32>} : memref<10240xf32, #tpu.memory_space<vmem>>, vector<16xf32>,
    }
    %scan3A_49 = arith.constant 640 : i32
    %broadcast_in_dim3A_50 = arith.constant 1.000000e+00 : f32
    %broadcast_in_dim3A_51 = vector.broadcast %broadcast_in_dim3A_50 : f32 to vector<16xf32>
    %barrier3A = arith.constant 0 : index
    tpu.barrier barrier_id(%barrier3A)
    %add3A_52 = arith.constant 0 : i32
    %add3A_53 = arith.addi %select_n3A, %add3A_52 : i32
    %dma_start3A = arith.constant 0 : i32
    %dma_start3A_54 = tpu.memref_slice %arg3[%add3A_53, %dma_start3A] : memref<3360x96xi32, #tpu.memory_space<hbm>> -> memref<1x96xi32, #tpu.memory_space<hbm>>
    %dma_start3A_55 = tpu.memref_squeeze %dma_start3A_54 : memref<1x96xi32, #tpu.memory_space<hbm>> -> memref<96xi32, #tpu.memory_space<hbm>>
    %dma_start3A_56 = arith.constant 0 : i32
    %dma_start3A_57 = tpu.memref_slice %arg3[%add3A_53, %dma_start3A_56] : memref<3360x96xi32, #tpu.memory_space<hbm>> -> memref<1x96xi32, #tpu.memory_space<hbm>>
    %dma_start3A_58 = tpu.memref_squeeze %dma_start3A_57 : memref<1x96xi32, #tpu.memory_space<hbm>> -> memref<96xi32, #tpu.memory_space<hbm>>
    tpu.enqueue_dma source(%dma_start3A_58 : memref<96xi32, #tpu.memory_space<hbm>>) target(%arg8 : memref<96xi32, #tpu.memory_space<vmem>>) target_semaphore(%arg29 : memref<!tpu.dma_semaphore, #tpu.memory_space<semaphore_mem>>)
    %add3A_59 = arith.constant 0 : i32
    %add3A_60 = arith.addi %select_n3A, %add3A_59 : i32
    %dma_start3A_61 = arith.constant 0 : i32
    %dma_start3A_62 = tpu.memref_slice %arg4[%add3A_60, %dma_start3A_61] : memref<3360x96xi32, #tpu.memory_space<hbm>> -> memref<1x96xi32, #tpu.memory_space<hbm>>
    %dma_start3A_63 = tpu.memref_squeeze %dma_start3A_62 : memref<1x96xi32, #tpu.memory_space<hbm>> -> memref<96xi32, #tpu.memory_space<hbm>>
    %dma_start3A_64 = arith.constant 0 : i32
    %dma_start3A_65 = tpu.memref_slice %arg4[%add3A_60, %dma_start3A_64] : memref<3360x96xi32, #tpu.memory_space<hbm>> -> memref<1x96xi32, #tpu.memory_space<hbm>>
    %dma_start3A_66 = tpu.memref_squeeze %dma_start3A_65 : memref<1x96xi32, #tpu.memory_space<hbm>> -> memref<96xi32, #tpu.memory_space<hbm>>
    tpu.enqueue_dma source(%dma_start3A_66 : memref<96xi32, #tpu.memory_space<hbm>>) target(%arg14 : memref<96xi32, #tpu.memory_space<vmem>>) target_semaphore(%arg29 : memref<!tpu.dma_semaphore, #tpu.memory_space<semaphore_mem>>)
    %add3A_67 = arith.constant 1 : i32
    %add3A_68 = arith.addi %select_n3A, %add3A_67 : i32
    %dma_start3A_69 = arith.constant 0 : i32
    %dma_start3A_70 = tpu.memref_slice %arg3[%add3A_68, %dma_start3A_69] : memref<3360x96xi32, #tpu.memory_space<hbm>> -> memref<1x96xi32, #tpu.memory_space<hbm>>
    %dma_start3A_71 = tpu.memref_squeeze %dma_start3A_70 : memref<1x96xi32, #tpu.memory_space<hbm>> -> memref<96xi32, #tpu.memory_space<hbm>>
    %dma_start3A_72 = arith.constant 0 : i32
    %dma_start3A_73 = tpu.memref_slice %arg3[%add3A_68, %dma_start3A_72] : memref<3360x96xi32, #tpu.memory_space<hbm>> -> memref<1x96xi32, #tpu.memory_space<hbm>>
    %dma_start3A_74 = tpu.memref_squeeze %dma_start3A_73 : memref<1x96xi32, #tpu.memory_space<hbm>> -> memref<96xi32, #tpu.memory_space<hbm>>
    tpu.enqueue_dma source(%dma_start3A_74 : memref<96xi32, #tpu.memory_space<hbm>>) target(%arg9 : memref<96xi32, #tpu.memory_space<vmem>>) target_semaphore(%arg30 : memref<!tpu.dma_semaphore, #tpu.memory_space<semaphore_mem>>)
    %add3A_75 = arith.constant 1 : i32
    %add3A_76 = arith.addi %select_n3A, %add3A_75 : i32
    %dma_start3A_77 = arith.constant 0 : i32
    %dma_start3A_78 = tpu.memref_slice %arg4[%add3A_76, %dma_start3A_77] : memref<3360x96xi32, #tpu.memory_space<hbm>> -> memref<1x96xi32, #tpu.memory_space<hbm>>
    %dma_start3A_79 = tpu.memref_squeeze %dma_start3A_78 : memref<1x96xi32, #tpu.memory_space<hbm>> -> memref<96xi32, #tpu.memory_space<hbm>>
    %dma_start3A_80 = arith.constant 0 : i32
    %dma_start3A_81 = tpu.memref_slice %arg4[%add3A_76, %dma_start3A_80] : memref<3360x96xi32, #tpu.memory_space<hbm>> -> memref<1x96xi32, #tpu.memory_space<hbm>>
    %dma_start3A_82 = tpu.memref_squeeze %dma_start3A_81 : memref<1x96xi32, #tpu.memory_space<hbm>> -> memref<96xi32, #tpu.memory_space<hbm>>
    tpu.enqueue_dma source(%dma_start3A_82 : memref<96xi32, #tpu.memory_space<hbm>>) target(%arg15 : memref<96xi32, #tpu.memory_space<vmem>>) target_semaphore(%arg30 : memref<!tpu.dma_semaphore, #tpu.memory_space<semaphore_mem>>)
    %add3A_83 = arith.constant 2 : i32
    %add3A_84 = arith.addi %select_n3A, %add3A_83 : i32
    %dma_start3A_85 = arith.constant 0 : i32
    %dma_start3A_86 = tpu.memref_slice %arg3[%add3A_84, %dma_start3A_85] : memref<3360x96xi32, #tpu.memory_space<hbm>> -> memref<1x96xi32, #tpu.memory_space<hbm>>
    %dma_start3A_87 = tpu.memref_squeeze %dma_start3A_86 : memref<1x96xi32, #tpu.memory_space<hbm>> -> memref<96xi32, #tpu.memory_space<hbm>>
    %dma_start3A_88 = arith.constant 0 : i32
    %dma_start3A_89 = tpu.memref_slice %arg3[%add3A_84, %dma_start3A_88] : memref<3360x96xi32, #tpu.memory_space<hbm>> -> memref<1x96xi32, #tpu.memory_space<hbm>>
    %dma_start3A_90 = tpu.memref_squeeze %dma_start3A_89 : memref<1x96xi32, #tpu.memory_space<hbm>> -> memref<96xi32, #tpu.memory_space<hbm>>
    tpu.enqueue_dma source(%dma_start3A_90 : memref<96xi32, #tpu.memory_space<hbm>>) target(%arg10 : memref<96xi32, #tpu.memory_space<vmem>>) target_semaphore(%arg31 : memref<!tpu.dma_semaphore, #tpu.memory_space<semaphore_mem>>)
    %add3A_91 = arith.constant 2 : i32
    %add3A_92 = arith.addi %select_n3A, %add3A_91 : i32
    %dma_start3A_93 = arith.constant 0 : i32
    %dma_start3A_94 = tpu.memref_slice %arg4[%add3A_92, %dma_start3A_93] : memref<3360x96xi32, #tpu.memory_space<hbm>> -> memref<1x96xi32, #tpu.memory_space<hbm>>
    %dma_start3A_95 = tpu.memref_squeeze %dma_start3A_94 : memref<1x96xi32, #tpu.memory_space<hbm>> -> memref<96xi32, #tpu.memory_space<hbm>>
    %dma_start3A_96 = arith.constant 0 : i32
    %dma_start3A_97 = tpu.memref_slice %arg4[%add3A_92, %dma_start3A_96] : memref<3360x96xi32, #tpu.memory_space<hbm>> -> memref<1x96xi32, #tpu.memory_space<hbm>>
    %dma_start3A_98 = tpu.memref_squeeze %dma_start3A_97 : memref<1x96xi32, #tpu.memory_space<hbm>> -> memref<96xi32, #tpu.memory_space<hbm>>
    tpu.enqueue_dma source(%dma_start3A_98 : memref<96xi32, #tpu.memory_space<hbm>>) target(%arg16 : memref<96xi32, #tpu.memory_space<vmem>>) target_semaphore(%arg31 : memref<!tpu.dma_semaphore, #tpu.memory_space<semaphore_mem>>)
    %add3A_99 = arith.constant 3 : i32
    %add3A_100 = arith.addi %select_n3A, %add3A_99 : i32
    %dma_start3A_101 = arith.constant 0 : i32
    %dma_start3A_102 = tpu.memref_slice %arg3[%add3A_100, %dma_start3A_101] : memref<3360x96xi32, #tpu.memory_space<hbm>> -> memref<1x96xi32, #tpu.memory_space<hbm>>
    %dma_start3A_103 = tpu.memref_squeeze %dma_start3A_102 : memref<1x96xi32, #tpu.memory_space<hbm>> -> memref<96xi32, #tpu.memory_space<hbm>>
    %dma_start3A_104 = arith.constant 0 : i32
    %dma_start3A_105 = tpu.memref_slice %arg3[%add3A_100, %dma_start3A_104] : memref<3360x96xi32, #tpu.memory_space<hbm>> -> memref<1x96xi32, #tpu.memory_space<hbm>>
    %dma_start3A_106 = tpu.memref_squeeze %dma_start3A_105 : memref<1x96xi32, #tpu.memory_space<hbm>> -> memref<96xi32, #tpu.memory_space<hbm>>
    tpu.enqueue_dma source(%dma_start3A_106 : memref<96xi32, #tpu.memory_space<hbm>>) target(%arg11 : memref<96xi32, #tpu.memory_space<vmem>>) target_semaphore(%arg32 : memref<!tpu.dma_semaphore, #tpu.memory_space<semaphore_mem>>)
    %add3A_107 = arith.constant 3 : i32
    %add3A_108 = arith.addi %select_n3A, %add3A_107 : i32
    %dma_start3A_109 = arith.constant 0 : i32
    %dma_start3A_110 = tpu.memref_slice %arg4[%add3A_108, %dma_start3A_109] : memref<3360x96xi32, #tpu.memory_space<hbm>> -> memref<1x96xi32, #tpu.memory_space<hbm>>
    %dma_start3A_111 = tpu.memref_squeeze %dma_start3A_110 : memref<1x96xi32, #tpu.memory_space<hbm>> -> memref<96xi32, #tpu.memory_space<hbm>>
    %dma_start3A_112 = arith.constant 0 : i32
    %dma_start3A_113 = tpu.memref_slice %arg4[%add3A_108, %dma_start3A_112] : memref<3360x96xi32, #tpu.memory_space<hbm>> -> memref<1x96xi32, #tpu.memory_space<hbm>>
    %dma_start3A_114 = tpu.memref_squeeze %dma_start3A_113 : memref<1x96xi32, #tpu.memory_space<hbm>> -> memref<96xi32, #tpu.memory_space<hbm>>
    tpu.enqueue_dma source(%dma_start3A_114 : memref<96xi32, #tpu.memory_space<hbm>>) target(%arg17 : memref<96xi32, #tpu.memory_space<vmem>>) target_semaphore(%arg32 : memref<!tpu.dma_semaphore, #tpu.memory_space<semaphore_mem>>)
    %dma_wait3A = arith.constant 0 : i32
    %dma_wait3A_115 = tpu.memref_slice %arg3[%select_n3A, %dma_wait3A] : memref<3360x96xi32, #tpu.memory_space<hbm>> -> memref<1x96xi32, #tpu.memory_space<hbm>>
    %dma_wait3A_116 = tpu.memref_squeeze %dma_wait3A_115 : memref<1x96xi32, #tpu.memory_space<hbm>> -> memref<96xi32, #tpu.memory_space<hbm>>
    %dma_wait3A_117 = arith.constant 0 : i32
    %dma_wait3A_118 = tpu.memref_slice %arg3[%select_n3A, %dma_wait3A_117] : memref<3360x96xi32, #tpu.memory_space<hbm>> -> memref<1x96xi32, #tpu.memory_space<hbm>>
    %dma_wait3A_119 = tpu.memref_squeeze %dma_wait3A_118 : memref<1x96xi32, #tpu.memory_space<hbm>> -> memref<96xi32, #tpu.memory_space<hbm>>
    tpu.wait_dma2 semaphore(%arg29 : memref<!tpu.dma_semaphore, #tpu.memory_space<semaphore_mem>>) src(%dma_wait3A_119 : memref<96xi32, #tpu.memory_space<hbm>>) dst(%arg8 : memref<96xi32, #tpu.memory_space<vmem>>)
    %dma_wait3A_120 = arith.constant 0 : i32
    %dma_wait3A_121 = tpu.memref_slice %arg4[%select_n3A, %dma_wait3A_120] : memref<3360x96xi32, #tpu.memory_space<hbm>> -> memref<1x96xi32, #tpu.memory_space<hbm>>
    %dma_wait3A_122 = tpu.memref_squeeze %dma_wait3A_121 : memref<1x96xi32, #tpu.memory_space<hbm>> -> memref<96xi32, #tpu.memory_space<hbm>>
    %dma_wait3A_123 = arith.constant 0 : i32
    %dma_wait3A_124 = tpu.memref_slice %arg4[%select_n3A, %dma_wait3A_123] : memref<3360x96xi32, #tpu.memory_space<hbm>> -> memref<1x96xi32, #tpu.memory_space<hbm>>
    %dma_wait3A_125 = tpu.memref_squeeze %dma_wait3A_124 : memref<1x96xi32, #tpu.memory_space<hbm>> -> memref<96xi32, #tpu.memory_space<hbm>>
    tpu.wait_dma2 semaphore(%arg29 : memref<!tpu.dma_semaphore, #tpu.memory_space<semaphore_mem>>) src(%dma_wait3A_125 : memref<96xi32, #tpu.memory_space<hbm>>) dst(%arg14 : memref<96xi32, #tpu.memory_space<vmem>>)
    %dma_wait3A_126 = arith.constant 0 : i32
    %dma_wait3A_127 = tpu.memref_slice %arg3[%select_n3A, %dma_wait3A_126] : memref<3360x96xi32, #tpu.memory_space<hbm>> -> memref<1x96xi32, #tpu.memory_space<hbm>>
    %dma_wait3A_128 = tpu.memref_squeeze %dma_wait3A_127 : memref<1x96xi32, #tpu.memory_space<hbm>> -> memref<96xi32, #tpu.memory_space<hbm>>
    %dma_wait3A_129 = arith.constant 0 : i32
    %dma_wait3A_130 = tpu.memref_slice %arg3[%select_n3A, %dma_wait3A_129] : memref<3360x96xi32, #tpu.memory_space<hbm>> -> memref<1x96xi32, #tpu.memory_space<hbm>>
    %dma_wait3A_131 = tpu.memref_squeeze %dma_wait3A_130 : memref<1x96xi32, #tpu.memory_space<hbm>> -> memref<96xi32, #tpu.memory_space<hbm>>
    tpu.wait_dma2 semaphore(%arg30 : memref<!tpu.dma_semaphore, #tpu.memory_space<semaphore_mem>>) src(%dma_wait3A_131 : memref<96xi32, #tpu.memory_space<hbm>>) dst(%arg9 : memref<96xi32, #tpu.memory_space<vmem>>)
    %dma_wait3A_132 = arith.constant 0 : i32
    %dma_wait3A_133 = tpu.memref_slice %arg4[%select_n3A, %dma_wait3A_132] : memref<3360x96xi32, #tpu.memory_space<hbm>> -> memref<1x96xi32, #tpu.memory_space<hbm>>
    %dma_wait3A_134 = tpu.memref_squeeze %dma_wait3A_133 : memref<1x96xi32, #tpu.memory_space<hbm>> -> memref<96xi32, #tpu.memory_space<hbm>>
    %dma_wait3A_135 = arith.constant 0 : i32
    %dma_wait3A_136 = tpu.memref_slice %arg4[%select_n3A, %dma_wait3A_135] : memref<3360x96xi32, #tpu.memory_space<hbm>> -> memref<1x96xi32, #tpu.memory_space<hbm>>
    %dma_wait3A_137 = tpu.memref_squeeze %dma_wait3A_136 : memref<1x96xi32, #tpu.memory_space<hbm>> -> memref<96xi32, #tpu.memory_space<hbm>>
    tpu.wait_dma2 semaphore(%arg30 : memref<!tpu.dma_semaphore, #tpu.memory_space<semaphore_mem>>) src(%dma_wait3A_137 : memref<96xi32, #tpu.memory_space<hbm>>) dst(%arg15 : memref<96xi32, #tpu.memory_space<vmem>>)
    %dma_start3A_138 = arith.constant 0 : i32
    %dma_start3A_139 = arith.constant 0 : i32
    %dma_start3A_140 = tpu.memref_slice %arg2[%dma_start3A_138, %dma_start3A_139] : memref<10000x128xf32, #tpu.memory_space<hbm>> -> memref<10000x128xf32, #tpu.memory_space<hbm>>
    tpu.enqueue_indirect_dma source(%dma_start3A_140 : memref<10000x128xf32, #tpu.memory_space<hbm>>) target(%arg20 : memref<96x128xf32, #tpu.memory_space<vmem>>) offsets(%arg8 : memref<96xi32, #tpu.memory_space<vmem>>) semaphore(%arg23 : memref<!tpu.dma_semaphore, #tpu.memory_space<semaphore_mem>>)
    %dma_start3A_141 = arith.constant 0 : i32
    %dma_start3A_142 = arith.constant 0 : i32
    %dma_start3A_143 = tpu.memref_slice %arg2[%dma_start3A_141, %dma_start3A_142] : memref<10000x128xf32, #tpu.memory_space<hbm>> -> memref<10000x128xf32, #tpu.memory_space<hbm>>
    tpu.enqueue_indirect_dma source(%dma_start3A_143 : memref<10000x128xf32, #tpu.memory_space<hbm>>) target(%arg21 : memref<96x128xf32, #tpu.memory_space<vmem>>) offsets(%arg9 : memref<96xi32, #tpu.memory_space<vmem>>) semaphore(%arg24 : memref<!tpu.dma_semaphore, #tpu.memory_space<semaphore_mem>>)
    %jit3A_144 = arith.constant 6 : i32
    %div3A = arith.divsi %select_n3A_8, %jit3A_144 : i32
    %sign3A = arith.constant 0 : i32
    %sign3A_145 = arith.cmpi sgt, %select_n3A_8, %sign3A : i32
    %sign3A_146 = arith.extui %sign3A_145 : i1 to i32
    %sign3A_147 = arith.constant 0 : i32
    %sign3A_148 = arith.cmpi slt, %select_n3A_8, %sign3A_147 : i32
    %sign3A_149 = arith.extui %sign3A_148 : i1 to i32
    %sign3A_150 = arith.subi %sign3A_146, %sign3A_149 : i32
    %sign3A_151 = arith.constant 0 : i32
    %sign3A_152 = arith.cmpi sgt, %jit3A_144, %sign3A_151 : i32
    %sign3A_153 = arith.extui %sign3A_152 : i1 to i32
    %sign3A_154 = arith.constant 0 : i32
    %sign3A_155 = arith.cmpi slt, %jit3A_144, %sign3A_154 : i32
    %sign3A_156 = arith.extui %sign3A_155 : i1 to i32
    %sign3A_157 = arith.subi %sign3A_153, %sign3A_156 : i32
    %ne3A = arith.cmpi ne, %sign3A_150, %sign3A_157 : i32
    %rem3A = arith.remsi %select_n3A_8, %jit3A_144 : i32
    %ne3A_158 = arith.constant 0 : i32
    %ne3A_159 = arith.cmpi ne, %rem3A, %ne3A_158 : i32
    %and3A = arith.andi %ne3A, %ne3A_159 : i1
    %sub3A_160 = arith.constant 1 : i32
    %sub3A_161 = arith.subi %div3A, %sub3A_160 : i32
    %select_n3A_162 = arith.select %and3A, %sub3A_161, %div3A : i32
    %while3A = arith.constant 0 : i32
    %while3A_163 = arith.constant 0 : i32
    %while3A_164 = arith.subi %select_n3A_162, %while3A_163 : i32
    %while3A_165 = arith.addi %while3A_163, %while3A_164 : i32
    %while3A_166 = arith.constant 1 : i32
    %while3A_167 = arith.divsi %while3A_164, %while3A_166 : i32
    %while3A_168 = arith.muli %while3A_167, %while3A_166 : i32
    %while3A_169 = arith.addi %while3A_163, %while3A_168 : i32
    %while3A_170 = arith.constant 1 : i32
    scf.for %while3A_187 = %while3A_163 to %while3A_169 step %while3A_170  : i32 {
      %mul3A_188 = arith.constant 6 : i32
      %mul3A_189 = arith.muli %while3A_187, %mul3A_188 : i32
      %add3A_190 = arith.constant 0 : i32
      %add3A_191 = arith.addi %mul3A_189, %add3A_190 : i32
      %ge3A = arith.constant 1 : i32
      %ge3A_192 = arith.cmpi sge, %add3A_191, %ge3A : i32
      %convert_element_type3A = arith.extui %ge3A_192 : i1 to i32
      %cond3A = arith.constant 0 : i32
      %cond3A_193 = arith.cmpi ne, %convert_element_type3A, %cond3A : i32
      scf.if %cond3A_193 {
        %dma_wait3A_417 = arith.constant 0 : i32
        %dma_wait3A_418 = arith.constant 0 : i32
        %dma_wait3A_419 = tpu.memref_slice %arg7[%dma_wait3A_417, %dma_wait3A_418] : memref<10112x128xf32, #tpu.memory_space<vmem_shared>> -> memref<10112x128xf32, #tpu.memory_space<vmem_shared>>
        tpu.wait_indirect_dma semaphore(%arg28 : memref<!tpu.dma_semaphore, #tpu.memory_space<semaphore_mem>>) src(%arg22 : memref<96x128xf32, #tpu.memory_space<vmem>>) dst(%dma_wait3A_419 : memref<10112x128xf32, #tpu.memory_space<vmem_shared>>)
      } else {
      }
      %add3A_194 = arith.constant 2 : i32
      %add3A_195 = arith.addi %add3A_191, %add3A_194 : i32
      %lt3A = arith.cmpi slt, %add3A_195, %select_n3A_8 : i32
      %convert_element_type3A_196 = arith.extui %lt3A : i1 to i32
      %cond3A_197 = arith.constant 0 : i32
      %cond3A_198 = arith.cmpi ne, %convert_element_type3A_196, %cond3A_197 : i32
      scf.if %cond3A_198 {
        %dma_wait3A_417 = arith.constant 0 : i32
        %dma_wait3A_418 = tpu.memref_slice %arg3[%select_n3A, %dma_wait3A_417] : memref<3360x96xi32, #tpu.memory_space<hbm>> -> memref<1x96xi32, #tpu.memory_space<hbm>>
        %dma_wait3A_419 = tpu.memref_squeeze %dma_wait3A_418 : memref<1x96xi32, #tpu.memory_space<hbm>> -> memref<96xi32, #tpu.memory_space<hbm>>
        %dma_wait3A_420 = arith.constant 0 : i32
        %dma_wait3A_421 = tpu.memref_slice %arg3[%select_n3A, %dma_wait3A_420] : memref<3360x96xi32, #tpu.memory_space<hbm>> -> memref<1x96xi32, #tpu.memory_space<hbm>>
        %dma_wait3A_422 = tpu.memref_squeeze %dma_wait3A_421 : memref<1x96xi32, #tpu.memory_space<hbm>> -> memref<96xi32, #tpu.memory_space<hbm>>
        tpu.wait_dma2 semaphore(%arg31 : memref<!tpu.dma_semaphore, #tpu.memory_space<semaphore_mem>>) src(%dma_wait3A_422 : memref<96xi32, #tpu.memory_space<hbm>>) dst(%arg10 : memref<96xi32, #tpu.memory_space<vmem>>)
        %dma_wait3A_423 = arith.constant 0 : i32
        %dma_wait3A_424 = tpu.memref_slice %arg4[%select_n3A, %dma_wait3A_423] : memref<3360x96xi32, #tpu.memory_space<hbm>> -> memref<1x96xi32, #tpu.memory_space<hbm>>
        %dma_wait3A_425 = tpu.memref_squeeze %dma_wait3A_424 : memref<1x96xi32, #tpu.memory_space<hbm>> -> memref<96xi32, #tpu.memory_space<hbm>>
        %dma_wait3A_426 = arith.constant 0 : i32
        %dma_wait3A_427 = tpu.memref_slice %arg4[%select_n3A, %dma_wait3A_426] : memref<3360x96xi32, #tpu.memory_space<hbm>> -> memref<1x96xi32, #tpu.memory_space<hbm>>
        %dma_wait3A_428 = tpu.memref_squeeze %dma_wait3A_427 : memref<1x96xi32, #tpu.memory_space<hbm>> -> memref<96xi32, #tpu.memory_space<hbm>>
        tpu.wait_dma2 semaphore(%arg31 : memref<!tpu.dma_semaphore, #tpu.memory_space<semaphore_mem>>) src(%dma_wait3A_428 : memref<96xi32, #tpu.memory_space<hbm>>) dst(%arg16 : memref<96xi32, #tpu.memory_space<vmem>>)
        %dma_start3A_429 = arith.constant 0 : i32
        %dma_start3A_430 = arith.constant 0 : i32
        %dma_start3A_431 = tpu.memref_slice %arg2[%dma_start3A_429, %dma_start3A_430] : memref<10000x128xf32, #tpu.memory_space<hbm>> -> memref<10000x128xf32, #tpu.memory_space<hbm>>
        tpu.enqueue_indirect_dma source(%dma_start3A_431 : memref<10000x128xf32, #tpu.memory_space<hbm>>) target(%arg22 : memref<96x128xf32, #tpu.memory_space<vmem>>) offsets(%arg10 : memref<96xi32, #tpu.memory_space<vmem>>) semaphore(%arg25 : memref<!tpu.dma_semaphore, #tpu.memory_space<semaphore_mem>>)
      } else {
      }
      %add3A_199 = arith.constant 4 : i32
      %add3A_200 = arith.addi %add3A_191, %add3A_199 : i32
      %lt3A_201 = arith.cmpi slt, %add3A_200, %select_n3A_8 : i32
      %convert_element_type3A_202 = arith.extui %lt3A_201 : i1 to i32
      %cond3A_203 = arith.constant 0 : i32
      %cond3A_204 = arith.cmpi ne, %convert_element_type3A_202, %cond3A_203 : i32
      scf.if %cond3A_204 {
        %add3A_417 = arith.constant 4 : i32
        %add3A_418 = arith.addi %add3A_191, %add3A_417 : i32
        %add3A_419 = arith.addi %select_n3A, %add3A_418 : i32
        %dma_start3A_420 = arith.constant 0 : i32
        %dma_start3A_421 = tpu.memref_slice %arg3[%add3A_419, %dma_start3A_420] : memref<3360x96xi32, #tpu.memory_space<hbm>> -> memref<1x96xi32, #tpu.memory_space<hbm>>
        %dma_start3A_422 = tpu.memref_squeeze %dma_start3A_421 : memref<1x96xi32, #tpu.memory_space<hbm>> -> memref<96xi32, #tpu.memory_space<hbm>>
        %dma_start3A_423 = arith.constant 0 : i32
        %dma_start3A_424 = tpu.memref_slice %arg3[%add3A_419, %dma_start3A_423] : memref<3360x96xi32, #tpu.memory_space<hbm>> -> memref<1x96xi32, #tpu.memory_space<hbm>>
        %dma_start3A_425 = tpu.memref_squeeze %dma_start3A_424 : memref<1x96xi32, #tpu.memory_space<hbm>> -> memref<96xi32, #tpu.memory_space<hbm>>
        tpu.enqueue_dma source(%dma_start3A_425 : memref<96xi32, #tpu.memory_space<hbm>>) target(%arg12 : memref<96xi32, #tpu.memory_space<vmem>>) target_semaphore(%arg33 : memref<!tpu.dma_semaphore, #tpu.memory_space<semaphore_mem>>)
        %add3A_426 = arith.addi %select_n3A, %add3A_418 : i32
        %dma_start3A_427 = arith.constant 0 : i32
        %dma_start3A_428 = tpu.memref_slice %arg4[%add3A_426, %dma_start3A_427] : memref<3360x96xi32, #tpu.memory_space<hbm>> -> memref<1x96xi32, #tpu.memory_space<hbm>>
        %dma_start3A_429 = tpu.memref_squeeze %dma_start3A_428 : memref<1x96xi32, #tpu.memory_space<hbm>> -> memref<96xi32, #tpu.memory_space<hbm>>
        %dma_start3A_430 = arith.constant 0 : i32
        %dma_start3A_431 = tpu.memref_slice %arg4[%add3A_426, %dma_start3A_430] : memref<3360x96xi32, #tpu.memory_space<hbm>> -> memref<1x96xi32, #tpu.memory_space<hbm>>
        %dma_start3A_432 = tpu.memref_squeeze %dma_start3A_431 : memref<1x96xi32, #tpu.memory_space<hbm>> -> memref<96xi32, #tpu.memory_space<hbm>>
        tpu.enqueue_dma source(%dma_start3A_432 : memref<96xi32, #tpu.memory_space<hbm>>) target(%arg18 : memref<96xi32, #tpu.memory_space<vmem>>) target_semaphore(%arg33 : memref<!tpu.dma_semaphore, #tpu.memory_space<semaphore_mem>>)
      } else {
      }
      %get3A = arith.constant 0 : index
      %get3A_205 = tpu.vector_load %arg14[%get3A] {strides = array<i32>} : memref<96xi32, #tpu.memory_space<vmem>>, vector<16xi32>,
      tpu.vector_store_idx %arg35[%get3A_205], %broadcast_in_dim3A_51 {add = true} : memref<10240xf32, #tpu.memory_space<vmem>>[vector<16xi32>], vector<16xf32>,
      %get3A_206 = arith.constant 16 : index
      %get3A_207 = tpu.vector_load %arg14[%get3A_206] {strides = array<i32>} : memref<96xi32, #tpu.memory_space<vmem>>, vector<16xi32>,
      tpu.vector_store_idx %arg35[%get3A_207], %broadcast_in_dim3A_51 {add = true} : memref<10240xf32, #tpu.memory_space<vmem>>[vector<16xi32>], vector<16xf32>,
      %get3A_208 = arith.constant 32 : index
      %get3A_209 = tpu.vector_load %arg14[%get3A_208] {strides = array<i32>} : memref<96xi32, #tpu.memory_space<vmem>>, vector<16xi32>,
      tpu.vector_store_idx %arg35[%get3A_209], %broadcast_in_dim3A_51 {add = true} : memref<10240xf32, #tpu.memory_space<vmem>>[vector<16xi32>], vector<16xf32>,
      %get3A_210 = arith.constant 48 : index
      %get3A_211 = tpu.vector_load %arg14[%get3A_210] {strides = array<i32>} : memref<96xi32, #tpu.memory_space<vmem>>, vector<16xi32>,
      tpu.vector_store_idx %arg35[%get3A_211], %broadcast_in_dim3A_51 {add = true} : memref<10240xf32, #tpu.memory_space<vmem>>[vector<16xi32>], vector<16xf32>,
      %get3A_212 = arith.constant 64 : index
      %get3A_213 = tpu.vector_load %arg14[%get3A_212] {strides = array<i32>} : memref<96xi32, #tpu.memory_space<vmem>>, vector<16xi32>,
      tpu.vector_store_idx %arg35[%get3A_213], %broadcast_in_dim3A_51 {add = true} : memref<10240xf32, #tpu.memory_space<vmem>>[vector<16xi32>], vector<16xf32>,
      %get3A_214 = arith.constant 80 : index
      %get3A_215 = tpu.vector_load %arg14[%get3A_214] {strides = array<i32>} : memref<96xi32, #tpu.memory_space<vmem>>, vector<16xi32>,
      tpu.vector_store_idx %arg35[%get3A_215], %broadcast_in_dim3A_51 {add = true} : memref<10240xf32, #tpu.memory_space<vmem>>[vector<16xi32>], vector<16xf32>,
      %dma_wait3A_216 = arith.constant 0 : i32
      %dma_wait3A_217 = arith.constant 0 : i32
      %dma_wait3A_218 = tpu.memref_slice %arg2[%dma_wait3A_216, %dma_wait3A_217] : memref<10000x128xf32, #tpu.memory_space<hbm>> -> memref<10000x128xf32, #tpu.memory_space<hbm>>
      tpu.wait_indirect_dma semaphore(%arg23 : memref<!tpu.dma_semaphore, #tpu.memory_space<semaphore_mem>>) src(%dma_wait3A_218 : memref<10000x128xf32, #tpu.memory_space<hbm>>) dst(%arg20 : memref<96x128xf32, #tpu.memory_space<vmem>>)
      %dma_start3A_219 = arith.constant 0 : i32
      %dma_start3A_220 = arith.constant 0 : i32
      %dma_start3A_221 = tpu.memref_slice %arg7[%dma_start3A_219, %dma_start3A_220] : memref<10112x128xf32, #tpu.memory_space<vmem_shared>> -> memref<10112x128xf32, #tpu.memory_space<vmem_shared>>
      tpu.enqueue_indirect_dma source(%arg20 : memref<96x128xf32, #tpu.memory_space<vmem>>) target(%dma_start3A_221 : memref<10112x128xf32, #tpu.memory_space<vmem_shared>>) offsets(%arg14 : memref<96xi32, #tpu.memory_space<vmem>>) semaphore(%arg26 : memref<!tpu.dma_semaphore, #tpu.memory_space<semaphore_mem>>) {add = true}
      %mul3A_222 = arith.constant 6 : i32
      %mul3A_223 = arith.muli %while3A_187, %mul3A_222 : i32
      %add3A_224 = arith.constant 1 : i32
      %add3A_225 = arith.addi %mul3A_223, %add3A_224 : i32
      %ge3A_226 = arith.constant 1 : i32
      %ge3A_227 = arith.cmpi sge, %add3A_225, %ge3A_226 : i32
      %convert_element_type3A_228 = arith.extui %ge3A_227 : i1 to i32
      %cond3A_229 = arith.constant 0 : i32
      %cond3A_230 = arith.cmpi ne, %convert_element_type3A_228, %cond3A_229 : i32
      scf.if %cond3A_230 {
        %dma_wait3A_417 = arith.constant 0 : i32
        %dma_wait3A_418 = arith.constant 0 : i32
        %dma_wait3A_419 = tpu.memref_slice %arg7[%dma_wait3A_417, %dma_wait3A_418] : memref<10112x128xf32, #tpu.memory_space<vmem_shared>> -> memref<10112x128xf32, #tpu.memory_space<vmem_shared>>
        tpu.wait_indirect_dma semaphore(%arg26 : memref<!tpu.dma_semaphore, #tpu.memory_space<semaphore_mem>>) src(%arg20 : memref<96x128xf32, #tpu.memory_space<vmem>>) dst(%dma_wait3A_419 : memref<10112x128xf32, #tpu.memory_space<vmem_shared>>)
      } else {
      }
      %add3A_231 = arith.constant 2 : i32
      %add3A_232 = arith.addi %add3A_225, %add3A_231 : i32
      %lt3A_233 = arith.cmpi slt, %add3A_232, %select_n3A_8 : i32
      %convert_element_type3A_234 = arith.extui %lt3A_233 : i1 to i32
      %cond3A_235 = arith.constant 0 : i32
      %cond3A_236 = arith.cmpi ne, %convert_element_type3A_234, %cond3A_235 : i32
      scf.if %cond3A_236 {
        %dma_wait3A_417 = arith.constant 0 : i32
        %dma_wait3A_418 = tpu.memref_slice %arg3[%select_n3A, %dma_wait3A_417] : memref<3360x96xi32, #tpu.memory_space<hbm>> -> memref<1x96xi32, #tpu.memory_space<hbm>>
        %dma_wait3A_419 = tpu.memref_squeeze %dma_wait3A_418 : memref<1x96xi32, #tpu.memory_space<hbm>> -> memref<96xi32, #tpu.memory_space<hbm>>
        %dma_wait3A_420 = arith.constant 0 : i32
        %dma_wait3A_421 = tpu.memref_slice %arg3[%select_n3A, %dma_wait3A_420] : memref<3360x96xi32, #tpu.memory_space<hbm>> -> memref<1x96xi32, #tpu.memory_space<hbm>>
        %dma_wait3A_422 = tpu.memref_squeeze %dma_wait3A_421 : memref<1x96xi32, #tpu.memory_space<hbm>> -> memref<96xi32, #tpu.memory_space<hbm>>
        tpu.wait_dma2 semaphore(%arg32 : memref<!tpu.dma_semaphore, #tpu.memory_space<semaphore_mem>>) src(%dma_wait3A_422 : memref<96xi32, #tpu.memory_space<hbm>>) dst(%arg11 : memref<96xi32, #tpu.memory_space<vmem>>)
        %dma_wait3A_423 = arith.constant 0 : i32
        %dma_wait3A_424 = tpu.memref_slice %arg4[%select_n3A, %dma_wait3A_423] : memref<3360x96xi32, #tpu.memory_space<hbm>> -> memref<1x96xi32, #tpu.memory_space<hbm>>
        %dma_wait3A_425 = tpu.memref_squeeze %dma_wait3A_424 : memref<1x96xi32, #tpu.memory_space<hbm>> -> memref<96xi32, #tpu.memory_space<hbm>>
        %dma_wait3A_426 = arith.constant 0 : i32
        %dma_wait3A_427 = tpu.memref_slice %arg4[%select_n3A, %dma_wait3A_426] : memref<3360x96xi32, #tpu.memory_space<hbm>> -> memref<1x96xi32, #tpu.memory_space<hbm>>
        %dma_wait3A_428 = tpu.memref_squeeze %dma_wait3A_427 : memref<1x96xi32, #tpu.memory_space<hbm>> -> memref<96xi32, #tpu.memory_space<hbm>>
        tpu.wait_dma2 semaphore(%arg32 : memref<!tpu.dma_semaphore, #tpu.memory_space<semaphore_mem>>) src(%dma_wait3A_428 : memref<96xi32, #tpu.memory_space<hbm>>) dst(%arg17 : memref<96xi32, #tpu.memory_space<vmem>>)
        %dma_start3A_429 = arith.constant 0 : i32
        %dma_start3A_430 = arith.constant 0 : i32
        %dma_start3A_431 = tpu.memref_slice %arg2[%dma_start3A_429, %dma_start3A_430] : memref<10000x128xf32, #tpu.memory_space<hbm>> -> memref<10000x128xf32, #tpu.memory_space<hbm>>
        tpu.enqueue_indirect_dma source(%dma_start3A_431 : memref<10000x128xf32, #tpu.memory_space<hbm>>) target(%arg20 : memref<96x128xf32, #tpu.memory_space<vmem>>) offsets(%arg11 : memref<96xi32, #tpu.memory_space<vmem>>) semaphore(%arg23 : memref<!tpu.dma_semaphore, #tpu.memory_space<semaphore_mem>>)
      } else {
      }
      %add3A_237 = arith.constant 4 : i32
      %add3A_238 = arith.addi %add3A_225, %add3A_237 : i32
      %lt3A_239 = arith.cmpi slt, %add3A_238, %select_n3A_8 : i32
      %convert_element_type3A_240 = arith.extui %lt3A_239 : i1 to i32
      %cond3A_241 = arith.constant 0 : i32
      %cond3A_242 = arith.cmpi ne, %convert_element_type3A_240, %cond3A_241 : i32
      scf.if %cond3A_242 {
        %add3A_417 = arith.constant 4 : i32
        %add3A_418 = arith.addi %add3A_225, %add3A_417 : i32
        %add3A_419 = arith.addi %select_n3A, %add3A_418 : i32
        %dma_start3A_420 = arith.constant 0 : i32
        %dma_start3A_421 = tpu.memref_slice %arg3[%add3A_419, %dma_start3A_420] : memref<3360x96xi32, #tpu.memory_space<hbm>> -> memref<1x96xi32, #tpu.memory_space<hbm>>
        %dma_start3A_422 = tpu.memref_squeeze %dma_start3A_421 : memref<1x96xi32, #tpu.memory_space<hbm>> -> memref<96xi32, #tpu.memory_space<hbm>>
        %dma_start3A_423 = arith.constant 0 : i32
        %dma_start3A_424 = tpu.memref_slice %arg3[%add3A_419, %dma_start3A_423] : memref<3360x96xi32, #tpu.memory_space<hbm>> -> memref<1x96xi32, #tpu.memory_space<hbm>>
        %dma_start3A_425 = tpu.memref_squeeze %dma_start3A_424 : memref<1x96xi32, #tpu.memory_space<hbm>> -> memref<96xi32, #tpu.memory_space<hbm>>
        tpu.enqueue_dma source(%dma_start3A_425 : memref<96xi32, #tpu.memory_space<hbm>>) target(%arg13 : memref<96xi32, #tpu.memory_space<vmem>>) target_semaphore(%arg34 : memref<!tpu.dma_semaphore, #tpu.memory_space<semaphore_mem>>)
        %add3A_426 = arith.addi %select_n3A, %add3A_418 : i32
        %dma_start3A_427 = arith.constant 0 : i32
        %dma_start3A_428 = tpu.memref_slice %arg4[%add3A_426, %dma_start3A_427] : memref<3360x96xi32, #tpu.memory_space<hbm>> -> memref<1x96xi32, #tpu.memory_space<hbm>>
        %dma_start3A_429 = tpu.memref_squeeze %dma_start3A_428 : memref<1x96xi32, #tpu.memory_space<hbm>> -> memref<96xi32, #tpu.memory_space<hbm>>
        %dma_start3A_430 = arith.constant 0 : i32
        %dma_start3A_431 = tpu.memref_slice %arg4[%add3A_426, %dma_start3A_430] : memref<3360x96xi32, #tpu.memory_space<hbm>> -> memref<1x96xi32, #tpu.memory_space<hbm>>
        %dma_start3A_432 = tpu.memref_squeeze %dma_start3A_431 : memref<1x96xi32, #tpu.memory_space<hbm>> -> memref<96xi32, #tpu.memory_space<hbm>>
        tpu.enqueue_dma source(%dma_start3A_432 : memref<96xi32, #tpu.memory_space<hbm>>) target(%arg19 : memref<96xi32, #tpu.memory_space<vmem>>) target_semaphore(%arg34 : memref<!tpu.dma_semaphore, #tpu.memory_space<semaphore_mem>>)
      } else {
      }
      %get3A_243 = arith.constant 0 : index
      %get3A_244 = tpu.vector_load %arg15[%get3A_243] {strides = array<i32>} : memref<96xi32, #tpu.memory_space<vmem>>, vector<16xi32>,
      tpu.vector_store_idx %arg35[%get3A_244], %broadcast_in_dim3A_51 {add = true} : memref<10240xf32, #tpu.memory_space<vmem>>[vector<16xi32>], vector<16xf32>,
      %get3A_245 = arith.constant 16 : index
      %get3A_246 = tpu.vector_load %arg15[%get3A_245] {strides = array<i32>} : memref<96xi32, #tpu.memory_space<vmem>>, vector<16xi32>,
      tpu.vector_store_idx %arg35[%get3A_246], %broadcast_in_dim3A_51 {add = true} : memref<10240xf32, #tpu.memory_space<vmem>>[vector<16xi32>], vector<16xf32>,
      %get3A_247 = arith.constant 32 : index
      %get3A_248 = tpu.vector_load %arg15[%get3A_247] {strides = array<i32>} : memref<96xi32, #tpu.memory_space<vmem>>, vector<16xi32>,
      tpu.vector_store_idx %arg35[%get3A_248], %broadcast_in_dim3A_51 {add = true} : memref<10240xf32, #tpu.memory_space<vmem>>[vector<16xi32>], vector<16xf32>,
      %get3A_249 = arith.constant 48 : index
      %get3A_250 = tpu.vector_load %arg15[%get3A_249] {strides = array<i32>} : memref<96xi32, #tpu.memory_space<vmem>>, vector<16xi32>,
      tpu.vector_store_idx %arg35[%get3A_250], %broadcast_in_dim3A_51 {add = true} : memref<10240xf32, #tpu.memory_space<vmem>>[vector<16xi32>], vector<16xf32>,
      %get3A_251 = arith.constant 64 : index
      %get3A_252 = tpu.vector_load %arg15[%get3A_251] {strides = array<i32>} : memref<96xi32, #tpu.memory_space<vmem>>, vector<16xi32>,
      tpu.vector_store_idx %arg35[%get3A_252], %broadcast_in_dim3A_51 {add = true} : memref<10240xf32, #tpu.memory_space<vmem>>[vector<16xi32>], vector<16xf32>,
      %get3A_253 = arith.constant 80 : index
      %get3A_254 = tpu.vector_load %arg15[%get3A_253] {strides = array<i32>} : memref<96xi32, #tpu.memory_space<vmem>>, vector<16xi32>,
      tpu.vector_store_idx %arg35[%get3A_254], %broadcast_in_dim3A_51 {add = true} : memref<10240xf32, #tpu.memory_space<vmem>>[vector<16xi32>], vector<16xf32>,
      %dma_wait3A_255 = arith.constant 0 : i32
      %dma_wait3A_256 = arith.constant 0 : i32
      %dma_wait3A_257 = tpu.memref_slice %arg2[%dma_wait3A_255, %dma_wait3A_256] : memref<10000x128xf32, #tpu.memory_space<hbm>> -> memref<10000x128xf32, #tpu.memory_space<hbm>>
      tpu.wait_indirect_dma semaphore(%arg24 : memref<!tpu.dma_semaphore, #tpu.memory_space<semaphore_mem>>) src(%dma_wait3A_257 : memref<10000x128xf32, #tpu.memory_space<hbm>>) dst(%arg21 : memref<96x128xf32, #tpu.memory_space<vmem>>)
      %dma_start3A_258 = arith.constant 0 : i32
      %dma_start3A_259 = arith.constant 0 : i32
      %dma_start3A_260 = tpu.memref_slice %arg7[%dma_start3A_258, %dma_start3A_259] : memref<10112x128xf32, #tpu.memory_space<vmem_shared>> -> memref<10112x128xf32, #tpu.memory_space<vmem_shared>>
      tpu.enqueue_indirect_dma source(%arg21 : memref<96x128xf32, #tpu.memory_space<vmem>>) target(%dma_start3A_260 : memref<10112x128xf32, #tpu.memory_space<vmem_shared>>) offsets(%arg15 : memref<96xi32, #tpu.memory_space<vmem>>) semaphore(%arg27 : memref<!tpu.dma_semaphore, #tpu.memory_space<semaphore_mem>>) {add = true}
      %mul3A_261 = arith.constant 6 : i32
      %mul3A_262 = arith.muli %while3A_187, %mul3A_261 : i32
      %add3A_263 = arith.constant 2 : i32
      %add3A_264 = arith.addi %mul3A_262, %add3A_263 : i32
      %ge3A_265 = arith.constant 1 : i32
      %ge3A_266 = arith.cmpi sge, %add3A_264, %ge3A_265 : i32
      %convert_element_type3A_267 = arith.extui %ge3A_266 : i1 to i32
      %cond3A_268 = arith.constant 0 : i32
      %cond3A_269 = arith.cmpi ne, %convert_element_type3A_267, %cond3A_268 : i32
      scf.if %cond3A_269 {
        %dma_wait3A_417 = arith.constant 0 : i32
        %dma_wait3A_418 = arith.constant 0 : i32
        %dma_wait3A_419 = tpu.memref_slice %arg7[%dma_wait3A_417, %dma_wait3A_418] : memref<10112x128xf32, #tpu.memory_space<vmem_shared>> -> memref<10112x128xf32, #tpu.memory_space<vmem_shared>>
        tpu.wait_indirect_dma semaphore(%arg27 : memref<!tpu.dma_semaphore, #tpu.memory_space<semaphore_mem>>) src(%arg21 : memref<96x128xf32, #tpu.memory_space<vmem>>) dst(%dma_wait3A_419 : memref<10112x128xf32, #tpu.memory_space<vmem_shared>>)
      } else {
      }
      %add3A_270 = arith.constant 2 : i32
      %add3A_271 = arith.addi %add3A_264, %add3A_270 : i32
      %lt3A_272 = arith.cmpi slt, %add3A_271, %select_n3A_8 : i32
      %convert_element_type3A_273 = arith.extui %lt3A_272 : i1 to i32
      %cond3A_274 = arith.constant 0 : i32
      %cond3A_275 = arith.cmpi ne, %convert_element_type3A_273, %cond3A_274 : i32
      scf.if %cond3A_275 {
        %dma_wait3A_417 = arith.constant 0 : i32
        %dma_wait3A_418 = tpu.memref_slice %arg3[%select_n3A, %dma_wait3A_417] : memref<3360x96xi32, #tpu.memory_space<hbm>> -> memref<1x96xi32, #tpu.memory_space<hbm>>
        %dma_wait3A_419 = tpu.memref_squeeze %dma_wait3A_418 : memref<1x96xi32, #tpu.memory_space<hbm>> -> memref<96xi32, #tpu.memory_space<hbm>>
        %dma_wait3A_420 = arith.constant 0 : i32
        %dma_wait3A_421 = tpu.memref_slice %arg3[%select_n3A, %dma_wait3A_420] : memref<3360x96xi32, #tpu.memory_space<hbm>> -> memref<1x96xi32, #tpu.memory_space<hbm>>
        %dma_wait3A_422 = tpu.memref_squeeze %dma_wait3A_421 : memref<1x96xi32, #tpu.memory_space<hbm>> -> memref<96xi32, #tpu.memory_space<hbm>>
        tpu.wait_dma2 semaphore(%arg33 : memref<!tpu.dma_semaphore, #tpu.memory_space<semaphore_mem>>) src(%dma_wait3A_422 : memref<96xi32, #tpu.memory_space<hbm>>) dst(%arg12 : memref<96xi32, #tpu.memory_space<vmem>>)
        %dma_wait3A_423 = arith.constant 0 : i32
        %dma_wait3A_424 = tpu.memref_slice %arg4[%select_n3A, %dma_wait3A_423] : memref<3360x96xi32, #tpu.memory_space<hbm>> -> memref<1x96xi32, #tpu.memory_space<hbm>>
        %dma_wait3A_425 = tpu.memref_squeeze %dma_wait3A_424 : memref<1x96xi32, #tpu.memory_space<hbm>> -> memref<96xi32, #tpu.memory_space<hbm>>
        %dma_wait3A_426 = arith.constant 0 : i32
        %dma_wait3A_427 = tpu.memref_slice %arg4[%select_n3A, %dma_wait3A_426] : memref<3360x96xi32, #tpu.memory_space<hbm>> -> memref<1x96xi32, #tpu.memory_space<hbm>>
        %dma_wait3A_428 = tpu.memref_squeeze %dma_wait3A_427 : memref<1x96xi32, #tpu.memory_space<hbm>> -> memref<96xi32, #tpu.memory_space<hbm>>
        tpu.wait_dma2 semaphore(%arg33 : memref<!tpu.dma_semaphore, #tpu.memory_space<semaphore_mem>>) src(%dma_wait3A_428 : memref<96xi32, #tpu.memory_space<hbm>>) dst(%arg18 : memref<96xi32, #tpu.memory_space<vmem>>)
        %dma_start3A_429 = arith.constant 0 : i32
        %dma_start3A_430 = arith.constant 0 : i32
        %dma_start3A_431 = tpu.memref_slice %arg2[%dma_start3A_429, %dma_start3A_430] : memref<10000x128xf32, #tpu.memory_space<hbm>> -> memref<10000x128xf32, #tpu.memory_space<hbm>>
        tpu.enqueue_indirect_dma source(%dma_start3A_431 : memref<10000x128xf32, #tpu.memory_space<hbm>>) target(%arg21 : memref<96x128xf32, #tpu.memory_space<vmem>>) offsets(%arg12 : memref<96xi32, #tpu.memory_space<vmem>>) semaphore(%arg24 : memref<!tpu.dma_semaphore, #tpu.memory_space<semaphore_mem>>)
      } else {
      }
      %add3A_276 = arith.constant 4 : i32
      %add3A_277 = arith.addi %add3A_264, %add3A_276 : i32
      %lt3A_278 = arith.cmpi slt, %add3A_277, %select_n3A_8 : i32
      %convert_element_type3A_279 = arith.extui %lt3A_278 : i1 to i32
      %cond3A_280 = arith.constant 0 : i32
      %cond3A_281 = arith.cmpi ne, %convert_element_type3A_279, %cond3A_280 : i32
      scf.if %cond3A_281 {
        %add3A_417 = arith.constant 4 : i32
        %add3A_418 = arith.addi %add3A_264, %add3A_417 : i32
        %add3A_419 = arith.addi %select_n3A, %add3A_418 : i32
        %dma_start3A_420 = arith.constant 0 : i32
        %dma_start3A_421 = tpu.memref_slice %arg3[%add3A_419, %dma_start3A_420] : memref<3360x96xi32, #tpu.memory_space<hbm>> -> memref<1x96xi32, #tpu.memory_space<hbm>>
        %dma_start3A_422 = tpu.memref_squeeze %dma_start3A_421 : memref<1x96xi32, #tpu.memory_space<hbm>> -> memref<96xi32, #tpu.memory_space<hbm>>
        %dma_start3A_423 = arith.constant 0 : i32
        %dma_start3A_424 = tpu.memref_slice %arg3[%add3A_419, %dma_start3A_423] : memref<3360x96xi32, #tpu.memory_space<hbm>> -> memref<1x96xi32, #tpu.memory_space<hbm>>
        %dma_start3A_425 = tpu.memref_squeeze %dma_start3A_424 : memref<1x96xi32, #tpu.memory_space<hbm>> -> memref<96xi32, #tpu.memory_space<hbm>>
        tpu.enqueue_dma source(%dma_start3A_425 : memref<96xi32, #tpu.memory_space<hbm>>) target(%arg8 : memref<96xi32, #tpu.memory_space<vmem>>) target_semaphore(%arg29 : memref<!tpu.dma_semaphore, #tpu.memory_space<semaphore_mem>>)
        %add3A_426 = arith.addi %select_n3A, %add3A_418 : i32
        %dma_start3A_427 = arith.constant 0 : i32
        %dma_start3A_428 = tpu.memref_slice %arg4[%add3A_426, %dma_start3A_427] : memref<3360x96xi32, #tpu.memory_space<hbm>> -> memref<1x96xi32, #tpu.memory_space<hbm>>
        %dma_start3A_429 = tpu.memref_squeeze %dma_start3A_428 : memref<1x96xi32, #tpu.memory_space<hbm>> -> memref<96xi32, #tpu.memory_space<hbm>>
        %dma_start3A_430 = arith.constant 0 : i32
        %dma_start3A_431 = tpu.memref_slice %arg4[%add3A_426, %dma_start3A_430] : memref<3360x96xi32, #tpu.memory_space<hbm>> -> memref<1x96xi32, #tpu.memory_space<hbm>>
        %dma_start3A_432 = tpu.memref_squeeze %dma_start3A_431 : memref<1x96xi32, #tpu.memory_space<hbm>> -> memref<96xi32, #tpu.memory_space<hbm>>
        tpu.enqueue_dma source(%dma_start3A_432 : memref<96xi32, #tpu.memory_space<hbm>>) target(%arg14 : memref<96xi32, #tpu.memory_space<vmem>>) target_semaphore(%arg29 : memref<!tpu.dma_semaphore, #tpu.memory_space<semaphore_mem>>)
      } else {
      }
      %get3A_282 = arith.constant 0 : index
      %get3A_283 = tpu.vector_load %arg16[%get3A_282] {strides = array<i32>} : memref<96xi32, #tpu.memory_space<vmem>>, vector<16xi32>,
      tpu.vector_store_idx %arg35[%get3A_283], %broadcast_in_dim3A_51 {add = true} : memref<10240xf32, #tpu.memory_space<vmem>>[vector<16xi32>], vector<16xf32>,
      %get3A_284 = arith.constant 16 : index
      %get3A_285 = tpu.vector_load %arg16[%get3A_284] {strides = array<i32>} : memref<96xi32, #tpu.memory_space<vmem>>, vector<16xi32>,
      tpu.vector_store_idx %arg35[%get3A_285], %broadcast_in_dim3A_51 {add = true} : memref<10240xf32, #tpu.memory_space<vmem>>[vector<16xi32>], vector<16xf32>,
      %get3A_286 = arith.constant 32 : index
      %get3A_287 = tpu.vector_load %arg16[%get3A_286] {strides = array<i32>} : memref<96xi32, #tpu.memory_space<vmem>>, vector<16xi32>,
      tpu.vector_store_idx %arg35[%get3A_287], %broadcast_in_dim3A_51 {add = true} : memref<10240xf32, #tpu.memory_space<vmem>>[vector<16xi32>], vector<16xf32>,
      %get3A_288 = arith.constant 48 : index
      %get3A_289 = tpu.vector_load %arg16[%get3A_288] {strides = array<i32>} : memref<96xi32, #tpu.memory_space<vmem>>, vector<16xi32>,
      tpu.vector_store_idx %arg35[%get3A_289], %broadcast_in_dim3A_51 {add = true} : memref<10240xf32, #tpu.memory_space<vmem>>[vector<16xi32>], vector<16xf32>,
      %get3A_290 = arith.constant 64 : index
      %get3A_291 = tpu.vector_load %arg16[%get3A_290] {strides = array<i32>} : memref<96xi32, #tpu.memory_space<vmem>>, vector<16xi32>,
      tpu.vector_store_idx %arg35[%get3A_291], %broadcast_in_dim3A_51 {add = true} : memref<10240xf32, #tpu.memory_space<vmem>>[vector<16xi32>], vector<16xf32>,
      %get3A_292 = arith.constant 80 : index
      %get3A_293 = tpu.vector_load %arg16[%get3A_292] {strides = array<i32>} : memref<96xi32, #tpu.memory_space<vmem>>, vector<16xi32>,
      tpu.vector_store_idx %arg35[%get3A_293], %broadcast_in_dim3A_51 {add = true} : memref<10240xf32, #tpu.memory_space<vmem>>[vector<16xi32>], vector<16xf32>,
      %dma_wait3A_294 = arith.constant 0 : i32
      %dma_wait3A_295 = arith.constant 0 : i32
      %dma_wait3A_296 = tpu.memref_slice %arg2[%dma_wait3A_294, %dma_wait3A_295] : memref<10000x128xf32, #tpu.memory_space<hbm>> -> memref<10000x128xf32, #tpu.memory_space<hbm>>
      tpu.wait_indirect_dma semaphore(%arg25 : memref<!tpu.dma_semaphore, #tpu.memory_space<semaphore_mem>>) src(%dma_wait3A_296 : memref<10000x128xf32, #tpu.memory_space<hbm>>) dst(%arg22 : memref<96x128xf32, #tpu.memory_space<vmem>>)
      %dma_start3A_297 = arith.constant 0 : i32
      %dma_start3A_298 = arith.constant 0 : i32
      %dma_start3A_299 = tpu.memref_slice %arg7[%dma_start3A_297, %dma_start3A_298] : memref<10112x128xf32, #tpu.memory_space<vmem_shared>> -> memref<10112x128xf32, #tpu.memory_space<vmem_shared>>
      tpu.enqueue_indirect_dma source(%arg22 : memref<96x128xf32, #tpu.memory_space<vmem>>) target(%dma_start3A_299 : memref<10112x128xf32, #tpu.memory_space<vmem_shared>>) offsets(%arg16 : memref<96xi32, #tpu.memory_space<vmem>>) semaphore(%arg28 : memref<!tpu.dma_semaphore, #tpu.memory_space<semaphore_mem>>) {add = true}
      %mul3A_300 = arith.constant 6 : i32
      %mul3A_301 = arith.muli %while3A_187, %mul3A_300 : i32
      %add3A_302 = arith.constant 3 : i32
      %add3A_303 = arith.addi %mul3A_301, %add3A_302 : i32
      %ge3A_304 = arith.constant 1 : i32
      %ge3A_305 = arith.cmpi sge, %add3A_303, %ge3A_304 : i32
      %convert_element_type3A_306 = arith.extui %ge3A_305 : i1 to i32
      %cond3A_307 = arith.constant 0 : i32
      %cond3A_308 = arith.cmpi ne, %convert_element_type3A_306, %cond3A_307 : i32
      scf.if %cond3A_308 {
        %dma_wait3A_417 = arith.constant 0 : i32
        %dma_wait3A_418 = arith.constant 0 : i32
        %dma_wait3A_419 = tpu.memref_slice %arg7[%dma_wait3A_417, %dma_wait3A_418] : memref<10112x128xf32, #tpu.memory_space<vmem_shared>> -> memref<10112x128xf32, #tpu.memory_space<vmem_shared>>
        tpu.wait_indirect_dma semaphore(%arg28 : memref<!tpu.dma_semaphore, #tpu.memory_space<semaphore_mem>>) src(%arg22 : memref<96x128xf32, #tpu.memory_space<vmem>>) dst(%dma_wait3A_419 : memref<10112x128xf32, #tpu.memory_space<vmem_shared>>)
      } else {
      }
      %add3A_309 = arith.constant 2 : i32
      %add3A_310 = arith.addi %add3A_303, %add3A_309 : i32
      %lt3A_311 = arith.cmpi slt, %add3A_310, %select_n3A_8 : i32
      %convert_element_type3A_312 = arith.extui %lt3A_311 : i1 to i32
      %cond3A_313 = arith.constant 0 : i32
      %cond3A_314 = arith.cmpi ne, %convert_element_type3A_312, %cond3A_313 : i32
      scf.if %cond3A_314 {
        %dma_wait3A_417 = arith.constant 0 : i32
        %dma_wait3A_418 = tpu.memref_slice %arg3[%select_n3A, %dma_wait3A_417] : memref<3360x96xi32, #tpu.memory_space<hbm>> -> memref<1x96xi32, #tpu.memory_space<hbm>>
        %dma_wait3A_419 = tpu.memref_squeeze %dma_wait3A_418 : memref<1x96xi32, #tpu.memory_space<hbm>> -> memref<96xi32, #tpu.memory_space<hbm>>
        %dma_wait3A_420 = arith.constant 0 : i32
        %dma_wait3A_421 = tpu.memref_slice %arg3[%select_n3A, %dma_wait3A_420] : memref<3360x96xi32, #tpu.memory_space<hbm>> -> memref<1x96xi32, #tpu.memory_space<hbm>>
        %dma_wait3A_422 = tpu.memref_squeeze %dma_wait3A_421 : memref<1x96xi32, #tpu.memory_space<hbm>> -> memref<96xi32, #tpu.memory_space<hbm>>
        tpu.wait_dma2 semaphore(%arg34 : memref<!tpu.dma_semaphore, #tpu.memory_space<semaphore_mem>>) src(%dma_wait3A_422 : memref<96xi32, #tpu.memory_space<hbm>>) dst(%arg13 : memref<96xi32, #tpu.memory_space<vmem>>)
        %dma_wait3A_423 = arith.constant 0 : i32
        %dma_wait3A_424 = tpu.memref_slice %arg4[%select_n3A, %dma_wait3A_423] : memref<3360x96xi32, #tpu.memory_space<hbm>> -> memref<1x96xi32, #tpu.memory_space<hbm>>
        %dma_wait3A_425 = tpu.memref_squeeze %dma_wait3A_424 : memref<1x96xi32, #tpu.memory_space<hbm>> -> memref<96xi32, #tpu.memory_space<hbm>>
        %dma_wait3A_426 = arith.constant 0 : i32
        %dma_wait3A_427 = tpu.memref_slice %arg4[%select_n3A, %dma_wait3A_426] : memref<3360x96xi32, #tpu.memory_space<hbm>> -> memref<1x96xi32, #tpu.memory_space<hbm>>
        %dma_wait3A_428 = tpu.memref_squeeze %dma_wait3A_427 : memref<1x96xi32, #tpu.memory_space<hbm>> -> memref<96xi32, #tpu.memory_space<hbm>>
        tpu.wait_dma2 semaphore(%arg34 : memref<!tpu.dma_semaphore, #tpu.memory_space<semaphore_mem>>) src(%dma_wait3A_428 : memref<96xi32, #tpu.memory_space<hbm>>) dst(%arg19 : memref<96xi32, #tpu.memory_space<vmem>>)
        %dma_start3A_429 = arith.constant 0 : i32
        %dma_start3A_430 = arith.constant 0 : i32
        %dma_start3A_431 = tpu.memref_slice %arg2[%dma_start3A_429, %dma_start3A_430] : memref<10000x128xf32, #tpu.memory_space<hbm>> -> memref<10000x128xf32, #tpu.memory_space<hbm>>
        tpu.enqueue_indirect_dma source(%dma_start3A_431 : memref<10000x128xf32, #tpu.memory_space<hbm>>) target(%arg22 : memref<96x128xf32, #tpu.memory_space<vmem>>) offsets(%arg13 : memref<96xi32, #tpu.memory_space<vmem>>) semaphore(%arg25 : memref<!tpu.dma_semaphore, #tpu.memory_space<semaphore_mem>>)
      } else {
      }
      %add3A_315 = arith.constant 4 : i32
      %add3A_316 = arith.addi %add3A_303, %add3A_315 : i32
      %lt3A_317 = arith.cmpi slt, %add3A_316, %select_n3A_8 : i32
      %convert_element_type3A_318 = arith.extui %lt3A_317 : i1 to i32
      %cond3A_319 = arith.constant 0 : i32
      %cond3A_320 = arith.cmpi ne, %convert_element_type3A_318, %cond3A_319 : i32
      scf.if %cond3A_320 {
        %add3A_417 = arith.constant 4 : i32
        %add3A_418 = arith.addi %add3A_303, %add3A_417 : i32
        %add3A_419 = arith.addi %select_n3A, %add3A_418 : i32
        %dma_start3A_420 = arith.constant 0 : i32
        %dma_start3A_421 = tpu.memref_slice %arg3[%add3A_419, %dma_start3A_420] : memref<3360x96xi32, #tpu.memory_space<hbm>> -> memref<1x96xi32, #tpu.memory_space<hbm>>
        %dma_start3A_422 = tpu.memref_squeeze %dma_start3A_421 : memref<1x96xi32, #tpu.memory_space<hbm>> -> memref<96xi32, #tpu.memory_space<hbm>>
        %dma_start3A_423 = arith.constant 0 : i32
        %dma_start3A_424 = tpu.memref_slice %arg3[%add3A_419, %dma_start3A_423] : memref<3360x96xi32, #tpu.memory_space<hbm>> -> memref<1x96xi32, #tpu.memory_space<hbm>>
        %dma_start3A_425 = tpu.memref_squeeze %dma_start3A_424 : memref<1x96xi32, #tpu.memory_space<hbm>> -> memref<96xi32, #tpu.memory_space<hbm>>
        tpu.enqueue_dma source(%dma_start3A_425 : memref<96xi32, #tpu.memory_space<hbm>>) target(%arg9 : memref<96xi32, #tpu.memory_space<vmem>>) target_semaphore(%arg30 : memref<!tpu.dma_semaphore, #tpu.memory_space<semaphore_mem>>)
        %add3A_426 = arith.addi %select_n3A, %add3A_418 : i32
        %dma_start3A_427 = arith.constant 0 : i32
        %dma_start3A_428 = tpu.memref_slice %arg4[%add3A_426, %dma_start3A_427] : memref<3360x96xi32, #tpu.memory_space<hbm>> -> memref<1x96xi32, #tpu.memory_space<hbm>>
        %dma_start3A_429 = tpu.memref_squeeze %dma_start3A_428 : memref<1x96xi32, #tpu.memory_space<hbm>> -> memref<96xi32, #tpu.memory_space<hbm>>
        %dma_start3A_430 = arith.constant 0 : i32
        %dma_start3A_431 = tpu.memref_slice %arg4[%add3A_426, %dma_start3A_430] : memref<3360x96xi32, #tpu.memory_space<hbm>> -> memref<1x96xi32, #tpu.memory_space<hbm>>
        %dma_start3A_432 = tpu.memref_squeeze %dma_start3A_431 : memref<1x96xi32, #tpu.memory_space<hbm>> -> memref<96xi32, #tpu.memory_space<hbm>>
        tpu.enqueue_dma source(%dma_start3A_432 : memref<96xi32, #tpu.memory_space<hbm>>) target(%arg15 : memref<96xi32, #tpu.memory_space<vmem>>) target_semaphore(%arg30 : memref<!tpu.dma_semaphore, #tpu.memory_space<semaphore_mem>>)
      } else {
      }
      %get3A_321 = arith.constant 0 : index
      %get3A_322 = tpu.vector_load %arg17[%get3A_321] {strides = array<i32>} : memref<96xi32, #tpu.memory_space<vmem>>, vector<16xi32>,
      tpu.vector_store_idx %arg35[%get3A_322], %broadcast_in_dim3A_51 {add = true} : memref<10240xf32, #tpu.memory_space<vmem>>[vector<16xi32>], vector<16xf32>,
      %get3A_323 = arith.constant 16 : index
      %get3A_324 = tpu.vector_load %arg17[%get3A_323] {strides = array<i32>} : memref<96xi32, #tpu.memory_space<vmem>>, vector<16xi32>,
      tpu.vector_store_idx %arg35[%get3A_324], %broadcast_in_dim3A_51 {add = true} : memref<10240xf32, #tpu.memory_space<vmem>>[vector<16xi32>], vector<16xf32>,
      %get3A_325 = arith.constant 32 : index
      %get3A_326 = tpu.vector_load %arg17[%get3A_325] {strides = array<i32>} : memref<96xi32, #tpu.memory_space<vmem>>, vector<16xi32>,
      tpu.vector_store_idx %arg35[%get3A_326], %broadcast_in_dim3A_51 {add = true} : memref<10240xf32, #tpu.memory_space<vmem>>[vector<16xi32>], vector<16xf32>,
      %get3A_327 = arith.constant 48 : index
      %get3A_328 = tpu.vector_load %arg17[%get3A_327] {strides = array<i32>} : memref<96xi32, #tpu.memory_space<vmem>>, vector<16xi32>,
      tpu.vector_store_idx %arg35[%get3A_328], %broadcast_in_dim3A_51 {add = true} : memref<10240xf32, #tpu.memory_space<vmem>>[vector<16xi32>], vector<16xf32>,
      %get3A_329 = arith.constant 64 : index
      %get3A_330 = tpu.vector_load %arg17[%get3A_329] {strides = array<i32>} : memref<96xi32, #tpu.memory_space<vmem>>, vector<16xi32>,
      tpu.vector_store_idx %arg35[%get3A_330], %broadcast_in_dim3A_51 {add = true} : memref<10240xf32, #tpu.memory_space<vmem>>[vector<16xi32>], vector<16xf32>,
      %get3A_331 = arith.constant 80 : index
      %get3A_332 = tpu.vector_load %arg17[%get3A_331] {strides = array<i32>} : memref<96xi32, #tpu.memory_space<vmem>>, vector<16xi32>,
      tpu.vector_store_idx %arg35[%get3A_332], %broadcast_in_dim3A_51 {add = true} : memref<10240xf32, #tpu.memory_space<vmem>>[vector<16xi32>], vector<16xf32>,
      %dma_wait3A_333 = arith.constant 0 : i32
      %dma_wait3A_334 = arith.constant 0 : i32
      %dma_wait3A_335 = tpu.memref_slice %arg2[%dma_wait3A_333, %dma_wait3A_334] : memref<10000x128xf32, #tpu.memory_space<hbm>> -> memref<10000x128xf32, #tpu.memory_space<hbm>>
      tpu.wait_indirect_dma semaphore(%arg23 : memref<!tpu.dma_semaphore, #tpu.memory_space<semaphore_mem>>) src(%dma_wait3A_335 : memref<10000x128xf32, #tpu.memory_space<hbm>>) dst(%arg20 : memref<96x128xf32, #tpu.memory_space<vmem>>)
      %dma_start3A_336 = arith.constant 0 : i32
      %dma_start3A_337 = arith.constant 0 : i32
      %dma_start3A_338 = tpu.memref_slice %arg7[%dma_start3A_336, %dma_start3A_337] : memref<10112x128xf32, #tpu.memory_space<vmem_shared>> -> memref<10112x128xf32, #tpu.memory_space<vmem_shared>>
      tpu.enqueue_indirect_dma source(%arg20 : memref<96x128xf32, #tpu.memory_space<vmem>>) target(%dma_start3A_338 : memref<10112x128xf32, #tpu.memory_space<vmem_shared>>) offsets(%arg17 : memref<96xi32, #tpu.memory_space<vmem>>) semaphore(%arg26 : memref<!tpu.dma_semaphore, #tpu.memory_space<semaphore_mem>>) {add = true}
      %mul3A_339 = arith.constant 6 : i32
      %mul3A_340 = arith.muli %while3A_187, %mul3A_339 : i32
      %add3A_341 = arith.constant 4 : i32
      %add3A_342 = arith.addi %mul3A_340, %add3A_341 : i32
      %ge3A_343 = arith.constant 1 : i32
      %ge3A_344 = arith.cmpi sge, %add3A_342, %ge3A_343 : i32
      %convert_element_type3A_345 = arith.extui %ge3A_344 : i1 to i32
      %cond3A_346 = arith.constant 0 : i32
      %cond3A_347 = arith.cmpi ne, %convert_element_type3A_345, %cond3A_346 : i32
      scf.if %cond3A_347 {
        %dma_wait3A_417 = arith.constant 0 : i32
        %dma_wait3A_418 = arith.constant 0 : i32
        %dma_wait3A_419 = tpu.memref_slice %arg7[%dma_wait3A_417, %dma_wait3A_418] : memref<10112x128xf32, #tpu.memory_space<vmem_shared>> -> memref<10112x128xf32, #tpu.memory_space<vmem_shared>>
        tpu.wait_indirect_dma semaphore(%arg26 : memref<!tpu.dma_semaphore, #tpu.memory_space<semaphore_mem>>) src(%arg20 : memref<96x128xf32, #tpu.memory_space<vmem>>) dst(%dma_wait3A_419 : memref<10112x128xf32, #tpu.memory_space<vmem_shared>>)
      } else {
      }
      %add3A_348 = arith.constant 2 : i32
      %add3A_349 = arith.addi %add3A_342, %add3A_348 : i32
      %lt3A_350 = arith.cmpi slt, %add3A_349, %select_n3A_8 : i32
      %convert_element_type3A_351 = arith.extui %lt3A_350 : i1 to i32
      %cond3A_352 = arith.constant 0 : i32
      %cond3A_353 = arith.cmpi ne, %convert_element_type3A_351, %cond3A_352 : i32
      scf.if %cond3A_353 {
        %dma_wait3A_417 = arith.constant 0 : i32
        %dma_wait3A_418 = tpu.memref_slice %arg3[%select_n3A, %dma_wait3A_417] : memref<3360x96xi32, #tpu.memory_space<hbm>> -> memref<1x96xi32, #tpu.memory_space<hbm>>
        %dma_wait3A_419 = tpu.memref_squeeze %dma_wait3A_418 : memref<1x96xi32, #tpu.memory_space<hbm>> -> memref<96xi32, #tpu.memory_space<hbm>>
        %dma_wait3A_420 = arith.constant 0 : i32
        %dma_wait3A_421 = tpu.memref_slice %arg3[%select_n3A, %dma_wait3A_420] : memref<3360x96xi32, #tpu.memory_space<hbm>> -> memref<1x96xi32, #tpu.memory_space<hbm>>
        %dma_wait3A_422 = tpu.memref_squeeze %dma_wait3A_421 : memref<1x96xi32, #tpu.memory_space<hbm>> -> memref<96xi32, #tpu.memory_space<hbm>>
        tpu.wait_dma2 semaphore(%arg29 : memref<!tpu.dma_semaphore, #tpu.memory_space<semaphore_mem>>) src(%dma_wait3A_422 : memref<96xi32, #tpu.memory_space<hbm>>) dst(%arg8 : memref<96xi32, #tpu.memory_space<vmem>>)
        %dma_wait3A_423 = arith.constant 0 : i32
        %dma_wait3A_424 = tpu.memref_slice %arg4[%select_n3A, %dma_wait3A_423] : memref<3360x96xi32, #tpu.memory_space<hbm>> -> memref<1x96xi32, #tpu.memory_space<hbm>>
        %dma_wait3A_425 = tpu.memref_squeeze %dma_wait3A_424 : memref<1x96xi32, #tpu.memory_space<hbm>> -> memref<96xi32, #tpu.memory_space<hbm>>
        %dma_wait3A_426 = arith.constant 0 : i32
        %dma_wait3A_427 = tpu.memref_slice %arg4[%select_n3A, %dma_wait3A_426] : memref<3360x96xi32, #tpu.memory_space<hbm>> -> memref<1x96xi32, #tpu.memory_space<hbm>>
        %dma_wait3A_428 = tpu.memref_squeeze %dma_wait3A_427 : memref<1x96xi32, #tpu.memory_space<hbm>> -> memref<96xi32, #tpu.memory_space<hbm>>
        tpu.wait_dma2 semaphore(%arg29 : memref<!tpu.dma_semaphore, #tpu.memory_space<semaphore_mem>>) src(%dma_wait3A_428 : memref<96xi32, #tpu.memory_space<hbm>>) dst(%arg14 : memref<96xi32, #tpu.memory_space<vmem>>)
        %dma_start3A_429 = arith.constant 0 : i32
        %dma_start3A_430 = arith.constant 0 : i32
        %dma_start3A_431 = tpu.memref_slice %arg2[%dma_start3A_429, %dma_start3A_430] : memref<10000x128xf32, #tpu.memory_space<hbm>> -> memref<10000x128xf32, #tpu.memory_space<hbm>>
        tpu.enqueue_indirect_dma source(%dma_start3A_431 : memref<10000x128xf32, #tpu.memory_space<hbm>>) target(%arg20 : memref<96x128xf32, #tpu.memory_space<vmem>>) offsets(%arg8 : memref<96xi32, #tpu.memory_space<vmem>>) semaphore(%arg23 : memref<!tpu.dma_semaphore, #tpu.memory_space<semaphore_mem>>)
      } else {
      }
      %add3A_354 = arith.constant 4 : i32
      %add3A_355 = arith.addi %add3A_342, %add3A_354 : i32
      %lt3A_356 = arith.cmpi slt, %add3A_355, %select_n3A_8 : i32
      %convert_element_type3A_357 = arith.extui %lt3A_356 : i1 to i32
      %cond3A_358 = arith.constant 0 : i32
      %cond3A_359 = arith.cmpi ne, %convert_element_type3A_357, %cond3A_358 : i32
      scf.if %cond3A_359 {
        %add3A_417 = arith.constant 4 : i32
        %add3A_418 = arith.addi %add3A_342, %add3A_417 : i32
        %add3A_419 = arith.addi %select_n3A, %add3A_418 : i32
        %dma_start3A_420 = arith.constant 0 : i32
        %dma_start3A_421 = tpu.memref_slice %arg3[%add3A_419, %dma_start3A_420] : memref<3360x96xi32, #tpu.memory_space<hbm>> -> memref<1x96xi32, #tpu.memory_space<hbm>>
        %dma_start3A_422 = tpu.memref_squeeze %dma_start3A_421 : memref<1x96xi32, #tpu.memory_space<hbm>> -> memref<96xi32, #tpu.memory_space<hbm>>
        %dma_start3A_423 = arith.constant 0 : i32
        %dma_start3A_424 = tpu.memref_slice %arg3[%add3A_419, %dma_start3A_423] : memref<3360x96xi32, #tpu.memory_space<hbm>> -> memref<1x96xi32, #tpu.memory_space<hbm>>
        %dma_start3A_425 = tpu.memref_squeeze %dma_start3A_424 : memref<1x96xi32, #tpu.memory_space<hbm>> -> memref<96xi32, #tpu.memory_space<hbm>>
        tpu.enqueue_dma source(%dma_start3A_425 : memref<96xi32, #tpu.memory_space<hbm>>) target(%arg10 : memref<96xi32, #tpu.memory_space<vmem>>) target_semaphore(%arg31 : memref<!tpu.dma_semaphore, #tpu.memory_space<semaphore_mem>>)
        %add3A_426 = arith.addi %select_n3A, %add3A_418 : i32
        %dma_start3A_427 = arith.constant 0 : i32
        %dma_start3A_428 = tpu.memref_slice %arg4[%add3A_426, %dma_start3A_427] : memref<3360x96xi32, #tpu.memory_space<hbm>> -> memref<1x96xi32, #tpu.memory_space<hbm>>
        %dma_start3A_429 = tpu.memref_squeeze %dma_start3A_428 : memref<1x96xi32, #tpu.memory_space<hbm>> -> memref<96xi32, #tpu.memory_space<hbm>>
        %dma_start3A_430 = arith.constant 0 : i32
        %dma_start3A_431 = tpu.memref_slice %arg4[%add3A_426, %dma_start3A_430] : memref<3360x96xi32, #tpu.memory_space<hbm>> -> memref<1x96xi32, #tpu.memory_space<hbm>>
        %dma_start3A_432 = tpu.memref_squeeze %dma_start3A_431 : memref<1x96xi32, #tpu.memory_space<hbm>> -> memref<96xi32, #tpu.memory_space<hbm>>
        tpu.enqueue_dma source(%dma_start3A_432 : memref<96xi32, #tpu.memory_space<hbm>>) target(%arg16 : memref<96xi32, #tpu.memory_space<vmem>>) target_semaphore(%arg31 : memref<!tpu.dma_semaphore, #tpu.memory_space<semaphore_mem>>)
      } else {
      }
      %get3A_360 = arith.constant 0 : index
      %get3A_361 = tpu.vector_load %arg18[%get3A_360] {strides = array<i32>} : memref<96xi32, #tpu.memory_space<vmem>>, vector<16xi32>,
      tpu.vector_store_idx %arg35[%get3A_361], %broadcast_in_dim3A_51 {add = true} : memref<10240xf32, #tpu.memory_space<vmem>>[vector<16xi32>], vector<16xf32>,
      %get3A_362 = arith.constant 16 : index
      %get3A_363 = tpu.vector_load %arg18[%get3A_362] {strides = array<i32>} : memref<96xi32, #tpu.memory_space<vmem>>, vector<16xi32>,
      tpu.vector_store_idx %arg35[%get3A_363], %broadcast_in_dim3A_51 {add = true} : memref<10240xf32, #tpu.memory_space<vmem>>[vector<16xi32>], vector<16xf32>,
      %get3A_364 = arith.constant 32 : index
      %get3A_365 = tpu.vector_load %arg18[%get3A_364] {strides = array<i32>} : memref<96xi32, #tpu.memory_space<vmem>>, vector<16xi32>,
      tpu.vector_store_idx %arg35[%get3A_365], %broadcast_in_dim3A_51 {add = true} : memref<10240xf32, #tpu.memory_space<vmem>>[vector<16xi32>], vector<16xf32>,
      %get3A_366 = arith.constant 48 : index
      %get3A_367 = tpu.vector_load %arg18[%get3A_366] {strides = array<i32>} : memref<96xi32, #tpu.memory_space<vmem>>, vector<16xi32>,
      tpu.vector_store_idx %arg35[%get3A_367], %broadcast_in_dim3A_51 {add = true} : memref<10240xf32, #tpu.memory_space<vmem>>[vector<16xi32>], vector<16xf32>,
      %get3A_368 = arith.constant 64 : index
      %get3A_369 = tpu.vector_load %arg18[%get3A_368] {strides = array<i32>} : memref<96xi32, #tpu.memory_space<vmem>>, vector<16xi32>,
      tpu.vector_store_idx %arg35[%get3A_369], %broadcast_in_dim3A_51 {add = true} : memref<10240xf32, #tpu.memory_space<vmem>>[vector<16xi32>], vector<16xf32>,
      %get3A_370 = arith.constant 80 : index
      %get3A_371 = tpu.vector_load %arg18[%get3A_370] {strides = array<i32>} : memref<96xi32, #tpu.memory_space<vmem>>, vector<16xi32>,
      tpu.vector_store_idx %arg35[%get3A_371], %broadcast_in_dim3A_51 {add = true} : memref<10240xf32, #tpu.memory_space<vmem>>[vector<16xi32>], vector<16xf32>,
      %dma_wait3A_372 = arith.constant 0 : i32
      %dma_wait3A_373 = arith.constant 0 : i32
      %dma_wait3A_374 = tpu.memref_slice %arg2[%dma_wait3A_372, %dma_wait3A_373] : memref<10000x128xf32, #tpu.memory_space<hbm>> -> memref<10000x128xf32, #tpu.memory_space<hbm>>
      tpu.wait_indirect_dma semaphore(%arg24 : memref<!tpu.dma_semaphore, #tpu.memory_space<semaphore_mem>>) src(%dma_wait3A_374 : memref<10000x128xf32, #tpu.memory_space<hbm>>) dst(%arg21 : memref<96x128xf32, #tpu.memory_space<vmem>>)
      %dma_start3A_375 = arith.constant 0 : i32
      %dma_start3A_376 = arith.constant 0 : i32
      %dma_start3A_377 = tpu.memref_slice %arg7[%dma_start3A_375, %dma_start3A_376] : memref<10112x128xf32, #tpu.memory_space<vmem_shared>> -> memref<10112x128xf32, #tpu.memory_space<vmem_shared>>
      tpu.enqueue_indirect_dma source(%arg21 : memref<96x128xf32, #tpu.memory_space<vmem>>) target(%dma_start3A_377 : memref<10112x128xf32, #tpu.memory_space<vmem_shared>>) offsets(%arg18 : memref<96xi32, #tpu.memory_space<vmem>>) semaphore(%arg27 : memref<!tpu.dma_semaphore, #tpu.memory_space<semaphore_mem>>) {add = true}
      %mul3A_378 = arith.constant 6 : i32
      %mul3A_379 = arith.muli %while3A_187, %mul3A_378 : i32
      %add3A_380 = arith.constant 5 : i32
      %add3A_381 = arith.addi %mul3A_379, %add3A_380 : i32
      %ge3A_382 = arith.constant 1 : i32
      %ge3A_383 = arith.cmpi sge, %add3A_381, %ge3A_382 : i32
      %convert_element_type3A_384 = arith.extui %ge3A_383 : i1 to i32
      %cond3A_385 = arith.constant 0 : i32
      %cond3A_386 = arith.cmpi ne, %convert_element_type3A_384, %cond3A_385 : i32
      scf.if %cond3A_386 {
        %dma_wait3A_417 = arith.constant 0 : i32
        %dma_wait3A_418 = arith.constant 0 : i32
        %dma_wait3A_419 = tpu.memref_slice %arg7[%dma_wait3A_417, %dma_wait3A_418] : memref<10112x128xf32, #tpu.memory_space<vmem_shared>> -> memref<10112x128xf32, #tpu.memory_space<vmem_shared>>
        tpu.wait_indirect_dma semaphore(%arg27 : memref<!tpu.dma_semaphore, #tpu.memory_space<semaphore_mem>>) src(%arg21 : memref<96x128xf32, #tpu.memory_space<vmem>>) dst(%dma_wait3A_419 : memref<10112x128xf32, #tpu.memory_space<vmem_shared>>)
      } else {
      }
      %add3A_387 = arith.constant 2 : i32
      %add3A_388 = arith.addi %add3A_381, %add3A_387 : i32
      %lt3A_389 = arith.cmpi slt, %add3A_388, %select_n3A_8 : i32
      %convert_element_type3A_390 = arith.extui %lt3A_389 : i1 to i32
      %cond3A_391 = arith.constant 0 : i32
      %cond3A_392 = arith.cmpi ne, %convert_element_type3A_390, %cond3A_391 : i32
      scf.if %cond3A_392 {
        %dma_wait3A_417 = arith.constant 0 : i32
        %dma_wait3A_418 = tpu.memref_slice %arg3[%select_n3A, %dma_wait3A_417] : memref<3360x96xi32, #tpu.memory_space<hbm>> -> memref<1x96xi32, #tpu.memory_space<hbm>>
        %dma_wait3A_419 = tpu.memref_squeeze %dma_wait3A_418 : memref<1x96xi32, #tpu.memory_space<hbm>> -> memref<96xi32, #tpu.memory_space<hbm>>
        %dma_wait3A_420 = arith.constant 0 : i32
        %dma_wait3A_421 = tpu.memref_slice %arg3[%select_n3A, %dma_wait3A_420] : memref<3360x96xi32, #tpu.memory_space<hbm>> -> memref<1x96xi32, #tpu.memory_space<hbm>>
        %dma_wait3A_422 = tpu.memref_squeeze %dma_wait3A_421 : memref<1x96xi32, #tpu.memory_space<hbm>> -> memref<96xi32, #tpu.memory_space<hbm>>
        tpu.wait_dma2 semaphore(%arg30 : memref<!tpu.dma_semaphore, #tpu.memory_space<semaphore_mem>>) src(%dma_wait3A_422 : memref<96xi32, #tpu.memory_space<hbm>>) dst(%arg9 : memref<96xi32, #tpu.memory_space<vmem>>)
        %dma_wait3A_423 = arith.constant 0 : i32
        %dma_wait3A_424 = tpu.memref_slice %arg4[%select_n3A, %dma_wait3A_423] : memref<3360x96xi32, #tpu.memory_space<hbm>> -> memref<1x96xi32, #tpu.memory_space<hbm>>
        %dma_wait3A_425 = tpu.memref_squeeze %dma_wait3A_424 : memref<1x96xi32, #tpu.memory_space<hbm>> -> memref<96xi32, #tpu.memory_space<hbm>>
        %dma_wait3A_426 = arith.constant 0 : i32
        %dma_wait3A_427 = tpu.memref_slice %arg4[%select_n3A, %dma_wait3A_426] : memref<3360x96xi32, #tpu.memory_space<hbm>> -> memref<1x96xi32, #tpu.memory_space<hbm>>
        %dma_wait3A_428 = tpu.memref_squeeze %dma_wait3A_427 : memref<1x96xi32, #tpu.memory_space<hbm>> -> memref<96xi32, #tpu.memory_space<hbm>>
        tpu.wait_dma2 semaphore(%arg30 : memref<!tpu.dma_semaphore, #tpu.memory_space<semaphore_mem>>) src(%dma_wait3A_428 : memref<96xi32, #tpu.memory_space<hbm>>) dst(%arg15 : memref<96xi32, #tpu.memory_space<vmem>>)
        %dma_start3A_429 = arith.constant 0 : i32
        %dma_start3A_430 = arith.constant 0 : i32
        %dma_start3A_431 = tpu.memref_slice %arg2[%dma_start3A_429, %dma_start3A_430] : memref<10000x128xf32, #tpu.memory_space<hbm>> -> memref<10000x128xf32, #tpu.memory_space<hbm>>
        tpu.enqueue_indirect_dma source(%dma_start3A_431 : memref<10000x128xf32, #tpu.memory_space<hbm>>) target(%arg21 : memref<96x128xf32, #tpu.memory_space<vmem>>) offsets(%arg9 : memref<96xi32, #tpu.memory_space<vmem>>) semaphore(%arg24 : memref<!tpu.dma_semaphore, #tpu.memory_space<semaphore_mem>>)
      } else {
      }
      %add3A_393 = arith.constant 4 : i32
      %add3A_394 = arith.addi %add3A_381, %add3A_393 : i32
      %lt3A_395 = arith.cmpi slt, %add3A_394, %select_n3A_8 : i32
      %convert_element_type3A_396 = arith.extui %lt3A_395 : i1 to i32
      %cond3A_397 = arith.constant 0 : i32
      %cond3A_398 = arith.cmpi ne, %convert_element_type3A_396, %cond3A_397 : i32
      scf.if %cond3A_398 {
        %add3A_417 = arith.constant 4 : i32
        %add3A_418 = arith.addi %add3A_381, %add3A_417 : i32
        %add3A_419 = arith.addi %select_n3A, %add3A_418 : i32
        %dma_start3A_420 = arith.constant 0 : i32
        %dma_start3A_421 = tpu.memref_slice %arg3[%add3A_419, %dma_start3A_420] : memref<3360x96xi32, #tpu.memory_space<hbm>> -> memref<1x96xi32, #tpu.memory_space<hbm>>
        %dma_start3A_422 = tpu.memref_squeeze %dma_start3A_421 : memref<1x96xi32, #tpu.memory_space<hbm>> -> memref<96xi32, #tpu.memory_space<hbm>>
        %dma_start3A_423 = arith.constant 0 : i32
        %dma_start3A_424 = tpu.memref_slice %arg3[%add3A_419, %dma_start3A_423] : memref<3360x96xi32, #tpu.memory_space<hbm>> -> memref<1x96xi32, #tpu.memory_space<hbm>>
        %dma_start3A_425 = tpu.memref_squeeze %dma_start3A_424 : memref<1x96xi32, #tpu.memory_space<hbm>> -> memref<96xi32, #tpu.memory_space<hbm>>
        tpu.enqueue_dma source(%dma_start3A_425 : memref<96xi32, #tpu.memory_space<hbm>>) target(%arg11 : memref<96xi32, #tpu.memory_space<vmem>>) target_semaphore(%arg32 : memref<!tpu.dma_semaphore, #tpu.memory_space<semaphore_mem>>)
        %add3A_426 = arith.addi %select_n3A, %add3A_418 : i32
        %dma_start3A_427 = arith.constant 0 : i32
        %dma_start3A_428 = tpu.memref_slice %arg4[%add3A_426, %dma_start3A_427] : memref<3360x96xi32, #tpu.memory_space<hbm>> -> memref<1x96xi32, #tpu.memory_space<hbm>>
        %dma_start3A_429 = tpu.memref_squeeze %dma_start3A_428 : memref<1x96xi32, #tpu.memory_space<hbm>> -> memref<96xi32, #tpu.memory_space<hbm>>
        %dma_start3A_430 = arith.constant 0 : i32
        %dma_start3A_431 = tpu.memref_slice %arg4[%add3A_426, %dma_start3A_430] : memref<3360x96xi32, #tpu.memory_space<hbm>> -> memref<1x96xi32, #tpu.memory_space<hbm>>
        %dma_start3A_432 = tpu.memref_squeeze %dma_start3A_431 : memref<1x96xi32, #tpu.memory_space<hbm>> -> memref<96xi32, #tpu.memory_space<hbm>>
        tpu.enqueue_dma source(%dma_start3A_432 : memref<96xi32, #tpu.memory_space<hbm>>) target(%arg17 : memref<96xi32, #tpu.memory_space<vmem>>) target_semaphore(%arg32 : memref<!tpu.dma_semaphore, #tpu.memory_space<semaphore_mem>>)
      } else {
      }
      %get3A_399 = arith.constant 0 : index
      %get3A_400 = tpu.vector_load %arg19[%get3A_399] {strides = array<i32>} : memref<96xi32, #tpu.memory_space<vmem>>, vector<16xi32>,
      tpu.vector_store_idx %arg35[%get3A_400], %broadcast_in_dim3A_51 {add = true} : memref<10240xf32, #tpu.memory_space<vmem>>[vector<16xi32>], vector<16xf32>,
      %get3A_401 = arith.constant 16 : index
      %get3A_402 = tpu.vector_load %arg19[%get3A_401] {strides = array<i32>} : memref<96xi32, #tpu.memory_space<vmem>>, vector<16xi32>,
      tpu.vector_store_idx %arg35[%get3A_402], %broadcast_in_dim3A_51 {add = true} : memref<10240xf32, #tpu.memory_space<vmem>>[vector<16xi32>], vector<16xf32>,
      %get3A_403 = arith.constant 32 : index
      %get3A_404 = tpu.vector_load %arg19[%get3A_403] {strides = array<i32>} : memref<96xi32, #tpu.memory_space<vmem>>, vector<16xi32>,
      tpu.vector_store_idx %arg35[%get3A_404], %broadcast_in_dim3A_51 {add = true} : memref<10240xf32, #tpu.memory_space<vmem>>[vector<16xi32>], vector<16xf32>,
      %get3A_405 = arith.constant 48 : index
      %get3A_406 = tpu.vector_load %arg19[%get3A_405] {strides = array<i32>} : memref<96xi32, #tpu.memory_space<vmem>>, vector<16xi32>,
      tpu.vector_store_idx %arg35[%get3A_406], %broadcast_in_dim3A_51 {add = true} : memref<10240xf32, #tpu.memory_space<vmem>>[vector<16xi32>], vector<16xf32>,
      %get3A_407 = arith.constant 64 : index
      %get3A_408 = tpu.vector_load %arg19[%get3A_407] {strides = array<i32>} : memref<96xi32, #tpu.memory_space<vmem>>, vector<16xi32>,
      tpu.vector_store_idx %arg35[%get3A_408], %broadcast_in_dim3A_51 {add = true} : memref<10240xf32, #tpu.memory_space<vmem>>[vector<16xi32>], vector<16xf32>,
      %get3A_409 = arith.constant 80 : index
      %get3A_410 = tpu.vector_load %arg19[%get3A_409] {strides = array<i32>} : memref<96xi32, #tpu.memory_space<vmem>>, vector<16xi32>,
      tpu.vector_store_idx %arg35[%get3A_410], %broadcast_in_dim3A_51 {add = true} : memref<10240xf32, #tpu.memory_space<vmem>>[vector<16xi32>], vector<16xf32>,
      %dma_wait3A_411 = arith.constant 0 : i32
      %dma_wait3A_412 = arith.constant 0 : i32
      %dma_wait3A_413 = tpu.memref_slice %arg2[%dma_wait3A_411, %dma_wait3A_412] : memref<10000x128xf32, #tpu.memory_space<hbm>> -> memref<10000x128xf32, #tpu.memory_space<hbm>>
      tpu.wait_indirect_dma semaphore(%arg25 : memref<!tpu.dma_semaphore, #tpu.memory_space<semaphore_mem>>) src(%dma_wait3A_413 : memref<10000x128xf32, #tpu.memory_space<hbm>>) dst(%arg22 : memref<96x128xf32, #tpu.memory_space<vmem>>)
      %dma_start3A_414 = arith.constant 0 : i32
      %dma_start3A_415 = arith.constant 0 : i32
      %dma_start3A_416 = tpu.memref_slice %arg7[%dma_start3A_414, %dma_start3A_415] : memref<10112x128xf32, #tpu.memory_space<vmem_shared>> -> memref<10112x128xf32, #tpu.memory_space<vmem_shared>>
      tpu.enqueue_indirect_dma source(%arg22 : memref<96x128xf32, #tpu.memory_space<vmem>>) target(%dma_start3A_416 : memref<10112x128xf32, #tpu.memory_space<vmem_shared>>) offsets(%arg19 : memref<96xi32, #tpu.memory_space<vmem>>) semaphore(%arg28 : memref<!tpu.dma_semaphore, #tpu.memory_space<semaphore_mem>>) {add = true}
    }
    %while3A_171 = arith.constant 1 : i32
    scf.for %while3A_187 = %while3A_169 to %while3A_165 step %while3A_171  : i32 {
      %mul3A_188 = arith.constant 6 : i32
      %mul3A_189 = arith.muli %while3A_187, %mul3A_188 : i32
      %add3A_190 = arith.constant 0 : i32
      %add3A_191 = arith.addi %mul3A_189, %add3A_190 : i32
      %ge3A = arith.constant 1 : i32
      %ge3A_192 = arith.cmpi sge, %add3A_191, %ge3A : i32
      %convert_element_type3A = arith.extui %ge3A_192 : i1 to i32
      %cond3A = arith.constant 0 : i32
      %cond3A_193 = arith.cmpi ne, %convert_element_type3A, %cond3A : i32
      scf.if %cond3A_193 {
        %dma_wait3A_417 = arith.constant 0 : i32
        %dma_wait3A_418 = arith.constant 0 : i32
        %dma_wait3A_419 = tpu.memref_slice %arg7[%dma_wait3A_417, %dma_wait3A_418] : memref<10112x128xf32, #tpu.memory_space<vmem_shared>> -> memref<10112x128xf32, #tpu.memory_space<vmem_shared>>
        tpu.wait_indirect_dma semaphore(%arg28 : memref<!tpu.dma_semaphore, #tpu.memory_space<semaphore_mem>>) src(%arg22 : memref<96x128xf32, #tpu.memory_space<vmem>>) dst(%dma_wait3A_419 : memref<10112x128xf32, #tpu.memory_space<vmem_shared>>)
      } else {
      }
      %add3A_194 = arith.constant 2 : i32
      %add3A_195 = arith.addi %add3A_191, %add3A_194 : i32
      %lt3A = arith.cmpi slt, %add3A_195, %select_n3A_8 : i32
      %convert_element_type3A_196 = arith.extui %lt3A : i1 to i32
      %cond3A_197 = arith.constant 0 : i32
      %cond3A_198 = arith.cmpi ne, %convert_element_type3A_196, %cond3A_197 : i32
      scf.if %cond3A_198 {
        %dma_wait3A_417 = arith.constant 0 : i32
        %dma_wait3A_418 = tpu.memref_slice %arg3[%select_n3A, %dma_wait3A_417] : memref<3360x96xi32, #tpu.memory_space<hbm>> -> memref<1x96xi32, #tpu.memory_space<hbm>>
        %dma_wait3A_419 = tpu.memref_squeeze %dma_wait3A_418 : memref<1x96xi32, #tpu.memory_space<hbm>> -> memref<96xi32, #tpu.memory_space<hbm>>
        %dma_wait3A_420 = arith.constant 0 : i32
        %dma_wait3A_421 = tpu.memref_slice %arg3[%select_n3A, %dma_wait3A_420] : memref<3360x96xi32, #tpu.memory_space<hbm>> -> memref<1x96xi32, #tpu.memory_space<hbm>>
        %dma_wait3A_422 = tpu.memref_squeeze %dma_wait3A_421 : memref<1x96xi32, #tpu.memory_space<hbm>> -> memref<96xi32, #tpu.memory_space<hbm>>
        tpu.wait_dma2 semaphore(%arg31 : memref<!tpu.dma_semaphore, #tpu.memory_space<semaphore_mem>>) src(%dma_wait3A_422 : memref<96xi32, #tpu.memory_space<hbm>>) dst(%arg10 : memref<96xi32, #tpu.memory_space<vmem>>)
        %dma_wait3A_423 = arith.constant 0 : i32
        %dma_wait3A_424 = tpu.memref_slice %arg4[%select_n3A, %dma_wait3A_423] : memref<3360x96xi32, #tpu.memory_space<hbm>> -> memref<1x96xi32, #tpu.memory_space<hbm>>
        %dma_wait3A_425 = tpu.memref_squeeze %dma_wait3A_424 : memref<1x96xi32, #tpu.memory_space<hbm>> -> memref<96xi32, #tpu.memory_space<hbm>>
        %dma_wait3A_426 = arith.constant 0 : i32
        %dma_wait3A_427 = tpu.memref_slice %arg4[%select_n3A, %dma_wait3A_426] : memref<3360x96xi32, #tpu.memory_space<hbm>> -> memref<1x96xi32, #tpu.memory_space<hbm>>
        %dma_wait3A_428 = tpu.memref_squeeze %dma_wait3A_427 : memref<1x96xi32, #tpu.memory_space<hbm>> -> memref<96xi32, #tpu.memory_space<hbm>>
        tpu.wait_dma2 semaphore(%arg31 : memref<!tpu.dma_semaphore, #tpu.memory_space<semaphore_mem>>) src(%dma_wait3A_428 : memref<96xi32, #tpu.memory_space<hbm>>) dst(%arg16 : memref<96xi32, #tpu.memory_space<vmem>>)
        %dma_start3A_429 = arith.constant 0 : i32
        %dma_start3A_430 = arith.constant 0 : i32
        %dma_start3A_431 = tpu.memref_slice %arg2[%dma_start3A_429, %dma_start3A_430] : memref<10000x128xf32, #tpu.memory_space<hbm>> -> memref<10000x128xf32, #tpu.memory_space<hbm>>
        tpu.enqueue_indirect_dma source(%dma_start3A_431 : memref<10000x128xf32, #tpu.memory_space<hbm>>) target(%arg22 : memref<96x128xf32, #tpu.memory_space<vmem>>) offsets(%arg10 : memref<96xi32, #tpu.memory_space<vmem>>) semaphore(%arg25 : memref<!tpu.dma_semaphore, #tpu.memory_space<semaphore_mem>>)
      } else {
      }
      %add3A_199 = arith.constant 4 : i32
      %add3A_200 = arith.addi %add3A_191, %add3A_199 : i32
      %lt3A_201 = arith.cmpi slt, %add3A_200, %select_n3A_8 : i32
      %convert_element_type3A_202 = arith.extui %lt3A_201 : i1 to i32
      %cond3A_203 = arith.constant 0 : i32
      %cond3A_204 = arith.cmpi ne, %convert_element_type3A_202, %cond3A_203 : i32
      scf.if %cond3A_204 {
        %add3A_417 = arith.constant 4 : i32
        %add3A_418 = arith.addi %add3A_191, %add3A_417 : i32
        %add3A_419 = arith.addi %select_n3A, %add3A_418 : i32
        %dma_start3A_420 = arith.constant 0 : i32
        %dma_start3A_421 = tpu.memref_slice %arg3[%add3A_419, %dma_start3A_420] : memref<3360x96xi32, #tpu.memory_space<hbm>> -> memref<1x96xi32, #tpu.memory_space<hbm>>
        %dma_start3A_422 = tpu.memref_squeeze %dma_start3A_421 : memref<1x96xi32, #tpu.memory_space<hbm>> -> memref<96xi32, #tpu.memory_space<hbm>>
        %dma_start3A_423 = arith.constant 0 : i32
        %dma_start3A_424 = tpu.memref_slice %arg3[%add3A_419, %dma_start3A_423] : memref<3360x96xi32, #tpu.memory_space<hbm>> -> memref<1x96xi32, #tpu.memory_space<hbm>>
        %dma_start3A_425 = tpu.memref_squeeze %dma_start3A_424 : memref<1x96xi32, #tpu.memory_space<hbm>> -> memref<96xi32, #tpu.memory_space<hbm>>
        tpu.enqueue_dma source(%dma_start3A_425 : memref<96xi32, #tpu.memory_space<hbm>>) target(%arg12 : memref<96xi32, #tpu.memory_space<vmem>>) target_semaphore(%arg33 : memref<!tpu.dma_semaphore, #tpu.memory_space<semaphore_mem>>)
        %add3A_426 = arith.addi %select_n3A, %add3A_418 : i32
        %dma_start3A_427 = arith.constant 0 : i32
        %dma_start3A_428 = tpu.memref_slice %arg4[%add3A_426, %dma_start3A_427] : memref<3360x96xi32, #tpu.memory_space<hbm>> -> memref<1x96xi32, #tpu.memory_space<hbm>>
        %dma_start3A_429 = tpu.memref_squeeze %dma_start3A_428 : memref<1x96xi32, #tpu.memory_space<hbm>> -> memref<96xi32, #tpu.memory_space<hbm>>
        %dma_start3A_430 = arith.constant 0 : i32
        %dma_start3A_431 = tpu.memref_slice %arg4[%add3A_426, %dma_start3A_430] : memref<3360x96xi32, #tpu.memory_space<hbm>> -> memref<1x96xi32, #tpu.memory_space<hbm>>
        %dma_start3A_432 = tpu.memref_squeeze %dma_start3A_431 : memref<1x96xi32, #tpu.memory_space<hbm>> -> memref<96xi32, #tpu.memory_space<hbm>>
        tpu.enqueue_dma source(%dma_start3A_432 : memref<96xi32, #tpu.memory_space<hbm>>) target(%arg18 : memref<96xi32, #tpu.memory_space<vmem>>) target_semaphore(%arg33 : memref<!tpu.dma_semaphore, #tpu.memory_space<semaphore_mem>>)
      } else {
      }
      %get3A = arith.constant 0 : index
      %get3A_205 = tpu.vector_load %arg14[%get3A] {strides = array<i32>} : memref<96xi32, #tpu.memory_space<vmem>>, vector<16xi32>,
      tpu.vector_store_idx %arg35[%get3A_205], %broadcast_in_dim3A_51 {add = true} : memref<10240xf32, #tpu.memory_space<vmem>>[vector<16xi32>], vector<16xf32>,
      %get3A_206 = arith.constant 16 : index
      %get3A_207 = tpu.vector_load %arg14[%get3A_206] {strides = array<i32>} : memref<96xi32, #tpu.memory_space<vmem>>, vector<16xi32>,
      tpu.vector_store_idx %arg35[%get3A_207], %broadcast_in_dim3A_51 {add = true} : memref<10240xf32, #tpu.memory_space<vmem>>[vector<16xi32>], vector<16xf32>,
      %get3A_208 = arith.constant 32 : index
      %get3A_209 = tpu.vector_load %arg14[%get3A_208] {strides = array<i32>} : memref<96xi32, #tpu.memory_space<vmem>>, vector<16xi32>,
      tpu.vector_store_idx %arg35[%get3A_209], %broadcast_in_dim3A_51 {add = true} : memref<10240xf32, #tpu.memory_space<vmem>>[vector<16xi32>], vector<16xf32>,
      %get3A_210 = arith.constant 48 : index
      %get3A_211 = tpu.vector_load %arg14[%get3A_210] {strides = array<i32>} : memref<96xi32, #tpu.memory_space<vmem>>, vector<16xi32>,
      tpu.vector_store_idx %arg35[%get3A_211], %broadcast_in_dim3A_51 {add = true} : memref<10240xf32, #tpu.memory_space<vmem>>[vector<16xi32>], vector<16xf32>,
      %get3A_212 = arith.constant 64 : index
      %get3A_213 = tpu.vector_load %arg14[%get3A_212] {strides = array<i32>} : memref<96xi32, #tpu.memory_space<vmem>>, vector<16xi32>,
      tpu.vector_store_idx %arg35[%get3A_213], %broadcast_in_dim3A_51 {add = true} : memref<10240xf32, #tpu.memory_space<vmem>>[vector<16xi32>], vector<16xf32>,
      %get3A_214 = arith.constant 80 : index
      %get3A_215 = tpu.vector_load %arg14[%get3A_214] {strides = array<i32>} : memref<96xi32, #tpu.memory_space<vmem>>, vector<16xi32>,
      tpu.vector_store_idx %arg35[%get3A_215], %broadcast_in_dim3A_51 {add = true} : memref<10240xf32, #tpu.memory_space<vmem>>[vector<16xi32>], vector<16xf32>,
      %dma_wait3A_216 = arith.constant 0 : i32
      %dma_wait3A_217 = arith.constant 0 : i32
      %dma_wait3A_218 = tpu.memref_slice %arg2[%dma_wait3A_216, %dma_wait3A_217] : memref<10000x128xf32, #tpu.memory_space<hbm>> -> memref<10000x128xf32, #tpu.memory_space<hbm>>
      tpu.wait_indirect_dma semaphore(%arg23 : memref<!tpu.dma_semaphore, #tpu.memory_space<semaphore_mem>>) src(%dma_wait3A_218 : memref<10000x128xf32, #tpu.memory_space<hbm>>) dst(%arg20 : memref<96x128xf32, #tpu.memory_space<vmem>>)
      %dma_start3A_219 = arith.constant 0 : i32
      %dma_start3A_220 = arith.constant 0 : i32
      %dma_start3A_221 = tpu.memref_slice %arg7[%dma_start3A_219, %dma_start3A_220] : memref<10112x128xf32, #tpu.memory_space<vmem_shared>> -> memref<10112x128xf32, #tpu.memory_space<vmem_shared>>
      tpu.enqueue_indirect_dma source(%arg20 : memref<96x128xf32, #tpu.memory_space<vmem>>) target(%dma_start3A_221 : memref<10112x128xf32, #tpu.memory_space<vmem_shared>>) offsets(%arg14 : memref<96xi32, #tpu.memory_space<vmem>>) semaphore(%arg26 : memref<!tpu.dma_semaphore, #tpu.memory_space<semaphore_mem>>) {add = true}
      %mul3A_222 = arith.constant 6 : i32
      %mul3A_223 = arith.muli %while3A_187, %mul3A_222 : i32
      %add3A_224 = arith.constant 1 : i32
      %add3A_225 = arith.addi %mul3A_223, %add3A_224 : i32
      %ge3A_226 = arith.constant 1 : i32
      %ge3A_227 = arith.cmpi sge, %add3A_225, %ge3A_226 : i32
      %convert_element_type3A_228 = arith.extui %ge3A_227 : i1 to i32
      %cond3A_229 = arith.constant 0 : i32
      %cond3A_230 = arith.cmpi ne, %convert_element_type3A_228, %cond3A_229 : i32
      scf.if %cond3A_230 {
        %dma_wait3A_417 = arith.constant 0 : i32
        %dma_wait3A_418 = arith.constant 0 : i32
        %dma_wait3A_419 = tpu.memref_slice %arg7[%dma_wait3A_417, %dma_wait3A_418] : memref<10112x128xf32, #tpu.memory_space<vmem_shared>> -> memref<10112x128xf32, #tpu.memory_space<vmem_shared>>
        tpu.wait_indirect_dma semaphore(%arg26 : memref<!tpu.dma_semaphore, #tpu.memory_space<semaphore_mem>>) src(%arg20 : memref<96x128xf32, #tpu.memory_space<vmem>>) dst(%dma_wait3A_419 : memref<10112x128xf32, #tpu.memory_space<vmem_shared>>)
      } else {
      }
      %add3A_231 = arith.constant 2 : i32
      %add3A_232 = arith.addi %add3A_225, %add3A_231 : i32
      %lt3A_233 = arith.cmpi slt, %add3A_232, %select_n3A_8 : i32
      %convert_element_type3A_234 = arith.extui %lt3A_233 : i1 to i32
      %cond3A_235 = arith.constant 0 : i32
      %cond3A_236 = arith.cmpi ne, %convert_element_type3A_234, %cond3A_235 : i32
      scf.if %cond3A_236 {
        %dma_wait3A_417 = arith.constant 0 : i32
        %dma_wait3A_418 = tpu.memref_slice %arg3[%select_n3A, %dma_wait3A_417] : memref<3360x96xi32, #tpu.memory_space<hbm>> -> memref<1x96xi32, #tpu.memory_space<hbm>>
        %dma_wait3A_419 = tpu.memref_squeeze %dma_wait3A_418 : memref<1x96xi32, #tpu.memory_space<hbm>> -> memref<96xi32, #tpu.memory_space<hbm>>
        %dma_wait3A_420 = arith.constant 0 : i32
        %dma_wait3A_421 = tpu.memref_slice %arg3[%select_n3A, %dma_wait3A_420] : memref<3360x96xi32, #tpu.memory_space<hbm>> -> memref<1x96xi32, #tpu.memory_space<hbm>>
        %dma_wait3A_422 = tpu.memref_squeeze %dma_wait3A_421 : memref<1x96xi32, #tpu.memory_space<hbm>> -> memref<96xi32, #tpu.memory_space<hbm>>
        tpu.wait_dma2 semaphore(%arg32 : memref<!tpu.dma_semaphore, #tpu.memory_space<semaphore_mem>>) src(%dma_wait3A_422 : memref<96xi32, #tpu.memory_space<hbm>>) dst(%arg11 : memref<96xi32, #tpu.memory_space<vmem>>)
        %dma_wait3A_423 = arith.constant 0 : i32
        %dma_wait3A_424 = tpu.memref_slice %arg4[%select_n3A, %dma_wait3A_423] : memref<3360x96xi32, #tpu.memory_space<hbm>> -> memref<1x96xi32, #tpu.memory_space<hbm>>
        %dma_wait3A_425 = tpu.memref_squeeze %dma_wait3A_424 : memref<1x96xi32, #tpu.memory_space<hbm>> -> memref<96xi32, #tpu.memory_space<hbm>>
        %dma_wait3A_426 = arith.constant 0 : i32
        %dma_wait3A_427 = tpu.memref_slice %arg4[%select_n3A, %dma_wait3A_426] : memref<3360x96xi32, #tpu.memory_space<hbm>> -> memref<1x96xi32, #tpu.memory_space<hbm>>
        %dma_wait3A_428 = tpu.memref_squeeze %dma_wait3A_427 : memref<1x96xi32, #tpu.memory_space<hbm>> -> memref<96xi32, #tpu.memory_space<hbm>>
        tpu.wait_dma2 semaphore(%arg32 : memref<!tpu.dma_semaphore, #tpu.memory_space<semaphore_mem>>) src(%dma_wait3A_428 : memref<96xi32, #tpu.memory_space<hbm>>) dst(%arg17 : memref<96xi32, #tpu.memory_space<vmem>>)
        %dma_start3A_429 = arith.constant 0 : i32
        %dma_start3A_430 = arith.constant 0 : i32
        %dma_start3A_431 = tpu.memref_slice %arg2[%dma_start3A_429, %dma_start3A_430] : memref<10000x128xf32, #tpu.memory_space<hbm>> -> memref<10000x128xf32, #tpu.memory_space<hbm>>
        tpu.enqueue_indirect_dma source(%dma_start3A_431 : memref<10000x128xf32, #tpu.memory_space<hbm>>) target(%arg20 : memref<96x128xf32, #tpu.memory_space<vmem>>) offsets(%arg11 : memref<96xi32, #tpu.memory_space<vmem>>) semaphore(%arg23 : memref<!tpu.dma_semaphore, #tpu.memory_space<semaphore_mem>>)
      } else {
      }
      %add3A_237 = arith.constant 4 : i32
      %add3A_238 = arith.addi %add3A_225, %add3A_237 : i32
      %lt3A_239 = arith.cmpi slt, %add3A_238, %select_n3A_8 : i32
      %convert_element_type3A_240 = arith.extui %lt3A_239 : i1 to i32
      %cond3A_241 = arith.constant 0 : i32
      %cond3A_242 = arith.cmpi ne, %convert_element_type3A_240, %cond3A_241 : i32
      scf.if %cond3A_242 {
        %add3A_417 = arith.constant 4 : i32
        %add3A_418 = arith.addi %add3A_225, %add3A_417 : i32
        %add3A_419 = arith.addi %select_n3A, %add3A_418 : i32
        %dma_start3A_420 = arith.constant 0 : i32
        %dma_start3A_421 = tpu.memref_slice %arg3[%add3A_419, %dma_start3A_420] : memref<3360x96xi32, #tpu.memory_space<hbm>> -> memref<1x96xi32, #tpu.memory_space<hbm>>
        %dma_start3A_422 = tpu.memref_squeeze %dma_start3A_421 : memref<1x96xi32, #tpu.memory_space<hbm>> -> memref<96xi32, #tpu.memory_space<hbm>>
        %dma_start3A_423 = arith.constant 0 : i32
        %dma_start3A_424 = tpu.memref_slice %arg3[%add3A_419, %dma_start3A_423] : memref<3360x96xi32, #tpu.memory_space<hbm>> -> memref<1x96xi32, #tpu.memory_space<hbm>>
        %dma_start3A_425 = tpu.memref_squeeze %dma_start3A_424 : memref<1x96xi32, #tpu.memory_space<hbm>> -> memref<96xi32, #tpu.memory_space<hbm>>
        tpu.enqueue_dma source(%dma_start3A_425 : memref<96xi32, #tpu.memory_space<hbm>>) target(%arg13 : memref<96xi32, #tpu.memory_space<vmem>>) target_semaphore(%arg34 : memref<!tpu.dma_semaphore, #tpu.memory_space<semaphore_mem>>)
        %add3A_426 = arith.addi %select_n3A, %add3A_418 : i32
        %dma_start3A_427 = arith.constant 0 : i32
        %dma_start3A_428 = tpu.memref_slice %arg4[%add3A_426, %dma_start3A_427] : memref<3360x96xi32, #tpu.memory_space<hbm>> -> memref<1x96xi32, #tpu.memory_space<hbm>>
        %dma_start3A_429 = tpu.memref_squeeze %dma_start3A_428 : memref<1x96xi32, #tpu.memory_space<hbm>> -> memref<96xi32, #tpu.memory_space<hbm>>
        %dma_start3A_430 = arith.constant 0 : i32
        %dma_start3A_431 = tpu.memref_slice %arg4[%add3A_426, %dma_start3A_430] : memref<3360x96xi32, #tpu.memory_space<hbm>> -> memref<1x96xi32, #tpu.memory_space<hbm>>
        %dma_start3A_432 = tpu.memref_squeeze %dma_start3A_431 : memref<1x96xi32, #tpu.memory_space<hbm>> -> memref<96xi32, #tpu.memory_space<hbm>>
        tpu.enqueue_dma source(%dma_start3A_432 : memref<96xi32, #tpu.memory_space<hbm>>) target(%arg19 : memref<96xi32, #tpu.memory_space<vmem>>) target_semaphore(%arg34 : memref<!tpu.dma_semaphore, #tpu.memory_space<semaphore_mem>>)
      } else {
      }
      %get3A_243 = arith.constant 0 : index
      %get3A_244 = tpu.vector_load %arg15[%get3A_243] {strides = array<i32>} : memref<96xi32, #tpu.memory_space<vmem>>, vector<16xi32>,
      tpu.vector_store_idx %arg35[%get3A_244], %broadcast_in_dim3A_51 {add = true} : memref<10240xf32, #tpu.memory_space<vmem>>[vector<16xi32>], vector<16xf32>,
      %get3A_245 = arith.constant 16 : index
      %get3A_246 = tpu.vector_load %arg15[%get3A_245] {strides = array<i32>} : memref<96xi32, #tpu.memory_space<vmem>>, vector<16xi32>,
      tpu.vector_store_idx %arg35[%get3A_246], %broadcast_in_dim3A_51 {add = true} : memref<10240xf32, #tpu.memory_space<vmem>>[vector<16xi32>], vector<16xf32>,
      %get3A_247 = arith.constant 32 : index
      %get3A_248 = tpu.vector_load %arg15[%get3A_247] {strides = array<i32>} : memref<96xi32, #tpu.memory_space<vmem>>, vector<16xi32>,
      tpu.vector_store_idx %arg35[%get3A_248], %broadcast_in_dim3A_51 {add = true} : memref<10240xf32, #tpu.memory_space<vmem>>[vector<16xi32>], vector<16xf32>,
      %get3A_249 = arith.constant 48 : index
      %get3A_250 = tpu.vector_load %arg15[%get3A_249] {strides = array<i32>} : memref<96xi32, #tpu.memory_space<vmem>>, vector<16xi32>,
      tpu.vector_store_idx %arg35[%get3A_250], %broadcast_in_dim3A_51 {add = true} : memref<10240xf32, #tpu.memory_space<vmem>>[vector<16xi32>], vector<16xf32>,
      %get3A_251 = arith.constant 64 : index
      %get3A_252 = tpu.vector_load %arg15[%get3A_251] {strides = array<i32>} : memref<96xi32, #tpu.memory_space<vmem>>, vector<16xi32>,
      tpu.vector_store_idx %arg35[%get3A_252], %broadcast_in_dim3A_51 {add = true} : memref<10240xf32, #tpu.memory_space<vmem>>[vector<16xi32>], vector<16xf32>,
      %get3A_253 = arith.constant 80 : index
      %get3A_254 = tpu.vector_load %arg15[%get3A_253] {strides = array<i32>} : memref<96xi32, #tpu.memory_space<vmem>>, vector<16xi32>,
      tpu.vector_store_idx %arg35[%get3A_254], %broadcast_in_dim3A_51 {add = true} : memref<10240xf32, #tpu.memory_space<vmem>>[vector<16xi32>], vector<16xf32>,
      %dma_wait3A_255 = arith.constant 0 : i32
      %dma_wait3A_256 = arith.constant 0 : i32
      %dma_wait3A_257 = tpu.memref_slice %arg2[%dma_wait3A_255, %dma_wait3A_256] : memref<10000x128xf32, #tpu.memory_space<hbm>> -> memref<10000x128xf32, #tpu.memory_space<hbm>>
      tpu.wait_indirect_dma semaphore(%arg24 : memref<!tpu.dma_semaphore, #tpu.memory_space<semaphore_mem>>) src(%dma_wait3A_257 : memref<10000x128xf32, #tpu.memory_space<hbm>>) dst(%arg21 : memref<96x128xf32, #tpu.memory_space<vmem>>)
      %dma_start3A_258 = arith.constant 0 : i32
      %dma_start3A_259 = arith.constant 0 : i32
      %dma_start3A_260 = tpu.memref_slice %arg7[%dma_start3A_258, %dma_start3A_259] : memref<10112x128xf32, #tpu.memory_space<vmem_shared>> -> memref<10112x128xf32, #tpu.memory_space<vmem_shared>>
      tpu.enqueue_indirect_dma source(%arg21 : memref<96x128xf32, #tpu.memory_space<vmem>>) target(%dma_start3A_260 : memref<10112x128xf32, #tpu.memory_space<vmem_shared>>) offsets(%arg15 : memref<96xi32, #tpu.memory_space<vmem>>) semaphore(%arg27 : memref<!tpu.dma_semaphore, #tpu.memory_space<semaphore_mem>>) {add = true}
      %mul3A_261 = arith.constant 6 : i32
      %mul3A_262 = arith.muli %while3A_187, %mul3A_261 : i32
      %add3A_263 = arith.constant 2 : i32
      %add3A_264 = arith.addi %mul3A_262, %add3A_263 : i32
      %ge3A_265 = arith.constant 1 : i32
      %ge3A_266 = arith.cmpi sge, %add3A_264, %ge3A_265 : i32
      %convert_element_type3A_267 = arith.extui %ge3A_266 : i1 to i32
      %cond3A_268 = arith.constant 0 : i32
      %cond3A_269 = arith.cmpi ne, %convert_element_type3A_267, %cond3A_268 : i32
      scf.if %cond3A_269 {
        %dma_wait3A_417 = arith.constant 0 : i32
        %dma_wait3A_418 = arith.constant 0 : i32
        %dma_wait3A_419 = tpu.memref_slice %arg7[%dma_wait3A_417, %dma_wait3A_418] : memref<10112x128xf32, #tpu.memory_space<vmem_shared>> -> memref<10112x128xf32, #tpu.memory_space<vmem_shared>>
        tpu.wait_indirect_dma semaphore(%arg27 : memref<!tpu.dma_semaphore, #tpu.memory_space<semaphore_mem>>) src(%arg21 : memref<96x128xf32, #tpu.memory_space<vmem>>) dst(%dma_wait3A_419 : memref<10112x128xf32, #tpu.memory_space<vmem_shared>>)
      } else {
      }
      %add3A_270 = arith.constant 2 : i32
      %add3A_271 = arith.addi %add3A_264, %add3A_270 : i32
      %lt3A_272 = arith.cmpi slt, %add3A_271, %select_n3A_8 : i32
      %convert_element_type3A_273 = arith.extui %lt3A_272 : i1 to i32
      %cond3A_274 = arith.constant 0 : i32
      %cond3A_275 = arith.cmpi ne, %convert_element_type3A_273, %cond3A_274 : i32
      scf.if %cond3A_275 {
        %dma_wait3A_417 = arith.constant 0 : i32
        %dma_wait3A_418 = tpu.memref_slice %arg3[%select_n3A, %dma_wait3A_417] : memref<3360x96xi32, #tpu.memory_space<hbm>> -> memref<1x96xi32, #tpu.memory_space<hbm>>
        %dma_wait3A_419 = tpu.memref_squeeze %dma_wait3A_418 : memref<1x96xi32, #tpu.memory_space<hbm>> -> memref<96xi32, #tpu.memory_space<hbm>>
        %dma_wait3A_420 = arith.constant 0 : i32
        %dma_wait3A_421 = tpu.memref_slice %arg3[%select_n3A, %dma_wait3A_420] : memref<3360x96xi32, #tpu.memory_space<hbm>> -> memref<1x96xi32, #tpu.memory_space<hbm>>
        %dma_wait3A_422 = tpu.memref_squeeze %dma_wait3A_421 : memref<1x96xi32, #tpu.memory_space<hbm>> -> memref<96xi32, #tpu.memory_space<hbm>>
        tpu.wait_dma2 semaphore(%arg33 : memref<!tpu.dma_semaphore, #tpu.memory_space<semaphore_mem>>) src(%dma_wait3A_422 : memref<96xi32, #tpu.memory_space<hbm>>) dst(%arg12 : memref<96xi32, #tpu.memory_space<vmem>>)
        %dma_wait3A_423 = arith.constant 0 : i32
        %dma_wait3A_424 = tpu.memref_slice %arg4[%select_n3A, %dma_wait3A_423] : memref<3360x96xi32, #tpu.memory_space<hbm>> -> memref<1x96xi32, #tpu.memory_space<hbm>>
        %dma_wait3A_425 = tpu.memref_squeeze %dma_wait3A_424 : memref<1x96xi32, #tpu.memory_space<hbm>> -> memref<96xi32, #tpu.memory_space<hbm>>
        %dma_wait3A_426 = arith.constant 0 : i32
        %dma_wait3A_427 = tpu.memref_slice %arg4[%select_n3A, %dma_wait3A_426] : memref<3360x96xi32, #tpu.memory_space<hbm>> -> memref<1x96xi32, #tpu.memory_space<hbm>>
        %dma_wait3A_428 = tpu.memref_squeeze %dma_wait3A_427 : memref<1x96xi32, #tpu.memory_space<hbm>> -> memref<96xi32, #tpu.memory_space<hbm>>
        tpu.wait_dma2 semaphore(%arg33 : memref<!tpu.dma_semaphore, #tpu.memory_space<semaphore_mem>>) src(%dma_wait3A_428 : memref<96xi32, #tpu.memory_space<hbm>>) dst(%arg18 : memref<96xi32, #tpu.memory_space<vmem>>)
        %dma_start3A_429 = arith.constant 0 : i32
        %dma_start3A_430 = arith.constant 0 : i32
        %dma_start3A_431 = tpu.memref_slice %arg2[%dma_start3A_429, %dma_start3A_430] : memref<10000x128xf32, #tpu.memory_space<hbm>> -> memref<10000x128xf32, #tpu.memory_space<hbm>>
        tpu.enqueue_indirect_dma source(%dma_start3A_431 : memref<10000x128xf32, #tpu.memory_space<hbm>>) target(%arg21 : memref<96x128xf32, #tpu.memory_space<vmem>>) offsets(%arg12 : memref<96xi32, #tpu.memory_space<vmem>>) semaphore(%arg24 : memref<!tpu.dma_semaphore, #tpu.memory_space<semaphore_mem>>)
      } else {
      }
      %add3A_276 = arith.constant 4 : i32
      %add3A_277 = arith.addi %add3A_264, %add3A_276 : i32
      %lt3A_278 = arith.cmpi slt, %add3A_277, %select_n3A_8 : i32
      %convert_element_type3A_279 = arith.extui %lt3A_278 : i1 to i32
      %cond3A_280 = arith.constant 0 : i32
      %cond3A_281 = arith.cmpi ne, %convert_element_type3A_279, %cond3A_280 : i32
      scf.if %cond3A_281 {
        %add3A_417 = arith.constant 4 : i32
        %add3A_418 = arith.addi %add3A_264, %add3A_417 : i32
        %add3A_419 = arith.addi %select_n3A, %add3A_418 : i32
        %dma_start3A_420 = arith.constant 0 : i32
        %dma_start3A_421 = tpu.memref_slice %arg3[%add3A_419, %dma_start3A_420] : memref<3360x96xi32, #tpu.memory_space<hbm>> -> memref<1x96xi32, #tpu.memory_space<hbm>>
        %dma_start3A_422 = tpu.memref_squeeze %dma_start3A_421 : memref<1x96xi32, #tpu.memory_space<hbm>> -> memref<96xi32, #tpu.memory_space<hbm>>
        %dma_start3A_423 = arith.constant 0 : i32
        %dma_start3A_424 = tpu.memref_slice %arg3[%add3A_419, %dma_start3A_423] : memref<3360x96xi32, #tpu.memory_space<hbm>> -> memref<1x96xi32, #tpu.memory_space<hbm>>
        %dma_start3A_425 = tpu.memref_squeeze %dma_start3A_424 : memref<1x96xi32, #tpu.memory_space<hbm>> -> memref<96xi32, #tpu.memory_space<hbm>>
        tpu.enqueue_dma source(%dma_start3A_425 : memref<96xi32, #tpu.memory_space<hbm>>) target(%arg8 : memref<96xi32, #tpu.memory_space<vmem>>) target_semaphore(%arg29 : memref<!tpu.dma_semaphore, #tpu.memory_space<semaphore_mem>>)
        %add3A_426 = arith.addi %select_n3A, %add3A_418 : i32
        %dma_start3A_427 = arith.constant 0 : i32
        %dma_start3A_428 = tpu.memref_slice %arg4[%add3A_426, %dma_start3A_427] : memref<3360x96xi32, #tpu.memory_space<hbm>> -> memref<1x96xi32, #tpu.memory_space<hbm>>
        %dma_start3A_429 = tpu.memref_squeeze %dma_start3A_428 : memref<1x96xi32, #tpu.memory_space<hbm>> -> memref<96xi32, #tpu.memory_space<hbm>>
        %dma_start3A_430 = arith.constant 0 : i32
        %dma_start3A_431 = tpu.memref_slice %arg4[%add3A_426, %dma_start3A_430] : memref<3360x96xi32, #tpu.memory_space<hbm>> -> memref<1x96xi32, #tpu.memory_space<hbm>>
        %dma_start3A_432 = tpu.memref_squeeze %dma_start3A_431 : memref<1x96xi32, #tpu.memory_space<hbm>> -> memref<96xi32, #tpu.memory_space<hbm>>
        tpu.enqueue_dma source(%dma_start3A_432 : memref<96xi32, #tpu.memory_space<hbm>>) target(%arg14 : memref<96xi32, #tpu.memory_space<vmem>>) target_semaphore(%arg29 : memref<!tpu.dma_semaphore, #tpu.memory_space<semaphore_mem>>)
      } else {
      }
      %get3A_282 = arith.constant 0 : index
      %get3A_283 = tpu.vector_load %arg16[%get3A_282] {strides = array<i32>} : memref<96xi32, #tpu.memory_space<vmem>>, vector<16xi32>,
      tpu.vector_store_idx %arg35[%get3A_283], %broadcast_in_dim3A_51 {add = true} : memref<10240xf32, #tpu.memory_space<vmem>>[vector<16xi32>], vector<16xf32>,
      %get3A_284 = arith.constant 16 : index
      %get3A_285 = tpu.vector_load %arg16[%get3A_284] {strides = array<i32>} : memref<96xi32, #tpu.memory_space<vmem>>, vector<16xi32>,
      tpu.vector_store_idx %arg35[%get3A_285], %broadcast_in_dim3A_51 {add = true} : memref<10240xf32, #tpu.memory_space<vmem>>[vector<16xi32>], vector<16xf32>,
      %get3A_286 = arith.constant 32 : index
      %get3A_287 = tpu.vector_load %arg16[%get3A_286] {strides = array<i32>} : memref<96xi32, #tpu.memory_space<vmem>>, vector<16xi32>,
      tpu.vector_store_idx %arg35[%get3A_287], %broadcast_in_dim3A_51 {add = true} : memref<10240xf32, #tpu.memory_space<vmem>>[vector<16xi32>], vector<16xf32>,
      %get3A_288 = arith.constant 48 : index
      %get3A_289 = tpu.vector_load %arg16[%get3A_288] {strides = array<i32>} : memref<96xi32, #tpu.memory_space<vmem>>, vector<16xi32>,
      tpu.vector_store_idx %arg35[%get3A_289], %broadcast_in_dim3A_51 {add = true} : memref<10240xf32, #tpu.memory_space<vmem>>[vector<16xi32>], vector<16xf32>,
      %get3A_290 = arith.constant 64 : index
      %get3A_291 = tpu.vector_load %arg16[%get3A_290] {strides = array<i32>} : memref<96xi32, #tpu.memory_space<vmem>>, vector<16xi32>,
      tpu.vector_store_idx %arg35[%get3A_291], %broadcast_in_dim3A_51 {add = true} : memref<10240xf32, #tpu.memory_space<vmem>>[vector<16xi32>], vector<16xf32>,
      %get3A_292 = arith.constant 80 : index
      %get3A_293 = tpu.vector_load %arg16[%get3A_292] {strides = array<i32>} : memref<96xi32, #tpu.memory_space<vmem>>, vector<16xi32>,
      tpu.vector_store_idx %arg35[%get3A_293], %broadcast_in_dim3A_51 {add = true} : memref<10240xf32, #tpu.memory_space<vmem>>[vector<16xi32>], vector<16xf32>,
      %dma_wait3A_294 = arith.constant 0 : i32
      %dma_wait3A_295 = arith.constant 0 : i32
      %dma_wait3A_296 = tpu.memref_slice %arg2[%dma_wait3A_294, %dma_wait3A_295] : memref<10000x128xf32, #tpu.memory_space<hbm>> -> memref<10000x128xf32, #tpu.memory_space<hbm>>
      tpu.wait_indirect_dma semaphore(%arg25 : memref<!tpu.dma_semaphore, #tpu.memory_space<semaphore_mem>>) src(%dma_wait3A_296 : memref<10000x128xf32, #tpu.memory_space<hbm>>) dst(%arg22 : memref<96x128xf32, #tpu.memory_space<vmem>>)
      %dma_start3A_297 = arith.constant 0 : i32
      %dma_start3A_298 = arith.constant 0 : i32
      %dma_start3A_299 = tpu.memref_slice %arg7[%dma_start3A_297, %dma_start3A_298] : memref<10112x128xf32, #tpu.memory_space<vmem_shared>> -> memref<10112x128xf32, #tpu.memory_space<vmem_shared>>
      tpu.enqueue_indirect_dma source(%arg22 : memref<96x128xf32, #tpu.memory_space<vmem>>) target(%dma_start3A_299 : memref<10112x128xf32, #tpu.memory_space<vmem_shared>>) offsets(%arg16 : memref<96xi32, #tpu.memory_space<vmem>>) semaphore(%arg28 : memref<!tpu.dma_semaphore, #tpu.memory_space<semaphore_mem>>) {add = true}
      %mul3A_300 = arith.constant 6 : i32
      %mul3A_301 = arith.muli %while3A_187, %mul3A_300 : i32
      %add3A_302 = arith.constant 3 : i32
      %add3A_303 = arith.addi %mul3A_301, %add3A_302 : i32
      %ge3A_304 = arith.constant 1 : i32
      %ge3A_305 = arith.cmpi sge, %add3A_303, %ge3A_304 : i32
      %convert_element_type3A_306 = arith.extui %ge3A_305 : i1 to i32
      %cond3A_307 = arith.constant 0 : i32
      %cond3A_308 = arith.cmpi ne, %convert_element_type3A_306, %cond3A_307 : i32
      scf.if %cond3A_308 {
        %dma_wait3A_417 = arith.constant 0 : i32
        %dma_wait3A_418 = arith.constant 0 : i32
        %dma_wait3A_419 = tpu.memref_slice %arg7[%dma_wait3A_417, %dma_wait3A_418] : memref<10112x128xf32, #tpu.memory_space<vmem_shared>> -> memref<10112x128xf32, #tpu.memory_space<vmem_shared>>
        tpu.wait_indirect_dma semaphore(%arg28 : memref<!tpu.dma_semaphore, #tpu.memory_space<semaphore_mem>>) src(%arg22 : memref<96x128xf32, #tpu.memory_space<vmem>>) dst(%dma_wait3A_419 : memref<10112x128xf32, #tpu.memory_space<vmem_shared>>)
      } else {
      }
      %add3A_309 = arith.constant 2 : i32
      %add3A_310 = arith.addi %add3A_303, %add3A_309 : i32
      %lt3A_311 = arith.cmpi slt, %add3A_310, %select_n3A_8 : i32
      %convert_element_type3A_312 = arith.extui %lt3A_311 : i1 to i32
      %cond3A_313 = arith.constant 0 : i32
      %cond3A_314 = arith.cmpi ne, %convert_element_type3A_312, %cond3A_313 : i32
      scf.if %cond3A_314 {
        %dma_wait3A_417 = arith.constant 0 : i32
        %dma_wait3A_418 = tpu.memref_slice %arg3[%select_n3A, %dma_wait3A_417] : memref<3360x96xi32, #tpu.memory_space<hbm>> -> memref<1x96xi32, #tpu.memory_space<hbm>>
        %dma_wait3A_419 = tpu.memref_squeeze %dma_wait3A_418 : memref<1x96xi32, #tpu.memory_space<hbm>> -> memref<96xi32, #tpu.memory_space<hbm>>
        %dma_wait3A_420 = arith.constant 0 : i32
        %dma_wait3A_421 = tpu.memref_slice %arg3[%select_n3A, %dma_wait3A_420] : memref<3360x96xi32, #tpu.memory_space<hbm>> -> memref<1x96xi32, #tpu.memory_space<hbm>>
        %dma_wait3A_422 = tpu.memref_squeeze %dma_wait3A_421 : memref<1x96xi32, #tpu.memory_space<hbm>> -> memref<96xi32, #tpu.memory_space<hbm>>
        tpu.wait_dma2 semaphore(%arg34 : memref<!tpu.dma_semaphore, #tpu.memory_space<semaphore_mem>>) src(%dma_wait3A_422 : memref<96xi32, #tpu.memory_space<hbm>>) dst(%arg13 : memref<96xi32, #tpu.memory_space<vmem>>)
        %dma_wait3A_423 = arith.constant 0 : i32
        %dma_wait3A_424 = tpu.memref_slice %arg4[%select_n3A, %dma_wait3A_423] : memref<3360x96xi32, #tpu.memory_space<hbm>> -> memref<1x96xi32, #tpu.memory_space<hbm>>
        %dma_wait3A_425 = tpu.memref_squeeze %dma_wait3A_424 : memref<1x96xi32, #tpu.memory_space<hbm>> -> memref<96xi32, #tpu.memory_space<hbm>>
        %dma_wait3A_426 = arith.constant 0 : i32
        %dma_wait3A_427 = tpu.memref_slice %arg4[%select_n3A, %dma_wait3A_426] : memref<3360x96xi32, #tpu.memory_space<hbm>> -> memref<1x96xi32, #tpu.memory_space<hbm>>
        %dma_wait3A_428 = tpu.memref_squeeze %dma_wait3A_427 : memref<1x96xi32, #tpu.memory_space<hbm>> -> memref<96xi32, #tpu.memory_space<hbm>>
        tpu.wait_dma2 semaphore(%arg34 : memref<!tpu.dma_semaphore, #tpu.memory_space<semaphore_mem>>) src(%dma_wait3A_428 : memref<96xi32, #tpu.memory_space<hbm>>) dst(%arg19 : memref<96xi32, #tpu.memory_space<vmem>>)
        %dma_start3A_429 = arith.constant 0 : i32
        %dma_start3A_430 = arith.constant 0 : i32
        %dma_start3A_431 = tpu.memref_slice %arg2[%dma_start3A_429, %dma_start3A_430] : memref<10000x128xf32, #tpu.memory_space<hbm>> -> memref<10000x128xf32, #tpu.memory_space<hbm>>
        tpu.enqueue_indirect_dma source(%dma_start3A_431 : memref<10000x128xf32, #tpu.memory_space<hbm>>) target(%arg22 : memref<96x128xf32, #tpu.memory_space<vmem>>) offsets(%arg13 : memref<96xi32, #tpu.memory_space<vmem>>) semaphore(%arg25 : memref<!tpu.dma_semaphore, #tpu.memory_space<semaphore_mem>>)
      } else {
      }
      %add3A_315 = arith.constant 4 : i32
      %add3A_316 = arith.addi %add3A_303, %add3A_315 : i32
      %lt3A_317 = arith.cmpi slt, %add3A_316, %select_n3A_8 : i32
      %convert_element_type3A_318 = arith.extui %lt3A_317 : i1 to i32
      %cond3A_319 = arith.constant 0 : i32
      %cond3A_320 = arith.cmpi ne, %convert_element_type3A_318, %cond3A_319 : i32
      scf.if %cond3A_320 {
        %add3A_417 = arith.constant 4 : i32
        %add3A_418 = arith.addi %add3A_303, %add3A_417 : i32
        %add3A_419 = arith.addi %select_n3A, %add3A_418 : i32
        %dma_start3A_420 = arith.constant 0 : i32
        %dma_start3A_421 = tpu.memref_slice %arg3[%add3A_419, %dma_start3A_420] : memref<3360x96xi32, #tpu.memory_space<hbm>> -> memref<1x96xi32, #tpu.memory_space<hbm>>
        %dma_start3A_422 = tpu.memref_squeeze %dma_start3A_421 : memref<1x96xi32, #tpu.memory_space<hbm>> -> memref<96xi32, #tpu.memory_space<hbm>>
        %dma_start3A_423 = arith.constant 0 : i32
        %dma_start3A_424 = tpu.memref_slice %arg3[%add3A_419, %dma_start3A_423] : memref<3360x96xi32, #tpu.memory_space<hbm>> -> memref<1x96xi32, #tpu.memory_space<hbm>>
        %dma_start3A_425 = tpu.memref_squeeze %dma_start3A_424 : memref<1x96xi32, #tpu.memory_space<hbm>> -> memref<96xi32, #tpu.memory_space<hbm>>
        tpu.enqueue_dma source(%dma_start3A_425 : memref<96xi32, #tpu.memory_space<hbm>>) target(%arg9 : memref<96xi32, #tpu.memory_space<vmem>>) target_semaphore(%arg30 : memref<!tpu.dma_semaphore, #tpu.memory_space<semaphore_mem>>)
        %add3A_426 = arith.addi %select_n3A, %add3A_418 : i32
        %dma_start3A_427 = arith.constant 0 : i32
        %dma_start3A_428 = tpu.memref_slice %arg4[%add3A_426, %dma_start3A_427] : memref<3360x96xi32, #tpu.memory_space<hbm>> -> memref<1x96xi32, #tpu.memory_space<hbm>>
        %dma_start3A_429 = tpu.memref_squeeze %dma_start3A_428 : memref<1x96xi32, #tpu.memory_space<hbm>> -> memref<96xi32, #tpu.memory_space<hbm>>
        %dma_start3A_430 = arith.constant 0 : i32
        %dma_start3A_431 = tpu.memref_slice %arg4[%add3A_426, %dma_start3A_430] : memref<3360x96xi32, #tpu.memory_space<hbm>> -> memref<1x96xi32, #tpu.memory_space<hbm>>
        %dma_start3A_432 = tpu.memref_squeeze %dma_start3A_431 : memref<1x96xi32, #tpu.memory_space<hbm>> -> memref<96xi32, #tpu.memory_space<hbm>>
        tpu.enqueue_dma source(%dma_start3A_432 : memref<96xi32, #tpu.memory_space<hbm>>) target(%arg15 : memref<96xi32, #tpu.memory_space<vmem>>) target_semaphore(%arg30 : memref<!tpu.dma_semaphore, #tpu.memory_space<semaphore_mem>>)
      } else {
      }
      %get3A_321 = arith.constant 0 : index
      %get3A_322 = tpu.vector_load %arg17[%get3A_321] {strides = array<i32>} : memref<96xi32, #tpu.memory_space<vmem>>, vector<16xi32>,
      tpu.vector_store_idx %arg35[%get3A_322], %broadcast_in_dim3A_51 {add = true} : memref<10240xf32, #tpu.memory_space<vmem>>[vector<16xi32>], vector<16xf32>,
      %get3A_323 = arith.constant 16 : index
      %get3A_324 = tpu.vector_load %arg17[%get3A_323] {strides = array<i32>} : memref<96xi32, #tpu.memory_space<vmem>>, vector<16xi32>,
      tpu.vector_store_idx %arg35[%get3A_324], %broadcast_in_dim3A_51 {add = true} : memref<10240xf32, #tpu.memory_space<vmem>>[vector<16xi32>], vector<16xf32>,
      %get3A_325 = arith.constant 32 : index
      %get3A_326 = tpu.vector_load %arg17[%get3A_325] {strides = array<i32>} : memref<96xi32, #tpu.memory_space<vmem>>, vector<16xi32>,
      tpu.vector_store_idx %arg35[%get3A_326], %broadcast_in_dim3A_51 {add = true} : memref<10240xf32, #tpu.memory_space<vmem>>[vector<16xi32>], vector<16xf32>,
      %get3A_327 = arith.constant 48 : index
      %get3A_328 = tpu.vector_load %arg17[%get3A_327] {strides = array<i32>} : memref<96xi32, #tpu.memory_space<vmem>>, vector<16xi32>,
      tpu.vector_store_idx %arg35[%get3A_328], %broadcast_in_dim3A_51 {add = true} : memref<10240xf32, #tpu.memory_space<vmem>>[vector<16xi32>], vector<16xf32>,
      %get3A_329 = arith.constant 64 : index
      %get3A_330 = tpu.vector_load %arg17[%get3A_329] {strides = array<i32>} : memref<96xi32, #tpu.memory_space<vmem>>, vector<16xi32>,
      tpu.vector_store_idx %arg35[%get3A_330], %broadcast_in_dim3A_51 {add = true} : memref<10240xf32, #tpu.memory_space<vmem>>[vector<16xi32>], vector<16xf32>,
      %get3A_331 = arith.constant 80 : index
      %get3A_332 = tpu.vector_load %arg17[%get3A_331] {strides = array<i32>} : memref<96xi32, #tpu.memory_space<vmem>>, vector<16xi32>,
      tpu.vector_store_idx %arg35[%get3A_332], %broadcast_in_dim3A_51 {add = true} : memref<10240xf32, #tpu.memory_space<vmem>>[vector<16xi32>], vector<16xf32>,
      %dma_wait3A_333 = arith.constant 0 : i32
      %dma_wait3A_334 = arith.constant 0 : i32
      %dma_wait3A_335 = tpu.memref_slice %arg2[%dma_wait3A_333, %dma_wait3A_334] : memref<10000x128xf32, #tpu.memory_space<hbm>> -> memref<10000x128xf32, #tpu.memory_space<hbm>>
      tpu.wait_indirect_dma semaphore(%arg23 : memref<!tpu.dma_semaphore, #tpu.memory_space<semaphore_mem>>) src(%dma_wait3A_335 : memref<10000x128xf32, #tpu.memory_space<hbm>>) dst(%arg20 : memref<96x128xf32, #tpu.memory_space<vmem>>)
      %dma_start3A_336 = arith.constant 0 : i32
      %dma_start3A_337 = arith.constant 0 : i32
      %dma_start3A_338 = tpu.memref_slice %arg7[%dma_start3A_336, %dma_start3A_337] : memref<10112x128xf32, #tpu.memory_space<vmem_shared>> -> memref<10112x128xf32, #tpu.memory_space<vmem_shared>>
      tpu.enqueue_indirect_dma source(%arg20 : memref<96x128xf32, #tpu.memory_space<vmem>>) target(%dma_start3A_338 : memref<10112x128xf32, #tpu.memory_space<vmem_shared>>) offsets(%arg17 : memref<96xi32, #tpu.memory_space<vmem>>) semaphore(%arg26 : memref<!tpu.dma_semaphore, #tpu.memory_space<semaphore_mem>>) {add = true}
      %mul3A_339 = arith.constant 6 : i32
      %mul3A_340 = arith.muli %while3A_187, %mul3A_339 : i32
      %add3A_341 = arith.constant 4 : i32
      %add3A_342 = arith.addi %mul3A_340, %add3A_341 : i32
      %ge3A_343 = arith.constant 1 : i32
      %ge3A_344 = arith.cmpi sge, %add3A_342, %ge3A_343 : i32
      %convert_element_type3A_345 = arith.extui %ge3A_344 : i1 to i32
      %cond3A_346 = arith.constant 0 : i32
      %cond3A_347 = arith.cmpi ne, %convert_element_type3A_345, %cond3A_346 : i32
      scf.if %cond3A_347 {
        %dma_wait3A_417 = arith.constant 0 : i32
        %dma_wait3A_418 = arith.constant 0 : i32
        %dma_wait3A_419 = tpu.memref_slice %arg7[%dma_wait3A_417, %dma_wait3A_418] : memref<10112x128xf32, #tpu.memory_space<vmem_shared>> -> memref<10112x128xf32, #tpu.memory_space<vmem_shared>>
        tpu.wait_indirect_dma semaphore(%arg26 : memref<!tpu.dma_semaphore, #tpu.memory_space<semaphore_mem>>) src(%arg20 : memref<96x128xf32, #tpu.memory_space<vmem>>) dst(%dma_wait3A_419 : memref<10112x128xf32, #tpu.memory_space<vmem_shared>>)
      } else {
      }
      %add3A_348 = arith.constant 2 : i32
      %add3A_349 = arith.addi %add3A_342, %add3A_348 : i32
      %lt3A_350 = arith.cmpi slt, %add3A_349, %select_n3A_8 : i32
      %convert_element_type3A_351 = arith.extui %lt3A_350 : i1 to i32
      %cond3A_352 = arith.constant 0 : i32
      %cond3A_353 = arith.cmpi ne, %convert_element_type3A_351, %cond3A_352 : i32
      scf.if %cond3A_353 {
        %dma_wait3A_417 = arith.constant 0 : i32
        %dma_wait3A_418 = tpu.memref_slice %arg3[%select_n3A, %dma_wait3A_417] : memref<3360x96xi32, #tpu.memory_space<hbm>> -> memref<1x96xi32, #tpu.memory_space<hbm>>
        %dma_wait3A_419 = tpu.memref_squeeze %dma_wait3A_418 : memref<1x96xi32, #tpu.memory_space<hbm>> -> memref<96xi32, #tpu.memory_space<hbm>>
        %dma_wait3A_420 = arith.constant 0 : i32
        %dma_wait3A_421 = tpu.memref_slice %arg3[%select_n3A, %dma_wait3A_420] : memref<3360x96xi32, #tpu.memory_space<hbm>> -> memref<1x96xi32, #tpu.memory_space<hbm>>
        %dma_wait3A_422 = tpu.memref_squeeze %dma_wait3A_421 : memref<1x96xi32, #tpu.memory_space<hbm>> -> memref<96xi32, #tpu.memory_space<hbm>>
        tpu.wait_dma2 semaphore(%arg29 : memref<!tpu.dma_semaphore, #tpu.memory_space<semaphore_mem>>) src(%dma_wait3A_422 : memref<96xi32, #tpu.memory_space<hbm>>) dst(%arg8 : memref<96xi32, #tpu.memory_space<vmem>>)
        %dma_wait3A_423 = arith.constant 0 : i32
        %dma_wait3A_424 = tpu.memref_slice %arg4[%select_n3A, %dma_wait3A_423] : memref<3360x96xi32, #tpu.memory_space<hbm>> -> memref<1x96xi32, #tpu.memory_space<hbm>>
        %dma_wait3A_425 = tpu.memref_squeeze %dma_wait3A_424 : memref<1x96xi32, #tpu.memory_space<hbm>> -> memref<96xi32, #tpu.memory_space<hbm>>
        %dma_wait3A_426 = arith.constant 0 : i32
        %dma_wait3A_427 = tpu.memref_slice %arg4[%select_n3A, %dma_wait3A_426] : memref<3360x96xi32, #tpu.memory_space<hbm>> -> memref<1x96xi32, #tpu.memory_space<hbm>>
        %dma_wait3A_428 = tpu.memref_squeeze %dma_wait3A_427 : memref<1x96xi32, #tpu.memory_space<hbm>> -> memref<96xi32, #tpu.memory_space<hbm>>
        tpu.wait_dma2 semaphore(%arg29 : memref<!tpu.dma_semaphore, #tpu.memory_space<semaphore_mem>>) src(%dma_wait3A_428 : memref<96xi32, #tpu.memory_space<hbm>>) dst(%arg14 : memref<96xi32, #tpu.memory_space<vmem>>)
        %dma_start3A_429 = arith.constant 0 : i32
        %dma_start3A_430 = arith.constant 0 : i32
        %dma_start3A_431 = tpu.memref_slice %arg2[%dma_start3A_429, %dma_start3A_430] : memref<10000x128xf32, #tpu.memory_space<hbm>> -> memref<10000x128xf32, #tpu.memory_space<hbm>>
        tpu.enqueue_indirect_dma source(%dma_start3A_431 : memref<10000x128xf32, #tpu.memory_space<hbm>>) target(%arg20 : memref<96x128xf32, #tpu.memory_space<vmem>>) offsets(%arg8 : memref<96xi32, #tpu.memory_space<vmem>>) semaphore(%arg23 : memref<!tpu.dma_semaphore, #tpu.memory_space<semaphore_mem>>)
      } else {
      }
      %add3A_354 = arith.constant 4 : i32
      %add3A_355 = arith.addi %add3A_342, %add3A_354 : i32
      %lt3A_356 = arith.cmpi slt, %add3A_355, %select_n3A_8 : i32
      %convert_element_type3A_357 = arith.extui %lt3A_356 : i1 to i32
      %cond3A_358 = arith.constant 0 : i32
      %cond3A_359 = arith.cmpi ne, %convert_element_type3A_357, %cond3A_358 : i32
      scf.if %cond3A_359 {
        %add3A_417 = arith.constant 4 : i32
        %add3A_418 = arith.addi %add3A_342, %add3A_417 : i32
        %add3A_419 = arith.addi %select_n3A, %add3A_418 : i32
        %dma_start3A_420 = arith.constant 0 : i32
        %dma_start3A_421 = tpu.memref_slice %arg3[%add3A_419, %dma_start3A_420] : memref<3360x96xi32, #tpu.memory_space<hbm>> -> memref<1x96xi32, #tpu.memory_space<hbm>>
        %dma_start3A_422 = tpu.memref_squeeze %dma_start3A_421 : memref<1x96xi32, #tpu.memory_space<hbm>> -> memref<96xi32, #tpu.memory_space<hbm>>
        %dma_start3A_423 = arith.constant 0 : i32
        %dma_start3A_424 = tpu.memref_slice %arg3[%add3A_419, %dma_start3A_423] : memref<3360x96xi32, #tpu.memory_space<hbm>> -> memref<1x96xi32, #tpu.memory_space<hbm>>
        %dma_start3A_425 = tpu.memref_squeeze %dma_start3A_424 : memref<1x96xi32, #tpu.memory_space<hbm>> -> memref<96xi32, #tpu.memory_space<hbm>>
        tpu.enqueue_dma source(%dma_start3A_425 : memref<96xi32, #tpu.memory_space<hbm>>) target(%arg10 : memref<96xi32, #tpu.memory_space<vmem>>) target_semaphore(%arg31 : memref<!tpu.dma_semaphore, #tpu.memory_space<semaphore_mem>>)
        %add3A_426 = arith.addi %select_n3A, %add3A_418 : i32
        %dma_start3A_427 = arith.constant 0 : i32
        %dma_start3A_428 = tpu.memref_slice %arg4[%add3A_426, %dma_start3A_427] : memref<3360x96xi32, #tpu.memory_space<hbm>> -> memref<1x96xi32, #tpu.memory_space<hbm>>
        %dma_start3A_429 = tpu.memref_squeeze %dma_start3A_428 : memref<1x96xi32, #tpu.memory_space<hbm>> -> memref<96xi32, #tpu.memory_space<hbm>>
        %dma_start3A_430 = arith.constant 0 : i32
        %dma_start3A_431 = tpu.memref_slice %arg4[%add3A_426, %dma_start3A_430] : memref<3360x96xi32, #tpu.memory_space<hbm>> -> memref<1x96xi32, #tpu.memory_space<hbm>>
        %dma_start3A_432 = tpu.memref_squeeze %dma_start3A_431 : memref<1x96xi32, #tpu.memory_space<hbm>> -> memref<96xi32, #tpu.memory_space<hbm>>
        tpu.enqueue_dma source(%dma_start3A_432 : memref<96xi32, #tpu.memory_space<hbm>>) target(%arg16 : memref<96xi32, #tpu.memory_space<vmem>>) target_semaphore(%arg31 : memref<!tpu.dma_semaphore, #tpu.memory_space<semaphore_mem>>)
      } else {
      }
      %get3A_360 = arith.constant 0 : index
      %get3A_361 = tpu.vector_load %arg18[%get3A_360] {strides = array<i32>} : memref<96xi32, #tpu.memory_space<vmem>>, vector<16xi32>,
      tpu.vector_store_idx %arg35[%get3A_361], %broadcast_in_dim3A_51 {add = true} : memref<10240xf32, #tpu.memory_space<vmem>>[vector<16xi32>], vector<16xf32>,
      %get3A_362 = arith.constant 16 : index
      %get3A_363 = tpu.vector_load %arg18[%get3A_362] {strides = array<i32>} : memref<96xi32, #tpu.memory_space<vmem>>, vector<16xi32>,
      tpu.vector_store_idx %arg35[%get3A_363], %broadcast_in_dim3A_51 {add = true} : memref<10240xf32, #tpu.memory_space<vmem>>[vector<16xi32>], vector<16xf32>,
      %get3A_364 = arith.constant 32 : index
      %get3A_365 = tpu.vector_load %arg18[%get3A_364] {strides = array<i32>} : memref<96xi32, #tpu.memory_space<vmem>>, vector<16xi32>,
      tpu.vector_store_idx %arg35[%get3A_365], %broadcast_in_dim3A_51 {add = true} : memref<10240xf32, #tpu.memory_space<vmem>>[vector<16xi32>], vector<16xf32>,
      %get3A_366 = arith.constant 48 : index
      %get3A_367 = tpu.vector_load %arg18[%get3A_366] {strides = array<i32>} : memref<96xi32, #tpu.memory_space<vmem>>, vector<16xi32>,
      tpu.vector_store_idx %arg35[%get3A_367], %broadcast_in_dim3A_51 {add = true} : memref<10240xf32, #tpu.memory_space<vmem>>[vector<16xi32>], vector<16xf32>,
      %get3A_368 = arith.constant 64 : index
      %get3A_369 = tpu.vector_load %arg18[%get3A_368] {strides = array<i32>} : memref<96xi32, #tpu.memory_space<vmem>>, vector<16xi32>,
      tpu.vector_store_idx %arg35[%get3A_369], %broadcast_in_dim3A_51 {add = true} : memref<10240xf32, #tpu.memory_space<vmem>>[vector<16xi32>], vector<16xf32>,
      %get3A_370 = arith.constant 80 : index
      %get3A_371 = tpu.vector_load %arg18[%get3A_370] {strides = array<i32>} : memref<96xi32, #tpu.memory_space<vmem>>, vector<16xi32>,
      tpu.vector_store_idx %arg35[%get3A_371], %broadcast_in_dim3A_51 {add = true} : memref<10240xf32, #tpu.memory_space<vmem>>[vector<16xi32>], vector<16xf32>,
      %dma_wait3A_372 = arith.constant 0 : i32
      %dma_wait3A_373 = arith.constant 0 : i32
      %dma_wait3A_374 = tpu.memref_slice %arg2[%dma_wait3A_372, %dma_wait3A_373] : memref<10000x128xf32, #tpu.memory_space<hbm>> -> memref<10000x128xf32, #tpu.memory_space<hbm>>
      tpu.wait_indirect_dma semaphore(%arg24 : memref<!tpu.dma_semaphore, #tpu.memory_space<semaphore_mem>>) src(%dma_wait3A_374 : memref<10000x128xf32, #tpu.memory_space<hbm>>) dst(%arg21 : memref<96x128xf32, #tpu.memory_space<vmem>>)
      %dma_start3A_375 = arith.constant 0 : i32
      %dma_start3A_376 = arith.constant 0 : i32
      %dma_start3A_377 = tpu.memref_slice %arg7[%dma_start3A_375, %dma_start3A_376] : memref<10112x128xf32, #tpu.memory_space<vmem_shared>> -> memref<10112x128xf32, #tpu.memory_space<vmem_shared>>
      tpu.enqueue_indirect_dma source(%arg21 : memref<96x128xf32, #tpu.memory_space<vmem>>) target(%dma_start3A_377 : memref<10112x128xf32, #tpu.memory_space<vmem_shared>>) offsets(%arg18 : memref<96xi32, #tpu.memory_space<vmem>>) semaphore(%arg27 : memref<!tpu.dma_semaphore, #tpu.memory_space<semaphore_mem>>) {add = true}
      %mul3A_378 = arith.constant 6 : i32
      %mul3A_379 = arith.muli %while3A_187, %mul3A_378 : i32
      %add3A_380 = arith.constant 5 : i32
      %add3A_381 = arith.addi %mul3A_379, %add3A_380 : i32
      %ge3A_382 = arith.constant 1 : i32
      %ge3A_383 = arith.cmpi sge, %add3A_381, %ge3A_382 : i32
      %convert_element_type3A_384 = arith.extui %ge3A_383 : i1 to i32
      %cond3A_385 = arith.constant 0 : i32
      %cond3A_386 = arith.cmpi ne, %convert_element_type3A_384, %cond3A_385 : i32
      scf.if %cond3A_386 {
        %dma_wait3A_417 = arith.constant 0 : i32
        %dma_wait3A_418 = arith.constant 0 : i32
        %dma_wait3A_419 = tpu.memref_slice %arg7[%dma_wait3A_417, %dma_wait3A_418] : memref<10112x128xf32, #tpu.memory_space<vmem_shared>> -> memref<10112x128xf32, #tpu.memory_space<vmem_shared>>
        tpu.wait_indirect_dma semaphore(%arg27 : memref<!tpu.dma_semaphore, #tpu.memory_space<semaphore_mem>>) src(%arg21 : memref<96x128xf32, #tpu.memory_space<vmem>>) dst(%dma_wait3A_419 : memref<10112x128xf32, #tpu.memory_space<vmem_shared>>)
      } else {
      }
      %add3A_387 = arith.constant 2 : i32
      %add3A_388 = arith.addi %add3A_381, %add3A_387 : i32
      %lt3A_389 = arith.cmpi slt, %add3A_388, %select_n3A_8 : i32
      %convert_element_type3A_390 = arith.extui %lt3A_389 : i1 to i32
      %cond3A_391 = arith.constant 0 : i32
      %cond3A_392 = arith.cmpi ne, %convert_element_type3A_390, %cond3A_391 : i32
      scf.if %cond3A_392 {
        %dma_wait3A_417 = arith.constant 0 : i32
        %dma_wait3A_418 = tpu.memref_slice %arg3[%select_n3A, %dma_wait3A_417] : memref<3360x96xi32, #tpu.memory_space<hbm>> -> memref<1x96xi32, #tpu.memory_space<hbm>>
        %dma_wait3A_419 = tpu.memref_squeeze %dma_wait3A_418 : memref<1x96xi32, #tpu.memory_space<hbm>> -> memref<96xi32, #tpu.memory_space<hbm>>
        %dma_wait3A_420 = arith.constant 0 : i32
        %dma_wait3A_421 = tpu.memref_slice %arg3[%select_n3A, %dma_wait3A_420] : memref<3360x96xi32, #tpu.memory_space<hbm>> -> memref<1x96xi32, #tpu.memory_space<hbm>>
        %dma_wait3A_422 = tpu.memref_squeeze %dma_wait3A_421 : memref<1x96xi32, #tpu.memory_space<hbm>> -> memref<96xi32, #tpu.memory_space<hbm>>
        tpu.wait_dma2 semaphore(%arg30 : memref<!tpu.dma_semaphore, #tpu.memory_space<semaphore_mem>>) src(%dma_wait3A_422 : memref<96xi32, #tpu.memory_space<hbm>>) dst(%arg9 : memref<96xi32, #tpu.memory_space<vmem>>)
        %dma_wait3A_423 = arith.constant 0 : i32
        %dma_wait3A_424 = tpu.memref_slice %arg4[%select_n3A, %dma_wait3A_423] : memref<3360x96xi32, #tpu.memory_space<hbm>> -> memref<1x96xi32, #tpu.memory_space<hbm>>
        %dma_wait3A_425 = tpu.memref_squeeze %dma_wait3A_424 : memref<1x96xi32, #tpu.memory_space<hbm>> -> memref<96xi32, #tpu.memory_space<hbm>>
        %dma_wait3A_426 = arith.constant 0 : i32
        %dma_wait3A_427 = tpu.memref_slice %arg4[%select_n3A, %dma_wait3A_426] : memref<3360x96xi32, #tpu.memory_space<hbm>> -> memref<1x96xi32, #tpu.memory_space<hbm>>
        %dma_wait3A_428 = tpu.memref_squeeze %dma_wait3A_427 : memref<1x96xi32, #tpu.memory_space<hbm>> -> memref<96xi32, #tpu.memory_space<hbm>>
        tpu.wait_dma2 semaphore(%arg30 : memref<!tpu.dma_semaphore, #tpu.memory_space<semaphore_mem>>) src(%dma_wait3A_428 : memref<96xi32, #tpu.memory_space<hbm>>) dst(%arg15 : memref<96xi32, #tpu.memory_space<vmem>>)
        %dma_start3A_429 = arith.constant 0 : i32
        %dma_start3A_430 = arith.constant 0 : i32
        %dma_start3A_431 = tpu.memref_slice %arg2[%dma_start3A_429, %dma_start3A_430] : memref<10000x128xf32, #tpu.memory_space<hbm>> -> memref<10000x128xf32, #tpu.memory_space<hbm>>
        tpu.enqueue_indirect_dma source(%dma_start3A_431 : memref<10000x128xf32, #tpu.memory_space<hbm>>) target(%arg21 : memref<96x128xf32, #tpu.memory_space<vmem>>) offsets(%arg9 : memref<96xi32, #tpu.memory_space<vmem>>) semaphore(%arg24 : memref<!tpu.dma_semaphore, #tpu.memory_space<semaphore_mem>>)
      } else {
      }
      %add3A_393 = arith.constant 4 : i32
      %add3A_394 = arith.addi %add3A_381, %add3A_393 : i32
      %lt3A_395 = arith.cmpi slt, %add3A_394, %select_n3A_8 : i32
      %convert_element_type3A_396 = arith.extui %lt3A_395 : i1 to i32
      %cond3A_397 = arith.constant 0 : i32
      %cond3A_398 = arith.cmpi ne, %convert_element_type3A_396, %cond3A_397 : i32
      scf.if %cond3A_398 {
        %add3A_417 = arith.constant 4 : i32
        %add3A_418 = arith.addi %add3A_381, %add3A_417 : i32
        %add3A_419 = arith.addi %select_n3A, %add3A_418 : i32
        %dma_start3A_420 = arith.constant 0 : i32
        %dma_start3A_421 = tpu.memref_slice %arg3[%add3A_419, %dma_start3A_420] : memref<3360x96xi32, #tpu.memory_space<hbm>> -> memref<1x96xi32, #tpu.memory_space<hbm>>
        %dma_start3A_422 = tpu.memref_squeeze %dma_start3A_421 : memref<1x96xi32, #tpu.memory_space<hbm>> -> memref<96xi32, #tpu.memory_space<hbm>>
        %dma_start3A_423 = arith.constant 0 : i32
        %dma_start3A_424 = tpu.memref_slice %arg3[%add3A_419, %dma_start3A_423] : memref<3360x96xi32, #tpu.memory_space<hbm>> -> memref<1x96xi32, #tpu.memory_space<hbm>>
        %dma_start3A_425 = tpu.memref_squeeze %dma_start3A_424 : memref<1x96xi32, #tpu.memory_space<hbm>> -> memref<96xi32, #tpu.memory_space<hbm>>
        tpu.enqueue_dma source(%dma_start3A_425 : memref<96xi32, #tpu.memory_space<hbm>>) target(%arg11 : memref<96xi32, #tpu.memory_space<vmem>>) target_semaphore(%arg32 : memref<!tpu.dma_semaphore, #tpu.memory_space<semaphore_mem>>)
        %add3A_426 = arith.addi %select_n3A, %add3A_418 : i32
        %dma_start3A_427 = arith.constant 0 : i32
        %dma_start3A_428 = tpu.memref_slice %arg4[%add3A_426, %dma_start3A_427] : memref<3360x96xi32, #tpu.memory_space<hbm>> -> memref<1x96xi32, #tpu.memory_space<hbm>>
        %dma_start3A_429 = tpu.memref_squeeze %dma_start3A_428 : memref<1x96xi32, #tpu.memory_space<hbm>> -> memref<96xi32, #tpu.memory_space<hbm>>
        %dma_start3A_430 = arith.constant 0 : i32
        %dma_start3A_431 = tpu.memref_slice %arg4[%add3A_426, %dma_start3A_430] : memref<3360x96xi32, #tpu.memory_space<hbm>> -> memref<1x96xi32, #tpu.memory_space<hbm>>
        %dma_start3A_432 = tpu.memref_squeeze %dma_start3A_431 : memref<1x96xi32, #tpu.memory_space<hbm>> -> memref<96xi32, #tpu.memory_space<hbm>>
        tpu.enqueue_dma source(%dma_start3A_432 : memref<96xi32, #tpu.memory_space<hbm>>) target(%arg17 : memref<96xi32, #tpu.memory_space<vmem>>) target_semaphore(%arg32 : memref<!tpu.dma_semaphore, #tpu.memory_space<semaphore_mem>>)
      } else {
      }
      %get3A_399 = arith.constant 0 : index
      %get3A_400 = tpu.vector_load %arg19[%get3A_399] {strides = array<i32>} : memref<96xi32, #tpu.memory_space<vmem>>, vector<16xi32>,
      tpu.vector_store_idx %arg35[%get3A_400], %broadcast_in_dim3A_51 {add = true} : memref<10240xf32, #tpu.memory_space<vmem>>[vector<16xi32>], vector<16xf32>,
      %get3A_401 = arith.constant 16 : index
      %get3A_402 = tpu.vector_load %arg19[%get3A_401] {strides = array<i32>} : memref<96xi32, #tpu.memory_space<vmem>>, vector<16xi32>,
      tpu.vector_store_idx %arg35[%get3A_402], %broadcast_in_dim3A_51 {add = true} : memref<10240xf32, #tpu.memory_space<vmem>>[vector<16xi32>], vector<16xf32>,
      %get3A_403 = arith.constant 32 : index
      %get3A_404 = tpu.vector_load %arg19[%get3A_403] {strides = array<i32>} : memref<96xi32, #tpu.memory_space<vmem>>, vector<16xi32>,
      tpu.vector_store_idx %arg35[%get3A_404], %broadcast_in_dim3A_51 {add = true} : memref<10240xf32, #tpu.memory_space<vmem>>[vector<16xi32>], vector<16xf32>,
      %get3A_405 = arith.constant 48 : index
      %get3A_406 = tpu.vector_load %arg19[%get3A_405] {strides = array<i32>} : memref<96xi32, #tpu.memory_space<vmem>>, vector<16xi32>,
      tpu.vector_store_idx %arg35[%get3A_406], %broadcast_in_dim3A_51 {add = true} : memref<10240xf32, #tpu.memory_space<vmem>>[vector<16xi32>], vector<16xf32>,
      %get3A_407 = arith.constant 64 : index
      %get3A_408 = tpu.vector_load %arg19[%get3A_407] {strides = array<i32>} : memref<96xi32, #tpu.memory_space<vmem>>, vector<16xi32>,
      tpu.vector_store_idx %arg35[%get3A_408], %broadcast_in_dim3A_51 {add = true} : memref<10240xf32, #tpu.memory_space<vmem>>[vector<16xi32>], vector<16xf32>,
      %get3A_409 = arith.constant 80 : index
      %get3A_410 = tpu.vector_load %arg19[%get3A_409] {strides = array<i32>} : memref<96xi32, #tpu.memory_space<vmem>>, vector<16xi32>,
      tpu.vector_store_idx %arg35[%get3A_410], %broadcast_in_dim3A_51 {add = true} : memref<10240xf32, #tpu.memory_space<vmem>>[vector<16xi32>], vector<16xf32>,
      %dma_wait3A_411 = arith.constant 0 : i32
      %dma_wait3A_412 = arith.constant 0 : i32
      %dma_wait3A_413 = tpu.memref_slice %arg2[%dma_wait3A_411, %dma_wait3A_412] : memref<10000x128xf32, #tpu.memory_space<hbm>> -> memref<10000x128xf32, #tpu.memory_space<hbm>>
      tpu.wait_indirect_dma semaphore(%arg25 : memref<!tpu.dma_semaphore, #tpu.memory_space<semaphore_mem>>) src(%dma_wait3A_413 : memref<10000x128xf32, #tpu.memory_space<hbm>>) dst(%arg22 : memref<96x128xf32, #tpu.memory_space<vmem>>)
      %dma_start3A_414 = arith.constant 0 : i32
      %dma_start3A_415 = arith.constant 0 : i32
      %dma_start3A_416 = tpu.memref_slice %arg7[%dma_start3A_414, %dma_start3A_415] : memref<10112x128xf32, #tpu.memory_space<vmem_shared>> -> memref<10112x128xf32, #tpu.memory_space<vmem_shared>>
      tpu.enqueue_indirect_dma source(%arg22 : memref<96x128xf32, #tpu.memory_space<vmem>>) target(%dma_start3A_416 : memref<10112x128xf32, #tpu.memory_space<vmem_shared>>) offsets(%arg19 : memref<96xi32, #tpu.memory_space<vmem>>) semaphore(%arg28 : memref<!tpu.dma_semaphore, #tpu.memory_space<semaphore_mem>>) {add = true}
    }
    %dma_wait3A_172 = arith.constant 0 : i32
    %dma_wait3A_173 = arith.constant 0 : i32
    %dma_wait3A_174 = tpu.memref_slice %arg7[%dma_wait3A_172, %dma_wait3A_173] : memref<10112x128xf32, #tpu.memory_space<vmem_shared>> -> memref<10112x128xf32, #tpu.memory_space<vmem_shared>>
    tpu.wait_indirect_dma semaphore(%arg28 : memref<!tpu.dma_semaphore, #tpu.memory_space<semaphore_mem>>) src(%arg22 : memref<96x128xf32, #tpu.memory_space<vmem>>) dst(%dma_wait3A_174 : memref<10112x128xf32, #tpu.memory_space<vmem_shared>>)
    %barrier3A_175 = arith.constant 0 : index
    tpu.barrier barrier_id(%barrier3A_175)
    %mul3A_176 = arith.constant 632 : i32
    %mul3A_177 = arith.muli %arg1, %mul3A_176 : i32
    %mul3A_178 = arith.constant 632 : i32
    %mul3A_179 = arith.muli %arg1, %mul3A_178 : i32
    "tpu.region"() ({
      %run_scoped3A = tpu.sem_alloc : memref<!tpu.dma_semaphore, #tpu.memory_space<semaphore_mem>>
      %dma_start3A_187 = arith.constant 0 : i32
      %dma_start3A_188 = tpu.memref_slice %arg5[%arg0, %mul3A_179, %dma_start3A_187] : memref<2x10112x128xf32, #tpu.memory_space<hbm>> -> memref<1x632x128xf32, #tpu.memory_space<hbm>>
      %dma_start3A_189 = tpu.memref_squeeze %dma_start3A_188 : memref<1x632x128xf32, #tpu.memory_space<hbm>> -> memref<632x128xf32, #tpu.memory_space<hbm>>
      %dma_start3A_190 = arith.constant 0 : i32
      %dma_start3A_191 = tpu.memref_slice %arg7[%mul3A_177, %dma_start3A_190] : memref<10112x128xf32, #tpu.memory_space<vmem_shared>> -> memref<632x128xf32, #tpu.memory_space<vmem_shared>>
      tpu.enqueue_dma source(%dma_start3A_191 : memref<632x128xf32, #tpu.memory_space<vmem_shared>>) target(%dma_start3A_189 : memref<632x128xf32, #tpu.memory_space<hbm>>) target_semaphore(%run_scoped3A : memref<!tpu.dma_semaphore, #tpu.memory_space<semaphore_mem>>)
      %dma_wait3A_192 = arith.constant 0 : i32
      %dma_wait3A_193 = tpu.memref_slice %arg5[%arg0, %mul3A_179, %dma_wait3A_192] : memref<2x10112x128xf32, #tpu.memory_space<hbm>> -> memref<1x632x128xf32, #tpu.memory_space<hbm>>
      %dma_wait3A_194 = tpu.memref_squeeze %dma_wait3A_193 : memref<1x632x128xf32, #tpu.memory_space<hbm>> -> memref<632x128xf32, #tpu.memory_space<hbm>>
      %dma_wait3A_195 = arith.constant 0 : i32
      %dma_wait3A_196 = tpu.memref_slice %arg7[%mul3A_177, %dma_wait3A_195] : memref<10112x128xf32, #tpu.memory_space<vmem_shared>> -> memref<632x128xf32, #tpu.memory_space<vmem_shared>>
      tpu.wait_dma2 semaphore(%run_scoped3A : memref<!tpu.dma_semaphore, #tpu.memory_space<semaphore_mem>>) src(%dma_wait3A_196 : memref<632x128xf32, #tpu.memory_space<vmem_shared>>) dst(%dma_wait3A_194 : memref<632x128xf32, #tpu.memory_space<hbm>>)
      tpu.yield
    }) : () -> ()
    %mul3A_180 = arith.constant 16 : i32
    %mul3A_181 = arith.muli %arg0, %mul3A_180 : i32
    %add3A_182 = arith.addi %mul3A_181, %arg1 : i32
    %mul3A_183 = arith.constant 80 : i32
    %mul3A_184 = arith.muli %add3A_182, %mul3A_183 : i32
    %mul3A_185 = arith.constant 128 : i32
    %mul3A_186 = arith.muli %mul3A_184, %mul3A_185 : i32
    "tpu.region"() ({
      %run_scoped3A = tpu.sem_alloc : memref<!tpu.dma_semaphore, #tpu.memory_space<semaphore_mem>>
      %dma_start3A_187 = tpu.memref_slice %arg6[%mul3A_186] : memref<327680xf32, #tpu.memory_space<hbm>> -> memref<10240xf32, #tpu.memory_space<hbm>>
      %dma_start3A_188 = tpu.memref_slice %arg6[%mul3A_186] : memref<327680xf32, #tpu.memory_space<hbm>> -> memref<10240xf32, #tpu.memory_space<hbm>>
      tpu.enqueue_dma source(%arg35 : memref<10240xf32, #tpu.memory_space<vmem>>) target(%dma_start3A_188 : memref<10240xf32, #tpu.memory_space<hbm>>) target_semaphore(%run_scoped3A : memref<!tpu.dma_semaphore, #tpu.memory_space<semaphore_mem>>)
      %dma_wait3A_189 = tpu.memref_slice %arg6[%mul3A_186] : memref<327680xf32, #tpu.memory_space<hbm>> -> memref<10240xf32, #tpu.memory_space<hbm>>
      %dma_wait3A_190 = tpu.memref_slice %arg6[%mul3A_186] : memref<327680xf32, #tpu.memory_space<hbm>> -> memref<10240xf32, #tpu.memory_space<hbm>>
      tpu.wait_dma2 semaphore(%run_scoped3A : memref<!tpu.dma_semaphore, #tpu.memory_space<semaphore_mem>>) src(%arg35 : memref<10240xf32, #tpu.memory_space<vmem>>) dst(%dma_wait3A_190 : memref<10240xf32, #tpu.memory_space<hbm>>)
      tpu.yield
    }) : () -> ()
    return
  }
}

module attributes {stable_mosaic.version = 14 : i64} {
  func.func @_tc1_body(%arg0: i32, %arg1: memref<1024x128xf32, #tpu.memory_space<vmem>>, %arg2: memref<1024x128xf32, #tpu.memory_space<vmem>>, %arg3: memref<32x8x128xf32, #tpu.memory_space<vmem>>, %arg4: memref<1024x128xf32, #tpu.memory_space<vmem>>, %arg5: memref<128x128xf32, #tpu.memory_space<vmem>>, %arg6: memref<128xf32, #tpu.memory_space<vmem>>, %arg7: memref<128x128xf32, #tpu.memory_space<vmem>>, %arg8: memref<128xf32, #tpu.memory_space<vmem>>, %arg9: memref<128xf32, #tpu.memory_space<vmem>>, %arg10: memref<1024x128xf32, #tpu.memory_space<vmem>>) attributes {dimension_semantics = [#tpu.dimension_semantics<arbitrary>], iteration_bounds = array<i64: 10>, scalar_prefetch = 0 : i64, scratch_operands = 0 : i64, tpu.core_type = #tpu.core_type<tc>, window_params = [{transform_indices = @transform_0, window_bounds = array<i64: 1024, 128>}, {transform_indices = @transform_1, window_bounds = array<i64: 1024, 128>}, {transform_indices = @transform_2, window_bounds = array<i64: 32, 8, 128>}, {transform_indices = @transform_3, window_bounds = array<i64: 1024, 128>}, {pipeline_mode = #tpu.pipeline_mode<synchronous>, transform_indices = @transform_4, window_bounds = array<i64: 128, 128>}, {pipeline_mode = #tpu.pipeline_mode<synchronous>, transform_indices = @transform_5, window_bounds = array<i64: 128>}, {pipeline_mode = #tpu.pipeline_mode<synchronous>, transform_indices = @transform_6, window_bounds = array<i64: 128, 128>}, {pipeline_mode = #tpu.pipeline_mode<synchronous>, transform_indices = @transform_7, window_bounds = array<i64: 128>}, {pipeline_mode = #tpu.pipeline_mode<synchronous>, transform_indices = @transform_8, window_bounds = array<i64: 128>}, {transform_indices = @transform_9, window_bounds = array<i64: 1024, 128>}]} {
    %get3A = arith.constant 0 : index
    %get3A_0 = arith.constant 0 : index
    %get3A_1 = vector.load %arg1[%get3A, %get3A_0] : memref<1024x128xf32, #tpu.memory_space<vmem>>, vector<1024x128xf32>
    %get3A_2 = arith.constant 0 : index
    %get3A_3 = arith.constant 0 : index
    %get3A_4 = vector.load %arg2[%get3A_2, %get3A_3] : memref<1024x128xf32, #tpu.memory_space<vmem>>, vector<1024x128xf32>
    %add3A = arith.addf %get3A_1, %get3A_4 : vector<1024x128xf32>
    %get3A_5 = arith.constant 0 : index
    %get3A_6 = arith.constant 0 : index
    %get3A_7 = arith.constant 0 : index
    %get3A_8 = vector.load %arg3[%get3A_5, %get3A_6, %get3A_7] : memref<32x8x128xf32, #tpu.memory_space<vmem>>, vector<32x8x128xf32>
    %reduce_sum3A = arith.constant dense<0.000000e+00> : vector<8x128xf32>
    %reduce_sum3A_9 = vector.multi_reduction <add>, %get3A_8, %reduce_sum3A [0] : vector<32x8x128xf32> to vector<8x128xf32>
    %max3A = arith.constant 1.000000e+00 : f32
    %max3A_10 = vector.broadcast %max3A : f32 to vector<8x128xf32>
    %max3A_11 = arith.maximumf %reduce_sum3A_9, %max3A_10 : vector<8x128xf32>
    %div3A = arith.constant 1.000000e+00 : f32
    %div3A_12 = vector.broadcast %div3A : f32 to vector<8x128xf32>
    %div3A_13 = arith.divf %div3A_12, %max3A_11 : vector<8x128xf32>
    %iota3A = tpu.iota {dimensions = array<i32: 0>} : vector<1024x8xi32>
    %jit3A = arith.constant 128 : i32
    %div3A_14 = vector.broadcast %jit3A : i32 to vector<1024x8xi32>
    %div3A_15 = arith.divsi %iota3A, %div3A_14 : vector<1024x8xi32>
    %sign3A = arith.constant 0 : i32
    %sign3A_16 = vector.broadcast %sign3A : i32 to vector<1024x8xi32>
    %sign3A_17 = arith.cmpi sgt, %iota3A, %sign3A_16 : vector<1024x8xi32>
    %sign3A_18 = arith.extui %sign3A_17 : vector<1024x8xi1> to vector<1024x8xi32>
    %sign3A_19 = arith.constant 0 : i32
    %sign3A_20 = vector.broadcast %sign3A_19 : i32 to vector<1024x8xi32>
    %sign3A_21 = arith.cmpi slt, %iota3A, %sign3A_20 : vector<1024x8xi32>
    %sign3A_22 = arith.extui %sign3A_21 : vector<1024x8xi1> to vector<1024x8xi32>
    %sign3A_23 = arith.subi %sign3A_18, %sign3A_22 : vector<1024x8xi32>
    %sign3A_24 = arith.constant 0 : i32
    %sign3A_25 = arith.cmpi sgt, %jit3A, %sign3A_24 : i32
    %sign3A_26 = arith.extui %sign3A_25 : i1 to i32
    %sign3A_27 = arith.constant 0 : i32
    %sign3A_28 = arith.cmpi slt, %jit3A, %sign3A_27 : i32
    %sign3A_29 = arith.extui %sign3A_28 : i1 to i32
    %sign3A_30 = arith.subi %sign3A_26, %sign3A_29 : i32
    %ne3A = vector.broadcast %sign3A_30 : i32 to vector<1024x8xi32>
    %ne3A_31 = arith.cmpi ne, %sign3A_23, %ne3A : vector<1024x8xi32>
    %rem3A = vector.broadcast %jit3A : i32 to vector<1024x8xi32>
    %rem3A_32 = arith.remsi %iota3A, %rem3A : vector<1024x8xi32>
    %ne3A_33 = arith.constant 0 : i32
    %ne3A_34 = vector.broadcast %ne3A_33 : i32 to vector<1024x8xi32>
    %ne3A_35 = arith.cmpi ne, %rem3A_32, %ne3A_34 : vector<1024x8xi32>
    %and3A = arith.andi %ne3A_31, %ne3A_35 : vector<1024x8xi1>
    %sub3A = arith.constant 1 : i32
    %sub3A_36 = vector.broadcast %sub3A : i32 to vector<1024x8xi32>
    %sub3A_37 = arith.subi %div3A_15, %sub3A_36 : vector<1024x8xi32>
    %select_n3A = arith.select %and3A, %sub3A_37, %div3A_15 : vector<1024x8xi1>, vector<1024x8xi32>
    %iota3A_38 = tpu.iota {dimensions = array<i32: 1>} : vector<1024x8xi32>
    %eq3A = arith.cmpi eq, %select_n3A, %iota3A_38 : vector<1024x8xi32>
    %convert_element_type3A = arith.extui %eq3A : vector<1024x8xi1> to vector<1024x8xi32>
    %convert_element_type3A_39 = arith.sitofp %convert_element_type3A : vector<1024x8xi32> to vector<1024x8xf32>
    %dot_general3A = arith.constant dense<0.000000e+00> : vector<1024x128xf32>
    %dot_general3A_40 = tpu.matmul %convert_element_type3A_39, %div3A_13, %dot_general3A {dimension_numbers = #tpu.dot_dimension_numbers<[1], [0], [0], [1], [0, 0, 1, 1], [], []>, transpose_lhs_hint = false} : vector<1024x8xf32>, vector<8x128xf32>, vector<1024x128xf32> -> vector<1024x128xf32>
    %iota3A_41 = tpu.iota {dimensions = array<i32: 0>} : vector<1024x128xi32>
    %jit3A_42 = arith.constant 128 : i32
    %eq3A_43 = arith.constant 0 : i32
    %eq3A_44 = arith.cmpi eq, %jit3A_42, %eq3A_43 : i32
    %jit3A_45 = arith.constant 1 : i32
    %select_n3A_46 = arith.select %eq3A_44, %jit3A_45, %jit3A_42 : i32
    %rem3A_47 = vector.broadcast %select_n3A_46 : i32 to vector<1024x128xi32>
    %rem3A_48 = arith.remsi %iota3A_41, %rem3A_47 : vector<1024x128xi32>
    %ne3A_49 = arith.constant 0 : i32
    %ne3A_50 = vector.broadcast %ne3A_49 : i32 to vector<1024x128xi32>
    %ne3A_51 = arith.cmpi ne, %rem3A_48, %ne3A_50 : vector<1024x128xi32>
    %lt3A = arith.constant 0 : i32
    %lt3A_52 = vector.broadcast %lt3A : i32 to vector<1024x128xi32>
    %lt3A_53 = arith.cmpi slt, %rem3A_48, %lt3A_52 : vector<1024x128xi32>
    %lt3A_54 = arith.constant 0 : i32
    %lt3A_55 = arith.cmpi slt, %select_n3A_46, %lt3A_54 : i32
    %ne3A_56 = vector.broadcast %lt3A_55 : i1 to vector<1024x128xi1>
    %ne3A_57 = vector.broadcast %ne3A_56 : vector<1024x128xi1> to vector<1024x128xi1>
    %ne3A_58 = arith.xori %lt3A_53, %ne3A_57 : vector<1024x128xi1>
    %and3A_59 = arith.andi %ne3A_58, %ne3A_51 : vector<1024x128xi1>
    %add3A_60 = vector.broadcast %select_n3A_46 : i32 to vector<1024x128xi32>
    %add3A_61 = arith.addi %rem3A_48, %add3A_60 : vector<1024x128xi32>
    %select_n3A_62 = arith.select %and3A_59, %add3A_61, %rem3A_48 : vector<1024x128xi1>, vector<1024x128xi32>
    %iota3A_63 = tpu.iota {dimensions = array<i32: 1>} : vector<1024x128xi32>
    %eq3A_64 = arith.cmpi eq, %select_n3A_62, %iota3A_63 : vector<1024x128xi32>
    %convert_element_type3A_65 = arith.extui %eq3A_64 : vector<1024x128xi1> to vector<1024x128xi32>
    %convert_element_type3A_66 = arith.sitofp %convert_element_type3A_65 : vector<1024x128xi32> to vector<1024x128xf32>
    %mul3A = arith.mulf %dot_general3A_40, %convert_element_type3A_66 : vector<1024x128xf32>
    %reduce_sum3A_67 = arith.constant dense<0.000000e+00> : vector<1024xf32>
    %reduce_sum3A_68 = vector.multi_reduction <add>, %mul3A, %reduce_sum3A_67 [1] : vector<1024x128xf32> to vector<1024xf32>
    %broadcast_in_dim3A = vector.shape_cast %reduce_sum3A_68 : vector<1024xf32> to vector<1024x1xf32>
    %mul3A_69 = vector.broadcast %broadcast_in_dim3A : vector<1024x1xf32> to vector<1024x128xf32>
    %mul3A_70 = arith.mulf %add3A, %mul3A_69 : vector<1024x128xf32>
    %get3A_71 = arith.constant 0 : index
    %get3A_72 = arith.constant 0 : index
    %get3A_73 = vector.load %arg5[%get3A_71, %get3A_72] : memref<128x128xf32, #tpu.memory_space<vmem>>, vector<128x128xf32>
    %dot_general3A_74 = arith.constant dense<0.000000e+00> : vector<1024x128xf32>
    %dot_general3A_75 = tpu.matmul %mul3A_70, %get3A_73, %dot_general3A_74 {dimension_numbers = #tpu.dot_dimension_numbers<[1], [0], [0], [1], [0, 0, 1, 1], [], []>, transpose_lhs_hint = false} : vector<1024x128xf32>, vector<128x128xf32>, vector<1024x128xf32> -> vector<1024x128xf32>
    %get3A_76 = arith.constant 0 : index
    %get3A_77 = vector.load %arg6[%get3A_76] : memref<128xf32, #tpu.memory_space<vmem>>, vector<128xf32>
    %broadcast_in_dim3A_78 = vector.shape_cast %get3A_77 : vector<128xf32> to vector<1x128xf32>
    %add3A_79 = vector.broadcast %broadcast_in_dim3A_78 : vector<1x128xf32> to vector<1024x128xf32>
    %add3A_80 = arith.addf %dot_general3A_75, %add3A_79 : vector<1024x128xf32>
    %get3A_81 = arith.constant 0 : index
    %get3A_82 = arith.constant 0 : index
    %get3A_83 = vector.load %arg4[%get3A_81, %get3A_82] : memref<1024x128xf32, #tpu.memory_space<vmem>>, vector<1024x128xf32>
    %get3A_84 = arith.constant 0 : index
    %get3A_85 = arith.constant 0 : index
    %get3A_86 = vector.load %arg7[%get3A_84, %get3A_85] : memref<128x128xf32, #tpu.memory_space<vmem>>, vector<128x128xf32>
    %dot_general3A_87 = arith.constant dense<0.000000e+00> : vector<1024x128xf32>
    %dot_general3A_88 = tpu.matmul %get3A_83, %get3A_86, %dot_general3A_87 {dimension_numbers = #tpu.dot_dimension_numbers<[1], [0], [0], [1], [0, 0, 1, 1], [], []>, transpose_lhs_hint = false} : vector<1024x128xf32>, vector<128x128xf32>, vector<1024x128xf32> -> vector<1024x128xf32>
    %add3A_89 = arith.addf %add3A_80, %dot_general3A_88 : vector<1024x128xf32>
    %get3A_90 = arith.constant 0 : index
    %get3A_91 = vector.load %arg8[%get3A_90] : memref<128xf32, #tpu.memory_space<vmem>>, vector<128xf32>
    %get3A_92 = arith.constant 0 : index
    %get3A_93 = vector.load %arg9[%get3A_92] : memref<128xf32, #tpu.memory_space<vmem>>, vector<128xf32>
    %reduce_sum3A_94 = arith.constant dense<0.000000e+00> : vector<1024xf32>
    %reduce_sum3A_95 = vector.multi_reduction <add>, %add3A_89, %reduce_sum3A_94 [1] : vector<1024x128xf32> to vector<1024xf32>
    %broadcast_in_dim3A_96 = vector.shape_cast %reduce_sum3A_95 : vector<1024xf32> to vector<1024x1xf32>
    %div3A_97 = arith.constant 1.280000e+02 : f32
    %div3A_98 = vector.broadcast %div3A_97 : f32 to vector<1024x1xf32>
    %div3A_99 = arith.divf %broadcast_in_dim3A_96, %div3A_98 : vector<1024x1xf32>
    %sub3A_100 = vector.broadcast %div3A_99 : vector<1024x1xf32> to vector<1024x128xf32>
    %sub3A_101 = arith.subf %add3A_89, %sub3A_100 : vector<1024x128xf32>
    %integer_pow3A = arith.mulf %sub3A_101, %sub3A_101 : vector<1024x128xf32>
    %reduce_sum3A_102 = arith.constant dense<0.000000e+00> : vector<1024xf32>
    %reduce_sum3A_103 = vector.multi_reduction <add>, %integer_pow3A, %reduce_sum3A_102 [1] : vector<1024x128xf32> to vector<1024xf32>
    %broadcast_in_dim3A_104 = vector.shape_cast %reduce_sum3A_103 : vector<1024xf32> to vector<1024x1xf32>
    %div3A_105 = arith.constant 1.280000e+02 : f32
    %div3A_106 = vector.broadcast %div3A_105 : f32 to vector<1024x1xf32>
    %div3A_107 = arith.divf %broadcast_in_dim3A_104, %div3A_106 : vector<1024x1xf32>
    %sub3A_108 = vector.broadcast %div3A_99 : vector<1024x1xf32> to vector<1024x128xf32>
    %sub3A_109 = arith.subf %add3A_89, %sub3A_108 : vector<1024x128xf32>
    %add3A_110 = arith.constant 9.99999974E-6 : f32
    %add3A_111 = vector.broadcast %add3A_110 : f32 to vector<1024x1xf32>
    %add3A_112 = arith.addf %div3A_107, %add3A_111 : vector<1024x1xf32>
    %rsqrt3A = math.rsqrt %add3A_112 : vector<1024x1xf32>
    %mul3A_113 = vector.broadcast %rsqrt3A : vector<1024x1xf32> to vector<1024x128xf32>
    %mul3A_114 = arith.mulf %sub3A_109, %mul3A_113 : vector<1024x128xf32>
    %broadcast_in_dim3A_115 = vector.shape_cast %get3A_91 : vector<128xf32> to vector<1x128xf32>
    %mul3A_116 = vector.broadcast %broadcast_in_dim3A_115 : vector<1x128xf32> to vector<1024x128xf32>
    %mul3A_117 = arith.mulf %mul3A_114, %mul3A_116 : vector<1024x128xf32>
    %broadcast_in_dim3A_118 = vector.shape_cast %get3A_93 : vector<128xf32> to vector<1x128xf32>
    %add3A_119 = vector.broadcast %broadcast_in_dim3A_118 : vector<1x128xf32> to vector<1024x128xf32>
    %add3A_120 = arith.addf %mul3A_117, %add3A_119 : vector<1024x128xf32>
    %max3A_121 = arith.constant 0.000000e+00 : f32
    %max3A_122 = vector.broadcast %max3A_121 : f32 to vector<1024x128xf32>
    %max3A_123 = arith.maximumf %add3A_120, %max3A_122 : vector<1024x128xf32>
    %swap3A = arith.constant 0 : index
    %swap3A_124 = arith.constant 0 : index
    %swap3A_125 = vector.load %arg10[%swap3A, %swap3A_124] : memref<1024x128xf32, #tpu.memory_space<vmem>>, vector<1024x128xf32>
    tpu.vector_store %arg10[%swap3A, %swap3A_124], %max3A_123 {strides = array<i32>} : memref<1024x128xf32, #tpu.memory_space<vmem>>, vector<1024x128xf32>,
    return
  }
  func.func @transform_0(%arg0: i32) -> (i32, i32) {
    %c0_i32 = arith.constant 0 : i32
    %c0_i32_0 = arith.constant 0 : i32
    return %arg0, %c0_i32 : i32, i32
  }
  func.func @transform_1(%arg0: i32) -> (i32, i32) {
    %c0_i32 = arith.constant 0 : i32
    %c0_i32_0 = arith.constant 0 : i32
    return %arg0, %c0_i32 : i32, i32
  }
  func.func @transform_2(%arg0: i32) -> (i32, i32, i32) {
    %c0_i32 = arith.constant 0 : i32
    %c0_i32_0 = arith.constant 0 : i32
    %c0_i32_1 = arith.constant 0 : i32
    return %c0_i32, %arg0, %c0_i32_0 : i32, i32, i32
  }
  func.func @transform_3(%arg0: i32) -> (i32, i32) {
    %c0_i32 = arith.constant 0 : i32
    %c0_i32_0 = arith.constant 0 : i32
    return %arg0, %c0_i32 : i32, i32
  }
  func.func @transform_4(%arg0: i32) -> (i32, i32) {
    %c0_i32 = arith.constant 0 : i32
    %c0_i32_0 = arith.constant 0 : i32
    %c0_i32_1 = arith.constant 0 : i32
    return %c0_i32, %c0_i32_0 : i32, i32
  }
  func.func @transform_5(%arg0: i32) -> i32 {
    %c0_i32 = arith.constant 0 : i32
    %c0_i32_0 = arith.constant 0 : i32
    return %c0_i32 : i32
  }
  func.func @transform_6(%arg0: i32) -> (i32, i32) {
    %c0_i32 = arith.constant 0 : i32
    %c0_i32_0 = arith.constant 0 : i32
    %c0_i32_1 = arith.constant 0 : i32
    return %c0_i32, %c0_i32_0 : i32, i32
  }
  func.func @transform_7(%arg0: i32) -> i32 {
    %c0_i32 = arith.constant 0 : i32
    %c0_i32_0 = arith.constant 0 : i32
    return %c0_i32 : i32
  }
  func.func @transform_8(%arg0: i32) -> i32 {
    %c0_i32 = arith.constant 0 : i32
    %c0_i32_0 = arith.constant 0 : i32
    return %c0_i32 : i32
  }
  func.func @transform_9(%arg0: i32) -> (i32, i32) {
    %c0_i32 = arith.constant 0 : i32
    %c0_i32_0 = arith.constant 0 : i32
    return %arg0, %c0_i32 : i32, i32
  }
}

module attributes {stable_mosaic.version = 14 : i64} {
  func.func @_tc2_body(%arg0: i32, %arg1: memref<1024x128xf32, #tpu.memory_space<vmem>>, %arg2: memref<1024x128xf32, #tpu.memory_space<vmem>>, %arg3: memref<32x8x128xf32, #tpu.memory_space<vmem>>, %arg4: memref<1024x128xf32, #tpu.memory_space<vmem>>, %arg5: memref<1024x128xf32, #tpu.memory_space<vmem>>, %arg6: memref<128x128xf32, #tpu.memory_space<vmem>>, %arg7: memref<128xf32, #tpu.memory_space<vmem>>, %arg8: memref<128x128xf32, #tpu.memory_space<vmem>>, %arg9: memref<128xf32, #tpu.memory_space<vmem>>, %arg10: memref<128xf32, #tpu.memory_space<vmem>>, %arg11: memref<1024x128xf32, #tpu.memory_space<vmem>>) attributes {dimension_semantics = [#tpu.dimension_semantics<arbitrary>], iteration_bounds = array<i64: 10>, scalar_prefetch = 0 : i64, scratch_operands = 0 : i64, tpu.core_type = #tpu.core_type<tc>, window_params = [{transform_indices = @transform_0, window_bounds = array<i64: 1024, 128>}, {transform_indices = @transform_1, window_bounds = array<i64: 1024, 128>}, {transform_indices = @transform_2, window_bounds = array<i64: 32, 8, 128>}, {transform_indices = @transform_3, window_bounds = array<i64: 1024, 128>}, {transform_indices = @transform_4, window_bounds = array<i64: 1024, 128>}, {pipeline_mode = #tpu.pipeline_mode<synchronous>, transform_indices = @transform_5, window_bounds = array<i64: 128, 128>}, {pipeline_mode = #tpu.pipeline_mode<synchronous>, transform_indices = @transform_6, window_bounds = array<i64: 128>}, {pipeline_mode = #tpu.pipeline_mode<synchronous>, transform_indices = @transform_7, window_bounds = array<i64: 128, 128>}, {pipeline_mode = #tpu.pipeline_mode<synchronous>, transform_indices = @transform_8, window_bounds = array<i64: 128>}, {pipeline_mode = #tpu.pipeline_mode<synchronous>, transform_indices = @transform_9, window_bounds = array<i64: 128>}, {transform_indices = @transform_10, window_bounds = array<i64: 1024, 128>}]} {
    %get3A = arith.constant 0 : index
    %get3A_0 = arith.constant 0 : index
    %get3A_1 = vector.load %arg1[%get3A, %get3A_0] : memref<1024x128xf32, #tpu.memory_space<vmem>>, vector<1024x128xf32>
    %get3A_2 = arith.constant 0 : index
    %get3A_3 = arith.constant 0 : index
    %get3A_4 = vector.load %arg2[%get3A_2, %get3A_3] : memref<1024x128xf32, #tpu.memory_space<vmem>>, vector<1024x128xf32>
    %add3A = arith.addf %get3A_1, %get3A_4 : vector<1024x128xf32>
    %get3A_5 = arith.constant 0 : index
    %get3A_6 = arith.constant 0 : index
    %get3A_7 = arith.constant 0 : index
    %get3A_8 = vector.load %arg3[%get3A_5, %get3A_6, %get3A_7] : memref<32x8x128xf32, #tpu.memory_space<vmem>>, vector<32x8x128xf32>
    %reduce_sum3A = arith.constant dense<0.000000e+00> : vector<8x128xf32>
    %reduce_sum3A_9 = vector.multi_reduction <add>, %get3A_8, %reduce_sum3A [0] : vector<32x8x128xf32> to vector<8x128xf32>
    %max3A = arith.constant 1.000000e+00 : f32
    %max3A_10 = vector.broadcast %max3A : f32 to vector<8x128xf32>
    %max3A_11 = arith.maximumf %reduce_sum3A_9, %max3A_10 : vector<8x128xf32>
    %div3A = arith.constant 1.000000e+00 : f32
    %div3A_12 = vector.broadcast %div3A : f32 to vector<8x128xf32>
    %div3A_13 = arith.divf %div3A_12, %max3A_11 : vector<8x128xf32>
    %iota3A = tpu.iota {dimensions = array<i32: 0>} : vector<1024x8xi32>
    %jit3A = arith.constant 128 : i32
    %div3A_14 = vector.broadcast %jit3A : i32 to vector<1024x8xi32>
    %div3A_15 = arith.divsi %iota3A, %div3A_14 : vector<1024x8xi32>
    %sign3A = arith.constant 0 : i32
    %sign3A_16 = vector.broadcast %sign3A : i32 to vector<1024x8xi32>
    %sign3A_17 = arith.cmpi sgt, %iota3A, %sign3A_16 : vector<1024x8xi32>
    %sign3A_18 = arith.extui %sign3A_17 : vector<1024x8xi1> to vector<1024x8xi32>
    %sign3A_19 = arith.constant 0 : i32
    %sign3A_20 = vector.broadcast %sign3A_19 : i32 to vector<1024x8xi32>
    %sign3A_21 = arith.cmpi slt, %iota3A, %sign3A_20 : vector<1024x8xi32>
    %sign3A_22 = arith.extui %sign3A_21 : vector<1024x8xi1> to vector<1024x8xi32>
    %sign3A_23 = arith.subi %sign3A_18, %sign3A_22 : vector<1024x8xi32>
    %sign3A_24 = arith.constant 0 : i32
    %sign3A_25 = arith.cmpi sgt, %jit3A, %sign3A_24 : i32
    %sign3A_26 = arith.extui %sign3A_25 : i1 to i32
    %sign3A_27 = arith.constant 0 : i32
    %sign3A_28 = arith.cmpi slt, %jit3A, %sign3A_27 : i32
    %sign3A_29 = arith.extui %sign3A_28 : i1 to i32
    %sign3A_30 = arith.subi %sign3A_26, %sign3A_29 : i32
    %ne3A = vector.broadcast %sign3A_30 : i32 to vector<1024x8xi32>
    %ne3A_31 = arith.cmpi ne, %sign3A_23, %ne3A : vector<1024x8xi32>
    %rem3A = vector.broadcast %jit3A : i32 to vector<1024x8xi32>
    %rem3A_32 = arith.remsi %iota3A, %rem3A : vector<1024x8xi32>
    %ne3A_33 = arith.constant 0 : i32
    %ne3A_34 = vector.broadcast %ne3A_33 : i32 to vector<1024x8xi32>
    %ne3A_35 = arith.cmpi ne, %rem3A_32, %ne3A_34 : vector<1024x8xi32>
    %and3A = arith.andi %ne3A_31, %ne3A_35 : vector<1024x8xi1>
    %sub3A = arith.constant 1 : i32
    %sub3A_36 = vector.broadcast %sub3A : i32 to vector<1024x8xi32>
    %sub3A_37 = arith.subi %div3A_15, %sub3A_36 : vector<1024x8xi32>
    %select_n3A = arith.select %and3A, %sub3A_37, %div3A_15 : vector<1024x8xi1>, vector<1024x8xi32>
    %iota3A_38 = tpu.iota {dimensions = array<i32: 1>} : vector<1024x8xi32>
    %eq3A = arith.cmpi eq, %select_n3A, %iota3A_38 : vector<1024x8xi32>
    %convert_element_type3A = arith.extui %eq3A : vector<1024x8xi1> to vector<1024x8xi32>
    %convert_element_type3A_39 = arith.sitofp %convert_element_type3A : vector<1024x8xi32> to vector<1024x8xf32>
    %dot_general3A = arith.constant dense<0.000000e+00> : vector<1024x128xf32>
    %dot_general3A_40 = tpu.matmul %convert_element_type3A_39, %div3A_13, %dot_general3A {dimension_numbers = #tpu.dot_dimension_numbers<[1], [0], [0], [1], [0, 0, 1, 1], [], []>, transpose_lhs_hint = false} : vector<1024x8xf32>, vector<8x128xf32>, vector<1024x128xf32> -> vector<1024x128xf32>
    %iota3A_41 = tpu.iota {dimensions = array<i32: 0>} : vector<1024x128xi32>
    %jit3A_42 = arith.constant 128 : i32
    %eq3A_43 = arith.constant 0 : i32
    %eq3A_44 = arith.cmpi eq, %jit3A_42, %eq3A_43 : i32
    %jit3A_45 = arith.constant 1 : i32
    %select_n3A_46 = arith.select %eq3A_44, %jit3A_45, %jit3A_42 : i32
    %rem3A_47 = vector.broadcast %select_n3A_46 : i32 to vector<1024x128xi32>
    %rem3A_48 = arith.remsi %iota3A_41, %rem3A_47 : vector<1024x128xi32>
    %ne3A_49 = arith.constant 0 : i32
    %ne3A_50 = vector.broadcast %ne3A_49 : i32 to vector<1024x128xi32>
    %ne3A_51 = arith.cmpi ne, %rem3A_48, %ne3A_50 : vector<1024x128xi32>
    %lt3A = arith.constant 0 : i32
    %lt3A_52 = vector.broadcast %lt3A : i32 to vector<1024x128xi32>
    %lt3A_53 = arith.cmpi slt, %rem3A_48, %lt3A_52 : vector<1024x128xi32>
    %lt3A_54 = arith.constant 0 : i32
    %lt3A_55 = arith.cmpi slt, %select_n3A_46, %lt3A_54 : i32
    %ne3A_56 = vector.broadcast %lt3A_55 : i1 to vector<1024x128xi1>
    %ne3A_57 = vector.broadcast %ne3A_56 : vector<1024x128xi1> to vector<1024x128xi1>
    %ne3A_58 = arith.xori %lt3A_53, %ne3A_57 : vector<1024x128xi1>
    %and3A_59 = arith.andi %ne3A_58, %ne3A_51 : vector<1024x128xi1>
    %add3A_60 = vector.broadcast %select_n3A_46 : i32 to vector<1024x128xi32>
    %add3A_61 = arith.addi %rem3A_48, %add3A_60 : vector<1024x128xi32>
    %select_n3A_62 = arith.select %and3A_59, %add3A_61, %rem3A_48 : vector<1024x128xi1>, vector<1024x128xi32>
    %iota3A_63 = tpu.iota {dimensions = array<i32: 1>} : vector<1024x128xi32>
    %eq3A_64 = arith.cmpi eq, %select_n3A_62, %iota3A_63 : vector<1024x128xi32>
    %convert_element_type3A_65 = arith.extui %eq3A_64 : vector<1024x128xi1> to vector<1024x128xi32>
    %convert_element_type3A_66 = arith.sitofp %convert_element_type3A_65 : vector<1024x128xi32> to vector<1024x128xf32>
    %mul3A = arith.mulf %dot_general3A_40, %convert_element_type3A_66 : vector<1024x128xf32>
    %reduce_sum3A_67 = arith.constant dense<0.000000e+00> : vector<1024xf32>
    %reduce_sum3A_68 = vector.multi_reduction <add>, %mul3A, %reduce_sum3A_67 [1] : vector<1024x128xf32> to vector<1024xf32>
    %broadcast_in_dim3A = vector.shape_cast %reduce_sum3A_68 : vector<1024xf32> to vector<1024x1xf32>
    %mul3A_69 = vector.broadcast %broadcast_in_dim3A : vector<1024x1xf32> to vector<1024x128xf32>
    %mul3A_70 = arith.mulf %add3A, %mul3A_69 : vector<1024x128xf32>
    %get3A_71 = arith.constant 0 : index
    %get3A_72 = arith.constant 0 : index
    %get3A_73 = vector.load %arg6[%get3A_71, %get3A_72] : memref<128x128xf32, #tpu.memory_space<vmem>>, vector<128x128xf32>
    %dot_general3A_74 = arith.constant dense<0.000000e+00> : vector<1024x128xf32>
    %dot_general3A_75 = tpu.matmul %mul3A_70, %get3A_73, %dot_general3A_74 {dimension_numbers = #tpu.dot_dimension_numbers<[1], [0], [0], [1], [0, 0, 1, 1], [], []>, transpose_lhs_hint = false} : vector<1024x128xf32>, vector<128x128xf32>, vector<1024x128xf32> -> vector<1024x128xf32>
    %get3A_76 = arith.constant 0 : index
    %get3A_77 = vector.load %arg7[%get3A_76] : memref<128xf32, #tpu.memory_space<vmem>>, vector<128xf32>
    %broadcast_in_dim3A_78 = vector.shape_cast %get3A_77 : vector<128xf32> to vector<1x128xf32>
    %add3A_79 = vector.broadcast %broadcast_in_dim3A_78 : vector<1x128xf32> to vector<1024x128xf32>
    %add3A_80 = arith.addf %dot_general3A_75, %add3A_79 : vector<1024x128xf32>
    %get3A_81 = arith.constant 0 : index
    %get3A_82 = arith.constant 0 : index
    %get3A_83 = vector.load %arg4[%get3A_81, %get3A_82] : memref<1024x128xf32, #tpu.memory_space<vmem>>, vector<1024x128xf32>
    %get3A_84 = arith.constant 0 : index
    %get3A_85 = arith.constant 0 : index
    %get3A_86 = vector.load %arg8[%get3A_84, %get3A_85] : memref<128x128xf32, #tpu.memory_space<vmem>>, vector<128x128xf32>
    %dot_general3A_87 = arith.constant dense<0.000000e+00> : vector<1024x128xf32>
    %dot_general3A_88 = tpu.matmul %get3A_83, %get3A_86, %dot_general3A_87 {dimension_numbers = #tpu.dot_dimension_numbers<[1], [0], [0], [1], [0, 0, 1, 1], [], []>, transpose_lhs_hint = false} : vector<1024x128xf32>, vector<128x128xf32>, vector<1024x128xf32> -> vector<1024x128xf32>
    %add3A_89 = arith.addf %add3A_80, %dot_general3A_88 : vector<1024x128xf32>
    %get3A_90 = arith.constant 0 : index
    %get3A_91 = arith.constant 0 : index
    %get3A_92 = vector.load %arg5[%get3A_90, %get3A_91] : memref<1024x128xf32, #tpu.memory_space<vmem>>, vector<1024x128xf32>
    %add3A_93 = arith.addf %add3A_89, %get3A_92 : vector<1024x128xf32>
    %get3A_94 = arith.constant 0 : index
    %get3A_95 = vector.load %arg9[%get3A_94] : memref<128xf32, #tpu.memory_space<vmem>>, vector<128xf32>
    %get3A_96 = arith.constant 0 : index
    %get3A_97 = vector.load %arg10[%get3A_96] : memref<128xf32, #tpu.memory_space<vmem>>, vector<128xf32>
    %reduce_sum3A_98 = arith.constant dense<0.000000e+00> : vector<1024xf32>
    %reduce_sum3A_99 = vector.multi_reduction <add>, %add3A_93, %reduce_sum3A_98 [1] : vector<1024x128xf32> to vector<1024xf32>
    %broadcast_in_dim3A_100 = vector.shape_cast %reduce_sum3A_99 : vector<1024xf32> to vector<1024x1xf32>
    %div3A_101 = arith.constant 1.280000e+02 : f32
    %div3A_102 = vector.broadcast %div3A_101 : f32 to vector<1024x1xf32>
    %div3A_103 = arith.divf %broadcast_in_dim3A_100, %div3A_102 : vector<1024x1xf32>
    %sub3A_104 = vector.broadcast %div3A_103 : vector<1024x1xf32> to vector<1024x128xf32>
    %sub3A_105 = arith.subf %add3A_93, %sub3A_104 : vector<1024x128xf32>
    %integer_pow3A = arith.mulf %sub3A_105, %sub3A_105 : vector<1024x128xf32>
    %reduce_sum3A_106 = arith.constant dense<0.000000e+00> : vector<1024xf32>
    %reduce_sum3A_107 = vector.multi_reduction <add>, %integer_pow3A, %reduce_sum3A_106 [1] : vector<1024x128xf32> to vector<1024xf32>
    %broadcast_in_dim3A_108 = vector.shape_cast %reduce_sum3A_107 : vector<1024xf32> to vector<1024x1xf32>
    %div3A_109 = arith.constant 1.280000e+02 : f32
    %div3A_110 = vector.broadcast %div3A_109 : f32 to vector<1024x1xf32>
    %div3A_111 = arith.divf %broadcast_in_dim3A_108, %div3A_110 : vector<1024x1xf32>
    %sub3A_112 = vector.broadcast %div3A_103 : vector<1024x1xf32> to vector<1024x128xf32>
    %sub3A_113 = arith.subf %add3A_93, %sub3A_112 : vector<1024x128xf32>
    %add3A_114 = arith.constant 9.99999974E-6 : f32
    %add3A_115 = vector.broadcast %add3A_114 : f32 to vector<1024x1xf32>
    %add3A_116 = arith.addf %div3A_111, %add3A_115 : vector<1024x1xf32>
    %rsqrt3A = math.rsqrt %add3A_116 : vector<1024x1xf32>
    %mul3A_117 = vector.broadcast %rsqrt3A : vector<1024x1xf32> to vector<1024x128xf32>
    %mul3A_118 = arith.mulf %sub3A_113, %mul3A_117 : vector<1024x128xf32>
    %broadcast_in_dim3A_119 = vector.shape_cast %get3A_95 : vector<128xf32> to vector<1x128xf32>
    %mul3A_120 = vector.broadcast %broadcast_in_dim3A_119 : vector<1x128xf32> to vector<1024x128xf32>
    %mul3A_121 = arith.mulf %mul3A_118, %mul3A_120 : vector<1024x128xf32>
    %broadcast_in_dim3A_122 = vector.shape_cast %get3A_97 : vector<128xf32> to vector<1x128xf32>
    %add3A_123 = vector.broadcast %broadcast_in_dim3A_122 : vector<1x128xf32> to vector<1024x128xf32>
    %add3A_124 = arith.addf %mul3A_121, %add3A_123 : vector<1024x128xf32>
    %max3A_125 = arith.constant 0.000000e+00 : f32
    %max3A_126 = vector.broadcast %max3A_125 : f32 to vector<1024x128xf32>
    %max3A_127 = arith.maximumf %add3A_124, %max3A_126 : vector<1024x128xf32>
    %swap3A = arith.constant 0 : index
    %swap3A_128 = arith.constant 0 : index
    %swap3A_129 = vector.load %arg11[%swap3A, %swap3A_128] : memref<1024x128xf32, #tpu.memory_space<vmem>>, vector<1024x128xf32>
    tpu.vector_store %arg11[%swap3A, %swap3A_128], %max3A_127 {strides = array<i32>} : memref<1024x128xf32, #tpu.memory_space<vmem>>, vector<1024x128xf32>,
    return
  }
  func.func @transform_0(%arg0: i32) -> (i32, i32) {
    %c0_i32 = arith.constant 0 : i32
    %c0_i32_0 = arith.constant 0 : i32
    return %arg0, %c0_i32 : i32, i32
  }
  func.func @transform_1(%arg0: i32) -> (i32, i32) {
    %c0_i32 = arith.constant 0 : i32
    %c0_i32_0 = arith.constant 0 : i32
    return %arg0, %c0_i32 : i32, i32
  }
  func.func @transform_2(%arg0: i32) -> (i32, i32, i32) {
    %c0_i32 = arith.constant 0 : i32
    %c0_i32_0 = arith.constant 0 : i32
    %c0_i32_1 = arith.constant 0 : i32
    return %c0_i32, %arg0, %c0_i32_0 : i32, i32, i32
  }
  func.func @transform_3(%arg0: i32) -> (i32, i32) {
    %c0_i32 = arith.constant 0 : i32
    %c0_i32_0 = arith.constant 0 : i32
    return %arg0, %c0_i32 : i32, i32
  }
  func.func @transform_4(%arg0: i32) -> (i32, i32) {
    %c0_i32 = arith.constant 0 : i32
    %c0_i32_0 = arith.constant 0 : i32
    return %arg0, %c0_i32 : i32, i32
  }
  func.func @transform_5(%arg0: i32) -> (i32, i32) {
    %c0_i32 = arith.constant 0 : i32
    %c0_i32_0 = arith.constant 0 : i32
    %c0_i32_1 = arith.constant 0 : i32
    return %c0_i32, %c0_i32_0 : i32, i32
  }
  func.func @transform_6(%arg0: i32) -> i32 {
    %c0_i32 = arith.constant 0 : i32
    %c0_i32_0 = arith.constant 0 : i32
    return %c0_i32 : i32
  }
  func.func @transform_7(%arg0: i32) -> (i32, i32) {
    %c0_i32 = arith.constant 0 : i32
    %c0_i32_0 = arith.constant 0 : i32
    %c0_i32_1 = arith.constant 0 : i32
    return %c0_i32, %c0_i32_0 : i32, i32
  }
  func.func @transform_8(%arg0: i32) -> i32 {
    %c0_i32 = arith.constant 0 : i32
    %c0_i32_0 = arith.constant 0 : i32
    return %c0_i32 : i32
  }
  func.func @transform_9(%arg0: i32) -> i32 {
    %c0_i32 = arith.constant 0 : i32
    %c0_i32_0 = arith.constant 0 : i32
    return %c0_i32 : i32
  }
  func.func @transform_10(%arg0: i32) -> (i32, i32) {
    %c0_i32 = arith.constant 0 : i32
    %c0_i32_0 = arith.constant 0 : i32
    return %arg0, %c0_i32 : i32, i32
  }
}

</mosaic_0001>

<sc_bundles>
// kernel: kernel.6.cloned.1.call-start
scs
__scs_entry_jumppad:
0x0: {  	(pc) =	sbr.rel $0x88, $3  }
0x1: {  	(tag) =	ssettag $0x0;
	lr =	simm.s32 $0x1  }
0x2: {  	[smem:$0x3F95] =	sst lr;
	_ =	strace $0xD0000000  }
0x3: {  	_ = 	snop  }
0x4: {  	_ = 	snop  }
0x5: {  	_ = 	snop  }
0x6: {  	_ = 	snop  }
0x7: {  	_ = 	snop  }
__scs_overlays_trampoline_lowered:
0x8: {  	[smem:$0x3FA4] =	sst s0  }
0x9: {  	[smem:$0x3FA5] =	sst s1  }
0xa: {  	[smem:$0x3FA6] =	sst s2  }
0xb: {  	[smem:$0x3FA7] =	sst s3  }
0xc: {  	[smem:$0x3FA8] =	sst s4  }
0xd: {  	[smem:$0x3FA9] =	sst s5  }
0xe: {  	[smem:$0x3FAA] =	sst s6  }
0xf: {  	[smem:$0x3FAB] =	sst s7  }
0x10: {  	[smem:$0x3FAC] =	sst s8  }
0x11: {  	[smem:$0x3FAD] =	sst s9;
	s0 =	simm.s32 @!p0 $0x0  }
0x12: {  	s1 =	sld [smem:$0x3F93];
	s0 =	simm.s32 @p0 $0x1  }
0x13: {  	[smem:$0x3FAE] =	sst s0;
	s0 =	simm.s32 @!p1 $0x0  }
0x14: {  	s2 =	sld [smem:$0x3F92];
	s0 =	simm.s32 @p1 $0x1  }
0x15: {  	[smem:$0x3FAF] =	sst s0;
	s0 =	simm.s32 @!p2 $0x0  }
0x16: {  	s3 =	sld [smem:$0x3FDB];
	s0 =	simm.s32 @p2 $0x1  }
0x17: {  	s4 =	simm.s32 $0x1BF5;
	[smem:$0x3FB1] =	sst s0  }
0x18: {  	s0 =	sld [smem:$0x3F94];
	_ =	swait.ge [sflag:s4], $0x0  }
0x19: {  	s7 =	sld [smem:$0x3F95]  }
0x1a: {  	s8 =	sadd.s32 $0xFFFFE003, lr  }
0x1b: {  	s9 =	sadd.s32 $0xFFFFFEF7, lr;
	s5 =	simm.s32 $0xFFFFFFFF;
	p2 =	slt.u32 s8, $0xFFFFF086  }
0x1c: {  	p1 =	slt.u32 s9, $0xF7A;
	s5 =	simm.s32 @!p2 $0x0  }
0x1d: {  	s5 =	simm.s32 @p1 $0x1;
	p0 =	seq.s32 s7, s2  }
0x1e: {  	s7 =	smul.u32 @!p0 $0xF7A, s2;
	p2 =	seq.s32 @!p0 s5, $0x0  }
0x1f: {  	s9 =	smul.u32 $0xF7A, s1;
	s8 =	simm.s32 @!p0 $0x1BF5;
	p2 =	por !p2, p0  }
0x20: {  	[sflag:s8] =	ssyncset.s32 @!p0 $0xFFFFF086;
	s6 =	sadd.s32 @!p0 s3, s7;
	s7 =	simm.s32 @!p0 $0x108  }
0x21: {  	s3 =	sadd.s32 s3, s9;
	s6 =	sadd.s32 @!p0 $0x88, s6;
	s7 =	simm.s32 @p2 $0x1082  }
0x22: {  	[simem:s7], [sflag:s8] =	dma.local @!p0 [hbm:s6], $0xF7A  }
0x23: {  	s9 =	sor.u32 $0xD0000000, s2;
	s6 =	simm.s32 $0x108;
	_ =	swait.ge @!p0 [sflag:s8], $0x0  }
0x24: {  	s3 =	sadd.s32 $0x88, s3;
	s6 =	simm.s32 @!p1 $0x1082;
	[sflag:s4] =	ssyncset.s32 $0xFFFFF086  }
0x25: {  	[simem:s6], [sflag:s4] =	dma.local [hbm:s3], $0xF7A  }
0x26: {  	[smem:$0x3F95] =	sst s1;
	(tag) =	ssettag s2;
	_ =	strace s9  }
0x27: {  	s1 =	sld [smem:$0x3FA5]  }
0x28: {  	s2 =	sld [smem:$0x3FA6]  }
0x29: {  	s4 =	sld [smem:$0x3FA8]  }
0x2a: {  	p0 =	seq.s32 s5, $0x0;
	s5 =	sld [smem:$0x3FA9]  }
0x2b: {  	s6 =	sld [smem:$0x3FAA]  }
0x2c: {  	s7 =	sld [smem:$0x3FAB]  }
0x2d: {  	s3 =	simm.s32 $0x108;
	s8 =	sld [smem:$0x3FAC]  }
0x2e: {  	s3 =	simm.s32 @!p0 $0x1082;
	s9 =	sld [smem:$0x3FAD]  }
0x2f: {  	lr =	sadd.s32 s0, s3;
	s0 =	sld [smem:$0x3FA4]  }
0x30: {  	s3 =	sld [smem:$0x3FA7]  }
0x31: {  	[smem:$0x3FB0] =	sst s10  }
0x32: {  	s10 =	sld [smem:$0x3FAE];
	_ =	sdelay $0x3  }
0x33: {  	p0 =	seq.s32 s10, $0x1;
	s10 =	sld [smem:$0x3FB0];
	_ =	sdelay $0x3  }
0x34: {  	[smem:$0x3FB0] =	sst s10  }
0x35: {  	s10 =	sld [smem:$0x3FAF];
	_ =	sdelay $0x3  }
0x36: {  	p1 =	seq.s32 s10, $0x1;
	s10 =	sld [smem:$0x3FB0];
	_ =	sdelay $0x3  }
0x37: {  	[smem:$0x3FB0] =	sst s10  }
0x38: {  	s10 =	sld [smem:$0x3FB1]  }
0x39: {  	_ = 	snop;
	(pc) =	sbr.ind lr, $3  }
0x3a: {  	_ = 	snop  }
0x3b: {  	_ = 	snop  }
0x3c: {  	p2 =	seq.s32 s10, $0x1;
	s10 =	sld [smem:$0x3FB0]  }
0x3d: {  	_ =	shalt  }
0x3e: {  	_ =	shalt  }
0x3f: {  	_ =	shalt  }
0x40: {  	_ =	shalt  }
0x41: {  	_ =	shalt  }
0x42: {  	_ =	shalt  }
0x43: {  	_ =	shalt  }
0x44: {  	_ =	shalt  }
0x45: {  	_ =	shalt  }
0x46: {  	_ =	shalt  }
0x47: {  	_ =	shalt  }
0x48: {  	_ =	shalt  }
0x49: {  	_ =	shalt  }
0x4a: {  	_ =	shalt  }
0x4b: {  	_ =	shalt  }
0x4c: {  	_ =	shalt  }
0x4d: {  	_ =	shalt  }
0x4e: {  	_ =	shalt  }
0x4f: {  	_ =	shalt  }
0x50: {  	_ =	shalt  }
0x51: {  	_ =	shalt  }
0x52: {  	_ =	shalt  }
0x53: {  	_ =	shalt  }
0x54: {  	_ =	shalt  }
0x55: {  	_ =	shalt  }
0x56: {  	_ =	shalt  }
0x57: {  	_ =	shalt  }
0x58: {  	_ =	shalt  }
0x59: {  	_ =	shalt  }
0x5a: {  	_ =	shalt  }
0x5b: {  	_ =	shalt  }
0x5c: {  	_ =	shalt  }
0x5d: {  	_ =	shalt  }
0x5e: {  	_ =	shalt  }
0x5f: {  	_ =	shalt  }
0x60: {  	_ =	shalt  }
0x61: {  	_ =	shalt  }
0x62: {  	_ =	shalt  }
0x63: {  	_ =	shalt  }
0x64: {  	_ =	shalt  }
0x65: {  	_ =	shalt  }
0x66: {  	_ =	shalt  }
0x67: {  	_ =	shalt  }
0x68: {  	_ =	shalt  }
0x69: {  	_ =	shalt  }
0x6a: {  	_ =	shalt  }
0x6b: {  	_ =	shalt  }
0x6c: {  	_ =	shalt  }
0x6d: {  	_ =	shalt  }
0x6e: {  	_ =	shalt  }
0x6f: {  	_ =	shalt  }
0x70: {  	_ =	shalt  }
0x71: {  	_ =	shalt  }
0x72: {  	_ =	shalt  }
0x73: {  	_ =	shalt  }
0x74: {  	_ =	shalt  }
0x75: {  	_ =	shalt  }
0x76: {  	_ =	shalt  }
0x77: {  	_ =	shalt  }
0x78: {  	_ =	shalt  }
0x79: {  	_ =	shalt  }
0x7a: {  	_ =	shalt  }
0x7b: {  	_ =	shalt  }
0x7c: {  	_ =	shalt  }
0x7d: {  	_ =	shalt  }
0x7e: {  	_ =	shalt  }
0x7f: {  	_ =	shalt  }
0x80: {  	_ =	shalt  }
0x81: {  	_ =	shalt  }
0x82: {  	_ =	shalt  }
0x83: {  	_ =	shalt  }
0x84: {  	_ =	shalt  }
0x85: {  	_ =	shalt  }
0x86: {  	_ =	shalt  }
0x87: {  	_ =	shalt  }
.Lfunc_end0:
.L_simem_size_0:
called_computation_lowered:
.L_overlay_start_0:
0x88: {  	s2 =	sld [smem:$0x3FD9]  }
0x89: {  	s3 =	sld [smem:$0x3FFE];
	_ =	sdelay $0x1  }
0x8a: {  	s1 =	srdreg.scid  }
0x8b: {  	s0 =	sand.u32 $0x1, s1  }
0x8c: {  	s17 =	sshll.u32 s0, $0xA;
	s2 =	sadd.s32 s3, s2  }
0x8d: {  	s2 =	sadd.s32 s2, s17  }
0x8e: {  	[smem:$0x3FBC] =	sst s2  }
0x8f: {  	_ = 	snop  }
0x90: {  	s2 =	sld [smem:$0x3FC9]  }
0x91: {  	s18 =	sld [smem:$0x3FD0];
	(tm) =	ssettm $0x1  }
0x92: {  	s4 =	sld [smem:$0x3FFB];
	_ =	sdelay $0x3  }
0x93: {  	_ =	strace s4  }
0x94: {  	s4 =	sld [smem:$0x3FFC];
	_ =	sdelay $0x3  }
0x95: {  	_ =	strace s4  }
0x96: {  	s4 =	sld [smem:$0x3FFD];
	_ =	sdelay $0x3  }
0x97: {  	_ =	strace s4  }
0x98: {  	_ =	strace $0x8FFFFFFF  }
0x99: {  	s19 =	sld [smem:$0x3FDB];
	_ =	sdelay $0x1  }
0x9a: {  	s5 =	simm.s32 $_scs_section_size  }
0x9b: {  	s6 =	simm.s32 $_size__tile_overlayer_lowered;
	s7 =	simm.s32 $_tile_overlayer_lowered  }
0x9c: {  	s22 =	simm.s32 $0x1BFF;
	s21 =	sshll.u32 s7, $0x1;
	s4 =	sadd.s32 s5, s19  }
0x9d: {  	s8 =	simm.s32 $0x0;
	s20 =	sshll.u32 s6, $0x1;
	s6 =	sadd.s32 s21, s4  }
0x9e: {  	[timem:s8], [sflag:s22] =	dma.local [hbm:s6], s20  }
0x9f: {  	_ =	swait.ge [sflag:s22], s20  }
0xa0: {  	s5 =	ssub.s32 $0x0, s20;
	[sflag:s22] =	ssyncset.done $0x0  }
0xa1: {  	[sflag:s22] =	ssyncadd.s32 s5;
	_ =	sdelay $0x1  }
0xa2: {  	s23 =	simm.s32 $0x1B8B  }
0xa3: {  	_ =	swait.ge [sflag:s23], $0x1  }
0xa4: {  	[sflag:s23] =	ssyncset.done $0x0  }
0xa5: {  	s25 =	simm.s32 $0x1B8E;
	s24 =	sld [smem:$0x3FFE];
	[sflag:s23] =	ssyncadd.s32 $0xFFFFFFFF  }
0xa6: {  	s26 =	simm.s32 $execute0_lowered;
	[smem:$0x3FD2] =	sst s25  }
0xa7: {  	s6 =	sshll.u32 s26, $0x1;
	_ =	strace $0x80000046;
	[dreg:$0x1] =	wrdreg $0xFFFFFFFF  }
0xa8: {  	s28 =	simm.s32 $_size_execute0_lowered;
	s4 =	sadd.s32 s4, s6;
	[dreg:$0x0] =	wrdreg $0x0  }
0xa9: {  	s6 =	sshll.u32 s28, $0x1;
	[dreg:$0x2] =	wrdreg s4  }
0xaa: {  	[dreg:$0x3] =	wrdreg s6  }
0xab: {  	[dreg:$0x4] =	wrdreg $0xC0  }
0xac: {  	_ =	task [dreg:s8], $0x5FFFF  }
0xad: {  	[dreg:$0x1] =	wrdreg $0xFFFFFFFF  }
0xae: {  	[dreg:$0x0] =	wrdreg $0x60  }
0xaf: {  	[dreg:$0x2] =	wrdreg s2  }
0xb0: {  	[dreg:$0x3] =	wrdreg s24  }
0xb1: {  	[dreg:$0x4] =	wrdreg s18  }
0xb2: {  	[dreg:$0x5] =	wrdreg $0x0  }
0xb3: {  	[dreg:$0x6] =	wrdreg $0x9  }
0xb4: {  	_ =	task.clear_ibuf [dreg:s8], $0x7FFFF;
	_ =	strace $0x90000046  }
0xb5: {  	s29 =	simm.s32 $0x9;
	_ =	strace $0x80000048  }
0xb6: {  	_ =	swait.ge [sflag:s29], $0x1  }
0xb7: {  	[sflag:s29] =	ssyncadd.s32 $0xFFFFFFFF  }
0xb8: {  	_ =	strace $0x90000048  }
0xb9: {  	_ =	sfence  }
0xba: {  	s30 =	sld [smem:$0x0];
	_ =	sdelay $0x2  }
0xbb: {  	s31 =	sshll.u32 s1, $0xD;
	s1 =	sshrl.u32 s1, $0x2  }
0xbc: {  	s3 =	sand.u32 $0x4000, s31;
	s1 =	sadd.s32 s1, s30  }
0xbd: {  	s0 =	sor.u32 s3, s0;
	s1 =	sshll.u32 s1, $0x11  }
0xbe: {  	s0 =	sor.u32 s1, s0  }
0xbf: {  	s0 =	sadd.s32 $0x8F2B, s0  }
0xc0: {  	[sflag:s0] =	ssyncadd.remote.s32 $0x1  }
0xc1: {  	_ =	sfence.sel $0xFFFF  }
0xc2: {  	[dreg:$0x0] =	wrdreg $0xFFFFFFFF;
	(pc) =	sbr.abs _section_cstart, $3  }
0xc3: {  	[dreg:$0x1] =	wrdreg $0xFFFFFFFF  }
0xc4: {  	_ =	task.clear_ibuf [dreg:s8], $0x2FFFF;
	_ =	strace $0x9FFFFFFF  }
0xc5: {  	(tm) =	ssettm $0x7FFFFFFF  }
tec
execute0_lowered:
.L_overlay_start_1:
0x0: {  	(tag) =	ssettag $0x1  }
0x1: {  	s1 =	rddreg [dreg:$0x0]  }
0x2: {  	s0 =	rddreg [dreg:$0x1]  }
0x3: {  	s3 =	rddreg [dreg:$0x2];
	s11 =	stileid.u32  }
0x4: {  	s2 =	rddreg [dreg:$0x3];
	s16 =	smul.u32 $0x13C00, s11  }
0x5: {  	s4 =	srdreg.scid;
	s7 =	smul.u32 $0xC, s11  }
0x6: {  	s6 =	simm.s32 $0x0;
	s4 =	sand.u32 $0x1, s4;
	s9 =	smul.u32 $0x4F000, s11  }
0x7: {  	[smem:$0x7FF] =	sst s6;
	s12 =	sadd.s32 $0x3000, s0;
	s6 =	smul.u32 $0xC6, s11  }
0x8: {  	s14 =	sadd.s32 $0x10200, s0;
	s5 =	smul.u32 $0x13C000, s4;
	_ =	strace $0x80000047  }
0x9: {  	s17 =	ssub.s32 $0x2, s4;
	p0 =	seq.s32 s4, $0x0;
	[dreg:$0xa] =	wrdreg s12  }
0xa: {  	s4 =	sshll.u32 s4, $0x4;
	[dreg:$0xb] =	wrdreg s14;
	s8 =	sshrl.u32 s17, $0x1  }
0xb: {  	s10 =	sadd.s32 $0xC60, s7;
	s18 =	sshrl.u32 s9, $0x2;
	s7 =	simm.s32 $0xC6  }
0xc: {  	s4 =	sor.u32 s11, s4;
	s5 =	sadd.s32 s16, s5;
	s10 =	smov.u32 @p0 s6  }
0xd: {  	s7 =	simm.s32 @!p0 $0xC;
	s5 =	sshrl.u32 s5, $0x3;
	s13 =	sshll.u32 s10, $0x4  }
0xe: {  	s4 =	smul.u32 $0x500, s4;
	s0 =	sadd.s32 s5, s0;
	s26 =	sadd.s32 s12, s13  }
0xf: {  	s5 =	ssub.s32 s17, s8;
	s17 =	sadd.s32 $0xFFFFFFFE, s7;
	[dreg:$0x13] =	wrdreg s26  }
0x10: {  	s8 =	sadd.s32 s18, s2;
	s18 =	sadd.s32 $0xFFFFFFFD, s7;
	[dreg:$0x5] =	wrdreg s17  }
0x11: {  	s3 =	sadd.s32 s3, s4;
	[dreg:$0x6] =	wrdreg s18  }
0x12: {  	[dreg:$0x17] =	wrdreg s3  }
0x13: {  	s19 =	sadd.s32 $0x3000, s8;
	[dreg:$0xc] =	wrdreg s8  }
0x14: {  	s28 =	simm.s32 $0x14200;
	s20 =	sadd.s32 $0x6000, s8;
	[dreg:$0xd] =	wrdreg s19  }
0x15: {  	s29 =	simm.s32 $0xD;
	s21 =	sadd.s32 $0x9000, s8;
	[dreg:$0xe] =	wrdreg s20  }
0x16: {  	s31 =	simm.s32 $0x13F00;
	s22 =	sadd.s32 $0xC000, s8;
	[dreg:$0xf] =	wrdreg s21  }
0x17: {  	s30 =	simm.s32 $0x0;
	s23 =	sadd.s32 $0xF000, s8;
	[dreg:$0x10] =	wrdreg s22  }
0x18: {  	s25 =	sor.u32 $0x10, s13;
	s24 =	sadd.s32 $0x12000, s8;
	[dreg:$0x11] =	wrdreg s23  }
0x19: {  	s15 =	smul.u32 $0xAB, s7;
	s10 =	sadd.s32 s12, s25;
	[dreg:$0x12] =	wrdreg s24  }
0x1a: {  	s16 =	sadd.s32 $0x20, s13;
	s6 =	sadd.s32 s14, s25;
	[dreg:$0x14] =	wrdreg s10  }
0x1b: {  	s4 =	simm.s32 $0x13F80;
	s0 =	sadd.s32 $0x1D400, s0;
	[dreg:$0x15] =	wrdreg s6  }
0x1c: {  	s9 =	sshrl.u32 s15, $0xA;
	s25 =	smax.u32 s5, $0x1;
	[dreg:$0x1b] =	wrdreg s0  }
0x1d: {  	s26 =	sadd.s32 s14, s13;
	s3 =	simm.s32 $0x14000;
	[dreg:$0x1c] =	wrdreg s25  }
0x1e: {  	s15 =	simm.s32 $0x1D200;
	s19 =	sadd.s32 s12, s16;
	[dreg:$0x1d] =	wrdreg s26  }
0x1f: {  	s17 =	simm.s32 $0x4;
	s9 =	ssub.s32 $0x0, s9;
	[dreg:$0x16] =	wrdreg s19  }
0x20: {  	s18 =	simm.s32 $0x2;
	s20 =	simm.s32 $0x14100;
	[dreg:$0x7] =	wrdreg s9  }
0x21: {  	s21 =	sadd.s32 $0x30, s13;
	s6 =	sadd.s32 s14, s16;
	[dreg:$0x8] =	wrdreg s20  }
0x22: {  	s22 =	simm.s32 $0x14180;
	s16 =	simm.s32 $0x1;
	[dreg:$0x18] =	wrdreg s6  }
0x23: {  	[dreg:$0x9] =	wrdreg s22;
	s23 =	sadd.s32 s12, s21;
	s24 =	sadd.s32 s14, s21  }
0x24: {  	s9 =	simm.s32 $0x14080;
	s12 =	simm.s32 $0x60;
	s14 =	simm.s32 $0x17200  }
0x25: {  	s19 =	simm.s32 $0x5;
	s20 =	simm.s32 $0x3;
	[dreg:$0x19] =	wrdreg s23  }
0x26: {  	v0 =	vimm.f32 $0.0e+00;
	v1 =	vimm.f32 $1.000000000e+00;
	s21 =	simm.s32 $0x1A200;
	s22 =	simm.s32 $0x6;
	[dreg:$0x1a] =	wrdreg s24  }
.LBB2_1:
0x27: {  	s0 =	simm.s32 $0x0;
	s5 =	simm.s32 $0x200  }
.LBB2_2:
0x28: {  	p0 =	sne.s32 s5, $0xBE00;
	[tilespmem:s0+$0x14270] =	vst v0  }
0x29: {  	[tilespmem:s0+$0x14200] =	vst v0  }
0x2a: {  	[tilespmem:s0+$0x14210] =	vst v0  }
.Ltmp0:
0x2b: {  	[tilespmem:s0+$0x14220] =	vst v0;
	(pc) =	sbr.rel @p0 .LBB2_2-.Ltmp0, $4  }
0x2c: {  	[tilespmem:s0+$0x14230] =	vst v0  }
0x2d: {  	[tilespmem:s0+$0x14240] =	vst v0  }
0x2e: {  	[tilespmem:s0+$0x14250] =	vst v0  }
0x2f: {  	[tilespmem:s0+$0x14260] =	vst v0;
	s0 =	sshra.s32 s5, $0x2;
	s5 =	sadd.s32 $0x200, s5  }
0x30: {  	[tilespmem:s0+$0x14270] =	vst v0  }
0x31: {  	[tilespmem:s0+$0x14200] =	vst v0  }
0x32: {  	[tilespmem:s0+$0x14210] =	vst v0  }
0x33: {  	[tilespmem:s0+$0x14220] =	vst v0  }
0x34: {  	[tilespmem:s0+$0x14230] =	vst v0  }
0x35: {  	[tilespmem:s0+$0x14240] =	vst v0  }
0x36: {  	[tilespmem:s0+$0x14250] =	vst v0  }
0x37: {  	[tilespmem:s0+$0x14260] =	vst v0  }
0x38: {  	[spmem:s8] =	stream.linear.scatter [tilespmem:s28], [sflag:$0xD], $0x3000, $0x38;
	[tilespmem:$0x1FA00] =	vst v63  }
0x39: {  	_ =	swait.ge [sflag:s29], $0x3000  }
0x3a: {  	[sflag:s29] =	ssyncset.done $0x0  }
0x3b: {  	s10 =	rddreg [dreg:$0xd];
	[sflag:s29] =	ssyncadd.s32 $0xFFFFD000  }
0x3c: {  	[spmem:s10] =	stream.linear.scatter [tilespmem:s28], [sflag:$0xD], $0x3000, $0x38;
	[tilespmem:$0x1FA00] =	vst v63  }
0x3d: {  	_ =	swait.ge [sflag:s29], $0x3000  }
0x3e: {  	[sflag:s29] =	ssyncset.done $0x0  }
0x3f: {  	s11 =	rddreg [dreg:$0xe];
	[sflag:s29] =	ssyncadd.s32 $0xFFFFD000  }
0x40: {  	[spmem:s11] =	stream.linear.scatter [tilespmem:s28], [sflag:$0xD], $0x3000, $0x38;
	[tilespmem:$0x1FA00] =	vst v63  }
0x41: {  	_ =	swait.ge [sflag:s29], $0x3000  }
0x42: {  	[sflag:s29] =	ssyncset.done $0x0  }
0x43: {  	s23 =	rddreg [dreg:$0xf];
	[sflag:s29] =	ssyncadd.s32 $0xFFFFD000  }
0x44: {  	[spmem:s23] =	stream.linear.scatter [tilespmem:s28], [sflag:$0xD], $0x3000, $0x38;
	[tilespmem:$0x1FA00] =	vst v63  }
0x45: {  	_ =	swait.ge [sflag:s29], $0x3000  }
0x46: {  	[sflag:s29] =	ssyncset.done $0x0  }
0x47: {  	s24 =	rddreg [dreg:$0x10];
	[sflag:s29] =	ssyncadd.s32 $0xFFFFD000  }
0x48: {  	[spmem:s24] =	stream.linear.scatter [tilespmem:s28], [sflag:$0xD], $0x3000, $0x38;
	[tilespmem:$0x1FA00] =	vst v63  }
0x49: {  	_ =	swait.ge [sflag:s29], $0x3000  }
0x4a: {  	[sflag:s29] =	ssyncset.done $0x0  }
0x4b: {  	s25 =	rddreg [dreg:$0x11];
	[sflag:s29] =	ssyncadd.s32 $0xFFFFD000  }
0x4c: {  	[spmem:s25] =	stream.linear.scatter [tilespmem:s28], [sflag:$0xD], $0x3000, $0x38;
	[tilespmem:$0x1FA00] =	vst v63  }
0x4d: {  	_ =	swait.ge [sflag:s29], $0x3000  }
0x4e: {  	[sflag:s29] =	ssyncset.done $0x0  }
0x4f: {  	s26 =	rddreg [dreg:$0x12];
	[sflag:s29] =	ssyncadd.s32 $0xFFFFD000  }
0x50: {  	[spmem:s26] =	stream.linear.scatter [tilespmem:s28], [sflag:$0xD], $0x1C00, $0x38;
	[tilespmem:$0x1FA00] =	vst v63  }
0x51: {  	_ =	swait.ge [sflag:s29], $0x1C00  }
0x52: {  	[sflag:s29] =	ssyncset.done $0x0  }
0x53: {  	s0 =	simm.s32 $0x40;
	s5 =	simm.s32 $0x0;
	[sflag:s29] =	ssyncadd.s32 $0xFFFFE400  }
.LBB2_4:
0x54: {  	p0 =	sne.s32 s0, $0x9FC0;
	[tilespmem:s5+$0x1D200] =	vst v0;
	s5 =	smov.u32 s0;
	s0 =	sadd.s32 $0x40, s0  }
.Ltmp1:
0x55: {  	(pc) =	sbr.rel @p0 .LBB2_4-.Ltmp1, $2  }
0x56: {  	_ =	sdelay $0x2  }
0x57: {  	s5 =	sshra.s32 s5, $0x2  }
0x58: {  	[tilespmem:s5+$0x1D200] =	vst v0  }
0x59: {  	[bflag:$0x0] =	sbarrier.arrive $0xFFFF  }
0x5a: {  	s25 =	simm.s32 $0x0;
	s5 =	simm.s32 $0x13C00;
	s0 =	rddreg [dreg:$0x13]  }
0x5b: {  	[tilespmem:s5], [sflag:$0x7] =	stream.linear.gather [hbm4b:s0+s25], $0x80, $0x38;
	[tilespmem:$0x1FA00] =	vst v63  }
0x5c: {  	s11 =	rddreg [dreg:$0x1d]  }
0x5d: {  	[tilespmem:s31], [sflag:$0x7] =	stream.linear.gather [hbm4b:s11+s25], $0x80, $0x38;
	[tilespmem:$0x1FA00] =	vst v63  }
0x5e: {  	s6 =	simm.s32 $0x13C80;
	s23 =	rddreg [dreg:$0x14]  }
0x5f: {  	[tilespmem:s6], [sflag:$0x8] =	stream.linear.gather [hbm4b:s23+s25], $0x80, $0x38;
	[tilespmem:$0x1FA00] =	vst v63  }
0x60: {  	s24 =	rddreg [dreg:$0x15]  }
0x61: {  	[tilespmem:s4], [sflag:$0x8] =	stream.linear.gather [hbm4b:s24+s25], $0x80, $0x38;
	[tilespmem:$0x1FA00] =	vst v63  }
0x62: {  	s8 =	simm.s32 $0x13D00;
	s26 =	rddreg [dreg:$0x16]  }
0x63: {  	[tilespmem:s8], [sflag:$0x9] =	stream.linear.gather [hbm4b:s26+s25], $0x80, $0x38;
	[tilespmem:$0x1FA00] =	vst v63  }
0x64: {  	s8 =	rddreg [dreg:$0x18]  }
0x65: {  	[tilespmem:s3], [sflag:$0x9] =	stream.linear.gather [hbm4b:s8+s25], $0x80, $0x38;
	[tilespmem:$0x1FA00] =	vst v63  }
0x66: {  	s10 =	rddreg [dreg:$0x19];
	s11 =	simm.s32 $0x13D80  }
0x67: {  	[tilespmem:s11], [sflag:$0xA] =	stream.linear.gather [hbm4b:s10+s25], $0x80, $0x38;
	[tilespmem:$0x1FA00] =	vst v63  }
0x68: {  	s23 =	rddreg [dreg:$0x1a];
	s24 =	simm.s32 $0x7  }
0x69: {  	[tilespmem:s9], [sflag:$0xA] =	stream.linear.gather [hbm4b:s23+s25], $0x80, $0x38;
	[tilespmem:$0x1FA00] =	vst v63  }
0x6a: {  	_ =	swait.ge [sflag:s24], $0x80  }
0x6b: {  	[sflag:s24] =	ssyncset.done $0x0  }
0x6c: {  	[sflag:s24] =	ssyncadd.s32 $0xFFFFFF80  }
0x6d: {  	_ =	swait.ge [sflag:s24], $0x80  }
0x6e: {  	[sflag:s24] =	ssyncset.done $0x0  }
0x6f: {  	s26 =	simm.s32 $0x8;
	[sflag:s24] =	ssyncadd.s32 $0xFFFFFF80  }
0x70: {  	_ =	swait.ge [sflag:s26], $0x80  }
0x71: {  	[sflag:s26] =	ssyncset.done $0x0  }
0x72: {  	[sflag:s26] =	ssyncadd.s32 $0xFFFFFF80  }
0x73: {  	_ =	swait.ge [sflag:s26], $0x80  }
0x74: {  	[sflag:s26] =	ssyncset.done $0x0  }
0x75: {  	[sflag:s26] =	ssyncadd.s32 $0xFFFFFF80  }
0x76: {  	[tilespmem:s28], [sflag:$0x1] =	stream.indirect.gather [hbm4b:s1+s12], $0x80, s5, s12, $0xb8;
	[tilespmem:$0x1FA00] =	vst v63  }
0x77: {  	s5 =	rddreg [dreg:$0xa]  }
0x78: {  	[tilespmem:s14], [sflag:$0x2] =	stream.indirect.gather [hbm4b:s1+s12], $0x80, s6, s12, $0xb8;
	[tilespmem:$0x1FA00] =	vst v63  }
0x79: {  	s0 =	simm.s32 $0x0;
	s6 =	rddreg [dreg:$0xb]  }
.LBB2_6:
0x7a: {  	p0 =	seq.s32 s0, $0x0  }
0x7b: {  	s23 =	simm.s32 @!p0 $0x6  }
0x7c: {  	_ =	swait.ge @!p0 [sflag:s23], $0x3000  }
0x7d: {  	s24 =	rddreg [dreg:$0x5]  }
0x7e: {  	[sflag:s23] =	ssyncset.done @!p0 $0x0;
	p1 =	sge.u32 s25, s24  }
0x7f: {  	[sflag:s23] =	ssyncadd.s32 @!p0 $0xFFFFD000;
	s23 =	simm.s32 @!p1 $0x9  }
0x80: {  	_ =	swait.ge @!p1 [sflag:s23], $0x80  }
0x81: {  	[sflag:s23] =	ssyncset.done @!p1 $0x0  }
0x82: {  	[sflag:s23] =	ssyncadd.s32 @!p1 $0xFFFFFF80  }
0x83: {  	s8 =	sadd.s32 $0x4, s25;
	_ =	swait.ge @!p1 [sflag:s23], $0x80  }
0x84: {  	p0 =	sge.u32 s8, s7;
	s24 =	simm.s32 @!p1 $0x13D00;
	[sflag:s23] =	ssyncset.done @!p1 $0x0  }
0x85: {  	s26 =	simm.s32 @!p1 $0x1A200;
	[sflag:s23] =	ssyncadd.s32 @!p1 $0xFFFFFF80;
	s23 =	simm.s32 @!p1 $0x60  }
0x86: {  	[tilespmem:s26], [sflag:$0x3] =	stream.indirect.gather @!p1 [hbm4b:s1+s23], $0x80, s24, s23, $0xb8;
	[tilespmem:$0x1FA00] =	vst v63  }
0x87: {  	s23 =	sadd.s32 @!p0 s5, s13  }
0x88: {  	s24 =	simm.s32 @!p0 $0x0;
	s26 =	simm.s32 @!p0 $0x13E00;
	s23 =	sadd.s32 @!p0 $0x40, s23  }
0x89: {  	[tilespmem:s26], [sflag:$0xB] =	stream.linear.gather @!p0 [hbm4b:s23+s24], $0x80, $0x38;
	[tilespmem:$0x1FA00] =	vst v63  }
0x8a: {  	s23 =	sadd.s32 @!p0 s6, s13  }
0x8b: {  	s8 =	simm.s32 @!p0 $0x14100;
	s23 =	sadd.s32 @!p0 $0x40, s23  }
0x8c: {  	[tilespmem:s8], [sflag:$0xB] =	stream.linear.gather @!p0 [hbm4b:s23+s24], $0x80, $0x38;
	[tilespmem:$0x1FA00] =	vst v63  }
0x8d: {  	v2 =	vld [tilespmem:$0x13F00];
	_ =	sdelay $0x7  }
0x8e: {  	[tilespmem:v2+s15+$0x0] =	vst.idx.add.f32.msk $0xffff, v1  }
0x8f: {  	v2 =	vld [tilespmem:$0x13F10];
	_ =	sdelay $0x7  }
0x90: {  	[tilespmem:v2+s15+$0x0] =	vst.idx.add.f32.msk $0xffff, v1  }
0x91: {  	v2 =	vld [tilespmem:$0x13F20];
	_ =	sdelay $0x7  }
0x92: {  	[tilespmem:v2+s15+$0x0] =	vst.idx.add.f32.msk $0xffff, v1  }
0x93: {  	v2 =	vld [tilespmem:$0x13F30];
	_ =	sdelay $0x7  }
0x94: {  	[tilespmem:v2+s15+$0x0] =	vst.idx.add.f32.msk $0xffff, v1  }
0x95: {  	v2 =	vld [tilespmem:$0x13F40];
	_ =	sdelay $0x7  }
0x96: {  	[tilespmem:v2+s15+$0x0] =	vst.idx.add.f32.msk $0xffff, v1  }
0x97: {  	v2 =	vld [tilespmem:$0x13F50];
	_ =	sdelay $0x7  }
0x98: {  	[tilespmem:v2+s15+$0x0] =	vst.idx.add.f32.msk $0xffff, v1  }
0x99: {  	_ =	swait.ge [sflag:s16], $0x3000  }
0x9a: {  	[sflag:s16] =	ssyncset.done $0x0  }
0x9b: {  	[sflag:s16] =	ssyncadd.s32 $0xFFFFD000  }
0x9c: {  	[spmem:s2] =	stream.indirect.scatter.add.f32 [tilespmem:s28], [sflag:$0x4], $0x80, s31, s12, $0xb8;
	[tilespmem:$0x1FA00] =	vst v63  }
0x9d: {  	_ =	swait.ge [sflag:s17], $0x3000  }
0x9e: {  	s10 =	rddreg [dreg:$0x6]  }
0x9f: {  	[sflag:s17] =	ssyncset.done $0x0;
	p1 =	sge.u32 s25, s10  }
0xa0: {  	[sflag:s17] =	ssyncadd.s32 $0xFFFFD000;
	s8 =	simm.s32 @!p1 $0xA  }
0xa1: {  	_ =	swait.ge @!p1 [sflag:s8], $0x80  }
0xa2: {  	[sflag:s8] =	ssyncset.done @!p1 $0x0  }
0xa3: {  	[sflag:s8] =	ssyncadd.s32 @!p1 $0xFFFFFF80  }
0xa4: {  	_ =	swait.ge @!p1 [sflag:s8], $0x80  }
0xa5: {  	s11 =	sadd.s32 $0x5, s25;
	s23 =	simm.s32 @!p1 $0x13D80;
	[sflag:s8] =	ssyncset.done @!p1 $0x0  }
0xa6: {  	s24 =	simm.s32 @!p1 $0x14200;
	[sflag:s8] =	ssyncadd.s32 @!p1 $0xFFFFFF80;
	s8 =	simm.s32 @!p1 $0x60  }
0xa7: {  	[tilespmem:s24], [sflag:$0x1] =	stream.indirect.gather @!p1 [hbm4b:s1+s8], $0x80, s23, s8, $0xb8;
	[tilespmem:$0x1FA00] =	vst v63  }
0xa8: {  	p1 =	sge.u32 s11, s7  }
0xa9: {  	s8 =	sadd.s32 @!p1 s5, s13  }
0xaa: {  	s24 =	simm.s32 @!p1 $0x0;
	s23 =	simm.s32 @!p1 $0x13E80;
	s8 =	sadd.s32 @!p1 $0x50, s8  }
0xab: {  	[tilespmem:s23], [sflag:$0xC] =	stream.linear.gather @!p1 [hbm4b:s8+s24], $0x80, $0x38;
	[tilespmem:$0x1FA00] =	vst v63  }
0xac: {  	s8 =	sadd.s32 @!p1 s6, s13  }
0xad: {  	s10 =	simm.s32 @!p1 $0x14180;
	s8 =	sadd.s32 @!p1 $0x50, s8  }
0xae: {  	[tilespmem:s10], [sflag:$0xC] =	stream.linear.gather @!p1 [hbm4b:s8+s24], $0x80, $0x38;
	[tilespmem:$0x1FA00] =	vst v63  }
0xaf: {  	v2 =	vld [tilespmem:$0x13F80];
	_ =	sdelay $0x7  }
0xb0: {  	[tilespmem:v2+s15+$0x0] =	vst.idx.add.f32.msk $0xffff, v1  }
0xb1: {  	v2 =	vld [tilespmem:$0x13F90];
	_ =	sdelay $0x7  }
0xb2: {  	[tilespmem:v2+s15+$0x0] =	vst.idx.add.f32.msk $0xffff, v1  }
0xb3: {  	v2 =	vld [tilespmem:$0x13FA0];
	_ =	sdelay $0x7  }
0xb4: {  	[tilespmem:v2+s15+$0x0] =	vst.idx.add.f32.msk $0xffff, v1  }
0xb5: {  	v2 =	vld [tilespmem:$0x13FB0];
	_ =	sdelay $0x7  }
0xb6: {  	[tilespmem:v2+s15+$0x0] =	vst.idx.add.f32.msk $0xffff, v1  }
0xb7: {  	v2 =	vld [tilespmem:$0x13FC0];
	_ =	sdelay $0x7  }
0xb8: {  	[tilespmem:v2+s15+$0x0] =	vst.idx.add.f32.msk $0xffff, v1  }
0xb9: {  	v2 =	vld [tilespmem:$0x13FD0];
	_ =	sdelay $0x7  }
0xba: {  	[tilespmem:v2+s15+$0x0] =	vst.idx.add.f32.msk $0xffff, v1  }
0xbb: {  	_ =	swait.ge [sflag:s18], $0x3000  }
0xbc: {  	[sflag:s18] =	ssyncset.done $0x0  }
0xbd: {  	[sflag:s18] =	ssyncadd.s32 $0xFFFFD000  }
0xbe: {  	[spmem:s2] =	stream.indirect.scatter.add.f32 [tilespmem:s14], [sflag:$0x5], $0x80, s4, s12, $0xb8;
	[tilespmem:$0x1FA00] =	vst v63  }
0xbf: {  	_ =	swait.ge [sflag:s19], $0x3000  }
0xc0: {  	[sflag:s19] =	ssyncset.done $0x0  }
0xc1: {  	s8 =	simm.s32 @!p0 $0xB;
	[sflag:s19] =	ssyncadd.s32 $0xFFFFD000  }
0xc2: {  	_ =	swait.ge @!p0 [sflag:s8], $0x80  }
0xc3: {  	[sflag:s8] =	ssyncset.done @!p0 $0x0  }
0xc4: {  	[sflag:s8] =	ssyncadd.s32 @!p0 $0xFFFFFF80  }
0xc5: {  	_ =	swait.ge @!p0 [sflag:s8], $0x80  }
0xc6: {  	[sflag:s8] =	ssyncset.done @!p0 $0x0  }
0xc7: {  	s10 =	simm.s32 @!p0 $0x17200;
	[sflag:s8] =	ssyncadd.s32 @!p0 $0xFFFFFF80;
	s8 =	simm.s32 @!p0 $0x60  }
0xc8: {  	[tilespmem:s10], [sflag:$0x2] =	stream.indirect.gather @!p0 [hbm4b:s1+s8], $0x80, s26, s8, $0xb8;
	[tilespmem:$0x1FA00] =	vst v63  }
0xc9: {  	s26 =	sadd.s32 $0x6, s25  }
0xca: {  	p2 =	sge.u32 s26, s7  }
0xcb: {  	s8 =	sadd.s32 @!p2 s5, s13  }
0xcc: {  	s10 =	simm.s32 @!p2 $0x0;
	s24 =	simm.s32 @!p2 $0x13C00;
	s8 =	sadd.s32 @!p2 $0x60, s8  }
0xcd: {  	[tilespmem:s24], [sflag:$0x7] =	stream.linear.gather @!p2 [hbm4b:s8+s10], $0x80, $0x38;
	[tilespmem:$0x1FA00] =	vst v63  }
0xce: {  	s8 =	sadd.s32 @!p2 s6, s13  }
0xcf: {  	s11 =	simm.s32 @!p2 $0x13F00;
	s8 =	sadd.s32 @!p2 $0x60, s8  }
0xd0: {  	[tilespmem:s11], [sflag:$0x7] =	stream.linear.gather @!p2 [hbm4b:s8+s10], $0x80, $0x38;
	[tilespmem:$0x1FA00] =	vst v63  }
0xd1: {  	v2 =	vld [tilespmem:$0x14000];
	_ =	sdelay $0x7  }
0xd2: {  	[tilespmem:v2+s15+$0x0] =	vst.idx.add.f32.msk $0xffff, v1  }
0xd3: {  	v2 =	vld [tilespmem:$0x14010];
	_ =	sdelay $0x7  }
0xd4: {  	[tilespmem:v2+s15+$0x0] =	vst.idx.add.f32.msk $0xffff, v1  }
0xd5: {  	v2 =	vld [tilespmem:$0x14020];
	_ =	sdelay $0x7  }
0xd6: {  	[tilespmem:v2+s15+$0x0] =	vst.idx.add.f32.msk $0xffff, v1  }
0xd7: {  	v2 =	vld [tilespmem:$0x14030];
	_ =	sdelay $0x7  }
0xd8: {  	[tilespmem:v2+s15+$0x0] =	vst.idx.add.f32.msk $0xffff, v1  }
0xd9: {  	v2 =	vld [tilespmem:$0x14040];
	_ =	sdelay $0x7  }
0xda: {  	[tilespmem:v2+s15+$0x0] =	vst.idx.add.f32.msk $0xffff, v1  }
0xdb: {  	v2 =	vld [tilespmem:$0x14050];
	_ =	sdelay $0x7  }
0xdc: {  	[tilespmem:v2+s15+$0x0] =	vst.idx.add.f32.msk $0xffff, v1  }
0xdd: {  	_ =	swait.ge [sflag:s20], $0x3000  }
0xde: {  	[sflag:s20] =	ssyncset.done $0x0  }
0xdf: {  	[sflag:s20] =	ssyncadd.s32 $0xFFFFD000  }
0xe0: {  	[spmem:s2] =	stream.indirect.scatter.add.f32 [tilespmem:s21], [sflag:$0x6], $0x80, s3, s12, $0xb8;
	[tilespmem:$0x1FA00] =	vst v63  }
0xe1: {  	_ =	swait.ge [sflag:s22], $0x3000  }
0xe2: {  	[sflag:s22] =	ssyncset.done $0x0  }
0xe3: {  	s8 =	simm.s32 @!p1 $0xC;
	[sflag:s22] =	ssyncadd.s32 $0xFFFFD000  }
0xe4: {  	_ =	swait.ge @!p1 [sflag:s8], $0x80  }
0xe5: {  	[sflag:s8] =	ssyncset.done @!p1 $0x0  }
0xe6: {  	[sflag:s8] =	ssyncadd.s32 @!p1 $0xFFFFFF80  }
0xe7: {  	_ =	swait.ge @!p1 [sflag:s8], $0x80  }
0xe8: {  	[sflag:s8] =	ssyncset.done @!p1 $0x0  }
0xe9: {  	s10 =	simm.s32 @!p1 $0x1A200;
	[sflag:s8] =	ssyncadd.s32 @!p1 $0xFFFFFF80;
	s8 =	simm.s32 @!p1 $0x60  }
0xea: {  	[tilespmem:s10], [sflag:$0x3] =	stream.indirect.gather @!p1 [hbm4b:s1+s8], $0x80, s23, s8, $0xb8;
	[tilespmem:$0x1FA00] =	vst v63  }
0xeb: {  	s23 =	sadd.s32 $0x7, s25  }
0xec: {  	p0 =	sge.u32 s23, s7  }
0xed: {  	s8 =	sadd.s32 @!p0 s5, s13  }
0xee: {  	s10 =	simm.s32 @!p0 $0x0;
	s23 =	simm.s32 @!p0 $0x13C80;
	s8 =	sadd.s32 @!p0 $0x70, s8  }
0xef: {  	[tilespmem:s23], [sflag:$0x8] =	stream.linear.gather @!p0 [hbm4b:s8+s10], $0x80, $0x38;
	[tilespmem:$0x1FA00] =	vst v63  }
0xf0: {  	s8 =	sadd.s32 @!p0 s6, s13  }
0xf1: {  	s11 =	simm.s32 @!p0 $0x13F80;
	s8 =	sadd.s32 @!p0 $0x70, s8  }
0xf2: {  	[tilespmem:s11], [sflag:$0x8] =	stream.linear.gather @!p0 [hbm4b:s8+s10], $0x80, $0x38;
	[tilespmem:$0x1FA00] =	vst v63  }
0xf3: {  	v2 =	vld [tilespmem:$0x14080];
	_ =	sdelay $0x7  }
0xf4: {  	[tilespmem:v2+s15+$0x0] =	vst.idx.add.f32.msk $0xffff, v1  }
0xf5: {  	v2 =	vld [tilespmem:$0x14090];
	_ =	sdelay $0x7  }
0xf6: {  	[tilespmem:v2+s15+$0x0] =	vst.idx.add.f32.msk $0xffff, v1  }
0xf7: {  	v2 =	vld [tilespmem:$0x140A0];
	_ =	sdelay $0x7  }
0xf8: {  	[tilespmem:v2+s15+$0x0] =	vst.idx.add.f32.msk $0xffff, v1  }
0xf9: {  	v2 =	vld [tilespmem:$0x140B0];
	_ =	sdelay $0x7  }
0xfa: {  	[tilespmem:v2+s15+$0x0] =	vst.idx.add.f32.msk $0xffff, v1  }
0xfb: {  	v2 =	vld [tilespmem:$0x140C0];
	_ =	sdelay $0x7  }
0xfc: {  	[tilespmem:v2+s15+$0x0] =	vst.idx.add.f32.msk $0xffff, v1  }
0xfd: {  	v2 =	vld [tilespmem:$0x140D0];
	_ =	sdelay $0x7  }
0xfe: {  	[tilespmem:v2+s15+$0x0] =	vst.idx.add.f32.msk $0xffff, v1  }
0xff: {  	_ =	swait.ge [sflag:s16], $0x3000  }
0x100: {  	[sflag:s16] =	ssyncset.done $0x0  }
0x101: {  	[sflag:s16] =	ssyncadd.s32 $0xFFFFD000  }
0x102: {  	[spmem:s2] =	stream.indirect.scatter.add.f32 [tilespmem:s28], [sflag:$0x4], $0x80, s9, s12, $0xb8;
	[tilespmem:$0x1FA00] =	vst v63  }
0x103: {  	_ =	swait.ge [sflag:s17], $0x3000  }
0x104: {  	[sflag:s17] =	ssyncset.done $0x0  }
0x105: {  	s8 =	simm.s32 @!p2 $0x7;
	[sflag:s17] =	ssyncadd.s32 $0xFFFFD000  }
0x106: {  	_ =	swait.ge @!p2 [sflag:s8], $0x80  }
0x107: {  	[sflag:s8] =	ssyncset.done @!p2 $0x0  }
0x108: {  	[sflag:s8] =	ssyncadd.s32 @!p2 $0xFFFFFF80  }
0x109: {  	_ =	swait.ge @!p2 [sflag:s8], $0x80  }
0x10a: {  	[sflag:s8] =	ssyncset.done @!p2 $0x0  }
0x10b: {  	s10 =	simm.s32 @!p2 $0x14200;
	[sflag:s8] =	ssyncadd.s32 @!p2 $0xFFFFFF80;
	s8 =	simm.s32 @!p2 $0x60  }
0x10c: {  	[tilespmem:s10], [sflag:$0x1] =	stream.indirect.gather @!p2 [hbm4b:s1+s8], $0x80, s24, s8, $0xb8;
	[tilespmem:$0x1FA00] =	vst v63  }
0x10d: {  	s10 =	sadd.s32 $0x8, s25  }
0x10e: {  	p1 =	sge.u32 s10, s7  }
0x10f: {  	s8 =	sadd.s32 @!p1 s5, s13  }
0x110: {  	s10 =	simm.s32 @!p1 $0x0;
	s11 =	simm.s32 @!p1 $0x13D00;
	s8 =	sadd.s32 @!p1 $0x80, s8  }
0x111: {  	[tilespmem:s11], [sflag:$0x9] =	stream.linear.gather @!p1 [hbm4b:s8+s10], $0x80, $0x38;
	[tilespmem:$0x1FA00] =	vst v63  }
0x112: {  	s8 =	sadd.s32 @!p1 s6, s13  }
0x113: {  	s11 =	simm.s32 @!p1 $0x14000;
	s8 =	sadd.s32 @!p1 $0x80, s8  }
0x114: {  	[tilespmem:s11], [sflag:$0x9] =	stream.linear.gather @!p1 [hbm4b:s8+s10], $0x80, $0x38;
	[tilespmem:$0x1FA00] =	vst v63  }
0x115: {  	v2 =	vld [tilespmem:$0x14100];
	_ =	sdelay $0x7  }
0x116: {  	[tilespmem:v2+s15+$0x0] =	vst.idx.add.f32.msk $0xffff, v1  }
0x117: {  	v2 =	vld [tilespmem:$0x14110];
	_ =	sdelay $0x7  }
0x118: {  	[tilespmem:v2+s15+$0x0] =	vst.idx.add.f32.msk $0xffff, v1  }
0x119: {  	v2 =	vld [tilespmem:$0x14120];
	_ =	sdelay $0x7  }
0x11a: {  	[tilespmem:v2+s15+$0x0] =	vst.idx.add.f32.msk $0xffff, v1  }
0x11b: {  	v2 =	vld [tilespmem:$0x14130];
	_ =	sdelay $0x7  }
0x11c: {  	[tilespmem:v2+s15+$0x0] =	vst.idx.add.f32.msk $0xffff, v1  }
0x11d: {  	v2 =	vld [tilespmem:$0x14140];
	_ =	sdelay $0x7  }
0x11e: {  	[tilespmem:v2+s15+$0x0] =	vst.idx.add.f32.msk $0xffff, v1  }
0x11f: {  	v2 =	vld [tilespmem:$0x14150];
	_ =	sdelay $0x7  }
0x120: {  	[tilespmem:v2+s15+$0x0] =	vst.idx.add.f32.msk $0xffff, v1  }
0x121: {  	_ =	swait.ge [sflag:s18], $0x3000  }
0x122: {  	[sflag:s18] =	ssyncset.done $0x0  }
0x123: {  	s11 =	rddreg [dreg:$0x8];
	[sflag:s18] =	ssyncadd.s32 $0xFFFFD000  }
0x124: {  	[spmem:s2] =	stream.indirect.scatter.add.f32 [tilespmem:s14], [sflag:$0x5], $0x80, s11, s12, $0xb8;
	[tilespmem:$0x1FA00] =	vst v63  }
0x125: {  	_ =	swait.ge [sflag:s19], $0x3000  }
0x126: {  	[sflag:s19] =	ssyncset.done $0x0  }
0x127: {  	s8 =	simm.s32 @!p0 $0x8;
	[sflag:s19] =	ssyncadd.s32 $0xFFFFD000  }
0x128: {  	_ =	swait.ge @!p0 [sflag:s8], $0x80  }
0x129: {  	[sflag:s8] =	ssyncset.done @!p0 $0x0  }
0x12a: {  	[sflag:s8] =	ssyncadd.s32 @!p0 $0xFFFFFF80  }
0x12b: {  	_ =	swait.ge @!p0 [sflag:s8], $0x80  }
0x12c: {  	[sflag:s8] =	ssyncset.done @!p0 $0x0  }
0x12d: {  	s10 =	simm.s32 @!p0 $0x17200;
	[sflag:s8] =	ssyncadd.s32 @!p0 $0xFFFFFF80;
	s8 =	simm.s32 @!p0 $0x60  }
0x12e: {  	[tilespmem:s10], [sflag:$0x2] =	stream.indirect.gather @!p0 [hbm4b:s1+s8], $0x80, s23, s8, $0xb8;
	[tilespmem:$0x1FA00] =	vst v63  }
0x12f: {  	s23 =	sadd.s32 $0x9, s25  }
0x130: {  	p0 =	sge.u32 s23, s7  }
0x131: {  	s8 =	sadd.s32 @!p0 s5, s13  }
0x132: {  	s10 =	simm.s32 @!p0 $0x0;
	s11 =	simm.s32 @!p0 $0x13D80;
	s8 =	sadd.s32 @!p0 $0x90, s8  }
0x133: {  	[tilespmem:s11], [sflag:$0xA] =	stream.linear.gather @!p0 [hbm4b:s8+s10], $0x80, $0x38;
	[tilespmem:$0x1FA00] =	vst v63  }
0x134: {  	s8 =	sadd.s32 @!p0 s6, s13  }
0x135: {  	s11 =	simm.s32 @!p0 $0x14080;
	s8 =	sadd.s32 @!p0 $0x90, s8  }
0x136: {  	[tilespmem:s11], [sflag:$0xA] =	stream.linear.gather @!p0 [hbm4b:s8+s10], $0x80, $0x38;
	[tilespmem:$0x1FA00] =	vst v63  }
0x137: {  	v2 =	vld [tilespmem:$0x14180];
	_ =	sdelay $0x7  }
0x138: {  	[tilespmem:v2+s15+$0x0] =	vst.idx.add.f32.msk $0xffff, v1  }
0x139: {  	v2 =	vld [tilespmem:$0x14190];
	_ =	sdelay $0x7  }
0x13a: {  	[tilespmem:v2+s15+$0x0] =	vst.idx.add.f32.msk $0xffff, v1  }
0x13b: {  	v2 =	vld [tilespmem:$0x141A0];
	_ =	sdelay $0x7  }
0x13c: {  	[tilespmem:v2+s15+$0x0] =	vst.idx.add.f32.msk $0xffff, v1  }
0x13d: {  	v2 =	vld [tilespmem:$0x141B0];
	_ =	sdelay $0x7  }
0x13e: {  	[tilespmem:v2+s15+$0x0] =	vst.idx.add.f32.msk $0xffff, v1  }
0x13f: {  	v2 =	vld [tilespmem:$0x141C0];
	_ =	sdelay $0x7  }
0x140: {  	[tilespmem:v2+s15+$0x0] =	vst.idx.add.f32.msk $0xffff, v1  }
0x141: {  	v2 =	vld [tilespmem:$0x141D0];
	_ =	sdelay $0x7  }
0x142: {  	[tilespmem:v2+s15+$0x0] =	vst.idx.add.f32.msk $0xffff, v1  }
0x143: {  	_ =	swait.ge [sflag:s20], $0x3000  }
0x144: {  	s0 =	sadd.s32 $0xFFFFFFFF, s0;
	s25 =	rddreg [dreg:$0x7]  }
0x145: {  	p0 =	sne.s32 s25, s0  }
.Ltmp2:
0x146: {  	_ = 	snop;
	(pc) =	sbr.rel @p0 .LBB2_6-.Ltmp2, $4  }
0x147: {  	_ = 	snop  }
0x148: {  	s5 =	sadd.s32 $0x60, s5;
	s6 =	sadd.s32 $0x60, s6;
	[sflag:s20] =	ssyncset.done $0x0  }
0x149: {  	s24 =	rddreg [dreg:$0x9];
	[sflag:s20] =	ssyncadd.s32 $0xFFFFD000;
	s25 =	smov.u32 s26  }
0x14a: {  	[spmem:s2] =	stream.indirect.scatter.add.f32 [tilespmem:s21], [sflag:$0x6], $0x80, s24, s12, $0xb8;
	[tilespmem:$0x1FA00] =	vst v63  }
0x14b: {  	_ =	swait.ge [sflag:s22], $0x3000  }
0x14c: {  	[sflag:s22] =	ssyncset.done $0x0  }
0x14d: {  	[sflag:s22] =	ssyncadd.s32 $0xFFFFD000  }
0x14e: {  	s0 =	stileid.u32;
	[bflag:$0x0] =	sbarrier.arrive $0xFFFF  }
0x14f: {  	s0 =	sshll.u32 s0, $0x6;
	s8 =	rddreg [dreg:$0xc]  }
0x150: {  	s0 =	sor.u32 $0x1C0D, s0;
	s6 =	rddreg [dreg:$0x1b];
	s5 =	sshrl.u32 s8, $0x3  }
0x151: {  	[hbm:s6], [sflag:s0] =	dma.local [spmem:s5], $0x2780  }
0x152: {  	_ =	swait.ge [sflag:s29], $0x2780  }
0x153: {  	[sflag:s29] =	ssyncset.done $0x0  }
0x154: {  	s24 =	simm.s32 $0x0;
	s25 =	rddreg [dreg:$0x17];
	[sflag:s29] =	ssyncadd.s32 $0xFFFFD880  }
0x155: {  	[hbm4b:s25+s24] =	stream.linear.scatter [tilespmem:s15], [sflag:$0xD], $0x2800, $0x38;
	[tilespmem:$0x1FA00] =	vst v63  }
0x156: {  	_ =	swait.ge [sflag:s29], $0x2800  }
0x157: {  	s30 =	sadd.s32 $0x1, s30;
	s26 =	rddreg [dreg:$0x1c]  }
0x158: {  	p0 =	sne.s32 s30, s26  }
.Ltmp3:
0x159: {  	_ = 	snop;
	(pc) =	sbr.rel @p0 .LBB2_1-.Ltmp3, $3  }
0x15a: {  	_ =	sdelay $0x1  }
0x15b: {  	[sflag:s29] =	ssyncset.done $0x0  }
0x15c: {  	[sflag:s29] =	ssyncadd.s32 $0xFFFFD800  }
0x15d: {  	_ =	sfence.sel $0x180000  }
0x15e: {  	[bflag:$0x0] =	sbarrier.arrive $0xFFFF  }
0x15f: {  	_ =	strace $0x90000047  }
0x160: {  	s0 =	stileid.u32;
	[bflag:$0x2] =	sbarrier.arrive $0xFFFF  }
0x161: {  	p0 =	sne.s32 s0, $0x0;
	s0 =	rddreg [dreg:$0x4]  }
0x162: {  	s0 =	sadd.s32 @!p0 $0x100000, s0  }
0x163: {  	[sflag:s0] =	ssyncadd.tile.s32 @!p0 $0x1;
	_ =	shalt  }
.Lfunc_end2:
_tile_overlayer_lowered:
.L_overlay_start_2:
0x164: {  	(tag) =	ssettag $0x2  }
0x165: {  	s0 =	rddreg [dreg:$0x0];
	s2 =	stileid.u32  }
0x166: {  	s1 =	rddreg [dreg:$0x1];
	p0 =	sne.s32 s2, $0x0  }
0x167: {  	s3 =	rddreg [dreg:$0x2];
	[bflag:$0x3] =	sbarrier.arrive $0xFFFF;
	s2 =	simm.s32 @!p0 $0x1C0D  }
0x168: {  	[timem:s3], [sflag:s2] =	dma.local @!p0 [hbm:s0], s1  }
0x169: {  	s0 =	simm.s32 @!p0 $0xD  }
0x16a: {  	_ =	swait.ge @!p0 [sflag:s0], s1  }
0x16b: {  	s1 =	ssub.s32 @!p0 $0x0, s1;
	[sflag:s0] =	ssyncset.done @!p0 $0x0  }
0x16c: {  	[sflag:s0] =	ssyncadd.s32 @!p0 s1  }
0x16d: {  	[bflag:$0x3] =	sbarrier.arrive $0xFFFF  }
0x16e: {  	_ =	shalt  }

// kernel: kernel.9.cloned.1.call-start
scs
__scs_entry_jumppad:
0x0: {  	(pc) =	sbr.rel $0x88, $3  }
0x1: {  	(tag) =	ssettag $0x0;
	lr =	simm.s32 $0x1  }
0x2: {  	[smem:$0x3F95] =	sst lr;
	_ =	strace $0xD0000000  }
0x3: {  	_ = 	snop  }
0x4: {  	_ = 	snop  }
0x5: {  	_ = 	snop  }
0x6: {  	_ = 	snop  }
0x7: {  	_ = 	snop  }
__scs_overlays_trampoline_lowered:
0x8: {  	[smem:$0x3FA4] =	sst s0  }
0x9: {  	[smem:$0x3FA5] =	sst s1  }
0xa: {  	[smem:$0x3FA6] =	sst s2  }
0xb: {  	[smem:$0x3FA7] =	sst s3  }
0xc: {  	[smem:$0x3FA8] =	sst s4  }
0xd: {  	[smem:$0x3FA9] =	sst s5  }
0xe: {  	[smem:$0x3FAA] =	sst s6  }
0xf: {  	[smem:$0x3FAB] =	sst s7  }
0x10: {  	[smem:$0x3FAC] =	sst s8  }
0x11: {  	[smem:$0x3FAD] =	sst s9;
	s0 =	simm.s32 @!p0 $0x0  }
0x12: {  	s1 =	sld [smem:$0x3F93];
	s0 =	simm.s32 @p0 $0x1  }
0x13: {  	[smem:$0x3FAE] =	sst s0;
	s0 =	simm.s32 @!p1 $0x0  }
0x14: {  	s2 =	sld [smem:$0x3F92];
	s0 =	simm.s32 @p1 $0x1  }
0x15: {  	[smem:$0x3FAF] =	sst s0;
	s0 =	simm.s32 @!p2 $0x0  }
0x16: {  	s3 =	sld [smem:$0x3FDB];
	s0 =	simm.s32 @p2 $0x1  }
0x17: {  	s4 =	simm.s32 $0x1BF5;
	[smem:$0x3FB1] =	sst s0  }
0x18: {  	s0 =	sld [smem:$0x3F94];
	_ =	swait.ge [sflag:s4], $0x0  }
0x19: {  	s7 =	sld [smem:$0x3F95]  }
0x1a: {  	s8 =	sadd.s32 $0xFFFFE003, lr  }
0x1b: {  	s9 =	sadd.s32 $0xFFFFFEF7, lr;
	s5 =	simm.s32 $0xFFFFFFFF;
	p2 =	slt.u32 s8, $0xFFFFF086  }
0x1c: {  	p1 =	slt.u32 s9, $0xF7A;
	s5 =	simm.s32 @!p2 $0x0  }
0x1d: {  	s5 =	simm.s32 @p1 $0x1;
	p0 =	seq.s32 s7, s2  }
0x1e: {  	s7 =	smul.u32 @!p0 $0xF7A, s2;
	p2 =	seq.s32 @!p0 s5, $0x0  }
0x1f: {  	s9 =	smul.u32 $0xF7A, s1;
	s8 =	simm.s32 @!p0 $0x1BF5;
	p2 =	por !p2, p0  }
0x20: {  	[sflag:s8] =	ssyncset.s32 @!p0 $0xFFFFF086;
	s6 =	sadd.s32 @!p0 s3, s7;
	s7 =	simm.s32 @!p0 $0x108  }
0x21: {  	s3 =	sadd.s32 s3, s9;
	s6 =	sadd.s32 @!p0 $0x88, s6;
	s7 =	simm.s32 @p2 $0x1082  }
0x22: {  	[simem:s7], [sflag:s8] =	dma.local @!p0 [hbm:s6], $0xF7A  }
0x23: {  	s9 =	sor.u32 $0xD0000000, s2;
	s6 =	simm.s32 $0x108;
	_ =	swait.ge @!p0 [sflag:s8], $0x0  }
0x24: {  	s3 =	sadd.s32 $0x88, s3;
	s6 =	simm.s32 @!p1 $0x1082;
	[sflag:s4] =	ssyncset.s32 $0xFFFFF086  }
0x25: {  	[simem:s6], [sflag:s4] =	dma.local [hbm:s3], $0xF7A  }
0x26: {  	[smem:$0x3F95] =	sst s1;
	(tag) =	ssettag s2;
	_ =	strace s9  }
0x27: {  	s1 =	sld [smem:$0x3FA5]  }
0x28: {  	s2 =	sld [smem:$0x3FA6]  }
0x29: {  	s4 =	sld [smem:$0x3FA8]  }
0x2a: {  	p0 =	seq.s32 s5, $0x0;
	s5 =	sld [smem:$0x3FA9]  }
0x2b: {  	s6 =	sld [smem:$0x3FAA]  }
0x2c: {  	s7 =	sld [smem:$0x3FAB]  }
0x2d: {  	s3 =	simm.s32 $0x108;
	s8 =	sld [smem:$0x3FAC]  }
0x2e: {  	s3 =	simm.s32 @!p0 $0x1082;
	s9 =	sld [smem:$0x3FAD]  }
0x2f: {  	lr =	sadd.s32 s0, s3;
	s0 =	sld [smem:$0x3FA4]  }
0x30: {  	s3 =	sld [smem:$0x3FA7]  }
0x31: {  	[smem:$0x3FB0] =	sst s10  }
0x32: {  	s10 =	sld [smem:$0x3FAE];
	_ =	sdelay $0x3  }
0x33: {  	p0 =	seq.s32 s10, $0x1;
	s10 =	sld [smem:$0x3FB0];
	_ =	sdelay $0x3  }
0x34: {  	[smem:$0x3FB0] =	sst s10  }
0x35: {  	s10 =	sld [smem:$0x3FAF];
	_ =	sdelay $0x3  }
0x36: {  	p1 =	seq.s32 s10, $0x1;
	s10 =	sld [smem:$0x3FB0];
	_ =	sdelay $0x3  }
0x37: {  	[smem:$0x3FB0] =	sst s10  }
0x38: {  	s10 =	sld [smem:$0x3FB1]  }
0x39: {  	_ = 	snop;
	(pc) =	sbr.ind lr, $3  }
0x3a: {  	_ = 	snop  }
0x3b: {  	_ = 	snop  }
0x3c: {  	p2 =	seq.s32 s10, $0x1;
	s10 =	sld [smem:$0x3FB0]  }
0x3d: {  	_ =	shalt  }
0x3e: {  	_ =	shalt  }
0x3f: {  	_ =	shalt  }
0x40: {  	_ =	shalt  }
0x41: {  	_ =	shalt  }
0x42: {  	_ =	shalt  }
0x43: {  	_ =	shalt  }
0x44: {  	_ =	shalt  }
0x45: {  	_ =	shalt  }
0x46: {  	_ =	shalt  }
0x47: {  	_ =	shalt  }
0x48: {  	_ =	shalt  }
0x49: {  	_ =	shalt  }
0x4a: {  	_ =	shalt  }
0x4b: {  	_ =	shalt  }
0x4c: {  	_ =	shalt  }
0x4d: {  	_ =	shalt  }
0x4e: {  	_ =	shalt  }
0x4f: {  	_ =	shalt  }
0x50: {  	_ =	shalt  }
0x51: {  	_ =	shalt  }
0x52: {  	_ =	shalt  }
0x53: {  	_ =	shalt  }
0x54: {  	_ =	shalt  }
0x55: {  	_ =	shalt  }
0x56: {  	_ =	shalt  }
0x57: {  	_ =	shalt  }
0x58: {  	_ =	shalt  }
0x59: {  	_ =	shalt  }
0x5a: {  	_ =	shalt  }
0x5b: {  	_ =	shalt  }
0x5c: {  	_ =	shalt  }
0x5d: {  	_ =	shalt  }
0x5e: {  	_ =	shalt  }
0x5f: {  	_ =	shalt  }
0x60: {  	_ =	shalt  }
0x61: {  	_ =	shalt  }
0x62: {  	_ =	shalt  }
0x63: {  	_ =	shalt  }
0x64: {  	_ =	shalt  }
0x65: {  	_ =	shalt  }
0x66: {  	_ =	shalt  }
0x67: {  	_ =	shalt  }
0x68: {  	_ =	shalt  }
0x69: {  	_ =	shalt  }
0x6a: {  	_ =	shalt  }
0x6b: {  	_ =	shalt  }
0x6c: {  	_ =	shalt  }
0x6d: {  	_ =	shalt  }
0x6e: {  	_ =	shalt  }
0x6f: {  	_ =	shalt  }
0x70: {  	_ =	shalt  }
0x71: {  	_ =	shalt  }
0x72: {  	_ =	shalt  }
0x73: {  	_ =	shalt  }
0x74: {  	_ =	shalt  }
0x75: {  	_ =	shalt  }
0x76: {  	_ =	shalt  }
0x77: {  	_ =	shalt  }
0x78: {  	_ =	shalt  }
0x79: {  	_ =	shalt  }
0x7a: {  	_ =	shalt  }
0x7b: {  	_ =	shalt  }
0x7c: {  	_ =	shalt  }
0x7d: {  	_ =	shalt  }
0x7e: {  	_ =	shalt  }
0x7f: {  	_ =	shalt  }
0x80: {  	_ =	shalt  }
0x81: {  	_ =	shalt  }
0x82: {  	_ =	shalt  }
0x83: {  	_ =	shalt  }
0x84: {  	_ =	shalt  }
0x85: {  	_ =	shalt  }
0x86: {  	_ =	shalt  }
0x87: {  	_ =	shalt  }
.Lfunc_end0:
.L_simem_size_0:
called_computation.1_lowered:
.L_overlay_start_0:
0x88: {  	s2 =	sld [smem:$0x3FD9]  }
0x89: {  	s3 =	sld [smem:$0x3FFE];
	_ =	sdelay $0x1  }
0x8a: {  	s1 =	srdreg.scid  }
0x8b: {  	s0 =	sand.u32 $0x1, s1  }
0x8c: {  	s17 =	sshll.u32 s0, $0xA;
	s2 =	sadd.s32 s3, s2  }
0x8d: {  	s2 =	sadd.s32 s2, s17  }
0x8e: {  	[smem:$0x3FBC] =	sst s2  }
0x8f: {  	_ = 	snop  }
0x90: {  	s2 =	sld [smem:$0x3FD0];
	(tm) =	ssettm $0x1  }
0x91: {  	s18 =	sld [smem:$0x3FFB];
	_ =	sdelay $0x3  }
0x92: {  	_ =	strace s18  }
0x93: {  	s3 =	sld [smem:$0x3FFC];
	_ =	sdelay $0x3  }
0x94: {  	_ =	strace s3  }
0x95: {  	s3 =	sld [smem:$0x3FFD];
	_ =	sdelay $0x3  }
0x96: {  	_ =	strace s3  }
0x97: {  	_ =	strace $0x8FFFFFFF  }
0x98: {  	s19 =	sld [smem:$0x3FDB];
	_ =	sdelay $0x1  }
0x99: {  	s4 =	simm.s32 $_scs_section_size  }
0x9a: {  	s5 =	simm.s32 $_size__tile_overlayer_lowered;
	s6 =	simm.s32 $_tile_overlayer_lowered  }
0x9b: {  	s22 =	simm.s32 $0x1BFF;
	s21 =	sshll.u32 s6, $0x1;
	s3 =	sadd.s32 s4, s19  }
0x9c: {  	s7 =	simm.s32 $0x0;
	s20 =	sshll.u32 s5, $0x1;
	s5 =	sadd.s32 s21, s3  }
0x9d: {  	[timem:s7], [sflag:s22] =	dma.local [hbm:s5], s20  }
0x9e: {  	_ =	swait.ge [sflag:s22], s20  }
0x9f: {  	s4 =	ssub.s32 $0x0, s20;
	[sflag:s22] =	ssyncset.done $0x0  }
0xa0: {  	[sflag:s22] =	ssyncadd.s32 s4;
	_ =	sdelay $0x1  }
0xa1: {  	s23 =	simm.s32 $0x1B8B  }
0xa2: {  	_ =	swait.ge [sflag:s23], $0x1  }
0xa3: {  	[sflag:s23] =	ssyncset.done $0x0  }
0xa4: {  	s25 =	simm.s32 $0x1B8E;
	s24 =	sld [smem:$0x3FFE];
	[sflag:s23] =	ssyncadd.s32 $0xFFFFFFFF  }
0xa5: {  	s26 =	simm.s32 $execute0_lowered;
	[smem:$0x3FD2] =	sst s25  }
0xa6: {  	s5 =	sshll.u32 s26, $0x1;
	_ =	strace $0x80000049;
	[dreg:$0x1] =	wrdreg $0xFFFFFFFF  }
0xa7: {  	s28 =	simm.s32 $_size_execute0_lowered;
	s3 =	sadd.s32 s3, s5;
	[dreg:$0x0] =	wrdreg $0x0  }
0xa8: {  	s5 =	sshll.u32 s28, $0x1;
	[dreg:$0x2] =	wrdreg s3  }
0xa9: {  	[dreg:$0x3] =	wrdreg s5  }
0xaa: {  	[dreg:$0x4] =	wrdreg $0xC0  }
0xab: {  	_ =	task [dreg:s7], $0x5FFFF  }
0xac: {  	[dreg:$0x1] =	wrdreg $0xFFFFFFFF  }
0xad: {  	[dreg:$0x0] =	wrdreg $0x60  }
0xae: {  	[dreg:$0x2] =	wrdreg s2  }
0xaf: {  	[dreg:$0x3] =	wrdreg s24  }
0xb0: {  	[dreg:$0x4] =	wrdreg $0x0  }
0xb1: {  	[dreg:$0x5] =	wrdreg $0x9  }
0xb2: {  	_ =	task.clear_ibuf [dreg:s7], $0x6FFFF;
	_ =	strace $0x90000049  }
0xb3: {  	s29 =	simm.s32 $0x9;
	_ =	strace $0x8000004B  }
0xb4: {  	_ =	swait.ge [sflag:s29], $0x1  }
0xb5: {  	[sflag:s29] =	ssyncadd.s32 $0xFFFFFFFF  }
0xb6: {  	_ =	strace $0x9000004B  }
0xb7: {  	_ =	sfence  }
0xb8: {  	s30 =	sld [smem:$0x0];
	_ =	sdelay $0x2  }
0xb9: {  	s31 =	sshll.u32 s1, $0xD;
	s1 =	sshrl.u32 s1, $0x2  }
0xba: {  	s3 =	sand.u32 $0x4000, s31;
	s1 =	sadd.s32 s1, s30  }
0xbb: {  	s0 =	sor.u32 s3, s0;
	s1 =	sshll.u32 s1, $0x11  }
0xbc: {  	s0 =	sor.u32 s1, s0  }
0xbd: {  	s0 =	sadd.s32 $0x8F2B, s0  }
0xbe: {  	[sflag:s0] =	ssyncadd.remote.s32 $0x1  }
0xbf: {  	_ =	sfence.sel $0xFFFF  }
0xc0: {  	[dreg:$0x0] =	wrdreg $0xFFFFFFFF;
	(pc) =	sbr.abs _section_cstart, $3  }
0xc1: {  	[dreg:$0x1] =	wrdreg $0xFFFFFFFF  }
0xc2: {  	_ =	task.clear_ibuf [dreg:s7], $0x2FFFF;
	_ =	strace $0x9FFFFFFF  }
0xc3: {  	(tm) =	ssettm $0x7FFFFFFF  }
tec
execute0_lowered:
.L_overlay_start_1:
0x0: {  	(tag) =	ssettag $0x1  }
0x1: {  	s1 =	rddreg [dreg:$0x0]  }
0x2: {  	s0 =	rddreg [dreg:$0x1]  }
0x3: {  	s2 =	rddreg [dreg:$0x2];
	s10 =	stileid.u32  }
0x4: {  	s3 =	srdreg.scid;
	s6 =	smul.u32 $0x13C00, s10  }
0x5: {  	s4 =	simm.s32 $0x0;
	s3 =	sand.u32 $0x1, s3;
	s7 =	smul.u32 $0xC, s10  }
0x6: {  	[smem:$0x7FF] =	sst s4;
	s11 =	sadd.s32 $0x3000, s0;
	s9 =	smul.u32 $0x4F000, s10  }
0x7: {  	s12 =	sadd.s32 $0x10200, s0;
	s5 =	smul.u32 $0x13C000, s3;
	_ =	strace $0x8000004A  }
0x8: {  	s23 =	ssub.s32 $0x2, s3;
	p0 =	seq.s32 s3, $0x0;
	[dreg:$0x9] =	wrdreg s11  }
0x9: {  	[dreg:$0xa] =	wrdreg s12;
	s3 =	sadd.s32 $0xC60, s7;
	s7 =	simm.s32 $0xC6  }
0xa: {  	s8 =	sshrl.u32 s23, $0x1;
	s5 =	sadd.s32 s6, s5;
	s7 =	simm.s32 @!p0 $0xC  }
0xb: {  	s24 =	sshrl.u32 s9, $0x2;
	s5 =	sshrl.u32 s5, $0x3;
	s18 =	sadd.s32 $0xFFFFFFFE, s7  }
0xc: {  	s19 =	sadd.s32 $0xFFFFFFFD, s7;
	s0 =	sadd.s32 s5, s0;
	[dreg:$0x4] =	wrdreg s18  }
0xd: {  	s5 =	ssub.s32 s23, s8;
	[dreg:$0x5] =	wrdreg s19;
	s23 =	simm.s32 $0x14100  }
0xe: {  	s28 =	simm.s32 $0xD;
	s8 =	sadd.s32 s24, s2;
	[dreg:$0x7] =	wrdreg s23  }
0xf: {  	s30 =	simm.s32 $0x13F00;
	s25 =	sadd.s32 $0x3000, s8;
	[dreg:$0xb] =	wrdreg s8  }
0x10: {  	s6 =	smul.u32 $0xC6, s10;
	s26 =	sadd.s32 $0x6000, s8;
	[dreg:$0xc] =	wrdreg s25  }
0x11: {  	s16 =	smul.u32 $0xAB, s7;
	s29 =	sadd.s32 $0x9000, s8;
	[dreg:$0xd] =	wrdreg s26  }
0x12: {  	s3 =	smov.u32 @p0 s6;
	s31 =	sadd.s32 $0xC000, s8;
	[dreg:$0xe] =	wrdreg s29  }
0x13: {  	s18 =	simm.s32 $0x5;
	s6 =	sadd.s32 $0xF000, s8;
	[dreg:$0xf] =	wrdreg s31  }
0x14: {  	s19 =	simm.s32 $0x3;
	s9 =	sadd.s32 $0x12000, s8;
	[dreg:$0x10] =	wrdreg s6  }
0x15: {  	s13 =	sshll.u32 s3, $0x4;
	s0 =	sadd.s32 $0x1D400, s0;
	[dreg:$0x11] =	wrdreg s9  }
0x16: {  	s10 =	sadd.s32 s11, s13;
	s14 =	sadd.s32 s12, s13;
	[dreg:$0x1a] =	wrdreg s0  }
0x17: {  	s15 =	sor.u32 $0x10, s13;
	s6 =	sshrl.u32 s16, $0xA;
	[dreg:$0x12] =	wrdreg s10  }
0x18: {  	s20 =	sadd.s32 $0x20, s13;
	s25 =	simm.s32 $0x14180;
	[dreg:$0x13] =	wrdreg s14  }
0x19: {  	s24 =	sadd.s32 $0x30, s13;
	s31 =	smax.u32 s5, $0x1;
	[dreg:$0x8] =	wrdreg s25  }
0x1a: {  	s0 =	simm.s32 $0x13F80;
	s17 =	sadd.s32 s11, s15;
	[dreg:$0x1b] =	wrdreg s31  }
0x1b: {  	s16 =	simm.s32 $0x4;
	s3 =	sadd.s32 s12, s15;
	[dreg:$0x14] =	wrdreg s17  }
0x1c: {  	s21 =	ssub.s32 $0x0, s6;
	s22 =	sadd.s32 s11, s20;
	[dreg:$0x15] =	wrdreg s3  }
0x1d: {  	s9 =	sadd.s32 s12, s20;
	s26 =	sadd.s32 s11, s24;
	[dreg:$0x16] =	wrdreg s22  }
0x1e: {  	s29 =	sadd.s32 s12, s24;
	s11 =	simm.s32 $0x8;
	[dreg:$0x6] =	wrdreg s21  }
0x1f: {  	s12 =	simm.s32 $0x60;
	s14 =	simm.s32 $0x17200;
	[dreg:$0x17] =	wrdreg s9  }
0x20: {  	s15 =	simm.s32 $0x1;
	s20 =	simm.s32 $0x1A200;
	[dreg:$0x18] =	wrdreg s26  }
0x21: {  	[dreg:$0x19] =	wrdreg s29;
	s26 =	simm.s32 $0x14200;
	s3 =	simm.s32 $0x14000  }
0x22: {  	v0 =	vimm.f32 $0.0e+00;
	s9 =	simm.s32 $0x14080;
	s17 =	simm.s32 $0x2;
	s21 =	simm.s32 $0x6  }
.LBB2_1:
0x23: {  	s5 =	simm.s32 $0x0;
	s6 =	simm.s32 $0x200  }
.LBB2_2:
0x24: {  	p0 =	sne.s32 s6, $0xBE00;
	[tilespmem:s5+$0x14270] =	vst v0  }
0x25: {  	[tilespmem:s5+$0x14200] =	vst v0  }
0x26: {  	[tilespmem:s5+$0x14210] =	vst v0  }
.Ltmp0:
0x27: {  	[tilespmem:s5+$0x14220] =	vst v0;
	(pc) =	sbr.rel @p0 .LBB2_2-.Ltmp0, $4  }
0x28: {  	[tilespmem:s5+$0x14230] =	vst v0  }
0x29: {  	[tilespmem:s5+$0x14240] =	vst v0  }
0x2a: {  	[tilespmem:s5+$0x14250] =	vst v0  }
0x2b: {  	[tilespmem:s5+$0x14260] =	vst v0;
	s5 =	sshra.s32 s6, $0x2;
	s6 =	sadd.s32 $0x200, s6  }
0x2c: {  	[tilespmem:s5+$0x14270] =	vst v0  }
0x2d: {  	[tilespmem:s5+$0x14200] =	vst v0  }
0x2e: {  	[tilespmem:s5+$0x14210] =	vst v0  }
0x2f: {  	[tilespmem:s5+$0x14220] =	vst v0  }
0x30: {  	[tilespmem:s5+$0x14230] =	vst v0  }
0x31: {  	[tilespmem:s5+$0x14240] =	vst v0  }
0x32: {  	[tilespmem:s5+$0x14250] =	vst v0  }
0x33: {  	[tilespmem:s5+$0x14260] =	vst v0  }
0x34: {  	[spmem:s8] =	stream.linear.scatter [tilespmem:s26], [sflag:$0xD], $0x3000, $0x38;
	[tilespmem:$0x1D200] =	vst v63  }
0x35: {  	_ =	swait.ge [sflag:s28], $0x3000  }
0x36: {  	[sflag:s28] =	ssyncset.done $0x0  }
0x37: {  	s25 =	rddreg [dreg:$0xc];
	[sflag:s28] =	ssyncadd.s32 $0xFFFFD000  }
0x38: {  	[spmem:s25] =	stream.linear.scatter [tilespmem:s26], [sflag:$0xD], $0x3000, $0x38;
	[tilespmem:$0x1D200] =	vst v63  }
0x39: {  	_ =	swait.ge [sflag:s28], $0x3000  }
0x3a: {  	[sflag:s28] =	ssyncset.done $0x0  }
0x3b: {  	s31 =	rddreg [dreg:$0xd];
	[sflag:s28] =	ssyncadd.s32 $0xFFFFD000  }
0x3c: {  	[spmem:s31] =	stream.linear.scatter [tilespmem:s26], [sflag:$0xD], $0x3000, $0x38;
	[tilespmem:$0x1D200] =	vst v63  }
0x3d: {  	_ =	swait.ge [sflag:s28], $0x3000  }
0x3e: {  	[sflag:s28] =	ssyncset.done $0x0  }
0x3f: {  	s6 =	rddreg [dreg:$0xe];
	[sflag:s28] =	ssyncadd.s32 $0xFFFFD000  }
0x40: {  	[spmem:s6] =	stream.linear.scatter [tilespmem:s26], [sflag:$0xD], $0x3000, $0x38;
	[tilespmem:$0x1D200] =	vst v63  }
0x41: {  	_ =	swait.ge [sflag:s28], $0x3000  }
0x42: {  	[sflag:s28] =	ssyncset.done $0x0  }
0x43: {  	s8 =	rddreg [dreg:$0xf];
	[sflag:s28] =	ssyncadd.s32 $0xFFFFD000  }
0x44: {  	[spmem:s8] =	stream.linear.scatter [tilespmem:s26], [sflag:$0xD], $0x3000, $0x38;
	[tilespmem:$0x1D200] =	vst v63  }
0x45: {  	_ =	swait.ge [sflag:s28], $0x3000  }
0x46: {  	[sflag:s28] =	ssyncset.done $0x0  }
0x47: {  	s10 =	rddreg [dreg:$0x10];
	[sflag:s28] =	ssyncadd.s32 $0xFFFFD000  }
0x48: {  	[spmem:s10] =	stream.linear.scatter [tilespmem:s26], [sflag:$0xD], $0x3000, $0x38;
	[tilespmem:$0x1D200] =	vst v63  }
0x49: {  	_ =	swait.ge [sflag:s28], $0x3000  }
0x4a: {  	[sflag:s28] =	ssyncset.done $0x0  }
0x4b: {  	s22 =	rddreg [dreg:$0x11];
	[sflag:s28] =	ssyncadd.s32 $0xFFFFD000  }
0x4c: {  	[spmem:s22] =	stream.linear.scatter [tilespmem:s26], [sflag:$0xD], $0x1C00, $0x38;
	[tilespmem:$0x1D200] =	vst v63  }
0x4d: {  	_ =	swait.ge [sflag:s28], $0x1C00  }
0x4e: {  	[sflag:s28] =	ssyncset.done $0x0  }
0x4f: {  	[sflag:s28] =	ssyncadd.s32 $0xFFFFE400  }
0x50: {  	[bflag:$0x0] =	sbarrier.arrive $0xFFFF  }
0x51: {  	s5 =	simm.s32 $0x0;
	s8 =	simm.s32 $0x13C00;
	s6 =	rddreg [dreg:$0x12]  }
0x52: {  	[tilespmem:s8], [sflag:$0x7] =	stream.linear.gather [hbm4b:s6+s5], $0x80, $0x38;
	[tilespmem:$0x1D200] =	vst v63  }
0x53: {  	s23 =	rddreg [dreg:$0x13]  }
0x54: {  	[tilespmem:s30], [sflag:$0x7] =	stream.linear.gather [hbm4b:s23+s5], $0x80, $0x38;
	[tilespmem:$0x1D200] =	vst v63  }
0x55: {  	s10 =	simm.s32 $0x13C80;
	s24 =	rddreg [dreg:$0x14]  }
0x56: {  	[tilespmem:s10], [sflag:$0x8] =	stream.linear.gather [hbm4b:s24+s5], $0x80, $0x38;
	[tilespmem:$0x1D200] =	vst v63  }
0x57: {  	s25 =	rddreg [dreg:$0x15]  }
0x58: {  	[tilespmem:s0], [sflag:$0x8] =	stream.linear.gather [hbm4b:s25+s5], $0x80, $0x38;
	[tilespmem:$0x1D200] =	vst v63  }
0x59: {  	s22 =	simm.s32 $0x13D00;
	s31 =	rddreg [dreg:$0x16]  }
0x5a: {  	[tilespmem:s22], [sflag:$0x9] =	stream.linear.gather [hbm4b:s31+s5], $0x80, $0x38;
	[tilespmem:$0x1D200] =	vst v63  }
0x5b: {  	s22 =	rddreg [dreg:$0x17]  }
0x5c: {  	[tilespmem:s3], [sflag:$0x9] =	stream.linear.gather [hbm4b:s22+s5], $0x80, $0x38;
	[tilespmem:$0x1D200] =	vst v63  }
0x5d: {  	s23 =	rddreg [dreg:$0x18];
	s24 =	simm.s32 $0x13D80  }
0x5e: {  	[tilespmem:s24], [sflag:$0xA] =	stream.linear.gather [hbm4b:s23+s5], $0x80, $0x38;
	[tilespmem:$0x1D200] =	vst v63  }
0x5f: {  	s25 =	rddreg [dreg:$0x19];
	s31 =	simm.s32 $0x7  }
0x60: {  	[tilespmem:s9], [sflag:$0xA] =	stream.linear.gather [hbm4b:s25+s5], $0x80, $0x38;
	[tilespmem:$0x1D200] =	vst v63  }
0x61: {  	_ =	swait.ge [sflag:s31], $0x80  }
0x62: {  	[sflag:s31] =	ssyncset.done $0x0  }
0x63: {  	[sflag:s31] =	ssyncadd.s32 $0xFFFFFF80  }
0x64: {  	_ =	swait.ge [sflag:s31], $0x80  }
0x65: {  	[sflag:s31] =	ssyncset.done $0x0  }
0x66: {  	[sflag:s31] =	ssyncadd.s32 $0xFFFFFF80  }
0x67: {  	_ =	swait.ge [sflag:s11], $0x80  }
0x68: {  	[sflag:s11] =	ssyncset.done $0x0  }
0x69: {  	[sflag:s11] =	ssyncadd.s32 $0xFFFFFF80  }
0x6a: {  	_ =	swait.ge [sflag:s11], $0x80  }
0x6b: {  	[sflag:s11] =	ssyncset.done $0x0  }
0x6c: {  	s22 =	rddreg [dreg:$0x9];
	[sflag:s11] =	ssyncadd.s32 $0xFFFFFF80  }
0x6d: {  	[tilespmem:s26], [sflag:$0x1] =	stream.indirect.gather [hbm4b:s1+s12], $0x80, s8, s12, $0xb8;
	[tilespmem:$0x1D200] =	vst v63  }
0x6e: {  	s29 =	simm.s32 $0x0;
	s6 =	rddreg [dreg:$0xa]  }
0x6f: {  	[tilespmem:s14], [sflag:$0x2] =	stream.indirect.gather [hbm4b:s1+s12], $0x80, s10, s12, $0xb8;
	[tilespmem:$0x1D200] =	vst v63  }
.LBB2_4:
0x70: {  	p0 =	seq.s32 s29, $0x0  }
0x71: {  	s23 =	simm.s32 @!p0 $0x6  }
0x72: {  	_ =	swait.ge @!p0 [sflag:s23], $0x3000  }
0x73: {  	s24 =	rddreg [dreg:$0x4]  }
0x74: {  	[sflag:s23] =	ssyncset.done @!p0 $0x0;
	p1 =	sge.u32 s5, s24  }
0x75: {  	[sflag:s23] =	ssyncadd.s32 @!p0 $0xFFFFD000;
	s23 =	simm.s32 @!p1 $0x9  }
0x76: {  	_ =	swait.ge @!p1 [sflag:s23], $0x80  }
0x77: {  	[sflag:s23] =	ssyncset.done @!p1 $0x0  }
0x78: {  	[sflag:s23] =	ssyncadd.s32 @!p1 $0xFFFFFF80  }
0x79: {  	s8 =	sadd.s32 $0x4, s5;
	_ =	swait.ge @!p1 [sflag:s23], $0x80  }
0x7a: {  	p0 =	sge.u32 s8, s7;
	s24 =	simm.s32 @!p1 $0x13D00;
	[sflag:s23] =	ssyncset.done @!p1 $0x0  }
0x7b: {  	s31 =	simm.s32 @!p1 $0x1A200;
	[sflag:s23] =	ssyncadd.s32 @!p1 $0xFFFFFF80;
	s23 =	simm.s32 @!p1 $0x60  }
0x7c: {  	[tilespmem:s31], [sflag:$0x3] =	stream.indirect.gather @!p1 [hbm4b:s1+s23], $0x80, s24, s23, $0xb8;
	[tilespmem:$0x1D200] =	vst v63  }
0x7d: {  	s23 =	sadd.s32 @!p0 s22, s13  }
0x7e: {  	s24 =	simm.s32 @!p0 $0x0;
	s31 =	simm.s32 @!p0 $0x13E00;
	s23 =	sadd.s32 @!p0 $0x40, s23  }
0x7f: {  	[tilespmem:s31], [sflag:$0xB] =	stream.linear.gather @!p0 [hbm4b:s23+s24], $0x80, $0x38;
	[tilespmem:$0x1D200] =	vst v63  }
0x80: {  	s23 =	sadd.s32 @!p0 s6, s13  }
0x81: {  	s25 =	simm.s32 @!p0 $0x14100;
	s23 =	sadd.s32 @!p0 $0x40, s23  }
0x82: {  	[tilespmem:s25], [sflag:$0xB] =	stream.linear.gather @!p0 [hbm4b:s23+s24], $0x80, $0x38;
	[tilespmem:$0x1D200] =	vst v63  }
0x83: {  	_ =	swait.ge [sflag:s15], $0x3000  }
0x84: {  	[sflag:s15] =	ssyncset.done $0x0  }
0x85: {  	[sflag:s15] =	ssyncadd.s32 $0xFFFFD000  }
0x86: {  	[spmem:s2] =	stream.indirect.scatter.add.f32 [tilespmem:s26], [sflag:$0x4], $0x80, s30, s12, $0xb8;
	[tilespmem:$0x1D200] =	vst v63  }
0x87: {  	_ =	swait.ge [sflag:s16], $0x3000  }
0x88: {  	s10 =	rddreg [dreg:$0x5]  }
0x89: {  	[sflag:s16] =	ssyncset.done $0x0;
	p1 =	sge.u32 s5, s10  }
0x8a: {  	[sflag:s16] =	ssyncadd.s32 $0xFFFFD000;
	s23 =	simm.s32 @!p1 $0xA  }
0x8b: {  	_ =	swait.ge @!p1 [sflag:s23], $0x80  }
0x8c: {  	[sflag:s23] =	ssyncset.done @!p1 $0x0  }
0x8d: {  	[sflag:s23] =	ssyncadd.s32 @!p1 $0xFFFFFF80  }
0x8e: {  	_ =	swait.ge @!p1 [sflag:s23], $0x80  }
0x8f: {  	s24 =	simm.s32 @!p1 $0x13D80;
	[sflag:s23] =	ssyncset.done @!p1 $0x0  }
0x90: {  	s25 =	simm.s32 @!p1 $0x14200;
	[sflag:s23] =	ssyncadd.s32 @!p1 $0xFFFFFF80;
	s23 =	simm.s32 @!p1 $0x60  }
0x91: {  	[tilespmem:s25], [sflag:$0x1] =	stream.indirect.gather @!p1 [hbm4b:s1+s23], $0x80, s24, s23, $0xb8;
	[tilespmem:$0x1D200] =	vst v63  }
0x92: {  	s24 =	sadd.s32 $0x5, s5  }
0x93: {  	p1 =	sge.u32 s24, s7  }
0x94: {  	s23 =	sadd.s32 @!p1 s22, s13  }
0x95: {  	s24 =	simm.s32 @!p1 $0x0;
	s25 =	simm.s32 @!p1 $0x13E80;
	s23 =	sadd.s32 @!p1 $0x50, s23  }
0x96: {  	[tilespmem:s25], [sflag:$0xC] =	stream.linear.gather @!p1 [hbm4b:s23+s24], $0x80, $0x38;
	[tilespmem:$0x1D200] =	vst v63  }
0x97: {  	s23 =	sadd.s32 @!p1 s6, s13  }
0x98: {  	s8 =	simm.s32 @!p1 $0x14180;
	s23 =	sadd.s32 @!p1 $0x50, s23  }
0x99: {  	[tilespmem:s8], [sflag:$0xC] =	stream.linear.gather @!p1 [hbm4b:s23+s24], $0x80, $0x38;
	[tilespmem:$0x1D200] =	vst v63  }
0x9a: {  	_ =	swait.ge [sflag:s17], $0x3000  }
0x9b: {  	[sflag:s17] =	ssyncset.done $0x0  }
0x9c: {  	[sflag:s17] =	ssyncadd.s32 $0xFFFFD000  }
0x9d: {  	[spmem:s2] =	stream.indirect.scatter.add.f32 [tilespmem:s14], [sflag:$0x5], $0x80, s0, s12, $0xb8;
	[tilespmem:$0x1D200] =	vst v63  }
0x9e: {  	_ =	swait.ge [sflag:s18], $0x3000  }
0x9f: {  	[sflag:s18] =	ssyncset.done $0x0  }
0xa0: {  	s8 =	simm.s32 @!p0 $0xB;
	[sflag:s18] =	ssyncadd.s32 $0xFFFFD000  }
0xa1: {  	_ =	swait.ge @!p0 [sflag:s8], $0x80  }
0xa2: {  	[sflag:s8] =	ssyncset.done @!p0 $0x0  }
0xa3: {  	[sflag:s8] =	ssyncadd.s32 @!p0 $0xFFFFFF80  }
0xa4: {  	_ =	swait.ge @!p0 [sflag:s8], $0x80  }
0xa5: {  	[sflag:s8] =	ssyncset.done @!p0 $0x0  }
0xa6: {  	s23 =	simm.s32 @!p0 $0x17200;
	[sflag:s8] =	ssyncadd.s32 @!p0 $0xFFFFFF80;
	s8 =	simm.s32 @!p0 $0x60  }
0xa7: {  	[tilespmem:s23], [sflag:$0x2] =	stream.indirect.gather @!p0 [hbm4b:s1+s8], $0x80, s31, s8, $0xb8;
	[tilespmem:$0x1D200] =	vst v63  }
0xa8: {  	s23 =	sadd.s32 $0x6, s5  }
0xa9: {  	p2 =	sge.u32 s23, s7  }
0xaa: {  	s8 =	sadd.s32 @!p2 s22, s13  }
0xab: {  	s24 =	simm.s32 @!p2 $0x0;
	s31 =	simm.s32 @!p2 $0x13C00;
	s8 =	sadd.s32 @!p2 $0x60, s8  }
0xac: {  	[tilespmem:s31], [sflag:$0x7] =	stream.linear.gather @!p2 [hbm4b:s8+s24], $0x80, $0x38;
	[tilespmem:$0x1D200] =	vst v63  }
0xad: {  	s8 =	sadd.s32 @!p2 s6, s13  }
0xae: {  	s10 =	simm.s32 @!p2 $0x13F00;
	s8 =	sadd.s32 @!p2 $0x60, s8  }
0xaf: {  	[tilespmem:s10], [sflag:$0x7] =	stream.linear.gather @!p2 [hbm4b:s8+s24], $0x80, $0x38;
	[tilespmem:$0x1D200] =	vst v63  }
0xb0: {  	_ =	swait.ge [sflag:s19], $0x3000  }
0xb1: {  	[sflag:s19] =	ssyncset.done $0x0  }
0xb2: {  	[sflag:s19] =	ssyncadd.s32 $0xFFFFD000  }
0xb3: {  	[spmem:s2] =	stream.indirect.scatter.add.f32 [tilespmem:s20], [sflag:$0x6], $0x80, s3, s12, $0xb8;
	[tilespmem:$0x1D200] =	vst v63  }
0xb4: {  	_ =	swait.ge [sflag:s21], $0x3000  }
0xb5: {  	[sflag:s21] =	ssyncset.done $0x0  }
0xb6: {  	s8 =	simm.s32 @!p1 $0xC;
	[sflag:s21] =	ssyncadd.s32 $0xFFFFD000  }
0xb7: {  	_ =	swait.ge @!p1 [sflag:s8], $0x80  }
0xb8: {  	[sflag:s8] =	ssyncset.done @!p1 $0x0  }
0xb9: {  	[sflag:s8] =	ssyncadd.s32 @!p1 $0xFFFFFF80  }
0xba: {  	_ =	swait.ge @!p1 [sflag:s8], $0x80  }
0xbb: {  	[sflag:s8] =	ssyncset.done @!p1 $0x0  }
0xbc: {  	s10 =	simm.s32 @!p1 $0x1A200;
	[sflag:s8] =	ssyncadd.s32 @!p1 $0xFFFFFF80;
	s8 =	simm.s32 @!p1 $0x60  }
0xbd: {  	[tilespmem:s10], [sflag:$0x3] =	stream.indirect.gather @!p1 [hbm4b:s1+s8], $0x80, s25, s8, $0xb8;
	[tilespmem:$0x1D200] =	vst v63  }
0xbe: {  	s25 =	sadd.s32 $0x7, s5  }
0xbf: {  	p0 =	sge.u32 s25, s7  }
0xc0: {  	s8 =	sadd.s32 @!p0 s22, s13  }
0xc1: {  	s10 =	simm.s32 @!p0 $0x0;
	s24 =	simm.s32 @!p0 $0x13C80;
	s8 =	sadd.s32 @!p0 $0x70, s8  }
0xc2: {  	[tilespmem:s24], [sflag:$0x8] =	stream.linear.gather @!p0 [hbm4b:s8+s10], $0x80, $0x38;
	[tilespmem:$0x1D200] =	vst v63  }
0xc3: {  	s8 =	sadd.s32 @!p0 s6, s13  }
0xc4: {  	s25 =	simm.s32 @!p0 $0x13F80;
	s8 =	sadd.s32 @!p0 $0x70, s8  }
0xc5: {  	[tilespmem:s25], [sflag:$0x8] =	stream.linear.gather @!p0 [hbm4b:s8+s10], $0x80, $0x38;
	[tilespmem:$0x1D200] =	vst v63  }
0xc6: {  	_ =	swait.ge [sflag:s15], $0x3000  }
0xc7: {  	[sflag:s15] =	ssyncset.done $0x0  }
0xc8: {  	[sflag:s15] =	ssyncadd.s32 $0xFFFFD000  }
0xc9: {  	[spmem:s2] =	stream.indirect.scatter.add.f32 [tilespmem:s26], [sflag:$0x4], $0x80, s9, s12, $0xb8;
	[tilespmem:$0x1D200] =	vst v63  }
0xca: {  	_ =	swait.ge [sflag:s16], $0x3000  }
0xcb: {  	[sflag:s16] =	ssyncset.done $0x0  }
0xcc: {  	s8 =	simm.s32 @!p2 $0x7;
	[sflag:s16] =	ssyncadd.s32 $0xFFFFD000  }
0xcd: {  	_ =	swait.ge @!p2 [sflag:s8], $0x80  }
0xce: {  	[sflag:s8] =	ssyncset.done @!p2 $0x0  }
0xcf: {  	[sflag:s8] =	ssyncadd.s32 @!p2 $0xFFFFFF80  }
0xd0: {  	_ =	swait.ge @!p2 [sflag:s8], $0x80  }
0xd1: {  	[sflag:s8] =	ssyncset.done @!p2 $0x0  }
0xd2: {  	s10 =	simm.s32 @!p2 $0x14200;
	[sflag:s8] =	ssyncadd.s32 @!p2 $0xFFFFFF80;
	s8 =	simm.s32 @!p2 $0x60  }
0xd3: {  	[tilespmem:s10], [sflag:$0x1] =	stream.indirect.gather @!p2 [hbm4b:s1+s8], $0x80, s31, s8, $0xb8;
	[tilespmem:$0x1D200] =	vst v63  }
0xd4: {  	s31 =	sadd.s32 $0x8, s5  }
0xd5: {  	p1 =	sge.u32 s31, s7  }
0xd6: {  	s8 =	sadd.s32 @!p1 s22, s13  }
0xd7: {  	s10 =	simm.s32 @!p1 $0x0;
	s25 =	simm.s32 @!p1 $0x13D00;
	s8 =	sadd.s32 @!p1 $0x80, s8  }
0xd8: {  	[tilespmem:s25], [sflag:$0x9] =	stream.linear.gather @!p1 [hbm4b:s8+s10], $0x80, $0x38;
	[tilespmem:$0x1D200] =	vst v63  }
0xd9: {  	s8 =	sadd.s32 @!p1 s6, s13  }
0xda: {  	s25 =	simm.s32 @!p1 $0x14000;
	s8 =	sadd.s32 @!p1 $0x80, s8  }
0xdb: {  	[tilespmem:s25], [sflag:$0x9] =	stream.linear.gather @!p1 [hbm4b:s8+s10], $0x80, $0x38;
	[tilespmem:$0x1D200] =	vst v63  }
0xdc: {  	_ =	swait.ge [sflag:s17], $0x3000  }
0xdd: {  	[sflag:s17] =	ssyncset.done $0x0  }
0xde: {  	s10 =	rddreg [dreg:$0x7];
	[sflag:s17] =	ssyncadd.s32 $0xFFFFD000  }
0xdf: {  	[spmem:s2] =	stream.indirect.scatter.add.f32 [tilespmem:s14], [sflag:$0x5], $0x80, s10, s12, $0xb8;
	[tilespmem:$0x1D200] =	vst v63  }
0xe0: {  	_ =	swait.ge [sflag:s18], $0x3000  }
0xe1: {  	[sflag:s18] =	ssyncset.done $0x0  }
0xe2: {  	s8 =	simm.s32 @!p0 $0x8;
	[sflag:s18] =	ssyncadd.s32 $0xFFFFD000  }
0xe3: {  	_ =	swait.ge @!p0 [sflag:s8], $0x80  }
0xe4: {  	[sflag:s8] =	ssyncset.done @!p0 $0x0  }
0xe5: {  	[sflag:s8] =	ssyncadd.s32 @!p0 $0xFFFFFF80  }
0xe6: {  	_ =	swait.ge @!p0 [sflag:s8], $0x80  }
0xe7: {  	[sflag:s8] =	ssyncset.done @!p0 $0x0  }
0xe8: {  	s10 =	simm.s32 @!p0 $0x17200;
	[sflag:s8] =	ssyncadd.s32 @!p0 $0xFFFFFF80;
	s8 =	simm.s32 @!p0 $0x60  }
0xe9: {  	[tilespmem:s10], [sflag:$0x2] =	stream.indirect.gather @!p0 [hbm4b:s1+s8], $0x80, s24, s8, $0xb8;
	[tilespmem:$0x1D200] =	vst v63  }
0xea: {  	s24 =	sadd.s32 $0x9, s5  }
0xeb: {  	p0 =	sge.u32 s24, s7  }
0xec: {  	s5 =	sadd.s32 @!p0 s22, s13  }
0xed: {  	s8 =	simm.s32 @!p0 $0x0;
	s10 =	simm.s32 @!p0 $0x13D80;
	s5 =	sadd.s32 @!p0 $0x90, s5  }
0xee: {  	[tilespmem:s10], [sflag:$0xA] =	stream.linear.gather @!p0 [hbm4b:s5+s8], $0x80, $0x38;
	[tilespmem:$0x1D200] =	vst v63  }
0xef: {  	s5 =	sadd.s32 @!p0 s6, s13  }
0xf0: {  	s10 =	simm.s32 @!p0 $0x14080;
	s5 =	sadd.s32 @!p0 $0x90, s5  }
0xf1: {  	[tilespmem:s10], [sflag:$0xA] =	stream.linear.gather @!p0 [hbm4b:s5+s8], $0x80, $0x38;
	[tilespmem:$0x1D200] =	vst v63  }
0xf2: {  	_ =	swait.ge [sflag:s19], $0x3000  }
0xf3: {  	s29 =	sadd.s32 $0xFFFFFFFF, s29;
	s31 =	rddreg [dreg:$0x6]  }
0xf4: {  	p0 =	sne.s32 s31, s29  }
.Ltmp1:
0xf5: {  	_ = 	snop;
	(pc) =	sbr.rel @p0 .LBB2_4-.Ltmp1, $4  }
0xf6: {  	_ = 	snop  }
0xf7: {  	s22 =	sadd.s32 $0x60, s22;
	s6 =	sadd.s32 $0x60, s6;
	[sflag:s19] =	ssyncset.done $0x0  }
0xf8: {  	s5 =	smov.u32 s23;
	s25 =	rddreg [dreg:$0x8];
	[sflag:s19] =	ssyncadd.s32 $0xFFFFD000  }
0xf9: {  	[spmem:s2] =	stream.indirect.scatter.add.f32 [tilespmem:s20], [sflag:$0x6], $0x80, s25, s12, $0xb8;
	[tilespmem:$0x1D200] =	vst v63  }
0xfa: {  	_ =	swait.ge [sflag:s21], $0x3000  }
0xfb: {  	[sflag:s21] =	ssyncset.done $0x0  }
0xfc: {  	[sflag:s21] =	ssyncadd.s32 $0xFFFFD000  }
0xfd: {  	s5 =	stileid.u32;
	[bflag:$0x0] =	sbarrier.arrive $0xFFFF  }
0xfe: {  	s5 =	sshll.u32 s5, $0x6;
	s8 =	rddreg [dreg:$0xb]  }
0xff: {  	s5 =	sor.u32 $0x1C0D, s5;
	s10 =	rddreg [dreg:$0x1a];
	s6 =	sshrl.u32 s8, $0x3  }
0x100: {  	[hbm:s10], [sflag:s5] =	dma.local [spmem:s6], $0x2780  }
0x101: {  	_ =	swait.ge [sflag:s28], $0x2780  }
0x102: {  	s4 =	sadd.s32 $0x1, s4;
	s31 =	rddreg [dreg:$0x1b]  }
0x103: {  	p0 =	sne.s32 s4, s31  }
.Ltmp2:
0x104: {  	_ = 	snop;
	(pc) =	sbr.rel @p0 .LBB2_1-.Ltmp2, $3  }
0x105: {  	_ =	sdelay $0x1  }
0x106: {  	[sflag:s28] =	ssyncset.done $0x0  }
0x107: {  	[sflag:s28] =	ssyncadd.s32 $0xFFFFD880  }
0x108: {  	_ =	sfence.sel $0x180000  }
0x109: {  	[bflag:$0x0] =	sbarrier.arrive $0xFFFF  }
0x10a: {  	_ =	strace $0x9000004A  }
0x10b: {  	s0 =	stileid.u32;
	[bflag:$0x2] =	sbarrier.arrive $0xFFFF  }
0x10c: {  	p0 =	sne.s32 s0, $0x0;
	s0 =	rddreg [dreg:$0x3]  }
0x10d: {  	s0 =	sadd.s32 @!p0 $0x100000, s0  }
0x10e: {  	[sflag:s0] =	ssyncadd.tile.s32 @!p0 $0x1;
	_ =	shalt  }
.Lfunc_end2:
_tile_overlayer_lowered:
.L_overlay_start_2:
0x10f: {  	(tag) =	ssettag $0x2  }
0x110: {  	s0 =	rddreg [dreg:$0x0];
	s2 =	stileid.u32  }
0x111: {  	s1 =	rddreg [dreg:$0x1];
	p0 =	sne.s32 s2, $0x0  }
0x112: {  	s3 =	rddreg [dreg:$0x2];
	[bflag:$0x3] =	sbarrier.arrive $0xFFFF;
	s2 =	simm.s32 @!p0 $0x1C0D  }
0x113: {  	[timem:s3], [sflag:s2] =	dma.local @!p0 [hbm:s0], s1  }
0x114: {  	s0 =	simm.s32 @!p0 $0xD  }
0x115: {  	_ =	swait.ge @!p0 [sflag:s0], s1  }
0x116: {  	s1 =	ssub.s32 @!p0 $0x0, s1;
	[sflag:s0] =	ssyncset.done @!p0 $0x0  }
0x117: {  	[sflag:s0] =	ssyncadd.s32 @!p0 s1  }
0x118: {  	[bflag:$0x3] =	sbarrier.arrive $0xFFFF  }
0x119: {  	_ =	shalt  }

</sc_bundles>
